<compile_context>
chip_gen: v7x
topology: tpu7x:2x2x1
jax: 0.10.2.dev20260603
libtpu: 0.0.44.dev20260713+nightly
codegen_flags: <defaults>
</compile_context>

<pallas_src>
import functools

import numpy as np
import jax
import jax.numpy as jnp
from jax import lax
from jax.experimental import pallas as pl
from jax.experimental.pallas import tpu as pltpu
from jax.experimental.pallas import tpu_sc as plsc

_SCENE = (120, 72, 120)
_VOXEL_SIZE = 0.04
_DOWN = 4
_IMG_W, _IMG_H = 640, 480
_C = 32
_H, _W = _IMG_H // _DOWN, _IMG_W // _DOWN
_N = _SCENE[0] * _SCENE[1] * _SCENE[2]
_TBL = _H * _W
_PITCH = _W + 1
_TBL_P = _H * _PITCH
_TBL_PAD = 19328

_NW = 32
_B_W = _N // _NW
_LANES = 16
_STEPS = _B_W // _LANES


_S0, _S1, _S2 = _SCENE


def _small_grid_a() -> np.ndarray:
    gx, gy = np.meshgrid(np.arange(_S0), np.arange(_S1), indexing="ij")
    return np.stack([gx.ravel(), gy.ravel(), np.zeros(gx.size)], axis=1).astype(np.float64)


def _small_grid_b() -> np.ndarray:
    gy, gz = np.meshgrid(np.arange(_S1), np.arange(_S2), indexing="ij")
    return np.stack([np.zeros(gy.size), gy.ravel(), gz.ravel()], axis=1).astype(np.float64)


def _project(grid_const, inv_cam_pose, vox_origin, cam_k):
    vox_origin = vox_origin.astype(jnp.float64)
    voxel_grid = jnp.asarray(grid_const).astype(vox_origin.dtype)
    pts_world2 = jnp.ones_like(voxel_grid) * 0.5 * _VOXEL_SIZE + _VOXEL_SIZE * voxel_grid
    wx = pts_world2[:, 0] + vox_origin[0]
    wy = pts_world2[:, 2] + vox_origin[1]
    wz = pts_world2[:, 1] + vox_origin[2]
    t = inv_cam_pose.astype(jnp.float64)
    one = jnp.ones_like(wx)
    cx = ((t[0, 0] * wx + t[0, 1] * wy) + t[0, 2] * wz) + t[0, 3] * one
    cy = ((t[1, 0] * wx + t[1, 1] * wy) + t[1, 2] * wz) + t[1, 3] * one
    cz = ((t[2, 0] * wx + t[2, 1] * wy) + t[2, 2] * wz) + t[2, 3] * one
    keep_idx = cz > 0
    k = cam_k.astype(jnp.float64)
    ix = (k[0, 0] * cx + k[0, 1] * cy) + k[0, 2] * cz
    iy = (k[1, 0] * cx + k[1, 1] * cy) + k[1, 2] * cz
    iz = (k[2, 0] * cx + k[2, 1] * cy) + k[2, 2] * cz
    px = jnp.round(ix / iz)
    py = jnp.round(iy / iz)
    return jnp.stack([px, py], axis=1), keep_idx


def _flat_indices(inv_cam_pose, vox_origin, cam_k, fliplr):
    n_a = _S0 * _S1
    stacked = np.concatenate([_small_grid_a(), _small_grid_b()], axis=0)
    img, keep = _project(stacked, inv_cam_pose, vox_origin, cam_k)
    keep_a = keep[:n_a]
    px = img[:n_a, 0]
    py = img[n_a:, 1]
    in_x = (px >= 0) & (px < _IMG_W)
    in_y = (py >= 0) & (py < _IMG_H)
    px = jnp.where(jnp.asarray(fliplr) != 0, _IMG_W - 1 - px, px)
    x4 = jnp.floor_divide(px, _DOWN).astype(jnp.int32).reshape(_S0, _S1)
    y4 = jnp.floor_divide(py, _DOWN).astype(jnp.int32).reshape(_S1, _S2)
    m_a = (keep_a & in_x).reshape(_S0, _S1)
    m_b = in_y.reshape(_S1, _S2)
    flat = y4[None, :, :] * _PITCH + x4[:, :, None]
    mask = m_a[:, :, None] & m_b[None, :, :]
    return jnp.where(mask, flat, _TBL_P).reshape(-1)


_HALF0 = 16160
_HALF1 = _B_W - _HALF0
_UNROLL = 5


@functools.partial(
    pl.kernel,
    out_type=jax.ShapeDtypeStruct((_C * _N,), jnp.float32),
    mesh=plsc.VectorSubcoreMesh(core_axis_name="c", subcore_axis_name="s"),
    compiler_params=pltpu.CompilerParams(needs_layout_passes=False),
    scratch_types=[
        pltpu.VMEM((_B_W,), jnp.int32),
        pltpu.VMEM((_TBL_PAD,), jnp.float32),
        pltpu.VMEM((_TBL_PAD,), jnp.float32),
        pltpu.VMEM((_HALF0,), jnp.float32),
        pltpu.VMEM((_HALF1,), jnp.float32),
        pltpu.SemaphoreType.DMA,
        pltpu.SemaphoreType.DMA,
        pltpu.SemaphoreType.DMA,
        pltpu.SemaphoreType.DMA,
    ],
)
def _sc_gather(src_hbm, idx_hbm, out_hbm, idx_v, row_a, row_b, out_a, out_b,
               sem_ra, sem_rb, sem_oa, sem_ob):
    i32 = jnp.int32
    wid = lax.axis_index("s") * 2 + lax.axis_index("c")
    base = wid * _B_W
    rows = (row_a, row_b)
    row_sems = (sem_ra, sem_rb)
    outs = (out_a, out_b)
    out_sems = (sem_oa, sem_ob)
    half_off = (0, _HALF0)
    half_len = (_HALF0, _HALF1)

    def row_copy(c):
        src_off = pl.multiple_of(i32(c * _TBL_PAD), 8)
        return pltpu.make_async_copy(
            src_hbm.at[pl.ds(src_off, _TBL_PAD)], rows[c % 2], row_sems[c % 2])

    def out_copy(c, h):
        out_off = pl.multiple_of(c * _N + base + half_off[h], 8)
        return pltpu.make_async_copy(
            outs[h], out_hbm.at[pl.ds(out_off, half_len[h])], out_sems[h])

    row_copy(0).start()
    pltpu.sync_copy(idx_hbm.at[pl.ds(base, _B_W)], idx_v)

    for c in range(_C):
        row_copy(c).wait()
        if c + 1 < _C:
            row_copy(c + 1).start()
        row_v = rows[c % 2]
        for h in (0, 1):
            if c > 0:
                out_copy(c - 1, h).wait()
            out_v = outs[h]
            idx_base = i32(half_off[h])

            @plsc.parallel_loop(i32(0), i32(half_len[h]), step=i32(_LANES), unroll=_UNROLL)
            def gather_step(off, idx_base=idx_base, row_v=row_v, out_v=out_v):
                iv = idx_v[pl.ds(idx_base + off, _LANES)]
                out_v[pl.ds(off, _LANES)] = plsc.load_gather(row_v, [iv])

            out_copy(c, h).start()
    for h in (0, 1):
        out_copy(_C - 1, h).wait()


def kernel(x2d, inv_cam_pose, vox_origin, cam_k, old_voxel_indices,
           old_image_indices, fliplr):
    src = jnp.pad(x2d, ((0, 0), (0, 0), (0, _PITCH - _W))).reshape(_C, _TBL_P)
    srcz = jnp.pad(src, ((0, 0), (0, _TBL_PAD - _TBL_P))).reshape(-1)
    idx = _flat_indices(inv_cam_pose, vox_origin, cam_k, fliplr)
    out = _sc_gather(srcz, idx)
    return out.reshape(_C, *_SCENE)

# --- scband reference (transcript-rebuilt; emitter-appended) ---
"""Pipeline reference for scband-project2-d3-dv2-23252952941255 (READ-ONLY COPY).

The authoritative reference and input builder live on the scoring server;
editing this copy changes nothing except your own understanding.
"""

import jax, jax.numpy as jnp
import numpy as np
jax.config.update("jax_enable_x64", True)

SCENE_SIZE = (120, 72, 120)
VOXEL_SIZE = 0.04
DOWNSAMPLE = 4
IMG_W, IMG_H = 640, 480
C = 32


def create_voxel_grid(scene_size):
    xs, ys, zs = np.meshgrid(np.arange(scene_size[0]), np.arange(scene_size[1]), np.arange(scene_size[2]), indexing='ij')
    return np.stack([xs.ravel(), ys.ravel(), zs.ravel()], axis=1).astype(np.float64)


def select_points_in_frustum(pts_img, x_min, y_min, x_max, y_max):
    return (pts_img[:, 0] >= x_min) & (pts_img[:, 0] < x_max) & (pts_img[:, 1] >= y_min) & (pts_img[:, 1] < y_max)


def setup_inputs(seed: int = 0):
    key = jax.random.key(seed)
    h, w = IMG_H // DOWNSAMPLE, IMG_W // DOWNSAMPLE
    x2d = jax.random.normal(key, (C, h, w), dtype=jnp.float32)
    inv_cam_pose = jnp.eye(4, dtype=jnp.float32)
    vox_origin = jnp.array([-2.4, -2.4, 0.5], dtype=jnp.float32)
    cam_k = jnp.array([[525.0, 0.0, 320.0], [0.0, 525.0, 240.0], [0.0, 0.0, 1.0]], dtype=jnp.float32)
    old_voxel_indices = jax.random.randint(jax.random.fold_in(key, 1), (1024, 3), 0, 72).astype(jnp.int64)
    old_image_indices = jax.random.randint(jax.random.fold_in(key, 2), (1024, 2), 0, 480).astype(jnp.int64)
    return {"x2d": x2d, "inv_cam_pose": inv_cam_pose, "vox_origin": vox_origin, "cam_k": cam_k,
            "old_voxel_indices": old_voxel_indices, "old_image_indices": old_image_indices, "fliplr": 0}


def voxel2pixel(inv_cam_pose, vox_origin, voxel_size, cam_k, fliplr):
    scene_size = (int(4.8 / voxel_size), int(2.88 / voxel_size), int(4.8 / voxel_size))
    vox_origin = vox_origin.astype(jnp.float64)
    voxel_grid = jnp.asarray(create_voxel_grid(scene_size)).astype(vox_origin.dtype)
    pts_world2 = jnp.ones_like(voxel_grid) * 0.5 * voxel_size + voxel_size * voxel_grid
    pts_world = jnp.stack([pts_world2[:, 0], pts_world2[:, 2], pts_world2[:, 1]], axis=1)
    pts_world = pts_world + vox_origin.reshape(1, 3)
    pts_world_homo = jnp.concatenate([pts_world, jnp.ones((pts_world.shape[0], 1), dtype=pts_world.dtype)], axis=1)
    T_world_to_cam = inv_cam_pose.astype(pts_world_homo.dtype)
    pts_cam_homo = (T_world_to_cam @ pts_world_homo.T).T
    keep_idx = pts_cam_homo[:, 2] > 0
    pts_cam = pts_cam_homo[:, :3]
    pts_img = (cam_k.astype(pts_cam.dtype) @ pts_cam.T).T
    pts_img = pts_img[:, :2] / pts_img[:, 2:3]
    pts_img = jnp.round(pts_img)
    keep_idx2 = select_points_in_frustum(pts_img, 0, 0, IMG_W, IMG_H)
    mask = keep_idx & keep_idx2
    img_indices = jnp.fliplr(pts_img)
    voxel_indices = voxel_grid
    return img_indices, voxel_indices, mask


def reference(x2d, inv_cam_pose, vox_origin, cam_k, old_voxel_indices, old_image_indices, fliplr):
    c, h, w = x2d.shape
    src = x2d.reshape(c, -1)
    img_indices, voxel_indices, mask = voxel2pixel(inv_cam_pose, vox_origin, VOXEL_SIZE, cam_k, fliplr)
    flipped = img_indices.at[:, 1].set(IMG_W - 1 - img_indices[:, 1])
    img_indices = jnp.where(jnp.asarray(fliplr) != 0, flipped, img_indices)
    img_indices = jnp.floor_divide(img_indices, DOWNSAMPLE)
    flat_img = img_indices[:, 0] * w + img_indices[:, 1]
    flat_img = jnp.where(mask, flat_img, 0.0).astype(jnp.int64)
    src_feature = jnp.take(src, flat_img, axis=1)
    S0, S1, S2 = SCENE_SIZE
    vox_flat = (voxel_indices[:, 0] * (S1 * S2) + voxel_indices[:, 1] * S2 + voxel_indices[:, 2]).astype(jnp.int64)
    vox_flat = jnp.where(mask, vox_flat, S0 * S1 * S2)
    x3d = jnp.zeros((c, S0 * S1 * S2), dtype=x2d.dtype)
    x3d = x3d.at[:, vox_flat].set(src_feature, mode='drop')
    x3d = x3d.reshape(c, S0, S1, S2)
    return x3d

if __name__ == "__main__":
    import jax
    _d = setup_inputs()
    print(jax.jit(kernel)(*tuple(_d.values())))

</pallas_src>

<mosaic_0001>
#map = affine_map<(d0, d1) -> (0)>
module attributes {stable_mosaic.version = 14 : i64} {
  func.func @_sc_gather(%arg0: i32, %arg1: i32, %arg2: memref<618496xf32, #tpu.memory_space<hbm>>, %arg3: memref<1036800xi32, #tpu.memory_space<hbm>>, %arg4: memref<33177600xf32, #tpu.memory_space<hbm>>, %arg5: memref<32400xi32, #tpu.memory_space<vmem>>, %arg6: memref<19328xf32, #tpu.memory_space<vmem>>, %arg7: memref<19328xf32, #tpu.memory_space<vmem>>, %arg8: memref<16160xf32, #tpu.memory_space<vmem>>, %arg9: memref<16240xf32, #tpu.memory_space<vmem>>, %arg10: memref<!tpu.dma_semaphore, #tpu.memory_space<semaphore_mem>>, %arg11: memref<!tpu.dma_semaphore, #tpu.memory_space<semaphore_mem>>, %arg12: memref<!tpu.dma_semaphore, #tpu.memory_space<semaphore_mem>>, %arg13: memref<!tpu.dma_semaphore, #tpu.memory_space<semaphore_mem>>) attributes {dimension_semantics = [#tpu.dimension_semantics<core_parallel>, #tpu.dimension_semantics<subcore_parallel>], iteration_bounds = array<i64: 2, 16>, scalar_prefetch = 0 : i64, scratch_operands = 9 : i64, tpu.core_type = #tpu.core_type<sc_vector_subcore>, window_params = [{transform_indices = #map}, {transform_indices = #map}, {transform_indices = #map}]} {
    %mul3A = arith.constant 2 : i32
    %mul3A_0 = arith.muli %arg1, %mul3A : i32
    %add3A = arith.addi %mul3A_0, %arg0 : i32
    %mul3A_1 = arith.constant 32400 : i32
    %mul3A_2 = arith.muli %add3A, %mul3A_1 : i32
    %multiple_of3A = arith.constant 0 : i32
    %multiple_of3A_3 = tpu.assume_multiple %multiple_of3A, 8 : i32
    %dma_start3A = tpu.memref_slice %arg2[%multiple_of3A_3] : memref<618496xf32, #tpu.memory_space<hbm>> -> memref<19328xf32, #tpu.memory_space<hbm>>
    %dma_start3A_4 = tpu.memref_slice %arg2[%multiple_of3A_3] : memref<618496xf32, #tpu.memory_space<hbm>> -> memref<19328xf32, #tpu.memory_space<hbm>>
    tpu.enqueue_dma source(%dma_start3A_4 : memref<19328xf32, #tpu.memory_space<hbm>>) target(%arg6 : memref<19328xf32, #tpu.memory_space<vmem>>) target_semaphore(%arg10 : memref<!tpu.dma_semaphore, #tpu.memory_space<semaphore_mem>>)
    "tpu.region"() ({
      %run_scoped3A = tpu.sem_alloc : memref<!tpu.dma_semaphore, #tpu.memory_space<semaphore_mem>>
      %dma_start3A_1407 = tpu.memref_slice %arg3[%mul3A_2] : memref<1036800xi32, #tpu.memory_space<hbm>> -> memref<32400xi32, #tpu.memory_space<hbm>>
      %dma_start3A_1408 = tpu.memref_slice %arg3[%mul3A_2] : memref<1036800xi32, #tpu.memory_space<hbm>> -> memref<32400xi32, #tpu.memory_space<hbm>>
      tpu.enqueue_dma source(%dma_start3A_1408 : memref<32400xi32, #tpu.memory_space<hbm>>) target(%arg5 : memref<32400xi32, #tpu.memory_space<vmem>>) target_semaphore(%run_scoped3A : memref<!tpu.dma_semaphore, #tpu.memory_space<semaphore_mem>>)
      %dma_wait3A_1409 = tpu.memref_slice %arg3[%mul3A_2] : memref<1036800xi32, #tpu.memory_space<hbm>> -> memref<32400xi32, #tpu.memory_space<hbm>>
      %dma_wait3A_1410 = tpu.memref_slice %arg3[%mul3A_2] : memref<1036800xi32, #tpu.memory_space<hbm>> -> memref<32400xi32, #tpu.memory_space<hbm>>
      tpu.wait_dma2 semaphore(%run_scoped3A : memref<!tpu.dma_semaphore, #tpu.memory_space<semaphore_mem>>) src(%dma_wait3A_1410 : memref<32400xi32, #tpu.memory_space<hbm>>) dst(%arg5 : memref<32400xi32, #tpu.memory_space<vmem>>)
      tpu.yield
    }) : () -> ()
    %multiple_of3A_5 = arith.constant 0 : i32
    %multiple_of3A_6 = tpu.assume_multiple %multiple_of3A_5, 8 : i32
    %dma_wait3A = tpu.memref_slice %arg2[%multiple_of3A_6] : memref<618496xf32, #tpu.memory_space<hbm>> -> memref<19328xf32, #tpu.memory_space<hbm>>
    %dma_wait3A_7 = tpu.memref_slice %arg2[%multiple_of3A_6] : memref<618496xf32, #tpu.memory_space<hbm>> -> memref<19328xf32, #tpu.memory_space<hbm>>
    tpu.wait_dma2 semaphore(%arg10 : memref<!tpu.dma_semaphore, #tpu.memory_space<semaphore_mem>>) src(%dma_wait3A_7 : memref<19328xf32, #tpu.memory_space<hbm>>) dst(%arg6 : memref<19328xf32, #tpu.memory_space<vmem>>)
    %multiple_of3A_8 = arith.constant 19328 : i32
    %multiple_of3A_9 = tpu.assume_multiple %multiple_of3A_8, 8 : i32
    %dma_start3A_10 = tpu.memref_slice %arg2[%multiple_of3A_9] : memref<618496xf32, #tpu.memory_space<hbm>> -> memref<19328xf32, #tpu.memory_space<hbm>>
    %dma_start3A_11 = tpu.memref_slice %arg2[%multiple_of3A_9] : memref<618496xf32, #tpu.memory_space<hbm>> -> memref<19328xf32, #tpu.memory_space<hbm>>
    tpu.enqueue_dma source(%dma_start3A_11 : memref<19328xf32, #tpu.memory_space<hbm>>) target(%arg7 : memref<19328xf32, #tpu.memory_space<vmem>>) target_semaphore(%arg11 : memref<!tpu.dma_semaphore, #tpu.memory_space<semaphore_mem>>)
    %parallel_loop3A = arith.constant 0 : i32
    %parallel_loop3A_12 = arith.constant 16160 : i32
    %parallel_loop3A_13 = arith.constant 16 : i32
    %parallel_loop3A_14 = arith.constant 0 : i32
    scf.for %parallel_loop3A_1407 = %parallel_loop3A to %parallel_loop3A_12 step %parallel_loop3A_13  : i32 {
      %parallel_loop3A_1408 = arith.addi %parallel_loop3A_14, %parallel_loop3A_1407 : i32
      %parallel_loop3A_1409 = arith.index_cast %parallel_loop3A_1408 : i32 to index
      %parallel_loop3A_1410 = tpu.vector_load %arg5[%parallel_loop3A_1409] {strides = array<i32>} : memref<32400xi32, #tpu.memory_space<vmem>>, vector<16xi32>,
      %parallel_loop3A_1411 = tpu.vector_load_idx %arg6[%parallel_loop3A_1410] : memref<19328xf32, #tpu.memory_space<vmem>>[vector<16xi32>], vector<16xf32>,
      %parallel_loop3A_1412 = arith.index_cast %parallel_loop3A_1407 : i32 to index
      %parallel_loop3A_1413 = tpu.vector_load %arg8[%parallel_loop3A_1412] {strides = array<i32>} : memref<16160xf32, #tpu.memory_space<vmem>>, vector<16xf32>,
      tpu.vector_store %arg8[%parallel_loop3A_1412], %parallel_loop3A_1411 {strides = array<i32>} : memref<16160xf32, #tpu.memory_space<vmem>>, vector<16xf32>,
    } {sc.loop_unroll_factor = 5 : i64, sc.parallel_access}
    %add3A_15 = arith.constant 0 : i32
    %add3A_16 = arith.addi %add3A_15, %mul3A_2 : i32
    %add3A_17 = arith.constant 0 : i32
    %add3A_18 = arith.addi %add3A_16, %add3A_17 : i32
    %multiple_of3A_19 = tpu.assume_multiple %add3A_18, 8 : i32
    %dma_start3A_20 = tpu.memref_slice %arg4[%multiple_of3A_19] : memref<33177600xf32, #tpu.memory_space<hbm>> -> memref<16160xf32, #tpu.memory_space<hbm>>
    %dma_start3A_21 = tpu.memref_slice %arg4[%multiple_of3A_19] : memref<33177600xf32, #tpu.memory_space<hbm>> -> memref<16160xf32, #tpu.memory_space<hbm>>
    tpu.enqueue_dma source(%arg8 : memref<16160xf32, #tpu.memory_space<vmem>>) target(%dma_start3A_21 : memref<16160xf32, #tpu.memory_space<hbm>>) target_semaphore(%arg12 : memref<!tpu.dma_semaphore, #tpu.memory_space<semaphore_mem>>)
    %parallel_loop3A_22 = arith.constant 0 : i32
    %parallel_loop3A_23 = arith.constant 16240 : i32
    %parallel_loop3A_24 = arith.constant 16 : i32
    %parallel_loop3A_25 = arith.constant 16160 : i32
    scf.for %parallel_loop3A_1407 = %parallel_loop3A_22 to %parallel_loop3A_23 step %parallel_loop3A_24  : i32 {
      %parallel_loop3A_1408 = arith.addi %parallel_loop3A_25, %parallel_loop3A_1407 : i32
      %parallel_loop3A_1409 = arith.index_cast %parallel_loop3A_1408 : i32 to index
      %parallel_loop3A_1410 = tpu.vector_load %arg5[%parallel_loop3A_1409] {strides = array<i32>} : memref<32400xi32, #tpu.memory_space<vmem>>, vector<16xi32>,
      %parallel_loop3A_1411 = tpu.vector_load_idx %arg6[%parallel_loop3A_1410] : memref<19328xf32, #tpu.memory_space<vmem>>[vector<16xi32>], vector<16xf32>,
      %parallel_loop3A_1412 = arith.index_cast %parallel_loop3A_1407 : i32 to index
      %parallel_loop3A_1413 = tpu.vector_load %arg9[%parallel_loop3A_1412] {strides = array<i32>} : memref<16240xf32, #tpu.memory_space<vmem>>, vector<16xf32>,
      tpu.vector_store %arg9[%parallel_loop3A_1412], %parallel_loop3A_1411 {strides = array<i32>} : memref<16240xf32, #tpu.memory_space<vmem>>, vector<16xf32>,
    } {sc.loop_unroll_factor = 5 : i64, sc.parallel_access}
    %add3A_26 = arith.constant 0 : i32
    %add3A_27 = arith.addi %add3A_26, %mul3A_2 : i32
    %add3A_28 = arith.constant 16160 : i32
    %add3A_29 = arith.addi %add3A_27, %add3A_28 : i32
    %multiple_of3A_30 = tpu.assume_multiple %add3A_29, 8 : i32
    %dma_start3A_31 = tpu.memref_slice %arg4[%multiple_of3A_30] : memref<33177600xf32, #tpu.memory_space<hbm>> -> memref<16240xf32, #tpu.memory_space<hbm>>
    %dma_start3A_32 = tpu.memref_slice %arg4[%multiple_of3A_30] : memref<33177600xf32, #tpu.memory_space<hbm>> -> memref<16240xf32, #tpu.memory_space<hbm>>
    tpu.enqueue_dma source(%arg9 : memref<16240xf32, #tpu.memory_space<vmem>>) target(%dma_start3A_32 : memref<16240xf32, #tpu.memory_space<hbm>>) target_semaphore(%arg13 : memref<!tpu.dma_semaphore, #tpu.memory_space<semaphore_mem>>)
    %multiple_of3A_33 = arith.constant 19328 : i32
    %multiple_of3A_34 = tpu.assume_multiple %multiple_of3A_33, 8 : i32
    %dma_wait3A_35 = tpu.memref_slice %arg2[%multiple_of3A_34] : memref<618496xf32, #tpu.memory_space<hbm>> -> memref<19328xf32, #tpu.memory_space<hbm>>
    %dma_wait3A_36 = tpu.memref_slice %arg2[%multiple_of3A_34] : memref<618496xf32, #tpu.memory_space<hbm>> -> memref<19328xf32, #tpu.memory_space<hbm>>
    tpu.wait_dma2 semaphore(%arg11 : memref<!tpu.dma_semaphore, #tpu.memory_space<semaphore_mem>>) src(%dma_wait3A_36 : memref<19328xf32, #tpu.memory_space<hbm>>) dst(%arg7 : memref<19328xf32, #tpu.memory_space<vmem>>)
    %multiple_of3A_37 = arith.constant 38656 : i32
    %multiple_of3A_38 = tpu.assume_multiple %multiple_of3A_37, 8 : i32
    %dma_start3A_39 = tpu.memref_slice %arg2[%multiple_of3A_38] : memref<618496xf32, #tpu.memory_space<hbm>> -> memref<19328xf32, #tpu.memory_space<hbm>>
    %dma_start3A_40 = tpu.memref_slice %arg2[%multiple_of3A_38] : memref<618496xf32, #tpu.memory_space<hbm>> -> memref<19328xf32, #tpu.memory_space<hbm>>
    tpu.enqueue_dma source(%dma_start3A_40 : memref<19328xf32, #tpu.memory_space<hbm>>) target(%arg6 : memref<19328xf32, #tpu.memory_space<vmem>>) target_semaphore(%arg10 : memref<!tpu.dma_semaphore, #tpu.memory_space<semaphore_mem>>)
    %add3A_41 = arith.constant 0 : i32
    %add3A_42 = arith.addi %add3A_41, %mul3A_2 : i32
    %add3A_43 = arith.constant 0 : i32
    %add3A_44 = arith.addi %add3A_42, %add3A_43 : i32
    %multiple_of3A_45 = tpu.assume_multiple %add3A_44, 8 : i32
    %dma_wait3A_46 = tpu.memref_slice %arg4[%multiple_of3A_45] : memref<33177600xf32, #tpu.memory_space<hbm>> -> memref<16160xf32, #tpu.memory_space<hbm>>
    %dma_wait3A_47 = tpu.memref_slice %arg4[%multiple_of3A_45] : memref<33177600xf32, #tpu.memory_space<hbm>> -> memref<16160xf32, #tpu.memory_space<hbm>>
    tpu.wait_dma2 semaphore(%arg12 : memref<!tpu.dma_semaphore, #tpu.memory_space<semaphore_mem>>) src(%arg8 : memref<16160xf32, #tpu.memory_space<vmem>>) dst(%dma_wait3A_47 : memref<16160xf32, #tpu.memory_space<hbm>>)
    %parallel_loop3A_48 = arith.constant 0 : i32
    %parallel_loop3A_49 = arith.constant 16160 : i32
    %parallel_loop3A_50 = arith.constant 16 : i32
    %parallel_loop3A_51 = arith.constant 0 : i32
    scf.for %parallel_loop3A_1407 = %parallel_loop3A_48 to %parallel_loop3A_49 step %parallel_loop3A_50  : i32 {
      %parallel_loop3A_1408 = arith.addi %parallel_loop3A_51, %parallel_loop3A_1407 : i32
      %parallel_loop3A_1409 = arith.index_cast %parallel_loop3A_1408 : i32 to index
      %parallel_loop3A_1410 = tpu.vector_load %arg5[%parallel_loop3A_1409] {strides = array<i32>} : memref<32400xi32, #tpu.memory_space<vmem>>, vector<16xi32>,
      %parallel_loop3A_1411 = tpu.vector_load_idx %arg7[%parallel_loop3A_1410] : memref<19328xf32, #tpu.memory_space<vmem>>[vector<16xi32>], vector<16xf32>,
      %parallel_loop3A_1412 = arith.index_cast %parallel_loop3A_1407 : i32 to index
      %parallel_loop3A_1413 = tpu.vector_load %arg8[%parallel_loop3A_1412] {strides = array<i32>} : memref<16160xf32, #tpu.memory_space<vmem>>, vector<16xf32>,
      tpu.vector_store %arg8[%parallel_loop3A_1412], %parallel_loop3A_1411 {strides = array<i32>} : memref<16160xf32, #tpu.memory_space<vmem>>, vector<16xf32>,
    } {sc.loop_unroll_factor = 5 : i64, sc.parallel_access}
    %add3A_52 = arith.constant 1036800 : i32
    %add3A_53 = arith.addi %add3A_52, %mul3A_2 : i32
    %add3A_54 = arith.constant 0 : i32
    %add3A_55 = arith.addi %add3A_53, %add3A_54 : i32
    %multiple_of3A_56 = tpu.assume_multiple %add3A_55, 8 : i32
    %dma_start3A_57 = tpu.memref_slice %arg4[%multiple_of3A_56] : memref<33177600xf32, #tpu.memory_space<hbm>> -> memref<16160xf32, #tpu.memory_space<hbm>>
    %dma_start3A_58 = tpu.memref_slice %arg4[%multiple_of3A_56] : memref<33177600xf32, #tpu.memory_space<hbm>> -> memref<16160xf32, #tpu.memory_space<hbm>>
    tpu.enqueue_dma source(%arg8 : memref<16160xf32, #tpu.memory_space<vmem>>) target(%dma_start3A_58 : memref<16160xf32, #tpu.memory_space<hbm>>) target_semaphore(%arg12 : memref<!tpu.dma_semaphore, #tpu.memory_space<semaphore_mem>>)
    %add3A_59 = arith.constant 0 : i32
    %add3A_60 = arith.addi %add3A_59, %mul3A_2 : i32
    %add3A_61 = arith.constant 16160 : i32
    %add3A_62 = arith.addi %add3A_60, %add3A_61 : i32
    %multiple_of3A_63 = tpu.assume_multiple %add3A_62, 8 : i32
    %dma_wait3A_64 = tpu.memref_slice %arg4[%multiple_of3A_63] : memref<33177600xf32, #tpu.memory_space<hbm>> -> memref<16240xf32, #tpu.memory_space<hbm>>
    %dma_wait3A_65 = tpu.memref_slice %arg4[%multiple_of3A_63] : memref<33177600xf32, #tpu.memory_space<hbm>> -> memref<16240xf32, #tpu.memory_space<hbm>>
    tpu.wait_dma2 semaphore(%arg13 : memref<!tpu.dma_semaphore, #tpu.memory_space<semaphore_mem>>) src(%arg9 : memref<16240xf32, #tpu.memory_space<vmem>>) dst(%dma_wait3A_65 : memref<16240xf32, #tpu.memory_space<hbm>>)
    %parallel_loop3A_66 = arith.constant 0 : i32
    %parallel_loop3A_67 = arith.constant 16240 : i32
    %parallel_loop3A_68 = arith.constant 16 : i32
    %parallel_loop3A_69 = arith.constant 16160 : i32
    scf.for %parallel_loop3A_1407 = %parallel_loop3A_66 to %parallel_loop3A_67 step %parallel_loop3A_68  : i32 {
      %parallel_loop3A_1408 = arith.addi %parallel_loop3A_69, %parallel_loop3A_1407 : i32
      %parallel_loop3A_1409 = arith.index_cast %parallel_loop3A_1408 : i32 to index
      %parallel_loop3A_1410 = tpu.vector_load %arg5[%parallel_loop3A_1409] {strides = array<i32>} : memref<32400xi32, #tpu.memory_space<vmem>>, vector<16xi32>,
      %parallel_loop3A_1411 = tpu.vector_load_idx %arg7[%parallel_loop3A_1410] : memref<19328xf32, #tpu.memory_space<vmem>>[vector<16xi32>], vector<16xf32>,
      %parallel_loop3A_1412 = arith.index_cast %parallel_loop3A_1407 : i32 to index
      %parallel_loop3A_1413 = tpu.vector_load %arg9[%parallel_loop3A_1412] {strides = array<i32>} : memref<16240xf32, #tpu.memory_space<vmem>>, vector<16xf32>,
      tpu.vector_store %arg9[%parallel_loop3A_1412], %parallel_loop3A_1411 {strides = array<i32>} : memref<16240xf32, #tpu.memory_space<vmem>>, vector<16xf32>,
    } {sc.loop_unroll_factor = 5 : i64, sc.parallel_access}
    %add3A_70 = arith.constant 1036800 : i32
    %add3A_71 = arith.addi %add3A_70, %mul3A_2 : i32
    %add3A_72 = arith.constant 16160 : i32
    %add3A_73 = arith.addi %add3A_71, %add3A_72 : i32
    %multiple_of3A_74 = tpu.assume_multiple %add3A_73, 8 : i32
    %dma_start3A_75 = tpu.memref_slice %arg4[%multiple_of3A_74] : memref<33177600xf32, #tpu.memory_space<hbm>> -> memref<16240xf32, #tpu.memory_space<hbm>>
    %dma_start3A_76 = tpu.memref_slice %arg4[%multiple_of3A_74] : memref<33177600xf32, #tpu.memory_space<hbm>> -> memref<16240xf32, #tpu.memory_space<hbm>>
    tpu.enqueue_dma source(%arg9 : memref<16240xf32, #tpu.memory_space<vmem>>) target(%dma_start3A_76 : memref<16240xf32, #tpu.memory_space<hbm>>) target_semaphore(%arg13 : memref<!tpu.dma_semaphore, #tpu.memory_space<semaphore_mem>>)
    %multiple_of3A_77 = arith.constant 38656 : i32
    %multiple_of3A_78 = tpu.assume_multiple %multiple_of3A_77, 8 : i32
    %dma_wait3A_79 = tpu.memref_slice %arg2[%multiple_of3A_78] : memref<618496xf32, #tpu.memory_space<hbm>> -> memref<19328xf32, #tpu.memory_space<hbm>>
    %dma_wait3A_80 = tpu.memref_slice %arg2[%multiple_of3A_78] : memref<618496xf32, #tpu.memory_space<hbm>> -> memref<19328xf32, #tpu.memory_space<hbm>>
    tpu.wait_dma2 semaphore(%arg10 : memref<!tpu.dma_semaphore, #tpu.memory_space<semaphore_mem>>) src(%dma_wait3A_80 : memref<19328xf32, #tpu.memory_space<hbm>>) dst(%arg6 : memref<19328xf32, #tpu.memory_space<vmem>>)
    %multiple_of3A_81 = arith.constant 57984 : i32
    %multiple_of3A_82 = tpu.assume_multiple %multiple_of3A_81, 8 : i32
    %dma_start3A_83 = tpu.memref_slice %arg2[%multiple_of3A_82] : memref<618496xf32, #tpu.memory_space<hbm>> -> memref<19328xf32, #tpu.memory_space<hbm>>
    %dma_start3A_84 = tpu.memref_slice %arg2[%multiple_of3A_82] : memref<618496xf32, #tpu.memory_space<hbm>> -> memref<19328xf32, #tpu.memory_space<hbm>>
    tpu.enqueue_dma source(%dma_start3A_84 : memref<19328xf32, #tpu.memory_space<hbm>>) target(%arg7 : memref<19328xf32, #tpu.memory_space<vmem>>) target_semaphore(%arg11 : memref<!tpu.dma_semaphore, #tpu.memory_space<semaphore_mem>>)
    %add3A_85 = arith.constant 1036800 : i32
    %add3A_86 = arith.addi %add3A_85, %mul3A_2 : i32
    %add3A_87 = arith.constant 0 : i32
    %add3A_88 = arith.addi %add3A_86, %add3A_87 : i32
    %multiple_of3A_89 = tpu.assume_multiple %add3A_88, 8 : i32
    %dma_wait3A_90 = tpu.memref_slice %arg4[%multiple_of3A_89] : memref<33177600xf32, #tpu.memory_space<hbm>> -> memref<16160xf32, #tpu.memory_space<hbm>>
    %dma_wait3A_91 = tpu.memref_slice %arg4[%multiple_of3A_89] : memref<33177600xf32, #tpu.memory_space<hbm>> -> memref<16160xf32, #tpu.memory_space<hbm>>
    tpu.wait_dma2 semaphore(%arg12 : memref<!tpu.dma_semaphore, #tpu.memory_space<semaphore_mem>>) src(%arg8 : memref<16160xf32, #tpu.memory_space<vmem>>) dst(%dma_wait3A_91 : memref<16160xf32, #tpu.memory_space<hbm>>)
    %parallel_loop3A_92 = arith.constant 0 : i32
    %parallel_loop3A_93 = arith.constant 16160 : i32
    %parallel_loop3A_94 = arith.constant 16 : i32
    %parallel_loop3A_95 = arith.constant 0 : i32
    scf.for %parallel_loop3A_1407 = %parallel_loop3A_92 to %parallel_loop3A_93 step %parallel_loop3A_94  : i32 {
      %parallel_loop3A_1408 = arith.addi %parallel_loop3A_95, %parallel_loop3A_1407 : i32
      %parallel_loop3A_1409 = arith.index_cast %parallel_loop3A_1408 : i32 to index
      %parallel_loop3A_1410 = tpu.vector_load %arg5[%parallel_loop3A_1409] {strides = array<i32>} : memref<32400xi32, #tpu.memory_space<vmem>>, vector<16xi32>,
      %parallel_loop3A_1411 = tpu.vector_load_idx %arg6[%parallel_loop3A_1410] : memref<19328xf32, #tpu.memory_space<vmem>>[vector<16xi32>], vector<16xf32>,
      %parallel_loop3A_1412 = arith.index_cast %parallel_loop3A_1407 : i32 to index
      %parallel_loop3A_1413 = tpu.vector_load %arg8[%parallel_loop3A_1412] {strides = array<i32>} : memref<16160xf32, #tpu.memory_space<vmem>>, vector<16xf32>,
      tpu.vector_store %arg8[%parallel_loop3A_1412], %parallel_loop3A_1411 {strides = array<i32>} : memref<16160xf32, #tpu.memory_space<vmem>>, vector<16xf32>,
    } {sc.loop_unroll_factor = 5 : i64, sc.parallel_access}
    %add3A_96 = arith.constant 2073600 : i32
    %add3A_97 = arith.addi %add3A_96, %mul3A_2 : i32
    %add3A_98 = arith.constant 0 : i32
    %add3A_99 = arith.addi %add3A_97, %add3A_98 : i32
    %multiple_of3A_100 = tpu.assume_multiple %add3A_99, 8 : i32
    %dma_start3A_101 = tpu.memref_slice %arg4[%multiple_of3A_100] : memref<33177600xf32, #tpu.memory_space<hbm>> -> memref<16160xf32, #tpu.memory_space<hbm>>
    %dma_start3A_102 = tpu.memref_slice %arg4[%multiple_of3A_100] : memref<33177600xf32, #tpu.memory_space<hbm>> -> memref<16160xf32, #tpu.memory_space<hbm>>
    tpu.enqueue_dma source(%arg8 : memref<16160xf32, #tpu.memory_space<vmem>>) target(%dma_start3A_102 : memref<16160xf32, #tpu.memory_space<hbm>>) target_semaphore(%arg12 : memref<!tpu.dma_semaphore, #tpu.memory_space<semaphore_mem>>)
    %add3A_103 = arith.constant 1036800 : i32
    %add3A_104 = arith.addi %add3A_103, %mul3A_2 : i32
    %add3A_105 = arith.constant 16160 : i32
    %add3A_106 = arith.addi %add3A_104, %add3A_105 : i32
    %multiple_of3A_107 = tpu.assume_multiple %add3A_106, 8 : i32
    %dma_wait3A_108 = tpu.memref_slice %arg4[%multiple_of3A_107] : memref<33177600xf32, #tpu.memory_space<hbm>> -> memref<16240xf32, #tpu.memory_space<hbm>>
    %dma_wait3A_109 = tpu.memref_slice %arg4[%multiple_of3A_107] : memref<33177600xf32, #tpu.memory_space<hbm>> -> memref<16240xf32, #tpu.memory_space<hbm>>
    tpu.wait_dma2 semaphore(%arg13 : memref<!tpu.dma_semaphore, #tpu.memory_space<semaphore_mem>>) src(%arg9 : memref<16240xf32, #tpu.memory_space<vmem>>) dst(%dma_wait3A_109 : memref<16240xf32, #tpu.memory_space<hbm>>)
    %parallel_loop3A_110 = arith.constant 0 : i32
    %parallel_loop3A_111 = arith.constant 16240 : i32
    %parallel_loop3A_112 = arith.constant 16 : i32
    %parallel_loop3A_113 = arith.constant 16160 : i32
    scf.for %parallel_loop3A_1407 = %parallel_loop3A_110 to %parallel_loop3A_111 step %parallel_loop3A_112  : i32 {
      %parallel_loop3A_1408 = arith.addi %parallel_loop3A_113, %parallel_loop3A_1407 : i32
      %parallel_loop3A_1409 = arith.index_cast %parallel_loop3A_1408 : i32 to index
      %parallel_loop3A_1410 = tpu.vector_load %arg5[%parallel_loop3A_1409] {strides = array<i32>} : memref<32400xi32, #tpu.memory_space<vmem>>, vector<16xi32>,
      %parallel_loop3A_1411 = tpu.vector_load_idx %arg6[%parallel_loop3A_1410] : memref<19328xf32, #tpu.memory_space<vmem>>[vector<16xi32>], vector<16xf32>,
      %parallel_loop3A_1412 = arith.index_cast %parallel_loop3A_1407 : i32 to index
      %parallel_loop3A_1413 = tpu.vector_load %arg9[%parallel_loop3A_1412] {strides = array<i32>} : memref<16240xf32, #tpu.memory_space<vmem>>, vector<16xf32>,
      tpu.vector_store %arg9[%parallel_loop3A_1412], %parallel_loop3A_1411 {strides = array<i32>} : memref<16240xf32, #tpu.memory_space<vmem>>, vector<16xf32>,
    } {sc.loop_unroll_factor = 5 : i64, sc.parallel_access}
    %add3A_114 = arith.constant 2073600 : i32
    %add3A_115 = arith.addi %add3A_114, %mul3A_2 : i32
    %add3A_116 = arith.constant 16160 : i32
    %add3A_117 = arith.addi %add3A_115, %add3A_116 : i32
    %multiple_of3A_118 = tpu.assume_multiple %add3A_117, 8 : i32
    %dma_start3A_119 = tpu.memref_slice %arg4[%multiple_of3A_118] : memref<33177600xf32, #tpu.memory_space<hbm>> -> memref<16240xf32, #tpu.memory_space<hbm>>
    %dma_start3A_120 = tpu.memref_slice %arg4[%multiple_of3A_118] : memref<33177600xf32, #tpu.memory_space<hbm>> -> memref<16240xf32, #tpu.memory_space<hbm>>
    tpu.enqueue_dma source(%arg9 : memref<16240xf32, #tpu.memory_space<vmem>>) target(%dma_start3A_120 : memref<16240xf32, #tpu.memory_space<hbm>>) target_semaphore(%arg13 : memref<!tpu.dma_semaphore, #tpu.memory_space<semaphore_mem>>)
    %multiple_of3A_121 = arith.constant 57984 : i32
    %multiple_of3A_122 = tpu.assume_multiple %multiple_of3A_121, 8 : i32
    %dma_wait3A_123 = tpu.memref_slice %arg2[%multiple_of3A_122] : memref<618496xf32, #tpu.memory_space<hbm>> -> memref<19328xf32, #tpu.memory_space<hbm>>
    %dma_wait3A_124 = tpu.memref_slice %arg2[%multiple_of3A_122] : memref<618496xf32, #tpu.memory_space<hbm>> -> memref<19328xf32, #tpu.memory_space<hbm>>
    tpu.wait_dma2 semaphore(%arg11 : memref<!tpu.dma_semaphore, #tpu.memory_space<semaphore_mem>>) src(%dma_wait3A_124 : memref<19328xf32, #tpu.memory_space<hbm>>) dst(%arg7 : memref<19328xf32, #tpu.memory_space<vmem>>)
    %multiple_of3A_125 = arith.constant 77312 : i32
    %multiple_of3A_126 = tpu.assume_multiple %multiple_of3A_125, 8 : i32
    %dma_start3A_127 = tpu.memref_slice %arg2[%multiple_of3A_126] : memref<618496xf32, #tpu.memory_space<hbm>> -> memref<19328xf32, #tpu.memory_space<hbm>>
    %dma_start3A_128 = tpu.memref_slice %arg2[%multiple_of3A_126] : memref<618496xf32, #tpu.memory_space<hbm>> -> memref<19328xf32, #tpu.memory_space<hbm>>
    tpu.enqueue_dma source(%dma_start3A_128 : memref<19328xf32, #tpu.memory_space<hbm>>) target(%arg6 : memref<19328xf32, #tpu.memory_space<vmem>>) target_semaphore(%arg10 : memref<!tpu.dma_semaphore, #tpu.memory_space<semaphore_mem>>)
    %add3A_129 = arith.constant 2073600 : i32
    %add3A_130 = arith.addi %add3A_129, %mul3A_2 : i32
    %add3A_131 = arith.constant 0 : i32
    %add3A_132 = arith.addi %add3A_130, %add3A_131 : i32
    %multiple_of3A_133 = tpu.assume_multiple %add3A_132, 8 : i32
    %dma_wait3A_134 = tpu.memref_slice %arg4[%multiple_of3A_133] : memref<33177600xf32, #tpu.memory_space<hbm>> -> memref<16160xf32, #tpu.memory_space<hbm>>
    %dma_wait3A_135 = tpu.memref_slice %arg4[%multiple_of3A_133] : memref<33177600xf32, #tpu.memory_space<hbm>> -> memref<16160xf32, #tpu.memory_space<hbm>>
    tpu.wait_dma2 semaphore(%arg12 : memref<!tpu.dma_semaphore, #tpu.memory_space<semaphore_mem>>) src(%arg8 : memref<16160xf32, #tpu.memory_space<vmem>>) dst(%dma_wait3A_135 : memref<16160xf32, #tpu.memory_space<hbm>>)
    %parallel_loop3A_136 = arith.constant 0 : i32
    %parallel_loop3A_137 = arith.constant 16160 : i32
    %parallel_loop3A_138 = arith.constant 16 : i32
    %parallel_loop3A_139 = arith.constant 0 : i32
    scf.for %parallel_loop3A_1407 = %parallel_loop3A_136 to %parallel_loop3A_137 step %parallel_loop3A_138  : i32 {
      %parallel_loop3A_1408 = arith.addi %parallel_loop3A_139, %parallel_loop3A_1407 : i32
      %parallel_loop3A_1409 = arith.index_cast %parallel_loop3A_1408 : i32 to index
      %parallel_loop3A_1410 = tpu.vector_load %arg5[%parallel_loop3A_1409] {strides = array<i32>} : memref<32400xi32, #tpu.memory_space<vmem>>, vector<16xi32>,
      %parallel_loop3A_1411 = tpu.vector_load_idx %arg7[%parallel_loop3A_1410] : memref<19328xf32, #tpu.memory_space<vmem>>[vector<16xi32>], vector<16xf32>,
      %parallel_loop3A_1412 = arith.index_cast %parallel_loop3A_1407 : i32 to index
      %parallel_loop3A_1413 = tpu.vector_load %arg8[%parallel_loop3A_1412] {strides = array<i32>} : memref<16160xf32, #tpu.memory_space<vmem>>, vector<16xf32>,
      tpu.vector_store %arg8[%parallel_loop3A_1412], %parallel_loop3A_1411 {strides = array<i32>} : memref<16160xf32, #tpu.memory_space<vmem>>, vector<16xf32>,
    } {sc.loop_unroll_factor = 5 : i64, sc.parallel_access}
    %add3A_140 = arith.constant 3110400 : i32
    %add3A_141 = arith.addi %add3A_140, %mul3A_2 : i32
    %add3A_142 = arith.constant 0 : i32
    %add3A_143 = arith.addi %add3A_141, %add3A_142 : i32
    %multiple_of3A_144 = tpu.assume_multiple %add3A_143, 8 : i32
    %dma_start3A_145 = tpu.memref_slice %arg4[%multiple_of3A_144] : memref<33177600xf32, #tpu.memory_space<hbm>> -> memref<16160xf32, #tpu.memory_space<hbm>>
    %dma_start3A_146 = tpu.memref_slice %arg4[%multiple_of3A_144] : memref<33177600xf32, #tpu.memory_space<hbm>> -> memref<16160xf32, #tpu.memory_space<hbm>>
    tpu.enqueue_dma source(%arg8 : memref<16160xf32, #tpu.memory_space<vmem>>) target(%dma_start3A_146 : memref<16160xf32, #tpu.memory_space<hbm>>) target_semaphore(%arg12 : memref<!tpu.dma_semaphore, #tpu.memory_space<semaphore_mem>>)
    %add3A_147 = arith.constant 2073600 : i32
    %add3A_148 = arith.addi %add3A_147, %mul3A_2 : i32
    %add3A_149 = arith.constant 16160 : i32
    %add3A_150 = arith.addi %add3A_148, %add3A_149 : i32
    %multiple_of3A_151 = tpu.assume_multiple %add3A_150, 8 : i32
    %dma_wait3A_152 = tpu.memref_slice %arg4[%multiple_of3A_151] : memref<33177600xf32, #tpu.memory_space<hbm>> -> memref<16240xf32, #tpu.memory_space<hbm>>
    %dma_wait3A_153 = tpu.memref_slice %arg4[%multiple_of3A_151] : memref<33177600xf32, #tpu.memory_space<hbm>> -> memref<16240xf32, #tpu.memory_space<hbm>>
    tpu.wait_dma2 semaphore(%arg13 : memref<!tpu.dma_semaphore, #tpu.memory_space<semaphore_mem>>) src(%arg9 : memref<16240xf32, #tpu.memory_space<vmem>>) dst(%dma_wait3A_153 : memref<16240xf32, #tpu.memory_space<hbm>>)
    %parallel_loop3A_154 = arith.constant 0 : i32
    %parallel_loop3A_155 = arith.constant 16240 : i32
    %parallel_loop3A_156 = arith.constant 16 : i32
    %parallel_loop3A_157 = arith.constant 16160 : i32
    scf.for %parallel_loop3A_1407 = %parallel_loop3A_154 to %parallel_loop3A_155 step %parallel_loop3A_156  : i32 {
      %parallel_loop3A_1408 = arith.addi %parallel_loop3A_157, %parallel_loop3A_1407 : i32
      %parallel_loop3A_1409 = arith.index_cast %parallel_loop3A_1408 : i32 to index
      %parallel_loop3A_1410 = tpu.vector_load %arg5[%parallel_loop3A_1409] {strides = array<i32>} : memref<32400xi32, #tpu.memory_space<vmem>>, vector<16xi32>,
      %parallel_loop3A_1411 = tpu.vector_load_idx %arg7[%parallel_loop3A_1410] : memref<19328xf32, #tpu.memory_space<vmem>>[vector<16xi32>], vector<16xf32>,
      %parallel_loop3A_1412 = arith.index_cast %parallel_loop3A_1407 : i32 to index
      %parallel_loop3A_1413 = tpu.vector_load %arg9[%parallel_loop3A_1412] {strides = array<i32>} : memref<16240xf32, #tpu.memory_space<vmem>>, vector<16xf32>,
      tpu.vector_store %arg9[%parallel_loop3A_1412], %parallel_loop3A_1411 {strides = array<i32>} : memref<16240xf32, #tpu.memory_space<vmem>>, vector<16xf32>,
    } {sc.loop_unroll_factor = 5 : i64, sc.parallel_access}
    %add3A_158 = arith.constant 3110400 : i32
    %add3A_159 = arith.addi %add3A_158, %mul3A_2 : i32
    %add3A_160 = arith.constant 16160 : i32
    %add3A_161 = arith.addi %add3A_159, %add3A_160 : i32
    %multiple_of3A_162 = tpu.assume_multiple %add3A_161, 8 : i32
    %dma_start3A_163 = tpu.memref_slice %arg4[%multiple_of3A_162] : memref<33177600xf32, #tpu.memory_space<hbm>> -> memref<16240xf32, #tpu.memory_space<hbm>>
    %dma_start3A_164 = tpu.memref_slice %arg4[%multiple_of3A_162] : memref<33177600xf32, #tpu.memory_space<hbm>> -> memref<16240xf32, #tpu.memory_space<hbm>>
    tpu.enqueue_dma source(%arg9 : memref<16240xf32, #tpu.memory_space<vmem>>) target(%dma_start3A_164 : memref<16240xf32, #tpu.memory_space<hbm>>) target_semaphore(%arg13 : memref<!tpu.dma_semaphore, #tpu.memory_space<semaphore_mem>>)
    %multiple_of3A_165 = arith.constant 77312 : i32
    %multiple_of3A_166 = tpu.assume_multiple %multiple_of3A_165, 8 : i32
    %dma_wait3A_167 = tpu.memref_slice %arg2[%multiple_of3A_166] : memref<618496xf32, #tpu.memory_space<hbm>> -> memref<19328xf32, #tpu.memory_space<hbm>>
    %dma_wait3A_168 = tpu.memref_slice %arg2[%multiple_of3A_166] : memref<618496xf32, #tpu.memory_space<hbm>> -> memref<19328xf32, #tpu.memory_space<hbm>>
    tpu.wait_dma2 semaphore(%arg10 : memref<!tpu.dma_semaphore, #tpu.memory_space<semaphore_mem>>) src(%dma_wait3A_168 : memref<19328xf32, #tpu.memory_space<hbm>>) dst(%arg6 : memref<19328xf32, #tpu.memory_space<vmem>>)
    %multiple_of3A_169 = arith.constant 96640 : i32
    %multiple_of3A_170 = tpu.assume_multiple %multiple_of3A_169, 8 : i32
    %dma_start3A_171 = tpu.memref_slice %arg2[%multiple_of3A_170] : memref<618496xf32, #tpu.memory_space<hbm>> -> memref<19328xf32, #tpu.memory_space<hbm>>
    %dma_start3A_172 = tpu.memref_slice %arg2[%multiple_of3A_170] : memref<618496xf32, #tpu.memory_space<hbm>> -> memref<19328xf32, #tpu.memory_space<hbm>>
    tpu.enqueue_dma source(%dma_start3A_172 : memref<19328xf32, #tpu.memory_space<hbm>>) target(%arg7 : memref<19328xf32, #tpu.memory_space<vmem>>) target_semaphore(%arg11 : memref<!tpu.dma_semaphore, #tpu.memory_space<semaphore_mem>>)
    %add3A_173 = arith.constant 3110400 : i32
    %add3A_174 = arith.addi %add3A_173, %mul3A_2 : i32
    %add3A_175 = arith.constant 0 : i32
    %add3A_176 = arith.addi %add3A_174, %add3A_175 : i32
    %multiple_of3A_177 = tpu.assume_multiple %add3A_176, 8 : i32
    %dma_wait3A_178 = tpu.memref_slice %arg4[%multiple_of3A_177] : memref<33177600xf32, #tpu.memory_space<hbm>> -> memref<16160xf32, #tpu.memory_space<hbm>>
    %dma_wait3A_179 = tpu.memref_slice %arg4[%multiple_of3A_177] : memref<33177600xf32, #tpu.memory_space<hbm>> -> memref<16160xf32, #tpu.memory_space<hbm>>
    tpu.wait_dma2 semaphore(%arg12 : memref<!tpu.dma_semaphore, #tpu.memory_space<semaphore_mem>>) src(%arg8 : memref<16160xf32, #tpu.memory_space<vmem>>) dst(%dma_wait3A_179 : memref<16160xf32, #tpu.memory_space<hbm>>)
    %parallel_loop3A_180 = arith.constant 0 : i32
    %parallel_loop3A_181 = arith.constant 16160 : i32
    %parallel_loop3A_182 = arith.constant 16 : i32
    %parallel_loop3A_183 = arith.constant 0 : i32
    scf.for %parallel_loop3A_1407 = %parallel_loop3A_180 to %parallel_loop3A_181 step %parallel_loop3A_182  : i32 {
      %parallel_loop3A_1408 = arith.addi %parallel_loop3A_183, %parallel_loop3A_1407 : i32
      %parallel_loop3A_1409 = arith.index_cast %parallel_loop3A_1408 : i32 to index
      %parallel_loop3A_1410 = tpu.vector_load %arg5[%parallel_loop3A_1409] {strides = array<i32>} : memref<32400xi32, #tpu.memory_space<vmem>>, vector<16xi32>,
      %parallel_loop3A_1411 = tpu.vector_load_idx %arg6[%parallel_loop3A_1410] : memref<19328xf32, #tpu.memory_space<vmem>>[vector<16xi32>], vector<16xf32>,
      %parallel_loop3A_1412 = arith.index_cast %parallel_loop3A_1407 : i32 to index
      %parallel_loop3A_1413 = tpu.vector_load %arg8[%parallel_loop3A_1412] {strides = array<i32>} : memref<16160xf32, #tpu.memory_space<vmem>>, vector<16xf32>,
      tpu.vector_store %arg8[%parallel_loop3A_1412], %parallel_loop3A_1411 {strides = array<i32>} : memref<16160xf32, #tpu.memory_space<vmem>>, vector<16xf32>,
    } {sc.loop_unroll_factor = 5 : i64, sc.parallel_access}
    %add3A_184 = arith.constant 4147200 : i32
    %add3A_185 = arith.addi %add3A_184, %mul3A_2 : i32
    %add3A_186 = arith.constant 0 : i32
    %add3A_187 = arith.addi %add3A_185, %add3A_186 : i32
    %multiple_of3A_188 = tpu.assume_multiple %add3A_187, 8 : i32
    %dma_start3A_189 = tpu.memref_slice %arg4[%multiple_of3A_188] : memref<33177600xf32, #tpu.memory_space<hbm>> -> memref<16160xf32, #tpu.memory_space<hbm>>
    %dma_start3A_190 = tpu.memref_slice %arg4[%multiple_of3A_188] : memref<33177600xf32, #tpu.memory_space<hbm>> -> memref<16160xf32, #tpu.memory_space<hbm>>
    tpu.enqueue_dma source(%arg8 : memref<16160xf32, #tpu.memory_space<vmem>>) target(%dma_start3A_190 : memref<16160xf32, #tpu.memory_space<hbm>>) target_semaphore(%arg12 : memref<!tpu.dma_semaphore, #tpu.memory_space<semaphore_mem>>)
    %add3A_191 = arith.constant 3110400 : i32
    %add3A_192 = arith.addi %add3A_191, %mul3A_2 : i32
    %add3A_193 = arith.constant 16160 : i32
    %add3A_194 = arith.addi %add3A_192, %add3A_193 : i32
    %multiple_of3A_195 = tpu.assume_multiple %add3A_194, 8 : i32
    %dma_wait3A_196 = tpu.memref_slice %arg4[%multiple_of3A_195] : memref<33177600xf32, #tpu.memory_space<hbm>> -> memref<16240xf32, #tpu.memory_space<hbm>>
    %dma_wait3A_197 = tpu.memref_slice %arg4[%multiple_of3A_195] : memref<33177600xf32, #tpu.memory_space<hbm>> -> memref<16240xf32, #tpu.memory_space<hbm>>
    tpu.wait_dma2 semaphore(%arg13 : memref<!tpu.dma_semaphore, #tpu.memory_space<semaphore_mem>>) src(%arg9 : memref<16240xf32, #tpu.memory_space<vmem>>) dst(%dma_wait3A_197 : memref<16240xf32, #tpu.memory_space<hbm>>)
    %parallel_loop3A_198 = arith.constant 0 : i32
    %parallel_loop3A_199 = arith.constant 16240 : i32
    %parallel_loop3A_200 = arith.constant 16 : i32
    %parallel_loop3A_201 = arith.constant 16160 : i32
    scf.for %parallel_loop3A_1407 = %parallel_loop3A_198 to %parallel_loop3A_199 step %parallel_loop3A_200  : i32 {
      %parallel_loop3A_1408 = arith.addi %parallel_loop3A_201, %parallel_loop3A_1407 : i32
      %parallel_loop3A_1409 = arith.index_cast %parallel_loop3A_1408 : i32 to index
      %parallel_loop3A_1410 = tpu.vector_load %arg5[%parallel_loop3A_1409] {strides = array<i32>} : memref<32400xi32, #tpu.memory_space<vmem>>, vector<16xi32>,
      %parallel_loop3A_1411 = tpu.vector_load_idx %arg6[%parallel_loop3A_1410] : memref<19328xf32, #tpu.memory_space<vmem>>[vector<16xi32>], vector<16xf32>,
      %parallel_loop3A_1412 = arith.index_cast %parallel_loop3A_1407 : i32 to index
      %parallel_loop3A_1413 = tpu.vector_load %arg9[%parallel_loop3A_1412] {strides = array<i32>} : memref<16240xf32, #tpu.memory_space<vmem>>, vector<16xf32>,
      tpu.vector_store %arg9[%parallel_loop3A_1412], %parallel_loop3A_1411 {strides = array<i32>} : memref<16240xf32, #tpu.memory_space<vmem>>, vector<16xf32>,
    } {sc.loop_unroll_factor = 5 : i64, sc.parallel_access}
    %add3A_202 = arith.constant 4147200 : i32
    %add3A_203 = arith.addi %add3A_202, %mul3A_2 : i32
    %add3A_204 = arith.constant 16160 : i32
    %add3A_205 = arith.addi %add3A_203, %add3A_204 : i32
    %multiple_of3A_206 = tpu.assume_multiple %add3A_205, 8 : i32
    %dma_start3A_207 = tpu.memref_slice %arg4[%multiple_of3A_206] : memref<33177600xf32, #tpu.memory_space<hbm>> -> memref<16240xf32, #tpu.memory_space<hbm>>
    %dma_start3A_208 = tpu.memref_slice %arg4[%multiple_of3A_206] : memref<33177600xf32, #tpu.memory_space<hbm>> -> memref<16240xf32, #tpu.memory_space<hbm>>
    tpu.enqueue_dma source(%arg9 : memref<16240xf32, #tpu.memory_space<vmem>>) target(%dma_start3A_208 : memref<16240xf32, #tpu.memory_space<hbm>>) target_semaphore(%arg13 : memref<!tpu.dma_semaphore, #tpu.memory_space<semaphore_mem>>)
    %multiple_of3A_209 = arith.constant 96640 : i32
    %multiple_of3A_210 = tpu.assume_multiple %multiple_of3A_209, 8 : i32
    %dma_wait3A_211 = tpu.memref_slice %arg2[%multiple_of3A_210] : memref<618496xf32, #tpu.memory_space<hbm>> -> memref<19328xf32, #tpu.memory_space<hbm>>
    %dma_wait3A_212 = tpu.memref_slice %arg2[%multiple_of3A_210] : memref<618496xf32, #tpu.memory_space<hbm>> -> memref<19328xf32, #tpu.memory_space<hbm>>
    tpu.wait_dma2 semaphore(%arg11 : memref<!tpu.dma_semaphore, #tpu.memory_space<semaphore_mem>>) src(%dma_wait3A_212 : memref<19328xf32, #tpu.memory_space<hbm>>) dst(%arg7 : memref<19328xf32, #tpu.memory_space<vmem>>)
    %multiple_of3A_213 = arith.constant 115968 : i32
    %multiple_of3A_214 = tpu.assume_multiple %multiple_of3A_213, 8 : i32
    %dma_start3A_215 = tpu.memref_slice %arg2[%multiple_of3A_214] : memref<618496xf32, #tpu.memory_space<hbm>> -> memref<19328xf32, #tpu.memory_space<hbm>>
    %dma_start3A_216 = tpu.memref_slice %arg2[%multiple_of3A_214] : memref<618496xf32, #tpu.memory_space<hbm>> -> memref<19328xf32, #tpu.memory_space<hbm>>
    tpu.enqueue_dma source(%dma_start3A_216 : memref<19328xf32, #tpu.memory_space<hbm>>) target(%arg6 : memref<19328xf32, #tpu.memory_space<vmem>>) target_semaphore(%arg10 : memref<!tpu.dma_semaphore, #tpu.memory_space<semaphore_mem>>)
    %add3A_217 = arith.constant 4147200 : i32
    %add3A_218 = arith.addi %add3A_217, %mul3A_2 : i32
    %add3A_219 = arith.constant 0 : i32
    %add3A_220 = arith.addi %add3A_218, %add3A_219 : i32
    %multiple_of3A_221 = tpu.assume_multiple %add3A_220, 8 : i32
    %dma_wait3A_222 = tpu.memref_slice %arg4[%multiple_of3A_221] : memref<33177600xf32, #tpu.memory_space<hbm>> -> memref<16160xf32, #tpu.memory_space<hbm>>
    %dma_wait3A_223 = tpu.memref_slice %arg4[%multiple_of3A_221] : memref<33177600xf32, #tpu.memory_space<hbm>> -> memref<16160xf32, #tpu.memory_space<hbm>>
    tpu.wait_dma2 semaphore(%arg12 : memref<!tpu.dma_semaphore, #tpu.memory_space<semaphore_mem>>) src(%arg8 : memref<16160xf32, #tpu.memory_space<vmem>>) dst(%dma_wait3A_223 : memref<16160xf32, #tpu.memory_space<hbm>>)
    %parallel_loop3A_224 = arith.constant 0 : i32
    %parallel_loop3A_225 = arith.constant 16160 : i32
    %parallel_loop3A_226 = arith.constant 16 : i32
    %parallel_loop3A_227 = arith.constant 0 : i32
    scf.for %parallel_loop3A_1407 = %parallel_loop3A_224 to %parallel_loop3A_225 step %parallel_loop3A_226  : i32 {
      %parallel_loop3A_1408 = arith.addi %parallel_loop3A_227, %parallel_loop3A_1407 : i32
      %parallel_loop3A_1409 = arith.index_cast %parallel_loop3A_1408 : i32 to index
      %parallel_loop3A_1410 = tpu.vector_load %arg5[%parallel_loop3A_1409] {strides = array<i32>} : memref<32400xi32, #tpu.memory_space<vmem>>, vector<16xi32>,
      %parallel_loop3A_1411 = tpu.vector_load_idx %arg7[%parallel_loop3A_1410] : memref<19328xf32, #tpu.memory_space<vmem>>[vector<16xi32>], vector<16xf32>,
      %parallel_loop3A_1412 = arith.index_cast %parallel_loop3A_1407 : i32 to index
      %parallel_loop3A_1413 = tpu.vector_load %arg8[%parallel_loop3A_1412] {strides = array<i32>} : memref<16160xf32, #tpu.memory_space<vmem>>, vector<16xf32>,
      tpu.vector_store %arg8[%parallel_loop3A_1412], %parallel_loop3A_1411 {strides = array<i32>} : memref<16160xf32, #tpu.memory_space<vmem>>, vector<16xf32>,
    } {sc.loop_unroll_factor = 5 : i64, sc.parallel_access}
    %add3A_228 = arith.constant 5184000 : i32
    %add3A_229 = arith.addi %add3A_228, %mul3A_2 : i32
    %add3A_230 = arith.constant 0 : i32
    %add3A_231 = arith.addi %add3A_229, %add3A_230 : i32
    %multiple_of3A_232 = tpu.assume_multiple %add3A_231, 8 : i32
    %dma_start3A_233 = tpu.memref_slice %arg4[%multiple_of3A_232] : memref<33177600xf32, #tpu.memory_space<hbm>> -> memref<16160xf32, #tpu.memory_space<hbm>>
    %dma_start3A_234 = tpu.memref_slice %arg4[%multiple_of3A_232] : memref<33177600xf32, #tpu.memory_space<hbm>> -> memref<16160xf32, #tpu.memory_space<hbm>>
    tpu.enqueue_dma source(%arg8 : memref<16160xf32, #tpu.memory_space<vmem>>) target(%dma_start3A_234 : memref<16160xf32, #tpu.memory_space<hbm>>) target_semaphore(%arg12 : memref<!tpu.dma_semaphore, #tpu.memory_space<semaphore_mem>>)
    %add3A_235 = arith.constant 4147200 : i32
    %add3A_236 = arith.addi %add3A_235, %mul3A_2 : i32
    %add3A_237 = arith.constant 16160 : i32
    %add3A_238 = arith.addi %add3A_236, %add3A_237 : i32
    %multiple_of3A_239 = tpu.assume_multiple %add3A_238, 8 : i32
    %dma_wait3A_240 = tpu.memref_slice %arg4[%multiple_of3A_239] : memref<33177600xf32, #tpu.memory_space<hbm>> -> memref<16240xf32, #tpu.memory_space<hbm>>
    %dma_wait3A_241 = tpu.memref_slice %arg4[%multiple_of3A_239] : memref<33177600xf32, #tpu.memory_space<hbm>> -> memref<16240xf32, #tpu.memory_space<hbm>>
    tpu.wait_dma2 semaphore(%arg13 : memref<!tpu.dma_semaphore, #tpu.memory_space<semaphore_mem>>) src(%arg9 : memref<16240xf32, #tpu.memory_space<vmem>>) dst(%dma_wait3A_241 : memref<16240xf32, #tpu.memory_space<hbm>>)
    %parallel_loop3A_242 = arith.constant 0 : i32
    %parallel_loop3A_243 = arith.constant 16240 : i32
    %parallel_loop3A_244 = arith.constant 16 : i32
    %parallel_loop3A_245 = arith.constant 16160 : i32
    scf.for %parallel_loop3A_1407 = %parallel_loop3A_242 to %parallel_loop3A_243 step %parallel_loop3A_244  : i32 {
      %parallel_loop3A_1408 = arith.addi %parallel_loop3A_245, %parallel_loop3A_1407 : i32
      %parallel_loop3A_1409 = arith.index_cast %parallel_loop3A_1408 : i32 to index
      %parallel_loop3A_1410 = tpu.vector_load %arg5[%parallel_loop3A_1409] {strides = array<i32>} : memref<32400xi32, #tpu.memory_space<vmem>>, vector<16xi32>,
      %parallel_loop3A_1411 = tpu.vector_load_idx %arg7[%parallel_loop3A_1410] : memref<19328xf32, #tpu.memory_space<vmem>>[vector<16xi32>], vector<16xf32>,
      %parallel_loop3A_1412 = arith.index_cast %parallel_loop3A_1407 : i32 to index
      %parallel_loop3A_1413 = tpu.vector_load %arg9[%parallel_loop3A_1412] {strides = array<i32>} : memref<16240xf32, #tpu.memory_space<vmem>>, vector<16xf32>,
      tpu.vector_store %arg9[%parallel_loop3A_1412], %parallel_loop3A_1411 {strides = array<i32>} : memref<16240xf32, #tpu.memory_space<vmem>>, vector<16xf32>,
    } {sc.loop_unroll_factor = 5 : i64, sc.parallel_access}
    %add3A_246 = arith.constant 5184000 : i32
    %add3A_247 = arith.addi %add3A_246, %mul3A_2 : i32
    %add3A_248 = arith.constant 16160 : i32
    %add3A_249 = arith.addi %add3A_247, %add3A_248 : i32
    %multiple_of3A_250 = tpu.assume_multiple %add3A_249, 8 : i32
    %dma_start3A_251 = tpu.memref_slice %arg4[%multiple_of3A_250] : memref<33177600xf32, #tpu.memory_space<hbm>> -> memref<16240xf32, #tpu.memory_space<hbm>>
    %dma_start3A_252 = tpu.memref_slice %arg4[%multiple_of3A_250] : memref<33177600xf32, #tpu.memory_space<hbm>> -> memref<16240xf32, #tpu.memory_space<hbm>>
    tpu.enqueue_dma source(%arg9 : memref<16240xf32, #tpu.memory_space<vmem>>) target(%dma_start3A_252 : memref<16240xf32, #tpu.memory_space<hbm>>) target_semaphore(%arg13 : memref<!tpu.dma_semaphore, #tpu.memory_space<semaphore_mem>>)
    %multiple_of3A_253 = arith.constant 115968 : i32
    %multiple_of3A_254 = tpu.assume_multiple %multiple_of3A_253, 8 : i32
    %dma_wait3A_255 = tpu.memref_slice %arg2[%multiple_of3A_254] : memref<618496xf32, #tpu.memory_space<hbm>> -> memref<19328xf32, #tpu.memory_space<hbm>>
    %dma_wait3A_256 = tpu.memref_slice %arg2[%multiple_of3A_254] : memref<618496xf32, #tpu.memory_space<hbm>> -> memref<19328xf32, #tpu.memory_space<hbm>>
    tpu.wait_dma2 semaphore(%arg10 : memref<!tpu.dma_semaphore, #tpu.memory_space<semaphore_mem>>) src(%dma_wait3A_256 : memref<19328xf32, #tpu.memory_space<hbm>>) dst(%arg6 : memref<19328xf32, #tpu.memory_space<vmem>>)
    %multiple_of3A_257 = arith.constant 135296 : i32
    %multiple_of3A_258 = tpu.assume_multiple %multiple_of3A_257, 8 : i32
    %dma_start3A_259 = tpu.memref_slice %arg2[%multiple_of3A_258] : memref<618496xf32, #tpu.memory_space<hbm>> -> memref<19328xf32, #tpu.memory_space<hbm>>
    %dma_start3A_260 = tpu.memref_slice %arg2[%multiple_of3A_258] : memref<618496xf32, #tpu.memory_space<hbm>> -> memref<19328xf32, #tpu.memory_space<hbm>>
    tpu.enqueue_dma source(%dma_start3A_260 : memref<19328xf32, #tpu.memory_space<hbm>>) target(%arg7 : memref<19328xf32, #tpu.memory_space<vmem>>) target_semaphore(%arg11 : memref<!tpu.dma_semaphore, #tpu.memory_space<semaphore_mem>>)
    %add3A_261 = arith.constant 5184000 : i32
    %add3A_262 = arith.addi %add3A_261, %mul3A_2 : i32
    %add3A_263 = arith.constant 0 : i32
    %add3A_264 = arith.addi %add3A_262, %add3A_263 : i32
    %multiple_of3A_265 = tpu.assume_multiple %add3A_264, 8 : i32
    %dma_wait3A_266 = tpu.memref_slice %arg4[%multiple_of3A_265] : memref<33177600xf32, #tpu.memory_space<hbm>> -> memref<16160xf32, #tpu.memory_space<hbm>>
    %dma_wait3A_267 = tpu.memref_slice %arg4[%multiple_of3A_265] : memref<33177600xf32, #tpu.memory_space<hbm>> -> memref<16160xf32, #tpu.memory_space<hbm>>
    tpu.wait_dma2 semaphore(%arg12 : memref<!tpu.dma_semaphore, #tpu.memory_space<semaphore_mem>>) src(%arg8 : memref<16160xf32, #tpu.memory_space<vmem>>) dst(%dma_wait3A_267 : memref<16160xf32, #tpu.memory_space<hbm>>)
    %parallel_loop3A_268 = arith.constant 0 : i32
    %parallel_loop3A_269 = arith.constant 16160 : i32
    %parallel_loop3A_270 = arith.constant 16 : i32
    %parallel_loop3A_271 = arith.constant 0 : i32
    scf.for %parallel_loop3A_1407 = %parallel_loop3A_268 to %parallel_loop3A_269 step %parallel_loop3A_270  : i32 {
      %parallel_loop3A_1408 = arith.addi %parallel_loop3A_271, %parallel_loop3A_1407 : i32
      %parallel_loop3A_1409 = arith.index_cast %parallel_loop3A_1408 : i32 to index
      %parallel_loop3A_1410 = tpu.vector_load %arg5[%parallel_loop3A_1409] {strides = array<i32>} : memref<32400xi32, #tpu.memory_space<vmem>>, vector<16xi32>,
      %parallel_loop3A_1411 = tpu.vector_load_idx %arg6[%parallel_loop3A_1410] : memref<19328xf32, #tpu.memory_space<vmem>>[vector<16xi32>], vector<16xf32>,
      %parallel_loop3A_1412 = arith.index_cast %parallel_loop3A_1407 : i32 to index
      %parallel_loop3A_1413 = tpu.vector_load %arg8[%parallel_loop3A_1412] {strides = array<i32>} : memref<16160xf32, #tpu.memory_space<vmem>>, vector<16xf32>,
      tpu.vector_store %arg8[%parallel_loop3A_1412], %parallel_loop3A_1411 {strides = array<i32>} : memref<16160xf32, #tpu.memory_space<vmem>>, vector<16xf32>,
    } {sc.loop_unroll_factor = 5 : i64, sc.parallel_access}
    %add3A_272 = arith.constant 6220800 : i32
    %add3A_273 = arith.addi %add3A_272, %mul3A_2 : i32
    %add3A_274 = arith.constant 0 : i32
    %add3A_275 = arith.addi %add3A_273, %add3A_274 : i32
    %multiple_of3A_276 = tpu.assume_multiple %add3A_275, 8 : i32
    %dma_start3A_277 = tpu.memref_slice %arg4[%multiple_of3A_276] : memref<33177600xf32, #tpu.memory_space<hbm>> -> memref<16160xf32, #tpu.memory_space<hbm>>
    %dma_start3A_278 = tpu.memref_slice %arg4[%multiple_of3A_276] : memref<33177600xf32, #tpu.memory_space<hbm>> -> memref<16160xf32, #tpu.memory_space<hbm>>
    tpu.enqueue_dma source(%arg8 : memref<16160xf32, #tpu.memory_space<vmem>>) target(%dma_start3A_278 : memref<16160xf32, #tpu.memory_space<hbm>>) target_semaphore(%arg12 : memref<!tpu.dma_semaphore, #tpu.memory_space<semaphore_mem>>)
    %add3A_279 = arith.constant 5184000 : i32
    %add3A_280 = arith.addi %add3A_279, %mul3A_2 : i32
    %add3A_281 = arith.constant 16160 : i32
    %add3A_282 = arith.addi %add3A_280, %add3A_281 : i32
    %multiple_of3A_283 = tpu.assume_multiple %add3A_282, 8 : i32
    %dma_wait3A_284 = tpu.memref_slice %arg4[%multiple_of3A_283] : memref<33177600xf32, #tpu.memory_space<hbm>> -> memref<16240xf32, #tpu.memory_space<hbm>>
    %dma_wait3A_285 = tpu.memref_slice %arg4[%multiple_of3A_283] : memref<33177600xf32, #tpu.memory_space<hbm>> -> memref<16240xf32, #tpu.memory_space<hbm>>
    tpu.wait_dma2 semaphore(%arg13 : memref<!tpu.dma_semaphore, #tpu.memory_space<semaphore_mem>>) src(%arg9 : memref<16240xf32, #tpu.memory_space<vmem>>) dst(%dma_wait3A_285 : memref<16240xf32, #tpu.memory_space<hbm>>)
    %parallel_loop3A_286 = arith.constant 0 : i32
    %parallel_loop3A_287 = arith.constant 16240 : i32
    %parallel_loop3A_288 = arith.constant 16 : i32
    %parallel_loop3A_289 = arith.constant 16160 : i32
    scf.for %parallel_loop3A_1407 = %parallel_loop3A_286 to %parallel_loop3A_287 step %parallel_loop3A_288  : i32 {
      %parallel_loop3A_1408 = arith.addi %parallel_loop3A_289, %parallel_loop3A_1407 : i32
      %parallel_loop3A_1409 = arith.index_cast %parallel_loop3A_1408 : i32 to index
      %parallel_loop3A_1410 = tpu.vector_load %arg5[%parallel_loop3A_1409] {strides = array<i32>} : memref<32400xi32, #tpu.memory_space<vmem>>, vector<16xi32>,
      %parallel_loop3A_1411 = tpu.vector_load_idx %arg6[%parallel_loop3A_1410] : memref<19328xf32, #tpu.memory_space<vmem>>[vector<16xi32>], vector<16xf32>,
      %parallel_loop3A_1412 = arith.index_cast %parallel_loop3A_1407 : i32 to index
      %parallel_loop3A_1413 = tpu.vector_load %arg9[%parallel_loop3A_1412] {strides = array<i32>} : memref<16240xf32, #tpu.memory_space<vmem>>, vector<16xf32>,
      tpu.vector_store %arg9[%parallel_loop3A_1412], %parallel_loop3A_1411 {strides = array<i32>} : memref<16240xf32, #tpu.memory_space<vmem>>, vector<16xf32>,
    } {sc.loop_unroll_factor = 5 : i64, sc.parallel_access}
    %add3A_290 = arith.constant 6220800 : i32
    %add3A_291 = arith.addi %add3A_290, %mul3A_2 : i32
    %add3A_292 = arith.constant 16160 : i32
    %add3A_293 = arith.addi %add3A_291, %add3A_292 : i32
    %multiple_of3A_294 = tpu.assume_multiple %add3A_293, 8 : i32
    %dma_start3A_295 = tpu.memref_slice %arg4[%multiple_of3A_294] : memref<33177600xf32, #tpu.memory_space<hbm>> -> memref<16240xf32, #tpu.memory_space<hbm>>
    %dma_start3A_296 = tpu.memref_slice %arg4[%multiple_of3A_294] : memref<33177600xf32, #tpu.memory_space<hbm>> -> memref<16240xf32, #tpu.memory_space<hbm>>
    tpu.enqueue_dma source(%arg9 : memref<16240xf32, #tpu.memory_space<vmem>>) target(%dma_start3A_296 : memref<16240xf32, #tpu.memory_space<hbm>>) target_semaphore(%arg13 : memref<!tpu.dma_semaphore, #tpu.memory_space<semaphore_mem>>)
    %multiple_of3A_297 = arith.constant 135296 : i32
    %multiple_of3A_298 = tpu.assume_multiple %multiple_of3A_297, 8 : i32
    %dma_wait3A_299 = tpu.memref_slice %arg2[%multiple_of3A_298] : memref<618496xf32, #tpu.memory_space<hbm>> -> memref<19328xf32, #tpu.memory_space<hbm>>
    %dma_wait3A_300 = tpu.memref_slice %arg2[%multiple_of3A_298] : memref<618496xf32, #tpu.memory_space<hbm>> -> memref<19328xf32, #tpu.memory_space<hbm>>
    tpu.wait_dma2 semaphore(%arg11 : memref<!tpu.dma_semaphore, #tpu.memory_space<semaphore_mem>>) src(%dma_wait3A_300 : memref<19328xf32, #tpu.memory_space<hbm>>) dst(%arg7 : memref<19328xf32, #tpu.memory_space<vmem>>)
    %multiple_of3A_301 = arith.constant 154624 : i32
    %multiple_of3A_302 = tpu.assume_multiple %multiple_of3A_301, 8 : i32
    %dma_start3A_303 = tpu.memref_slice %arg2[%multiple_of3A_302] : memref<618496xf32, #tpu.memory_space<hbm>> -> memref<19328xf32, #tpu.memory_space<hbm>>
    %dma_start3A_304 = tpu.memref_slice %arg2[%multiple_of3A_302] : memref<618496xf32, #tpu.memory_space<hbm>> -> memref<19328xf32, #tpu.memory_space<hbm>>
    tpu.enqueue_dma source(%dma_start3A_304 : memref<19328xf32, #tpu.memory_space<hbm>>) target(%arg6 : memref<19328xf32, #tpu.memory_space<vmem>>) target_semaphore(%arg10 : memref<!tpu.dma_semaphore, #tpu.memory_space<semaphore_mem>>)
    %add3A_305 = arith.constant 6220800 : i32
    %add3A_306 = arith.addi %add3A_305, %mul3A_2 : i32
    %add3A_307 = arith.constant 0 : i32
    %add3A_308 = arith.addi %add3A_306, %add3A_307 : i32
    %multiple_of3A_309 = tpu.assume_multiple %add3A_308, 8 : i32
    %dma_wait3A_310 = tpu.memref_slice %arg4[%multiple_of3A_309] : memref<33177600xf32, #tpu.memory_space<hbm>> -> memref<16160xf32, #tpu.memory_space<hbm>>
    %dma_wait3A_311 = tpu.memref_slice %arg4[%multiple_of3A_309] : memref<33177600xf32, #tpu.memory_space<hbm>> -> memref<16160xf32, #tpu.memory_space<hbm>>
    tpu.wait_dma2 semaphore(%arg12 : memref<!tpu.dma_semaphore, #tpu.memory_space<semaphore_mem>>) src(%arg8 : memref<16160xf32, #tpu.memory_space<vmem>>) dst(%dma_wait3A_311 : memref<16160xf32, #tpu.memory_space<hbm>>)
    %parallel_loop3A_312 = arith.constant 0 : i32
    %parallel_loop3A_313 = arith.constant 16160 : i32
    %parallel_loop3A_314 = arith.constant 16 : i32
    %parallel_loop3A_315 = arith.constant 0 : i32
    scf.for %parallel_loop3A_1407 = %parallel_loop3A_312 to %parallel_loop3A_313 step %parallel_loop3A_314  : i32 {
      %parallel_loop3A_1408 = arith.addi %parallel_loop3A_315, %parallel_loop3A_1407 : i32
      %parallel_loop3A_1409 = arith.index_cast %parallel_loop3A_1408 : i32 to index
      %parallel_loop3A_1410 = tpu.vector_load %arg5[%parallel_loop3A_1409] {strides = array<i32>} : memref<32400xi32, #tpu.memory_space<vmem>>, vector<16xi32>,
      %parallel_loop3A_1411 = tpu.vector_load_idx %arg7[%parallel_loop3A_1410] : memref<19328xf32, #tpu.memory_space<vmem>>[vector<16xi32>], vector<16xf32>,
      %parallel_loop3A_1412 = arith.index_cast %parallel_loop3A_1407 : i32 to index
      %parallel_loop3A_1413 = tpu.vector_load %arg8[%parallel_loop3A_1412] {strides = array<i32>} : memref<16160xf32, #tpu.memory_space<vmem>>, vector<16xf32>,
      tpu.vector_store %arg8[%parallel_loop3A_1412], %parallel_loop3A_1411 {strides = array<i32>} : memref<16160xf32, #tpu.memory_space<vmem>>, vector<16xf32>,
    } {sc.loop_unroll_factor = 5 : i64, sc.parallel_access}
    %add3A_316 = arith.constant 7257600 : i32
    %add3A_317 = arith.addi %add3A_316, %mul3A_2 : i32
    %add3A_318 = arith.constant 0 : i32
    %add3A_319 = arith.addi %add3A_317, %add3A_318 : i32
    %multiple_of3A_320 = tpu.assume_multiple %add3A_319, 8 : i32
    %dma_start3A_321 = tpu.memref_slice %arg4[%multiple_of3A_320] : memref<33177600xf32, #tpu.memory_space<hbm>> -> memref<16160xf32, #tpu.memory_space<hbm>>
    %dma_start3A_322 = tpu.memref_slice %arg4[%multiple_of3A_320] : memref<33177600xf32, #tpu.memory_space<hbm>> -> memref<16160xf32, #tpu.memory_space<hbm>>
    tpu.enqueue_dma source(%arg8 : memref<16160xf32, #tpu.memory_space<vmem>>) target(%dma_start3A_322 : memref<16160xf32, #tpu.memory_space<hbm>>) target_semaphore(%arg12 : memref<!tpu.dma_semaphore, #tpu.memory_space<semaphore_mem>>)
    %add3A_323 = arith.constant 6220800 : i32
    %add3A_324 = arith.addi %add3A_323, %mul3A_2 : i32
    %add3A_325 = arith.constant 16160 : i32
    %add3A_326 = arith.addi %add3A_324, %add3A_325 : i32
    %multiple_of3A_327 = tpu.assume_multiple %add3A_326, 8 : i32
    %dma_wait3A_328 = tpu.memref_slice %arg4[%multiple_of3A_327] : memref<33177600xf32, #tpu.memory_space<hbm>> -> memref<16240xf32, #tpu.memory_space<hbm>>
    %dma_wait3A_329 = tpu.memref_slice %arg4[%multiple_of3A_327] : memref<33177600xf32, #tpu.memory_space<hbm>> -> memref<16240xf32, #tpu.memory_space<hbm>>
    tpu.wait_dma2 semaphore(%arg13 : memref<!tpu.dma_semaphore, #tpu.memory_space<semaphore_mem>>) src(%arg9 : memref<16240xf32, #tpu.memory_space<vmem>>) dst(%dma_wait3A_329 : memref<16240xf32, #tpu.memory_space<hbm>>)
    %parallel_loop3A_330 = arith.constant 0 : i32
    %parallel_loop3A_331 = arith.constant 16240 : i32
    %parallel_loop3A_332 = arith.constant 16 : i32
    %parallel_loop3A_333 = arith.constant 16160 : i32
    scf.for %parallel_loop3A_1407 = %parallel_loop3A_330 to %parallel_loop3A_331 step %parallel_loop3A_332  : i32 {
      %parallel_loop3A_1408 = arith.addi %parallel_loop3A_333, %parallel_loop3A_1407 : i32
      %parallel_loop3A_1409 = arith.index_cast %parallel_loop3A_1408 : i32 to index
      %parallel_loop3A_1410 = tpu.vector_load %arg5[%parallel_loop3A_1409] {strides = array<i32>} : memref<32400xi32, #tpu.memory_space<vmem>>, vector<16xi32>,
      %parallel_loop3A_1411 = tpu.vector_load_idx %arg7[%parallel_loop3A_1410] : memref<19328xf32, #tpu.memory_space<vmem>>[vector<16xi32>], vector<16xf32>,
      %parallel_loop3A_1412 = arith.index_cast %parallel_loop3A_1407 : i32 to index
      %parallel_loop3A_1413 = tpu.vector_load %arg9[%parallel_loop3A_1412] {strides = array<i32>} : memref<16240xf32, #tpu.memory_space<vmem>>, vector<16xf32>,
      tpu.vector_store %arg9[%parallel_loop3A_1412], %parallel_loop3A_1411 {strides = array<i32>} : memref<16240xf32, #tpu.memory_space<vmem>>, vector<16xf32>,
    } {sc.loop_unroll_factor = 5 : i64, sc.parallel_access}
    %add3A_334 = arith.constant 7257600 : i32
    %add3A_335 = arith.addi %add3A_334, %mul3A_2 : i32
    %add3A_336 = arith.constant 16160 : i32
    %add3A_337 = arith.addi %add3A_335, %add3A_336 : i32
    %multiple_of3A_338 = tpu.assume_multiple %add3A_337, 8 : i32
    %dma_start3A_339 = tpu.memref_slice %arg4[%multiple_of3A_338] : memref<33177600xf32, #tpu.memory_space<hbm>> -> memref<16240xf32, #tpu.memory_space<hbm>>
    %dma_start3A_340 = tpu.memref_slice %arg4[%multiple_of3A_338] : memref<33177600xf32, #tpu.memory_space<hbm>> -> memref<16240xf32, #tpu.memory_space<hbm>>
    tpu.enqueue_dma source(%arg9 : memref<16240xf32, #tpu.memory_space<vmem>>) target(%dma_start3A_340 : memref<16240xf32, #tpu.memory_space<hbm>>) target_semaphore(%arg13 : memref<!tpu.dma_semaphore, #tpu.memory_space<semaphore_mem>>)
    %multiple_of3A_341 = arith.constant 154624 : i32
    %multiple_of3A_342 = tpu.assume_multiple %multiple_of3A_341, 8 : i32
    %dma_wait3A_343 = tpu.memref_slice %arg2[%multiple_of3A_342] : memref<618496xf32, #tpu.memory_space<hbm>> -> memref<19328xf32, #tpu.memory_space<hbm>>
    %dma_wait3A_344 = tpu.memref_slice %arg2[%multiple_of3A_342] : memref<618496xf32, #tpu.memory_space<hbm>> -> memref<19328xf32, #tpu.memory_space<hbm>>
    tpu.wait_dma2 semaphore(%arg10 : memref<!tpu.dma_semaphore, #tpu.memory_space<semaphore_mem>>) src(%dma_wait3A_344 : memref<19328xf32, #tpu.memory_space<hbm>>) dst(%arg6 : memref<19328xf32, #tpu.memory_space<vmem>>)
    %multiple_of3A_345 = arith.constant 173952 : i32
    %multiple_of3A_346 = tpu.assume_multiple %multiple_of3A_345, 8 : i32
    %dma_start3A_347 = tpu.memref_slice %arg2[%multiple_of3A_346] : memref<618496xf32, #tpu.memory_space<hbm>> -> memref<19328xf32, #tpu.memory_space<hbm>>
    %dma_start3A_348 = tpu.memref_slice %arg2[%multiple_of3A_346] : memref<618496xf32, #tpu.memory_space<hbm>> -> memref<19328xf32, #tpu.memory_space<hbm>>
    tpu.enqueue_dma source(%dma_start3A_348 : memref<19328xf32, #tpu.memory_space<hbm>>) target(%arg7 : memref<19328xf32, #tpu.memory_space<vmem>>) target_semaphore(%arg11 : memref<!tpu.dma_semaphore, #tpu.memory_space<semaphore_mem>>)
    %add3A_349 = arith.constant 7257600 : i32
    %add3A_350 = arith.addi %add3A_349, %mul3A_2 : i32
    %add3A_351 = arith.constant 0 : i32
    %add3A_352 = arith.addi %add3A_350, %add3A_351 : i32
    %multiple_of3A_353 = tpu.assume_multiple %add3A_352, 8 : i32
    %dma_wait3A_354 = tpu.memref_slice %arg4[%multiple_of3A_353] : memref<33177600xf32, #tpu.memory_space<hbm>> -> memref<16160xf32, #tpu.memory_space<hbm>>
    %dma_wait3A_355 = tpu.memref_slice %arg4[%multiple_of3A_353] : memref<33177600xf32, #tpu.memory_space<hbm>> -> memref<16160xf32, #tpu.memory_space<hbm>>
    tpu.wait_dma2 semaphore(%arg12 : memref<!tpu.dma_semaphore, #tpu.memory_space<semaphore_mem>>) src(%arg8 : memref<16160xf32, #tpu.memory_space<vmem>>) dst(%dma_wait3A_355 : memref<16160xf32, #tpu.memory_space<hbm>>)
    %parallel_loop3A_356 = arith.constant 0 : i32
    %parallel_loop3A_357 = arith.constant 16160 : i32
    %parallel_loop3A_358 = arith.constant 16 : i32
    %parallel_loop3A_359 = arith.constant 0 : i32
    scf.for %parallel_loop3A_1407 = %parallel_loop3A_356 to %parallel_loop3A_357 step %parallel_loop3A_358  : i32 {
      %parallel_loop3A_1408 = arith.addi %parallel_loop3A_359, %parallel_loop3A_1407 : i32
      %parallel_loop3A_1409 = arith.index_cast %parallel_loop3A_1408 : i32 to index
      %parallel_loop3A_1410 = tpu.vector_load %arg5[%parallel_loop3A_1409] {strides = array<i32>} : memref<32400xi32, #tpu.memory_space<vmem>>, vector<16xi32>,
      %parallel_loop3A_1411 = tpu.vector_load_idx %arg6[%parallel_loop3A_1410] : memref<19328xf32, #tpu.memory_space<vmem>>[vector<16xi32>], vector<16xf32>,
      %parallel_loop3A_1412 = arith.index_cast %parallel_loop3A_1407 : i32 to index
      %parallel_loop3A_1413 = tpu.vector_load %arg8[%parallel_loop3A_1412] {strides = array<i32>} : memref<16160xf32, #tpu.memory_space<vmem>>, vector<16xf32>,
      tpu.vector_store %arg8[%parallel_loop3A_1412], %parallel_loop3A_1411 {strides = array<i32>} : memref<16160xf32, #tpu.memory_space<vmem>>, vector<16xf32>,
    } {sc.loop_unroll_factor = 5 : i64, sc.parallel_access}
    %add3A_360 = arith.constant 8294400 : i32
    %add3A_361 = arith.addi %add3A_360, %mul3A_2 : i32
    %add3A_362 = arith.constant 0 : i32
    %add3A_363 = arith.addi %add3A_361, %add3A_362 : i32
    %multiple_of3A_364 = tpu.assume_multiple %add3A_363, 8 : i32
    %dma_start3A_365 = tpu.memref_slice %arg4[%multiple_of3A_364] : memref<33177600xf32, #tpu.memory_space<hbm>> -> memref<16160xf32, #tpu.memory_space<hbm>>
    %dma_start3A_366 = tpu.memref_slice %arg4[%multiple_of3A_364] : memref<33177600xf32, #tpu.memory_space<hbm>> -> memref<16160xf32, #tpu.memory_space<hbm>>
    tpu.enqueue_dma source(%arg8 : memref<16160xf32, #tpu.memory_space<vmem>>) target(%dma_start3A_366 : memref<16160xf32, #tpu.memory_space<hbm>>) target_semaphore(%arg12 : memref<!tpu.dma_semaphore, #tpu.memory_space<semaphore_mem>>)
    %add3A_367 = arith.constant 7257600 : i32
    %add3A_368 = arith.addi %add3A_367, %mul3A_2 : i32
    %add3A_369 = arith.constant 16160 : i32
    %add3A_370 = arith.addi %add3A_368, %add3A_369 : i32
    %multiple_of3A_371 = tpu.assume_multiple %add3A_370, 8 : i32
    %dma_wait3A_372 = tpu.memref_slice %arg4[%multiple_of3A_371] : memref<33177600xf32, #tpu.memory_space<hbm>> -> memref<16240xf32, #tpu.memory_space<hbm>>
    %dma_wait3A_373 = tpu.memref_slice %arg4[%multiple_of3A_371] : memref<33177600xf32, #tpu.memory_space<hbm>> -> memref<16240xf32, #tpu.memory_space<hbm>>
    tpu.wait_dma2 semaphore(%arg13 : memref<!tpu.dma_semaphore, #tpu.memory_space<semaphore_mem>>) src(%arg9 : memref<16240xf32, #tpu.memory_space<vmem>>) dst(%dma_wait3A_373 : memref<16240xf32, #tpu.memory_space<hbm>>)
    %parallel_loop3A_374 = arith.constant 0 : i32
    %parallel_loop3A_375 = arith.constant 16240 : i32
    %parallel_loop3A_376 = arith.constant 16 : i32
    %parallel_loop3A_377 = arith.constant 16160 : i32
    scf.for %parallel_loop3A_1407 = %parallel_loop3A_374 to %parallel_loop3A_375 step %parallel_loop3A_376  : i32 {
      %parallel_loop3A_1408 = arith.addi %parallel_loop3A_377, %parallel_loop3A_1407 : i32
      %parallel_loop3A_1409 = arith.index_cast %parallel_loop3A_1408 : i32 to index
      %parallel_loop3A_1410 = tpu.vector_load %arg5[%parallel_loop3A_1409] {strides = array<i32>} : memref<32400xi32, #tpu.memory_space<vmem>>, vector<16xi32>,
      %parallel_loop3A_1411 = tpu.vector_load_idx %arg6[%parallel_loop3A_1410] : memref<19328xf32, #tpu.memory_space<vmem>>[vector<16xi32>], vector<16xf32>,
      %parallel_loop3A_1412 = arith.index_cast %parallel_loop3A_1407 : i32 to index
      %parallel_loop3A_1413 = tpu.vector_load %arg9[%parallel_loop3A_1412] {strides = array<i32>} : memref<16240xf32, #tpu.memory_space<vmem>>, vector<16xf32>,
      tpu.vector_store %arg9[%parallel_loop3A_1412], %parallel_loop3A_1411 {strides = array<i32>} : memref<16240xf32, #tpu.memory_space<vmem>>, vector<16xf32>,
    } {sc.loop_unroll_factor = 5 : i64, sc.parallel_access}
    %add3A_378 = arith.constant 8294400 : i32
    %add3A_379 = arith.addi %add3A_378, %mul3A_2 : i32
    %add3A_380 = arith.constant 16160 : i32
    %add3A_381 = arith.addi %add3A_379, %add3A_380 : i32
    %multiple_of3A_382 = tpu.assume_multiple %add3A_381, 8 : i32
    %dma_start3A_383 = tpu.memref_slice %arg4[%multiple_of3A_382] : memref<33177600xf32, #tpu.memory_space<hbm>> -> memref<16240xf32, #tpu.memory_space<hbm>>
    %dma_start3A_384 = tpu.memref_slice %arg4[%multiple_of3A_382] : memref<33177600xf32, #tpu.memory_space<hbm>> -> memref<16240xf32, #tpu.memory_space<hbm>>
    tpu.enqueue_dma source(%arg9 : memref<16240xf32, #tpu.memory_space<vmem>>) target(%dma_start3A_384 : memref<16240xf32, #tpu.memory_space<hbm>>) target_semaphore(%arg13 : memref<!tpu.dma_semaphore, #tpu.memory_space<semaphore_mem>>)
    %multiple_of3A_385 = arith.constant 173952 : i32
    %multiple_of3A_386 = tpu.assume_multiple %multiple_of3A_385, 8 : i32
    %dma_wait3A_387 = tpu.memref_slice %arg2[%multiple_of3A_386] : memref<618496xf32, #tpu.memory_space<hbm>> -> memref<19328xf32, #tpu.memory_space<hbm>>
    %dma_wait3A_388 = tpu.memref_slice %arg2[%multiple_of3A_386] : memref<618496xf32, #tpu.memory_space<hbm>> -> memref<19328xf32, #tpu.memory_space<hbm>>
    tpu.wait_dma2 semaphore(%arg11 : memref<!tpu.dma_semaphore, #tpu.memory_space<semaphore_mem>>) src(%dma_wait3A_388 : memref<19328xf32, #tpu.memory_space<hbm>>) dst(%arg7 : memref<19328xf32, #tpu.memory_space<vmem>>)
    %multiple_of3A_389 = arith.constant 193280 : i32
    %multiple_of3A_390 = tpu.assume_multiple %multiple_of3A_389, 8 : i32
    %dma_start3A_391 = tpu.memref_slice %arg2[%multiple_of3A_390] : memref<618496xf32, #tpu.memory_space<hbm>> -> memref<19328xf32, #tpu.memory_space<hbm>>
    %dma_start3A_392 = tpu.memref_slice %arg2[%multiple_of3A_390] : memref<618496xf32, #tpu.memory_space<hbm>> -> memref<19328xf32, #tpu.memory_space<hbm>>
    tpu.enqueue_dma source(%dma_start3A_392 : memref<19328xf32, #tpu.memory_space<hbm>>) target(%arg6 : memref<19328xf32, #tpu.memory_space<vmem>>) target_semaphore(%arg10 : memref<!tpu.dma_semaphore, #tpu.memory_space<semaphore_mem>>)
    %add3A_393 = arith.constant 8294400 : i32
    %add3A_394 = arith.addi %add3A_393, %mul3A_2 : i32
    %add3A_395 = arith.constant 0 : i32
    %add3A_396 = arith.addi %add3A_394, %add3A_395 : i32
    %multiple_of3A_397 = tpu.assume_multiple %add3A_396, 8 : i32
    %dma_wait3A_398 = tpu.memref_slice %arg4[%multiple_of3A_397] : memref<33177600xf32, #tpu.memory_space<hbm>> -> memref<16160xf32, #tpu.memory_space<hbm>>
    %dma_wait3A_399 = tpu.memref_slice %arg4[%multiple_of3A_397] : memref<33177600xf32, #tpu.memory_space<hbm>> -> memref<16160xf32, #tpu.memory_space<hbm>>
    tpu.wait_dma2 semaphore(%arg12 : memref<!tpu.dma_semaphore, #tpu.memory_space<semaphore_mem>>) src(%arg8 : memref<16160xf32, #tpu.memory_space<vmem>>) dst(%dma_wait3A_399 : memref<16160xf32, #tpu.memory_space<hbm>>)
    %parallel_loop3A_400 = arith.constant 0 : i32
    %parallel_loop3A_401 = arith.constant 16160 : i32
    %parallel_loop3A_402 = arith.constant 16 : i32
    %parallel_loop3A_403 = arith.constant 0 : i32
    scf.for %parallel_loop3A_1407 = %parallel_loop3A_400 to %parallel_loop3A_401 step %parallel_loop3A_402  : i32 {
      %parallel_loop3A_1408 = arith.addi %parallel_loop3A_403, %parallel_loop3A_1407 : i32
      %parallel_loop3A_1409 = arith.index_cast %parallel_loop3A_1408 : i32 to index
      %parallel_loop3A_1410 = tpu.vector_load %arg5[%parallel_loop3A_1409] {strides = array<i32>} : memref<32400xi32, #tpu.memory_space<vmem>>, vector<16xi32>,
      %parallel_loop3A_1411 = tpu.vector_load_idx %arg7[%parallel_loop3A_1410] : memref<19328xf32, #tpu.memory_space<vmem>>[vector<16xi32>], vector<16xf32>,
      %parallel_loop3A_1412 = arith.index_cast %parallel_loop3A_1407 : i32 to index
      %parallel_loop3A_1413 = tpu.vector_load %arg8[%parallel_loop3A_1412] {strides = array<i32>} : memref<16160xf32, #tpu.memory_space<vmem>>, vector<16xf32>,
      tpu.vector_store %arg8[%parallel_loop3A_1412], %parallel_loop3A_1411 {strides = array<i32>} : memref<16160xf32, #tpu.memory_space<vmem>>, vector<16xf32>,
    } {sc.loop_unroll_factor = 5 : i64, sc.parallel_access}
    %add3A_404 = arith.constant 9331200 : i32
    %add3A_405 = arith.addi %add3A_404, %mul3A_2 : i32
    %add3A_406 = arith.constant 0 : i32
    %add3A_407 = arith.addi %add3A_405, %add3A_406 : i32
    %multiple_of3A_408 = tpu.assume_multiple %add3A_407, 8 : i32
    %dma_start3A_409 = tpu.memref_slice %arg4[%multiple_of3A_408] : memref<33177600xf32, #tpu.memory_space<hbm>> -> memref<16160xf32, #tpu.memory_space<hbm>>
    %dma_start3A_410 = tpu.memref_slice %arg4[%multiple_of3A_408] : memref<33177600xf32, #tpu.memory_space<hbm>> -> memref<16160xf32, #tpu.memory_space<hbm>>
    tpu.enqueue_dma source(%arg8 : memref<16160xf32, #tpu.memory_space<vmem>>) target(%dma_start3A_410 : memref<16160xf32, #tpu.memory_space<hbm>>) target_semaphore(%arg12 : memref<!tpu.dma_semaphore, #tpu.memory_space<semaphore_mem>>)
    %add3A_411 = arith.constant 8294400 : i32
    %add3A_412 = arith.addi %add3A_411, %mul3A_2 : i32
    %add3A_413 = arith.constant 16160 : i32
    %add3A_414 = arith.addi %add3A_412, %add3A_413 : i32
    %multiple_of3A_415 = tpu.assume_multiple %add3A_414, 8 : i32
    %dma_wait3A_416 = tpu.memref_slice %arg4[%multiple_of3A_415] : memref<33177600xf32, #tpu.memory_space<hbm>> -> memref<16240xf32, #tpu.memory_space<hbm>>
    %dma_wait3A_417 = tpu.memref_slice %arg4[%multiple_of3A_415] : memref<33177600xf32, #tpu.memory_space<hbm>> -> memref<16240xf32, #tpu.memory_space<hbm>>
    tpu.wait_dma2 semaphore(%arg13 : memref<!tpu.dma_semaphore, #tpu.memory_space<semaphore_mem>>) src(%arg9 : memref<16240xf32, #tpu.memory_space<vmem>>) dst(%dma_wait3A_417 : memref<16240xf32, #tpu.memory_space<hbm>>)
    %parallel_loop3A_418 = arith.constant 0 : i32
    %parallel_loop3A_419 = arith.constant 16240 : i32
    %parallel_loop3A_420 = arith.constant 16 : i32
    %parallel_loop3A_421 = arith.constant 16160 : i32
    scf.for %parallel_loop3A_1407 = %parallel_loop3A_418 to %parallel_loop3A_419 step %parallel_loop3A_420  : i32 {
      %parallel_loop3A_1408 = arith.addi %parallel_loop3A_421, %parallel_loop3A_1407 : i32
      %parallel_loop3A_1409 = arith.index_cast %parallel_loop3A_1408 : i32 to index
      %parallel_loop3A_1410 = tpu.vector_load %arg5[%parallel_loop3A_1409] {strides = array<i32>} : memref<32400xi32, #tpu.memory_space<vmem>>, vector<16xi32>,
      %parallel_loop3A_1411 = tpu.vector_load_idx %arg7[%parallel_loop3A_1410] : memref<19328xf32, #tpu.memory_space<vmem>>[vector<16xi32>], vector<16xf32>,
      %parallel_loop3A_1412 = arith.index_cast %parallel_loop3A_1407 : i32 to index
      %parallel_loop3A_1413 = tpu.vector_load %arg9[%parallel_loop3A_1412] {strides = array<i32>} : memref<16240xf32, #tpu.memory_space<vmem>>, vector<16xf32>,
      tpu.vector_store %arg9[%parallel_loop3A_1412], %parallel_loop3A_1411 {strides = array<i32>} : memref<16240xf32, #tpu.memory_space<vmem>>, vector<16xf32>,
    } {sc.loop_unroll_factor = 5 : i64, sc.parallel_access}
    %add3A_422 = arith.constant 9331200 : i32
    %add3A_423 = arith.addi %add3A_422, %mul3A_2 : i32
    %add3A_424 = arith.constant 16160 : i32
    %add3A_425 = arith.addi %add3A_423, %add3A_424 : i32
    %multiple_of3A_426 = tpu.assume_multiple %add3A_425, 8 : i32
    %dma_start3A_427 = tpu.memref_slice %arg4[%multiple_of3A_426] : memref<33177600xf32, #tpu.memory_space<hbm>> -> memref<16240xf32, #tpu.memory_space<hbm>>
    %dma_start3A_428 = tpu.memref_slice %arg4[%multiple_of3A_426] : memref<33177600xf32, #tpu.memory_space<hbm>> -> memref<16240xf32, #tpu.memory_space<hbm>>
    tpu.enqueue_dma source(%arg9 : memref<16240xf32, #tpu.memory_space<vmem>>) target(%dma_start3A_428 : memref<16240xf32, #tpu.memory_space<hbm>>) target_semaphore(%arg13 : memref<!tpu.dma_semaphore, #tpu.memory_space<semaphore_mem>>)
    %multiple_of3A_429 = arith.constant 193280 : i32
    %multiple_of3A_430 = tpu.assume_multiple %multiple_of3A_429, 8 : i32
    %dma_wait3A_431 = tpu.memref_slice %arg2[%multiple_of3A_430] : memref<618496xf32, #tpu.memory_space<hbm>> -> memref<19328xf32, #tpu.memory_space<hbm>>
    %dma_wait3A_432 = tpu.memref_slice %arg2[%multiple_of3A_430] : memref<618496xf32, #tpu.memory_space<hbm>> -> memref<19328xf32, #tpu.memory_space<hbm>>
    tpu.wait_dma2 semaphore(%arg10 : memref<!tpu.dma_semaphore, #tpu.memory_space<semaphore_mem>>) src(%dma_wait3A_432 : memref<19328xf32, #tpu.memory_space<hbm>>) dst(%arg6 : memref<19328xf32, #tpu.memory_space<vmem>>)
    %multiple_of3A_433 = arith.constant 212608 : i32
    %multiple_of3A_434 = tpu.assume_multiple %multiple_of3A_433, 8 : i32
    %dma_start3A_435 = tpu.memref_slice %arg2[%multiple_of3A_434] : memref<618496xf32, #tpu.memory_space<hbm>> -> memref<19328xf32, #tpu.memory_space<hbm>>
    %dma_start3A_436 = tpu.memref_slice %arg2[%multiple_of3A_434] : memref<618496xf32, #tpu.memory_space<hbm>> -> memref<19328xf32, #tpu.memory_space<hbm>>
    tpu.enqueue_dma source(%dma_start3A_436 : memref<19328xf32, #tpu.memory_space<hbm>>) target(%arg7 : memref<19328xf32, #tpu.memory_space<vmem>>) target_semaphore(%arg11 : memref<!tpu.dma_semaphore, #tpu.memory_space<semaphore_mem>>)
    %add3A_437 = arith.constant 9331200 : i32
    %add3A_438 = arith.addi %add3A_437, %mul3A_2 : i32
    %add3A_439 = arith.constant 0 : i32
    %add3A_440 = arith.addi %add3A_438, %add3A_439 : i32
    %multiple_of3A_441 = tpu.assume_multiple %add3A_440, 8 : i32
    %dma_wait3A_442 = tpu.memref_slice %arg4[%multiple_of3A_441] : memref<33177600xf32, #tpu.memory_space<hbm>> -> memref<16160xf32, #tpu.memory_space<hbm>>
    %dma_wait3A_443 = tpu.memref_slice %arg4[%multiple_of3A_441] : memref<33177600xf32, #tpu.memory_space<hbm>> -> memref<16160xf32, #tpu.memory_space<hbm>>
    tpu.wait_dma2 semaphore(%arg12 : memref<!tpu.dma_semaphore, #tpu.memory_space<semaphore_mem>>) src(%arg8 : memref<16160xf32, #tpu.memory_space<vmem>>) dst(%dma_wait3A_443 : memref<16160xf32, #tpu.memory_space<hbm>>)
    %parallel_loop3A_444 = arith.constant 0 : i32
    %parallel_loop3A_445 = arith.constant 16160 : i32
    %parallel_loop3A_446 = arith.constant 16 : i32
    %parallel_loop3A_447 = arith.constant 0 : i32
    scf.for %parallel_loop3A_1407 = %parallel_loop3A_444 to %parallel_loop3A_445 step %parallel_loop3A_446  : i32 {
      %parallel_loop3A_1408 = arith.addi %parallel_loop3A_447, %parallel_loop3A_1407 : i32
      %parallel_loop3A_1409 = arith.index_cast %parallel_loop3A_1408 : i32 to index
      %parallel_loop3A_1410 = tpu.vector_load %arg5[%parallel_loop3A_1409] {strides = array<i32>} : memref<32400xi32, #tpu.memory_space<vmem>>, vector<16xi32>,
      %parallel_loop3A_1411 = tpu.vector_load_idx %arg6[%parallel_loop3A_1410] : memref<19328xf32, #tpu.memory_space<vmem>>[vector<16xi32>], vector<16xf32>,
      %parallel_loop3A_1412 = arith.index_cast %parallel_loop3A_1407 : i32 to index
      %parallel_loop3A_1413 = tpu.vector_load %arg8[%parallel_loop3A_1412] {strides = array<i32>} : memref<16160xf32, #tpu.memory_space<vmem>>, vector<16xf32>,
      tpu.vector_store %arg8[%parallel_loop3A_1412], %parallel_loop3A_1411 {strides = array<i32>} : memref<16160xf32, #tpu.memory_space<vmem>>, vector<16xf32>,
    } {sc.loop_unroll_factor = 5 : i64, sc.parallel_access}
    %add3A_448 = arith.constant 10368000 : i32
    %add3A_449 = arith.addi %add3A_448, %mul3A_2 : i32
    %add3A_450 = arith.constant 0 : i32
    %add3A_451 = arith.addi %add3A_449, %add3A_450 : i32
    %multiple_of3A_452 = tpu.assume_multiple %add3A_451, 8 : i32
    %dma_start3A_453 = tpu.memref_slice %arg4[%multiple_of3A_452] : memref<33177600xf32, #tpu.memory_space<hbm>> -> memref<16160xf32, #tpu.memory_space<hbm>>
    %dma_start3A_454 = tpu.memref_slice %arg4[%multiple_of3A_452] : memref<33177600xf32, #tpu.memory_space<hbm>> -> memref<16160xf32, #tpu.memory_space<hbm>>
    tpu.enqueue_dma source(%arg8 : memref<16160xf32, #tpu.memory_space<vmem>>) target(%dma_start3A_454 : memref<16160xf32, #tpu.memory_space<hbm>>) target_semaphore(%arg12 : memref<!tpu.dma_semaphore, #tpu.memory_space<semaphore_mem>>)
    %add3A_455 = arith.constant 9331200 : i32
    %add3A_456 = arith.addi %add3A_455, %mul3A_2 : i32
    %add3A_457 = arith.constant 16160 : i32
    %add3A_458 = arith.addi %add3A_456, %add3A_457 : i32
    %multiple_of3A_459 = tpu.assume_multiple %add3A_458, 8 : i32
    %dma_wait3A_460 = tpu.memref_slice %arg4[%multiple_of3A_459] : memref<33177600xf32, #tpu.memory_space<hbm>> -> memref<16240xf32, #tpu.memory_space<hbm>>
    %dma_wait3A_461 = tpu.memref_slice %arg4[%multiple_of3A_459] : memref<33177600xf32, #tpu.memory_space<hbm>> -> memref<16240xf32, #tpu.memory_space<hbm>>
    tpu.wait_dma2 semaphore(%arg13 : memref<!tpu.dma_semaphore, #tpu.memory_space<semaphore_mem>>) src(%arg9 : memref<16240xf32, #tpu.memory_space<vmem>>) dst(%dma_wait3A_461 : memref<16240xf32, #tpu.memory_space<hbm>>)
    %parallel_loop3A_462 = arith.constant 0 : i32
    %parallel_loop3A_463 = arith.constant 16240 : i32
    %parallel_loop3A_464 = arith.constant 16 : i32
    %parallel_loop3A_465 = arith.constant 16160 : i32
    scf.for %parallel_loop3A_1407 = %parallel_loop3A_462 to %parallel_loop3A_463 step %parallel_loop3A_464  : i32 {
      %parallel_loop3A_1408 = arith.addi %parallel_loop3A_465, %parallel_loop3A_1407 : i32
      %parallel_loop3A_1409 = arith.index_cast %parallel_loop3A_1408 : i32 to index
      %parallel_loop3A_1410 = tpu.vector_load %arg5[%parallel_loop3A_1409] {strides = array<i32>} : memref<32400xi32, #tpu.memory_space<vmem>>, vector<16xi32>,
      %parallel_loop3A_1411 = tpu.vector_load_idx %arg6[%parallel_loop3A_1410] : memref<19328xf32, #tpu.memory_space<vmem>>[vector<16xi32>], vector<16xf32>,
      %parallel_loop3A_1412 = arith.index_cast %parallel_loop3A_1407 : i32 to index
      %parallel_loop3A_1413 = tpu.vector_load %arg9[%parallel_loop3A_1412] {strides = array<i32>} : memref<16240xf32, #tpu.memory_space<vmem>>, vector<16xf32>,
      tpu.vector_store %arg9[%parallel_loop3A_1412], %parallel_loop3A_1411 {strides = array<i32>} : memref<16240xf32, #tpu.memory_space<vmem>>, vector<16xf32>,
    } {sc.loop_unroll_factor = 5 : i64, sc.parallel_access}
    %add3A_466 = arith.constant 10368000 : i32
    %add3A_467 = arith.addi %add3A_466, %mul3A_2 : i32
    %add3A_468 = arith.constant 16160 : i32
    %add3A_469 = arith.addi %add3A_467, %add3A_468 : i32
    %multiple_of3A_470 = tpu.assume_multiple %add3A_469, 8 : i32
    %dma_start3A_471 = tpu.memref_slice %arg4[%multiple_of3A_470] : memref<33177600xf32, #tpu.memory_space<hbm>> -> memref<16240xf32, #tpu.memory_space<hbm>>
    %dma_start3A_472 = tpu.memref_slice %arg4[%multiple_of3A_470] : memref<33177600xf32, #tpu.memory_space<hbm>> -> memref<16240xf32, #tpu.memory_space<hbm>>
    tpu.enqueue_dma source(%arg9 : memref<16240xf32, #tpu.memory_space<vmem>>) target(%dma_start3A_472 : memref<16240xf32, #tpu.memory_space<hbm>>) target_semaphore(%arg13 : memref<!tpu.dma_semaphore, #tpu.memory_space<semaphore_mem>>)
    %multiple_of3A_473 = arith.constant 212608 : i32
    %multiple_of3A_474 = tpu.assume_multiple %multiple_of3A_473, 8 : i32
    %dma_wait3A_475 = tpu.memref_slice %arg2[%multiple_of3A_474] : memref<618496xf32, #tpu.memory_space<hbm>> -> memref<19328xf32, #tpu.memory_space<hbm>>
    %dma_wait3A_476 = tpu.memref_slice %arg2[%multiple_of3A_474] : memref<618496xf32, #tpu.memory_space<hbm>> -> memref<19328xf32, #tpu.memory_space<hbm>>
    tpu.wait_dma2 semaphore(%arg11 : memref<!tpu.dma_semaphore, #tpu.memory_space<semaphore_mem>>) src(%dma_wait3A_476 : memref<19328xf32, #tpu.memory_space<hbm>>) dst(%arg7 : memref<19328xf32, #tpu.memory_space<vmem>>)
    %multiple_of3A_477 = arith.constant 231936 : i32
    %multiple_of3A_478 = tpu.assume_multiple %multiple_of3A_477, 8 : i32
    %dma_start3A_479 = tpu.memref_slice %arg2[%multiple_of3A_478] : memref<618496xf32, #tpu.memory_space<hbm>> -> memref<19328xf32, #tpu.memory_space<hbm>>
    %dma_start3A_480 = tpu.memref_slice %arg2[%multiple_of3A_478] : memref<618496xf32, #tpu.memory_space<hbm>> -> memref<19328xf32, #tpu.memory_space<hbm>>
    tpu.enqueue_dma source(%dma_start3A_480 : memref<19328xf32, #tpu.memory_space<hbm>>) target(%arg6 : memref<19328xf32, #tpu.memory_space<vmem>>) target_semaphore(%arg10 : memref<!tpu.dma_semaphore, #tpu.memory_space<semaphore_mem>>)
    %add3A_481 = arith.constant 10368000 : i32
    %add3A_482 = arith.addi %add3A_481, %mul3A_2 : i32
    %add3A_483 = arith.constant 0 : i32
    %add3A_484 = arith.addi %add3A_482, %add3A_483 : i32
    %multiple_of3A_485 = tpu.assume_multiple %add3A_484, 8 : i32
    %dma_wait3A_486 = tpu.memref_slice %arg4[%multiple_of3A_485] : memref<33177600xf32, #tpu.memory_space<hbm>> -> memref<16160xf32, #tpu.memory_space<hbm>>
    %dma_wait3A_487 = tpu.memref_slice %arg4[%multiple_of3A_485] : memref<33177600xf32, #tpu.memory_space<hbm>> -> memref<16160xf32, #tpu.memory_space<hbm>>
    tpu.wait_dma2 semaphore(%arg12 : memref<!tpu.dma_semaphore, #tpu.memory_space<semaphore_mem>>) src(%arg8 : memref<16160xf32, #tpu.memory_space<vmem>>) dst(%dma_wait3A_487 : memref<16160xf32, #tpu.memory_space<hbm>>)
    %parallel_loop3A_488 = arith.constant 0 : i32
    %parallel_loop3A_489 = arith.constant 16160 : i32
    %parallel_loop3A_490 = arith.constant 16 : i32
    %parallel_loop3A_491 = arith.constant 0 : i32
    scf.for %parallel_loop3A_1407 = %parallel_loop3A_488 to %parallel_loop3A_489 step %parallel_loop3A_490  : i32 {
      %parallel_loop3A_1408 = arith.addi %parallel_loop3A_491, %parallel_loop3A_1407 : i32
      %parallel_loop3A_1409 = arith.index_cast %parallel_loop3A_1408 : i32 to index
      %parallel_loop3A_1410 = tpu.vector_load %arg5[%parallel_loop3A_1409] {strides = array<i32>} : memref<32400xi32, #tpu.memory_space<vmem>>, vector<16xi32>,
      %parallel_loop3A_1411 = tpu.vector_load_idx %arg7[%parallel_loop3A_1410] : memref<19328xf32, #tpu.memory_space<vmem>>[vector<16xi32>], vector<16xf32>,
      %parallel_loop3A_1412 = arith.index_cast %parallel_loop3A_1407 : i32 to index
      %parallel_loop3A_1413 = tpu.vector_load %arg8[%parallel_loop3A_1412] {strides = array<i32>} : memref<16160xf32, #tpu.memory_space<vmem>>, vector<16xf32>,
      tpu.vector_store %arg8[%parallel_loop3A_1412], %parallel_loop3A_1411 {strides = array<i32>} : memref<16160xf32, #tpu.memory_space<vmem>>, vector<16xf32>,
    } {sc.loop_unroll_factor = 5 : i64, sc.parallel_access}
    %add3A_492 = arith.constant 11404800 : i32
    %add3A_493 = arith.addi %add3A_492, %mul3A_2 : i32
    %add3A_494 = arith.constant 0 : i32
    %add3A_495 = arith.addi %add3A_493, %add3A_494 : i32
    %multiple_of3A_496 = tpu.assume_multiple %add3A_495, 8 : i32
    %dma_start3A_497 = tpu.memref_slice %arg4[%multiple_of3A_496] : memref<33177600xf32, #tpu.memory_space<hbm>> -> memref<16160xf32, #tpu.memory_space<hbm>>
    %dma_start3A_498 = tpu.memref_slice %arg4[%multiple_of3A_496] : memref<33177600xf32, #tpu.memory_space<hbm>> -> memref<16160xf32, #tpu.memory_space<hbm>>
    tpu.enqueue_dma source(%arg8 : memref<16160xf32, #tpu.memory_space<vmem>>) target(%dma_start3A_498 : memref<16160xf32, #tpu.memory_space<hbm>>) target_semaphore(%arg12 : memref<!tpu.dma_semaphore, #tpu.memory_space<semaphore_mem>>)
    %add3A_499 = arith.constant 10368000 : i32
    %add3A_500 = arith.addi %add3A_499, %mul3A_2 : i32
    %add3A_501 = arith.constant 16160 : i32
    %add3A_502 = arith.addi %add3A_500, %add3A_501 : i32
    %multiple_of3A_503 = tpu.assume_multiple %add3A_502, 8 : i32
    %dma_wait3A_504 = tpu.memref_slice %arg4[%multiple_of3A_503] : memref<33177600xf32, #tpu.memory_space<hbm>> -> memref<16240xf32, #tpu.memory_space<hbm>>
    %dma_wait3A_505 = tpu.memref_slice %arg4[%multiple_of3A_503] : memref<33177600xf32, #tpu.memory_space<hbm>> -> memref<16240xf32, #tpu.memory_space<hbm>>
    tpu.wait_dma2 semaphore(%arg13 : memref<!tpu.dma_semaphore, #tpu.memory_space<semaphore_mem>>) src(%arg9 : memref<16240xf32, #tpu.memory_space<vmem>>) dst(%dma_wait3A_505 : memref<16240xf32, #tpu.memory_space<hbm>>)
    %parallel_loop3A_506 = arith.constant 0 : i32
    %parallel_loop3A_507 = arith.constant 16240 : i32
    %parallel_loop3A_508 = arith.constant 16 : i32
    %parallel_loop3A_509 = arith.constant 16160 : i32
    scf.for %parallel_loop3A_1407 = %parallel_loop3A_506 to %parallel_loop3A_507 step %parallel_loop3A_508  : i32 {
      %parallel_loop3A_1408 = arith.addi %parallel_loop3A_509, %parallel_loop3A_1407 : i32
      %parallel_loop3A_1409 = arith.index_cast %parallel_loop3A_1408 : i32 to index
      %parallel_loop3A_1410 = tpu.vector_load %arg5[%parallel_loop3A_1409] {strides = array<i32>} : memref<32400xi32, #tpu.memory_space<vmem>>, vector<16xi32>,
      %parallel_loop3A_1411 = tpu.vector_load_idx %arg7[%parallel_loop3A_1410] : memref<19328xf32, #tpu.memory_space<vmem>>[vector<16xi32>], vector<16xf32>,
      %parallel_loop3A_1412 = arith.index_cast %parallel_loop3A_1407 : i32 to index
      %parallel_loop3A_1413 = tpu.vector_load %arg9[%parallel_loop3A_1412] {strides = array<i32>} : memref<16240xf32, #tpu.memory_space<vmem>>, vector<16xf32>,
      tpu.vector_store %arg9[%parallel_loop3A_1412], %parallel_loop3A_1411 {strides = array<i32>} : memref<16240xf32, #tpu.memory_space<vmem>>, vector<16xf32>,
    } {sc.loop_unroll_factor = 5 : i64, sc.parallel_access}
    %add3A_510 = arith.constant 11404800 : i32
    %add3A_511 = arith.addi %add3A_510, %mul3A_2 : i32
    %add3A_512 = arith.constant 16160 : i32
    %add3A_513 = arith.addi %add3A_511, %add3A_512 : i32
    %multiple_of3A_514 = tpu.assume_multiple %add3A_513, 8 : i32
    %dma_start3A_515 = tpu.memref_slice %arg4[%multiple_of3A_514] : memref<33177600xf32, #tpu.memory_space<hbm>> -> memref<16240xf32, #tpu.memory_space<hbm>>
    %dma_start3A_516 = tpu.memref_slice %arg4[%multiple_of3A_514] : memref<33177600xf32, #tpu.memory_space<hbm>> -> memref<16240xf32, #tpu.memory_space<hbm>>
    tpu.enqueue_dma source(%arg9 : memref<16240xf32, #tpu.memory_space<vmem>>) target(%dma_start3A_516 : memref<16240xf32, #tpu.memory_space<hbm>>) target_semaphore(%arg13 : memref<!tpu.dma_semaphore, #tpu.memory_space<semaphore_mem>>)
    %multiple_of3A_517 = arith.constant 231936 : i32
    %multiple_of3A_518 = tpu.assume_multiple %multiple_of3A_517, 8 : i32
    %dma_wait3A_519 = tpu.memref_slice %arg2[%multiple_of3A_518] : memref<618496xf32, #tpu.memory_space<hbm>> -> memref<19328xf32, #tpu.memory_space<hbm>>
    %dma_wait3A_520 = tpu.memref_slice %arg2[%multiple_of3A_518] : memref<618496xf32, #tpu.memory_space<hbm>> -> memref<19328xf32, #tpu.memory_space<hbm>>
    tpu.wait_dma2 semaphore(%arg10 : memref<!tpu.dma_semaphore, #tpu.memory_space<semaphore_mem>>) src(%dma_wait3A_520 : memref<19328xf32, #tpu.memory_space<hbm>>) dst(%arg6 : memref<19328xf32, #tpu.memory_space<vmem>>)
    %multiple_of3A_521 = arith.constant 251264 : i32
    %multiple_of3A_522 = tpu.assume_multiple %multiple_of3A_521, 8 : i32
    %dma_start3A_523 = tpu.memref_slice %arg2[%multiple_of3A_522] : memref<618496xf32, #tpu.memory_space<hbm>> -> memref<19328xf32, #tpu.memory_space<hbm>>
    %dma_start3A_524 = tpu.memref_slice %arg2[%multiple_of3A_522] : memref<618496xf32, #tpu.memory_space<hbm>> -> memref<19328xf32, #tpu.memory_space<hbm>>
    tpu.enqueue_dma source(%dma_start3A_524 : memref<19328xf32, #tpu.memory_space<hbm>>) target(%arg7 : memref<19328xf32, #tpu.memory_space<vmem>>) target_semaphore(%arg11 : memref<!tpu.dma_semaphore, #tpu.memory_space<semaphore_mem>>)
    %add3A_525 = arith.constant 11404800 : i32
    %add3A_526 = arith.addi %add3A_525, %mul3A_2 : i32
    %add3A_527 = arith.constant 0 : i32
    %add3A_528 = arith.addi %add3A_526, %add3A_527 : i32
    %multiple_of3A_529 = tpu.assume_multiple %add3A_528, 8 : i32
    %dma_wait3A_530 = tpu.memref_slice %arg4[%multiple_of3A_529] : memref<33177600xf32, #tpu.memory_space<hbm>> -> memref<16160xf32, #tpu.memory_space<hbm>>
    %dma_wait3A_531 = tpu.memref_slice %arg4[%multiple_of3A_529] : memref<33177600xf32, #tpu.memory_space<hbm>> -> memref<16160xf32, #tpu.memory_space<hbm>>
    tpu.wait_dma2 semaphore(%arg12 : memref<!tpu.dma_semaphore, #tpu.memory_space<semaphore_mem>>) src(%arg8 : memref<16160xf32, #tpu.memory_space<vmem>>) dst(%dma_wait3A_531 : memref<16160xf32, #tpu.memory_space<hbm>>)
    %parallel_loop3A_532 = arith.constant 0 : i32
    %parallel_loop3A_533 = arith.constant 16160 : i32
    %parallel_loop3A_534 = arith.constant 16 : i32
    %parallel_loop3A_535 = arith.constant 0 : i32
    scf.for %parallel_loop3A_1407 = %parallel_loop3A_532 to %parallel_loop3A_533 step %parallel_loop3A_534  : i32 {
      %parallel_loop3A_1408 = arith.addi %parallel_loop3A_535, %parallel_loop3A_1407 : i32
      %parallel_loop3A_1409 = arith.index_cast %parallel_loop3A_1408 : i32 to index
      %parallel_loop3A_1410 = tpu.vector_load %arg5[%parallel_loop3A_1409] {strides = array<i32>} : memref<32400xi32, #tpu.memory_space<vmem>>, vector<16xi32>,
      %parallel_loop3A_1411 = tpu.vector_load_idx %arg6[%parallel_loop3A_1410] : memref<19328xf32, #tpu.memory_space<vmem>>[vector<16xi32>], vector<16xf32>,
      %parallel_loop3A_1412 = arith.index_cast %parallel_loop3A_1407 : i32 to index
      %parallel_loop3A_1413 = tpu.vector_load %arg8[%parallel_loop3A_1412] {strides = array<i32>} : memref<16160xf32, #tpu.memory_space<vmem>>, vector<16xf32>,
      tpu.vector_store %arg8[%parallel_loop3A_1412], %parallel_loop3A_1411 {strides = array<i32>} : memref<16160xf32, #tpu.memory_space<vmem>>, vector<16xf32>,
    } {sc.loop_unroll_factor = 5 : i64, sc.parallel_access}
    %add3A_536 = arith.constant 12441600 : i32
    %add3A_537 = arith.addi %add3A_536, %mul3A_2 : i32
    %add3A_538 = arith.constant 0 : i32
    %add3A_539 = arith.addi %add3A_537, %add3A_538 : i32
    %multiple_of3A_540 = tpu.assume_multiple %add3A_539, 8 : i32
    %dma_start3A_541 = tpu.memref_slice %arg4[%multiple_of3A_540] : memref<33177600xf32, #tpu.memory_space<hbm>> -> memref<16160xf32, #tpu.memory_space<hbm>>
    %dma_start3A_542 = tpu.memref_slice %arg4[%multiple_of3A_540] : memref<33177600xf32, #tpu.memory_space<hbm>> -> memref<16160xf32, #tpu.memory_space<hbm>>
    tpu.enqueue_dma source(%arg8 : memref<16160xf32, #tpu.memory_space<vmem>>) target(%dma_start3A_542 : memref<16160xf32, #tpu.memory_space<hbm>>) target_semaphore(%arg12 : memref<!tpu.dma_semaphore, #tpu.memory_space<semaphore_mem>>)
    %add3A_543 = arith.constant 11404800 : i32
    %add3A_544 = arith.addi %add3A_543, %mul3A_2 : i32
    %add3A_545 = arith.constant 16160 : i32
    %add3A_546 = arith.addi %add3A_544, %add3A_545 : i32
    %multiple_of3A_547 = tpu.assume_multiple %add3A_546, 8 : i32
    %dma_wait3A_548 = tpu.memref_slice %arg4[%multiple_of3A_547] : memref<33177600xf32, #tpu.memory_space<hbm>> -> memref<16240xf32, #tpu.memory_space<hbm>>
    %dma_wait3A_549 = tpu.memref_slice %arg4[%multiple_of3A_547] : memref<33177600xf32, #tpu.memory_space<hbm>> -> memref<16240xf32, #tpu.memory_space<hbm>>
    tpu.wait_dma2 semaphore(%arg13 : memref<!tpu.dma_semaphore, #tpu.memory_space<semaphore_mem>>) src(%arg9 : memref<16240xf32, #tpu.memory_space<vmem>>) dst(%dma_wait3A_549 : memref<16240xf32, #tpu.memory_space<hbm>>)
    %parallel_loop3A_550 = arith.constant 0 : i32
    %parallel_loop3A_551 = arith.constant 16240 : i32
    %parallel_loop3A_552 = arith.constant 16 : i32
    %parallel_loop3A_553 = arith.constant 16160 : i32
    scf.for %parallel_loop3A_1407 = %parallel_loop3A_550 to %parallel_loop3A_551 step %parallel_loop3A_552  : i32 {
      %parallel_loop3A_1408 = arith.addi %parallel_loop3A_553, %parallel_loop3A_1407 : i32
      %parallel_loop3A_1409 = arith.index_cast %parallel_loop3A_1408 : i32 to index
      %parallel_loop3A_1410 = tpu.vector_load %arg5[%parallel_loop3A_1409] {strides = array<i32>} : memref<32400xi32, #tpu.memory_space<vmem>>, vector<16xi32>,
      %parallel_loop3A_1411 = tpu.vector_load_idx %arg6[%parallel_loop3A_1410] : memref<19328xf32, #tpu.memory_space<vmem>>[vector<16xi32>], vector<16xf32>,
      %parallel_loop3A_1412 = arith.index_cast %parallel_loop3A_1407 : i32 to index
      %parallel_loop3A_1413 = tpu.vector_load %arg9[%parallel_loop3A_1412] {strides = array<i32>} : memref<16240xf32, #tpu.memory_space<vmem>>, vector<16xf32>,
      tpu.vector_store %arg9[%parallel_loop3A_1412], %parallel_loop3A_1411 {strides = array<i32>} : memref<16240xf32, #tpu.memory_space<vmem>>, vector<16xf32>,
    } {sc.loop_unroll_factor = 5 : i64, sc.parallel_access}
    %add3A_554 = arith.constant 12441600 : i32
    %add3A_555 = arith.addi %add3A_554, %mul3A_2 : i32
    %add3A_556 = arith.constant 16160 : i32
    %add3A_557 = arith.addi %add3A_555, %add3A_556 : i32
    %multiple_of3A_558 = tpu.assume_multiple %add3A_557, 8 : i32
    %dma_start3A_559 = tpu.memref_slice %arg4[%multiple_of3A_558] : memref<33177600xf32, #tpu.memory_space<hbm>> -> memref<16240xf32, #tpu.memory_space<hbm>>
    %dma_start3A_560 = tpu.memref_slice %arg4[%multiple_of3A_558] : memref<33177600xf32, #tpu.memory_space<hbm>> -> memref<16240xf32, #tpu.memory_space<hbm>>
    tpu.enqueue_dma source(%arg9 : memref<16240xf32, #tpu.memory_space<vmem>>) target(%dma_start3A_560 : memref<16240xf32, #tpu.memory_space<hbm>>) target_semaphore(%arg13 : memref<!tpu.dma_semaphore, #tpu.memory_space<semaphore_mem>>)
    %multiple_of3A_561 = arith.constant 251264 : i32
    %multiple_of3A_562 = tpu.assume_multiple %multiple_of3A_561, 8 : i32
    %dma_wait3A_563 = tpu.memref_slice %arg2[%multiple_of3A_562] : memref<618496xf32, #tpu.memory_space<hbm>> -> memref<19328xf32, #tpu.memory_space<hbm>>
    %dma_wait3A_564 = tpu.memref_slice %arg2[%multiple_of3A_562] : memref<618496xf32, #tpu.memory_space<hbm>> -> memref<19328xf32, #tpu.memory_space<hbm>>
    tpu.wait_dma2 semaphore(%arg11 : memref<!tpu.dma_semaphore, #tpu.memory_space<semaphore_mem>>) src(%dma_wait3A_564 : memref<19328xf32, #tpu.memory_space<hbm>>) dst(%arg7 : memref<19328xf32, #tpu.memory_space<vmem>>)
    %multiple_of3A_565 = arith.constant 270592 : i32
    %multiple_of3A_566 = tpu.assume_multiple %multiple_of3A_565, 8 : i32
    %dma_start3A_567 = tpu.memref_slice %arg2[%multiple_of3A_566] : memref<618496xf32, #tpu.memory_space<hbm>> -> memref<19328xf32, #tpu.memory_space<hbm>>
    %dma_start3A_568 = tpu.memref_slice %arg2[%multiple_of3A_566] : memref<618496xf32, #tpu.memory_space<hbm>> -> memref<19328xf32, #tpu.memory_space<hbm>>
    tpu.enqueue_dma source(%dma_start3A_568 : memref<19328xf32, #tpu.memory_space<hbm>>) target(%arg6 : memref<19328xf32, #tpu.memory_space<vmem>>) target_semaphore(%arg10 : memref<!tpu.dma_semaphore, #tpu.memory_space<semaphore_mem>>)
    %add3A_569 = arith.constant 12441600 : i32
    %add3A_570 = arith.addi %add3A_569, %mul3A_2 : i32
    %add3A_571 = arith.constant 0 : i32
    %add3A_572 = arith.addi %add3A_570, %add3A_571 : i32
    %multiple_of3A_573 = tpu.assume_multiple %add3A_572, 8 : i32
    %dma_wait3A_574 = tpu.memref_slice %arg4[%multiple_of3A_573] : memref<33177600xf32, #tpu.memory_space<hbm>> -> memref<16160xf32, #tpu.memory_space<hbm>>
    %dma_wait3A_575 = tpu.memref_slice %arg4[%multiple_of3A_573] : memref<33177600xf32, #tpu.memory_space<hbm>> -> memref<16160xf32, #tpu.memory_space<hbm>>
    tpu.wait_dma2 semaphore(%arg12 : memref<!tpu.dma_semaphore, #tpu.memory_space<semaphore_mem>>) src(%arg8 : memref<16160xf32, #tpu.memory_space<vmem>>) dst(%dma_wait3A_575 : memref<16160xf32, #tpu.memory_space<hbm>>)
    %parallel_loop3A_576 = arith.constant 0 : i32
    %parallel_loop3A_577 = arith.constant 16160 : i32
    %parallel_loop3A_578 = arith.constant 16 : i32
    %parallel_loop3A_579 = arith.constant 0 : i32
    scf.for %parallel_loop3A_1407 = %parallel_loop3A_576 to %parallel_loop3A_577 step %parallel_loop3A_578  : i32 {
      %parallel_loop3A_1408 = arith.addi %parallel_loop3A_579, %parallel_loop3A_1407 : i32
      %parallel_loop3A_1409 = arith.index_cast %parallel_loop3A_1408 : i32 to index
      %parallel_loop3A_1410 = tpu.vector_load %arg5[%parallel_loop3A_1409] {strides = array<i32>} : memref<32400xi32, #tpu.memory_space<vmem>>, vector<16xi32>,
      %parallel_loop3A_1411 = tpu.vector_load_idx %arg7[%parallel_loop3A_1410] : memref<19328xf32, #tpu.memory_space<vmem>>[vector<16xi32>], vector<16xf32>,
      %parallel_loop3A_1412 = arith.index_cast %parallel_loop3A_1407 : i32 to index
      %parallel_loop3A_1413 = tpu.vector_load %arg8[%parallel_loop3A_1412] {strides = array<i32>} : memref<16160xf32, #tpu.memory_space<vmem>>, vector<16xf32>,
      tpu.vector_store %arg8[%parallel_loop3A_1412], %parallel_loop3A_1411 {strides = array<i32>} : memref<16160xf32, #tpu.memory_space<vmem>>, vector<16xf32>,
    } {sc.loop_unroll_factor = 5 : i64, sc.parallel_access}
    %add3A_580 = arith.constant 13478400 : i32
    %add3A_581 = arith.addi %add3A_580, %mul3A_2 : i32
    %add3A_582 = arith.constant 0 : i32
    %add3A_583 = arith.addi %add3A_581, %add3A_582 : i32
    %multiple_of3A_584 = tpu.assume_multiple %add3A_583, 8 : i32
    %dma_start3A_585 = tpu.memref_slice %arg4[%multiple_of3A_584] : memref<33177600xf32, #tpu.memory_space<hbm>> -> memref<16160xf32, #tpu.memory_space<hbm>>
    %dma_start3A_586 = tpu.memref_slice %arg4[%multiple_of3A_584] : memref<33177600xf32, #tpu.memory_space<hbm>> -> memref<16160xf32, #tpu.memory_space<hbm>>
    tpu.enqueue_dma source(%arg8 : memref<16160xf32, #tpu.memory_space<vmem>>) target(%dma_start3A_586 : memref<16160xf32, #tpu.memory_space<hbm>>) target_semaphore(%arg12 : memref<!tpu.dma_semaphore, #tpu.memory_space<semaphore_mem>>)
    %add3A_587 = arith.constant 12441600 : i32
    %add3A_588 = arith.addi %add3A_587, %mul3A_2 : i32
    %add3A_589 = arith.constant 16160 : i32
    %add3A_590 = arith.addi %add3A_588, %add3A_589 : i32
    %multiple_of3A_591 = tpu.assume_multiple %add3A_590, 8 : i32
    %dma_wait3A_592 = tpu.memref_slice %arg4[%multiple_of3A_591] : memref<33177600xf32, #tpu.memory_space<hbm>> -> memref<16240xf32, #tpu.memory_space<hbm>>
    %dma_wait3A_593 = tpu.memref_slice %arg4[%multiple_of3A_591] : memref<33177600xf32, #tpu.memory_space<hbm>> -> memref<16240xf32, #tpu.memory_space<hbm>>
    tpu.wait_dma2 semaphore(%arg13 : memref<!tpu.dma_semaphore, #tpu.memory_space<semaphore_mem>>) src(%arg9 : memref<16240xf32, #tpu.memory_space<vmem>>) dst(%dma_wait3A_593 : memref<16240xf32, #tpu.memory_space<hbm>>)
    %parallel_loop3A_594 = arith.constant 0 : i32
    %parallel_loop3A_595 = arith.constant 16240 : i32
    %parallel_loop3A_596 = arith.constant 16 : i32
    %parallel_loop3A_597 = arith.constant 16160 : i32
    scf.for %parallel_loop3A_1407 = %parallel_loop3A_594 to %parallel_loop3A_595 step %parallel_loop3A_596  : i32 {
      %parallel_loop3A_1408 = arith.addi %parallel_loop3A_597, %parallel_loop3A_1407 : i32
      %parallel_loop3A_1409 = arith.index_cast %parallel_loop3A_1408 : i32 to index
      %parallel_loop3A_1410 = tpu.vector_load %arg5[%parallel_loop3A_1409] {strides = array<i32>} : memref<32400xi32, #tpu.memory_space<vmem>>, vector<16xi32>,
      %parallel_loop3A_1411 = tpu.vector_load_idx %arg7[%parallel_loop3A_1410] : memref<19328xf32, #tpu.memory_space<vmem>>[vector<16xi32>], vector<16xf32>,
      %parallel_loop3A_1412 = arith.index_cast %parallel_loop3A_1407 : i32 to index
      %parallel_loop3A_1413 = tpu.vector_load %arg9[%parallel_loop3A_1412] {strides = array<i32>} : memref<16240xf32, #tpu.memory_space<vmem>>, vector<16xf32>,
      tpu.vector_store %arg9[%parallel_loop3A_1412], %parallel_loop3A_1411 {strides = array<i32>} : memref<16240xf32, #tpu.memory_space<vmem>>, vector<16xf32>,
    } {sc.loop_unroll_factor = 5 : i64, sc.parallel_access}
    %add3A_598 = arith.constant 13478400 : i32
    %add3A_599 = arith.addi %add3A_598, %mul3A_2 : i32
    %add3A_600 = arith.constant 16160 : i32
    %add3A_601 = arith.addi %add3A_599, %add3A_600 : i32
    %multiple_of3A_602 = tpu.assume_multiple %add3A_601, 8 : i32
    %dma_start3A_603 = tpu.memref_slice %arg4[%multiple_of3A_602] : memref<33177600xf32, #tpu.memory_space<hbm>> -> memref<16240xf32, #tpu.memory_space<hbm>>
    %dma_start3A_604 = tpu.memref_slice %arg4[%multiple_of3A_602] : memref<33177600xf32, #tpu.memory_space<hbm>> -> memref<16240xf32, #tpu.memory_space<hbm>>
    tpu.enqueue_dma source(%arg9 : memref<16240xf32, #tpu.memory_space<vmem>>) target(%dma_start3A_604 : memref<16240xf32, #tpu.memory_space<hbm>>) target_semaphore(%arg13 : memref<!tpu.dma_semaphore, #tpu.memory_space<semaphore_mem>>)
    %multiple_of3A_605 = arith.constant 270592 : i32
    %multiple_of3A_606 = tpu.assume_multiple %multiple_of3A_605, 8 : i32
    %dma_wait3A_607 = tpu.memref_slice %arg2[%multiple_of3A_606] : memref<618496xf32, #tpu.memory_space<hbm>> -> memref<19328xf32, #tpu.memory_space<hbm>>
    %dma_wait3A_608 = tpu.memref_slice %arg2[%multiple_of3A_606] : memref<618496xf32, #tpu.memory_space<hbm>> -> memref<19328xf32, #tpu.memory_space<hbm>>
    tpu.wait_dma2 semaphore(%arg10 : memref<!tpu.dma_semaphore, #tpu.memory_space<semaphore_mem>>) src(%dma_wait3A_608 : memref<19328xf32, #tpu.memory_space<hbm>>) dst(%arg6 : memref<19328xf32, #tpu.memory_space<vmem>>)
    %multiple_of3A_609 = arith.constant 289920 : i32
    %multiple_of3A_610 = tpu.assume_multiple %multiple_of3A_609, 8 : i32
    %dma_start3A_611 = tpu.memref_slice %arg2[%multiple_of3A_610] : memref<618496xf32, #tpu.memory_space<hbm>> -> memref<19328xf32, #tpu.memory_space<hbm>>
    %dma_start3A_612 = tpu.memref_slice %arg2[%multiple_of3A_610] : memref<618496xf32, #tpu.memory_space<hbm>> -> memref<19328xf32, #tpu.memory_space<hbm>>
    tpu.enqueue_dma source(%dma_start3A_612 : memref<19328xf32, #tpu.memory_space<hbm>>) target(%arg7 : memref<19328xf32, #tpu.memory_space<vmem>>) target_semaphore(%arg11 : memref<!tpu.dma_semaphore, #tpu.memory_space<semaphore_mem>>)
    %add3A_613 = arith.constant 13478400 : i32
    %add3A_614 = arith.addi %add3A_613, %mul3A_2 : i32
    %add3A_615 = arith.constant 0 : i32
    %add3A_616 = arith.addi %add3A_614, %add3A_615 : i32
    %multiple_of3A_617 = tpu.assume_multiple %add3A_616, 8 : i32
    %dma_wait3A_618 = tpu.memref_slice %arg4[%multiple_of3A_617] : memref<33177600xf32, #tpu.memory_space<hbm>> -> memref<16160xf32, #tpu.memory_space<hbm>>
    %dma_wait3A_619 = tpu.memref_slice %arg4[%multiple_of3A_617] : memref<33177600xf32, #tpu.memory_space<hbm>> -> memref<16160xf32, #tpu.memory_space<hbm>>
    tpu.wait_dma2 semaphore(%arg12 : memref<!tpu.dma_semaphore, #tpu.memory_space<semaphore_mem>>) src(%arg8 : memref<16160xf32, #tpu.memory_space<vmem>>) dst(%dma_wait3A_619 : memref<16160xf32, #tpu.memory_space<hbm>>)
    %parallel_loop3A_620 = arith.constant 0 : i32
    %parallel_loop3A_621 = arith.constant 16160 : i32
    %parallel_loop3A_622 = arith.constant 16 : i32
    %parallel_loop3A_623 = arith.constant 0 : i32
    scf.for %parallel_loop3A_1407 = %parallel_loop3A_620 to %parallel_loop3A_621 step %parallel_loop3A_622  : i32 {
      %parallel_loop3A_1408 = arith.addi %parallel_loop3A_623, %parallel_loop3A_1407 : i32
      %parallel_loop3A_1409 = arith.index_cast %parallel_loop3A_1408 : i32 to index
      %parallel_loop3A_1410 = tpu.vector_load %arg5[%parallel_loop3A_1409] {strides = array<i32>} : memref<32400xi32, #tpu.memory_space<vmem>>, vector<16xi32>,
      %parallel_loop3A_1411 = tpu.vector_load_idx %arg6[%parallel_loop3A_1410] : memref<19328xf32, #tpu.memory_space<vmem>>[vector<16xi32>], vector<16xf32>,
      %parallel_loop3A_1412 = arith.index_cast %parallel_loop3A_1407 : i32 to index
      %parallel_loop3A_1413 = tpu.vector_load %arg8[%parallel_loop3A_1412] {strides = array<i32>} : memref<16160xf32, #tpu.memory_space<vmem>>, vector<16xf32>,
      tpu.vector_store %arg8[%parallel_loop3A_1412], %parallel_loop3A_1411 {strides = array<i32>} : memref<16160xf32, #tpu.memory_space<vmem>>, vector<16xf32>,
    } {sc.loop_unroll_factor = 5 : i64, sc.parallel_access}
    %add3A_624 = arith.constant 14515200 : i32
    %add3A_625 = arith.addi %add3A_624, %mul3A_2 : i32
    %add3A_626 = arith.constant 0 : i32
    %add3A_627 = arith.addi %add3A_625, %add3A_626 : i32
    %multiple_of3A_628 = tpu.assume_multiple %add3A_627, 8 : i32
    %dma_start3A_629 = tpu.memref_slice %arg4[%multiple_of3A_628] : memref<33177600xf32, #tpu.memory_space<hbm>> -> memref<16160xf32, #tpu.memory_space<hbm>>
    %dma_start3A_630 = tpu.memref_slice %arg4[%multiple_of3A_628] : memref<33177600xf32, #tpu.memory_space<hbm>> -> memref<16160xf32, #tpu.memory_space<hbm>>
    tpu.enqueue_dma source(%arg8 : memref<16160xf32, #tpu.memory_space<vmem>>) target(%dma_start3A_630 : memref<16160xf32, #tpu.memory_space<hbm>>) target_semaphore(%arg12 : memref<!tpu.dma_semaphore, #tpu.memory_space<semaphore_mem>>)
    %add3A_631 = arith.constant 13478400 : i32
    %add3A_632 = arith.addi %add3A_631, %mul3A_2 : i32
    %add3A_633 = arith.constant 16160 : i32
    %add3A_634 = arith.addi %add3A_632, %add3A_633 : i32
    %multiple_of3A_635 = tpu.assume_multiple %add3A_634, 8 : i32
    %dma_wait3A_636 = tpu.memref_slice %arg4[%multiple_of3A_635] : memref<33177600xf32, #tpu.memory_space<hbm>> -> memref<16240xf32, #tpu.memory_space<hbm>>
    %dma_wait3A_637 = tpu.memref_slice %arg4[%multiple_of3A_635] : memref<33177600xf32, #tpu.memory_space<hbm>> -> memref<16240xf32, #tpu.memory_space<hbm>>
    tpu.wait_dma2 semaphore(%arg13 : memref<!tpu.dma_semaphore, #tpu.memory_space<semaphore_mem>>) src(%arg9 : memref<16240xf32, #tpu.memory_space<vmem>>) dst(%dma_wait3A_637 : memref<16240xf32, #tpu.memory_space<hbm>>)
    %parallel_loop3A_638 = arith.constant 0 : i32
    %parallel_loop3A_639 = arith.constant 16240 : i32
    %parallel_loop3A_640 = arith.constant 16 : i32
    %parallel_loop3A_641 = arith.constant 16160 : i32
    scf.for %parallel_loop3A_1407 = %parallel_loop3A_638 to %parallel_loop3A_639 step %parallel_loop3A_640  : i32 {
      %parallel_loop3A_1408 = arith.addi %parallel_loop3A_641, %parallel_loop3A_1407 : i32
      %parallel_loop3A_1409 = arith.index_cast %parallel_loop3A_1408 : i32 to index
      %parallel_loop3A_1410 = tpu.vector_load %arg5[%parallel_loop3A_1409] {strides = array<i32>} : memref<32400xi32, #tpu.memory_space<vmem>>, vector<16xi32>,
      %parallel_loop3A_1411 = tpu.vector_load_idx %arg6[%parallel_loop3A_1410] : memref<19328xf32, #tpu.memory_space<vmem>>[vector<16xi32>], vector<16xf32>,
      %parallel_loop3A_1412 = arith.index_cast %parallel_loop3A_1407 : i32 to index
      %parallel_loop3A_1413 = tpu.vector_load %arg9[%parallel_loop3A_1412] {strides = array<i32>} : memref<16240xf32, #tpu.memory_space<vmem>>, vector<16xf32>,
      tpu.vector_store %arg9[%parallel_loop3A_1412], %parallel_loop3A_1411 {strides = array<i32>} : memref<16240xf32, #tpu.memory_space<vmem>>, vector<16xf32>,
    } {sc.loop_unroll_factor = 5 : i64, sc.parallel_access}
    %add3A_642 = arith.constant 14515200 : i32
    %add3A_643 = arith.addi %add3A_642, %mul3A_2 : i32
    %add3A_644 = arith.constant 16160 : i32
    %add3A_645 = arith.addi %add3A_643, %add3A_644 : i32
    %multiple_of3A_646 = tpu.assume_multiple %add3A_645, 8 : i32
    %dma_start3A_647 = tpu.memref_slice %arg4[%multiple_of3A_646] : memref<33177600xf32, #tpu.memory_space<hbm>> -> memref<16240xf32, #tpu.memory_space<hbm>>
    %dma_start3A_648 = tpu.memref_slice %arg4[%multiple_of3A_646] : memref<33177600xf32, #tpu.memory_space<hbm>> -> memref<16240xf32, #tpu.memory_space<hbm>>
    tpu.enqueue_dma source(%arg9 : memref<16240xf32, #tpu.memory_space<vmem>>) target(%dma_start3A_648 : memref<16240xf32, #tpu.memory_space<hbm>>) target_semaphore(%arg13 : memref<!tpu.dma_semaphore, #tpu.memory_space<semaphore_mem>>)
    %multiple_of3A_649 = arith.constant 289920 : i32
    %multiple_of3A_650 = tpu.assume_multiple %multiple_of3A_649, 8 : i32
    %dma_wait3A_651 = tpu.memref_slice %arg2[%multiple_of3A_650] : memref<618496xf32, #tpu.memory_space<hbm>> -> memref<19328xf32, #tpu.memory_space<hbm>>
    %dma_wait3A_652 = tpu.memref_slice %arg2[%multiple_of3A_650] : memref<618496xf32, #tpu.memory_space<hbm>> -> memref<19328xf32, #tpu.memory_space<hbm>>
    tpu.wait_dma2 semaphore(%arg11 : memref<!tpu.dma_semaphore, #tpu.memory_space<semaphore_mem>>) src(%dma_wait3A_652 : memref<19328xf32, #tpu.memory_space<hbm>>) dst(%arg7 : memref<19328xf32, #tpu.memory_space<vmem>>)
    %multiple_of3A_653 = arith.constant 309248 : i32
    %multiple_of3A_654 = tpu.assume_multiple %multiple_of3A_653, 8 : i32
    %dma_start3A_655 = tpu.memref_slice %arg2[%multiple_of3A_654] : memref<618496xf32, #tpu.memory_space<hbm>> -> memref<19328xf32, #tpu.memory_space<hbm>>
    %dma_start3A_656 = tpu.memref_slice %arg2[%multiple_of3A_654] : memref<618496xf32, #tpu.memory_space<hbm>> -> memref<19328xf32, #tpu.memory_space<hbm>>
    tpu.enqueue_dma source(%dma_start3A_656 : memref<19328xf32, #tpu.memory_space<hbm>>) target(%arg6 : memref<19328xf32, #tpu.memory_space<vmem>>) target_semaphore(%arg10 : memref<!tpu.dma_semaphore, #tpu.memory_space<semaphore_mem>>)
    %add3A_657 = arith.constant 14515200 : i32
    %add3A_658 = arith.addi %add3A_657, %mul3A_2 : i32
    %add3A_659 = arith.constant 0 : i32
    %add3A_660 = arith.addi %add3A_658, %add3A_659 : i32
    %multiple_of3A_661 = tpu.assume_multiple %add3A_660, 8 : i32
    %dma_wait3A_662 = tpu.memref_slice %arg4[%multiple_of3A_661] : memref<33177600xf32, #tpu.memory_space<hbm>> -> memref<16160xf32, #tpu.memory_space<hbm>>
    %dma_wait3A_663 = tpu.memref_slice %arg4[%multiple_of3A_661] : memref<33177600xf32, #tpu.memory_space<hbm>> -> memref<16160xf32, #tpu.memory_space<hbm>>
    tpu.wait_dma2 semaphore(%arg12 : memref<!tpu.dma_semaphore, #tpu.memory_space<semaphore_mem>>) src(%arg8 : memref<16160xf32, #tpu.memory_space<vmem>>) dst(%dma_wait3A_663 : memref<16160xf32, #tpu.memory_space<hbm>>)
    %parallel_loop3A_664 = arith.constant 0 : i32
    %parallel_loop3A_665 = arith.constant 16160 : i32
    %parallel_loop3A_666 = arith.constant 16 : i32
    %parallel_loop3A_667 = arith.constant 0 : i32
    scf.for %parallel_loop3A_1407 = %parallel_loop3A_664 to %parallel_loop3A_665 step %parallel_loop3A_666  : i32 {
      %parallel_loop3A_1408 = arith.addi %parallel_loop3A_667, %parallel_loop3A_1407 : i32
      %parallel_loop3A_1409 = arith.index_cast %parallel_loop3A_1408 : i32 to index
      %parallel_loop3A_1410 = tpu.vector_load %arg5[%parallel_loop3A_1409] {strides = array<i32>} : memref<32400xi32, #tpu.memory_space<vmem>>, vector<16xi32>,
      %parallel_loop3A_1411 = tpu.vector_load_idx %arg7[%parallel_loop3A_1410] : memref<19328xf32, #tpu.memory_space<vmem>>[vector<16xi32>], vector<16xf32>,
      %parallel_loop3A_1412 = arith.index_cast %parallel_loop3A_1407 : i32 to index
      %parallel_loop3A_1413 = tpu.vector_load %arg8[%parallel_loop3A_1412] {strides = array<i32>} : memref<16160xf32, #tpu.memory_space<vmem>>, vector<16xf32>,
      tpu.vector_store %arg8[%parallel_loop3A_1412], %parallel_loop3A_1411 {strides = array<i32>} : memref<16160xf32, #tpu.memory_space<vmem>>, vector<16xf32>,
    } {sc.loop_unroll_factor = 5 : i64, sc.parallel_access}
    %add3A_668 = arith.constant 15552000 : i32
    %add3A_669 = arith.addi %add3A_668, %mul3A_2 : i32
    %add3A_670 = arith.constant 0 : i32
    %add3A_671 = arith.addi %add3A_669, %add3A_670 : i32
    %multiple_of3A_672 = tpu.assume_multiple %add3A_671, 8 : i32
    %dma_start3A_673 = tpu.memref_slice %arg4[%multiple_of3A_672] : memref<33177600xf32, #tpu.memory_space<hbm>> -> memref<16160xf32, #tpu.memory_space<hbm>>
    %dma_start3A_674 = tpu.memref_slice %arg4[%multiple_of3A_672] : memref<33177600xf32, #tpu.memory_space<hbm>> -> memref<16160xf32, #tpu.memory_space<hbm>>
    tpu.enqueue_dma source(%arg8 : memref<16160xf32, #tpu.memory_space<vmem>>) target(%dma_start3A_674 : memref<16160xf32, #tpu.memory_space<hbm>>) target_semaphore(%arg12 : memref<!tpu.dma_semaphore, #tpu.memory_space<semaphore_mem>>)
    %add3A_675 = arith.constant 14515200 : i32
    %add3A_676 = arith.addi %add3A_675, %mul3A_2 : i32
    %add3A_677 = arith.constant 16160 : i32
    %add3A_678 = arith.addi %add3A_676, %add3A_677 : i32
    %multiple_of3A_679 = tpu.assume_multiple %add3A_678, 8 : i32
    %dma_wait3A_680 = tpu.memref_slice %arg4[%multiple_of3A_679] : memref<33177600xf32, #tpu.memory_space<hbm>> -> memref<16240xf32, #tpu.memory_space<hbm>>
    %dma_wait3A_681 = tpu.memref_slice %arg4[%multiple_of3A_679] : memref<33177600xf32, #tpu.memory_space<hbm>> -> memref<16240xf32, #tpu.memory_space<hbm>>
    tpu.wait_dma2 semaphore(%arg13 : memref<!tpu.dma_semaphore, #tpu.memory_space<semaphore_mem>>) src(%arg9 : memref<16240xf32, #tpu.memory_space<vmem>>) dst(%dma_wait3A_681 : memref<16240xf32, #tpu.memory_space<hbm>>)
    %parallel_loop3A_682 = arith.constant 0 : i32
    %parallel_loop3A_683 = arith.constant 16240 : i32
    %parallel_loop3A_684 = arith.constant 16 : i32
    %parallel_loop3A_685 = arith.constant 16160 : i32
    scf.for %parallel_loop3A_1407 = %parallel_loop3A_682 to %parallel_loop3A_683 step %parallel_loop3A_684  : i32 {
      %parallel_loop3A_1408 = arith.addi %parallel_loop3A_685, %parallel_loop3A_1407 : i32
      %parallel_loop3A_1409 = arith.index_cast %parallel_loop3A_1408 : i32 to index
      %parallel_loop3A_1410 = tpu.vector_load %arg5[%parallel_loop3A_1409] {strides = array<i32>} : memref<32400xi32, #tpu.memory_space<vmem>>, vector<16xi32>,
      %parallel_loop3A_1411 = tpu.vector_load_idx %arg7[%parallel_loop3A_1410] : memref<19328xf32, #tpu.memory_space<vmem>>[vector<16xi32>], vector<16xf32>,
      %parallel_loop3A_1412 = arith.index_cast %parallel_loop3A_1407 : i32 to index
      %parallel_loop3A_1413 = tpu.vector_load %arg9[%parallel_loop3A_1412] {strides = array<i32>} : memref<16240xf32, #tpu.memory_space<vmem>>, vector<16xf32>,
      tpu.vector_store %arg9[%parallel_loop3A_1412], %parallel_loop3A_1411 {strides = array<i32>} : memref<16240xf32, #tpu.memory_space<vmem>>, vector<16xf32>,
    } {sc.loop_unroll_factor = 5 : i64, sc.parallel_access}
    %add3A_686 = arith.constant 15552000 : i32
    %add3A_687 = arith.addi %add3A_686, %mul3A_2 : i32
    %add3A_688 = arith.constant 16160 : i32
    %add3A_689 = arith.addi %add3A_687, %add3A_688 : i32
    %multiple_of3A_690 = tpu.assume_multiple %add3A_689, 8 : i32
    %dma_start3A_691 = tpu.memref_slice %arg4[%multiple_of3A_690] : memref<33177600xf32, #tpu.memory_space<hbm>> -> memref<16240xf32, #tpu.memory_space<hbm>>
    %dma_start3A_692 = tpu.memref_slice %arg4[%multiple_of3A_690] : memref<33177600xf32, #tpu.memory_space<hbm>> -> memref<16240xf32, #tpu.memory_space<hbm>>
    tpu.enqueue_dma source(%arg9 : memref<16240xf32, #tpu.memory_space<vmem>>) target(%dma_start3A_692 : memref<16240xf32, #tpu.memory_space<hbm>>) target_semaphore(%arg13 : memref<!tpu.dma_semaphore, #tpu.memory_space<semaphore_mem>>)
    %multiple_of3A_693 = arith.constant 309248 : i32
    %multiple_of3A_694 = tpu.assume_multiple %multiple_of3A_693, 8 : i32
    %dma_wait3A_695 = tpu.memref_slice %arg2[%multiple_of3A_694] : memref<618496xf32, #tpu.memory_space<hbm>> -> memref<19328xf32, #tpu.memory_space<hbm>>
    %dma_wait3A_696 = tpu.memref_slice %arg2[%multiple_of3A_694] : memref<618496xf32, #tpu.memory_space<hbm>> -> memref<19328xf32, #tpu.memory_space<hbm>>
    tpu.wait_dma2 semaphore(%arg10 : memref<!tpu.dma_semaphore, #tpu.memory_space<semaphore_mem>>) src(%dma_wait3A_696 : memref<19328xf32, #tpu.memory_space<hbm>>) dst(%arg6 : memref<19328xf32, #tpu.memory_space<vmem>>)
    %multiple_of3A_697 = arith.constant 328576 : i32
    %multiple_of3A_698 = tpu.assume_multiple %multiple_of3A_697, 8 : i32
    %dma_start3A_699 = tpu.memref_slice %arg2[%multiple_of3A_698] : memref<618496xf32, #tpu.memory_space<hbm>> -> memref<19328xf32, #tpu.memory_space<hbm>>
    %dma_start3A_700 = tpu.memref_slice %arg2[%multiple_of3A_698] : memref<618496xf32, #tpu.memory_space<hbm>> -> memref<19328xf32, #tpu.memory_space<hbm>>
    tpu.enqueue_dma source(%dma_start3A_700 : memref<19328xf32, #tpu.memory_space<hbm>>) target(%arg7 : memref<19328xf32, #tpu.memory_space<vmem>>) target_semaphore(%arg11 : memref<!tpu.dma_semaphore, #tpu.memory_space<semaphore_mem>>)
    %add3A_701 = arith.constant 15552000 : i32
    %add3A_702 = arith.addi %add3A_701, %mul3A_2 : i32
    %add3A_703 = arith.constant 0 : i32
    %add3A_704 = arith.addi %add3A_702, %add3A_703 : i32
    %multiple_of3A_705 = tpu.assume_multiple %add3A_704, 8 : i32
    %dma_wait3A_706 = tpu.memref_slice %arg4[%multiple_of3A_705] : memref<33177600xf32, #tpu.memory_space<hbm>> -> memref<16160xf32, #tpu.memory_space<hbm>>
    %dma_wait3A_707 = tpu.memref_slice %arg4[%multiple_of3A_705] : memref<33177600xf32, #tpu.memory_space<hbm>> -> memref<16160xf32, #tpu.memory_space<hbm>>
    tpu.wait_dma2 semaphore(%arg12 : memref<!tpu.dma_semaphore, #tpu.memory_space<semaphore_mem>>) src(%arg8 : memref<16160xf32, #tpu.memory_space<vmem>>) dst(%dma_wait3A_707 : memref<16160xf32, #tpu.memory_space<hbm>>)
    %parallel_loop3A_708 = arith.constant 0 : i32
    %parallel_loop3A_709 = arith.constant 16160 : i32
    %parallel_loop3A_710 = arith.constant 16 : i32
    %parallel_loop3A_711 = arith.constant 0 : i32
    scf.for %parallel_loop3A_1407 = %parallel_loop3A_708 to %parallel_loop3A_709 step %parallel_loop3A_710  : i32 {
      %parallel_loop3A_1408 = arith.addi %parallel_loop3A_711, %parallel_loop3A_1407 : i32
      %parallel_loop3A_1409 = arith.index_cast %parallel_loop3A_1408 : i32 to index
      %parallel_loop3A_1410 = tpu.vector_load %arg5[%parallel_loop3A_1409] {strides = array<i32>} : memref<32400xi32, #tpu.memory_space<vmem>>, vector<16xi32>,
      %parallel_loop3A_1411 = tpu.vector_load_idx %arg6[%parallel_loop3A_1410] : memref<19328xf32, #tpu.memory_space<vmem>>[vector<16xi32>], vector<16xf32>,
      %parallel_loop3A_1412 = arith.index_cast %parallel_loop3A_1407 : i32 to index
      %parallel_loop3A_1413 = tpu.vector_load %arg8[%parallel_loop3A_1412] {strides = array<i32>} : memref<16160xf32, #tpu.memory_space<vmem>>, vector<16xf32>,
      tpu.vector_store %arg8[%parallel_loop3A_1412], %parallel_loop3A_1411 {strides = array<i32>} : memref<16160xf32, #tpu.memory_space<vmem>>, vector<16xf32>,
    } {sc.loop_unroll_factor = 5 : i64, sc.parallel_access}
    %add3A_712 = arith.constant 16588800 : i32
    %add3A_713 = arith.addi %add3A_712, %mul3A_2 : i32
    %add3A_714 = arith.constant 0 : i32
    %add3A_715 = arith.addi %add3A_713, %add3A_714 : i32
    %multiple_of3A_716 = tpu.assume_multiple %add3A_715, 8 : i32
    %dma_start3A_717 = tpu.memref_slice %arg4[%multiple_of3A_716] : memref<33177600xf32, #tpu.memory_space<hbm>> -> memref<16160xf32, #tpu.memory_space<hbm>>
    %dma_start3A_718 = tpu.memref_slice %arg4[%multiple_of3A_716] : memref<33177600xf32, #tpu.memory_space<hbm>> -> memref<16160xf32, #tpu.memory_space<hbm>>
    tpu.enqueue_dma source(%arg8 : memref<16160xf32, #tpu.memory_space<vmem>>) target(%dma_start3A_718 : memref<16160xf32, #tpu.memory_space<hbm>>) target_semaphore(%arg12 : memref<!tpu.dma_semaphore, #tpu.memory_space<semaphore_mem>>)
    %add3A_719 = arith.constant 15552000 : i32
    %add3A_720 = arith.addi %add3A_719, %mul3A_2 : i32
    %add3A_721 = arith.constant 16160 : i32
    %add3A_722 = arith.addi %add3A_720, %add3A_721 : i32
    %multiple_of3A_723 = tpu.assume_multiple %add3A_722, 8 : i32
    %dma_wait3A_724 = tpu.memref_slice %arg4[%multiple_of3A_723] : memref<33177600xf32, #tpu.memory_space<hbm>> -> memref<16240xf32, #tpu.memory_space<hbm>>
    %dma_wait3A_725 = tpu.memref_slice %arg4[%multiple_of3A_723] : memref<33177600xf32, #tpu.memory_space<hbm>> -> memref<16240xf32, #tpu.memory_space<hbm>>
    tpu.wait_dma2 semaphore(%arg13 : memref<!tpu.dma_semaphore, #tpu.memory_space<semaphore_mem>>) src(%arg9 : memref<16240xf32, #tpu.memory_space<vmem>>) dst(%dma_wait3A_725 : memref<16240xf32, #tpu.memory_space<hbm>>)
    %parallel_loop3A_726 = arith.constant 0 : i32
    %parallel_loop3A_727 = arith.constant 16240 : i32
    %parallel_loop3A_728 = arith.constant 16 : i32
    %parallel_loop3A_729 = arith.constant 16160 : i32
    scf.for %parallel_loop3A_1407 = %parallel_loop3A_726 to %parallel_loop3A_727 step %parallel_loop3A_728  : i32 {
      %parallel_loop3A_1408 = arith.addi %parallel_loop3A_729, %parallel_loop3A_1407 : i32
      %parallel_loop3A_1409 = arith.index_cast %parallel_loop3A_1408 : i32 to index
      %parallel_loop3A_1410 = tpu.vector_load %arg5[%parallel_loop3A_1409] {strides = array<i32>} : memref<32400xi32, #tpu.memory_space<vmem>>, vector<16xi32>,
      %parallel_loop3A_1411 = tpu.vector_load_idx %arg6[%parallel_loop3A_1410] : memref<19328xf32, #tpu.memory_space<vmem>>[vector<16xi32>], vector<16xf32>,
      %parallel_loop3A_1412 = arith.index_cast %parallel_loop3A_1407 : i32 to index
      %parallel_loop3A_1413 = tpu.vector_load %arg9[%parallel_loop3A_1412] {strides = array<i32>} : memref<16240xf32, #tpu.memory_space<vmem>>, vector<16xf32>,
      tpu.vector_store %arg9[%parallel_loop3A_1412], %parallel_loop3A_1411 {strides = array<i32>} : memref<16240xf32, #tpu.memory_space<vmem>>, vector<16xf32>,
    } {sc.loop_unroll_factor = 5 : i64, sc.parallel_access}
    %add3A_730 = arith.constant 16588800 : i32
    %add3A_731 = arith.addi %add3A_730, %mul3A_2 : i32
    %add3A_732 = arith.constant 16160 : i32
    %add3A_733 = arith.addi %add3A_731, %add3A_732 : i32
    %multiple_of3A_734 = tpu.assume_multiple %add3A_733, 8 : i32
    %dma_start3A_735 = tpu.memref_slice %arg4[%multiple_of3A_734] : memref<33177600xf32, #tpu.memory_space<hbm>> -> memref<16240xf32, #tpu.memory_space<hbm>>
    %dma_start3A_736 = tpu.memref_slice %arg4[%multiple_of3A_734] : memref<33177600xf32, #tpu.memory_space<hbm>> -> memref<16240xf32, #tpu.memory_space<hbm>>
    tpu.enqueue_dma source(%arg9 : memref<16240xf32, #tpu.memory_space<vmem>>) target(%dma_start3A_736 : memref<16240xf32, #tpu.memory_space<hbm>>) target_semaphore(%arg13 : memref<!tpu.dma_semaphore, #tpu.memory_space<semaphore_mem>>)
    %multiple_of3A_737 = arith.constant 328576 : i32
    %multiple_of3A_738 = tpu.assume_multiple %multiple_of3A_737, 8 : i32
    %dma_wait3A_739 = tpu.memref_slice %arg2[%multiple_of3A_738] : memref<618496xf32, #tpu.memory_space<hbm>> -> memref<19328xf32, #tpu.memory_space<hbm>>
    %dma_wait3A_740 = tpu.memref_slice %arg2[%multiple_of3A_738] : memref<618496xf32, #tpu.memory_space<hbm>> -> memref<19328xf32, #tpu.memory_space<hbm>>
    tpu.wait_dma2 semaphore(%arg11 : memref<!tpu.dma_semaphore, #tpu.memory_space<semaphore_mem>>) src(%dma_wait3A_740 : memref<19328xf32, #tpu.memory_space<hbm>>) dst(%arg7 : memref<19328xf32, #tpu.memory_space<vmem>>)
    %multiple_of3A_741 = arith.constant 347904 : i32
    %multiple_of3A_742 = tpu.assume_multiple %multiple_of3A_741, 8 : i32
    %dma_start3A_743 = tpu.memref_slice %arg2[%multiple_of3A_742] : memref<618496xf32, #tpu.memory_space<hbm>> -> memref<19328xf32, #tpu.memory_space<hbm>>
    %dma_start3A_744 = tpu.memref_slice %arg2[%multiple_of3A_742] : memref<618496xf32, #tpu.memory_space<hbm>> -> memref<19328xf32, #tpu.memory_space<hbm>>
    tpu.enqueue_dma source(%dma_start3A_744 : memref<19328xf32, #tpu.memory_space<hbm>>) target(%arg6 : memref<19328xf32, #tpu.memory_space<vmem>>) target_semaphore(%arg10 : memref<!tpu.dma_semaphore, #tpu.memory_space<semaphore_mem>>)
    %add3A_745 = arith.constant 16588800 : i32
    %add3A_746 = arith.addi %add3A_745, %mul3A_2 : i32
    %add3A_747 = arith.constant 0 : i32
    %add3A_748 = arith.addi %add3A_746, %add3A_747 : i32
    %multiple_of3A_749 = tpu.assume_multiple %add3A_748, 8 : i32
    %dma_wait3A_750 = tpu.memref_slice %arg4[%multiple_of3A_749] : memref<33177600xf32, #tpu.memory_space<hbm>> -> memref<16160xf32, #tpu.memory_space<hbm>>
    %dma_wait3A_751 = tpu.memref_slice %arg4[%multiple_of3A_749] : memref<33177600xf32, #tpu.memory_space<hbm>> -> memref<16160xf32, #tpu.memory_space<hbm>>
    tpu.wait_dma2 semaphore(%arg12 : memref<!tpu.dma_semaphore, #tpu.memory_space<semaphore_mem>>) src(%arg8 : memref<16160xf32, #tpu.memory_space<vmem>>) dst(%dma_wait3A_751 : memref<16160xf32, #tpu.memory_space<hbm>>)
    %parallel_loop3A_752 = arith.constant 0 : i32
    %parallel_loop3A_753 = arith.constant 16160 : i32
    %parallel_loop3A_754 = arith.constant 16 : i32
    %parallel_loop3A_755 = arith.constant 0 : i32
    scf.for %parallel_loop3A_1407 = %parallel_loop3A_752 to %parallel_loop3A_753 step %parallel_loop3A_754  : i32 {
      %parallel_loop3A_1408 = arith.addi %parallel_loop3A_755, %parallel_loop3A_1407 : i32
      %parallel_loop3A_1409 = arith.index_cast %parallel_loop3A_1408 : i32 to index
      %parallel_loop3A_1410 = tpu.vector_load %arg5[%parallel_loop3A_1409] {strides = array<i32>} : memref<32400xi32, #tpu.memory_space<vmem>>, vector<16xi32>,
      %parallel_loop3A_1411 = tpu.vector_load_idx %arg7[%parallel_loop3A_1410] : memref<19328xf32, #tpu.memory_space<vmem>>[vector<16xi32>], vector<16xf32>,
      %parallel_loop3A_1412 = arith.index_cast %parallel_loop3A_1407 : i32 to index
      %parallel_loop3A_1413 = tpu.vector_load %arg8[%parallel_loop3A_1412] {strides = array<i32>} : memref<16160xf32, #tpu.memory_space<vmem>>, vector<16xf32>,
      tpu.vector_store %arg8[%parallel_loop3A_1412], %parallel_loop3A_1411 {strides = array<i32>} : memref<16160xf32, #tpu.memory_space<vmem>>, vector<16xf32>,
    } {sc.loop_unroll_factor = 5 : i64, sc.parallel_access}
    %add3A_756 = arith.constant 17625600 : i32
    %add3A_757 = arith.addi %add3A_756, %mul3A_2 : i32
    %add3A_758 = arith.constant 0 : i32
    %add3A_759 = arith.addi %add3A_757, %add3A_758 : i32
    %multiple_of3A_760 = tpu.assume_multiple %add3A_759, 8 : i32
    %dma_start3A_761 = tpu.memref_slice %arg4[%multiple_of3A_760] : memref<33177600xf32, #tpu.memory_space<hbm>> -> memref<16160xf32, #tpu.memory_space<hbm>>
    %dma_start3A_762 = tpu.memref_slice %arg4[%multiple_of3A_760] : memref<33177600xf32, #tpu.memory_space<hbm>> -> memref<16160xf32, #tpu.memory_space<hbm>>
    tpu.enqueue_dma source(%arg8 : memref<16160xf32, #tpu.memory_space<vmem>>) target(%dma_start3A_762 : memref<16160xf32, #tpu.memory_space<hbm>>) target_semaphore(%arg12 : memref<!tpu.dma_semaphore, #tpu.memory_space<semaphore_mem>>)
    %add3A_763 = arith.constant 16588800 : i32
    %add3A_764 = arith.addi %add3A_763, %mul3A_2 : i32
    %add3A_765 = arith.constant 16160 : i32
    %add3A_766 = arith.addi %add3A_764, %add3A_765 : i32
    %multiple_of3A_767 = tpu.assume_multiple %add3A_766, 8 : i32
    %dma_wait3A_768 = tpu.memref_slice %arg4[%multiple_of3A_767] : memref<33177600xf32, #tpu.memory_space<hbm>> -> memref<16240xf32, #tpu.memory_space<hbm>>
    %dma_wait3A_769 = tpu.memref_slice %arg4[%multiple_of3A_767] : memref<33177600xf32, #tpu.memory_space<hbm>> -> memref<16240xf32, #tpu.memory_space<hbm>>
    tpu.wait_dma2 semaphore(%arg13 : memref<!tpu.dma_semaphore, #tpu.memory_space<semaphore_mem>>) src(%arg9 : memref<16240xf32, #tpu.memory_space<vmem>>) dst(%dma_wait3A_769 : memref<16240xf32, #tpu.memory_space<hbm>>)
    %parallel_loop3A_770 = arith.constant 0 : i32
    %parallel_loop3A_771 = arith.constant 16240 : i32
    %parallel_loop3A_772 = arith.constant 16 : i32
    %parallel_loop3A_773 = arith.constant 16160 : i32
    scf.for %parallel_loop3A_1407 = %parallel_loop3A_770 to %parallel_loop3A_771 step %parallel_loop3A_772  : i32 {
      %parallel_loop3A_1408 = arith.addi %parallel_loop3A_773, %parallel_loop3A_1407 : i32
      %parallel_loop3A_1409 = arith.index_cast %parallel_loop3A_1408 : i32 to index
      %parallel_loop3A_1410 = tpu.vector_load %arg5[%parallel_loop3A_1409] {strides = array<i32>} : memref<32400xi32, #tpu.memory_space<vmem>>, vector<16xi32>,
      %parallel_loop3A_1411 = tpu.vector_load_idx %arg7[%parallel_loop3A_1410] : memref<19328xf32, #tpu.memory_space<vmem>>[vector<16xi32>], vector<16xf32>,
      %parallel_loop3A_1412 = arith.index_cast %parallel_loop3A_1407 : i32 to index
      %parallel_loop3A_1413 = tpu.vector_load %arg9[%parallel_loop3A_1412] {strides = array<i32>} : memref<16240xf32, #tpu.memory_space<vmem>>, vector<16xf32>,
      tpu.vector_store %arg9[%parallel_loop3A_1412], %parallel_loop3A_1411 {strides = array<i32>} : memref<16240xf32, #tpu.memory_space<vmem>>, vector<16xf32>,
    } {sc.loop_unroll_factor = 5 : i64, sc.parallel_access}
    %add3A_774 = arith.constant 17625600 : i32
    %add3A_775 = arith.addi %add3A_774, %mul3A_2 : i32
    %add3A_776 = arith.constant 16160 : i32
    %add3A_777 = arith.addi %add3A_775, %add3A_776 : i32
    %multiple_of3A_778 = tpu.assume_multiple %add3A_777, 8 : i32
    %dma_start3A_779 = tpu.memref_slice %arg4[%multiple_of3A_778] : memref<33177600xf32, #tpu.memory_space<hbm>> -> memref<16240xf32, #tpu.memory_space<hbm>>
    %dma_start3A_780 = tpu.memref_slice %arg4[%multiple_of3A_778] : memref<33177600xf32, #tpu.memory_space<hbm>> -> memref<16240xf32, #tpu.memory_space<hbm>>
    tpu.enqueue_dma source(%arg9 : memref<16240xf32, #tpu.memory_space<vmem>>) target(%dma_start3A_780 : memref<16240xf32, #tpu.memory_space<hbm>>) target_semaphore(%arg13 : memref<!tpu.dma_semaphore, #tpu.memory_space<semaphore_mem>>)
    %multiple_of3A_781 = arith.constant 347904 : i32
    %multiple_of3A_782 = tpu.assume_multiple %multiple_of3A_781, 8 : i32
    %dma_wait3A_783 = tpu.memref_slice %arg2[%multiple_of3A_782] : memref<618496xf32, #tpu.memory_space<hbm>> -> memref<19328xf32, #tpu.memory_space<hbm>>
    %dma_wait3A_784 = tpu.memref_slice %arg2[%multiple_of3A_782] : memref<618496xf32, #tpu.memory_space<hbm>> -> memref<19328xf32, #tpu.memory_space<hbm>>
    tpu.wait_dma2 semaphore(%arg10 : memref<!tpu.dma_semaphore, #tpu.memory_space<semaphore_mem>>) src(%dma_wait3A_784 : memref<19328xf32, #tpu.memory_space<hbm>>) dst(%arg6 : memref<19328xf32, #tpu.memory_space<vmem>>)
    %multiple_of3A_785 = arith.constant 367232 : i32
    %multiple_of3A_786 = tpu.assume_multiple %multiple_of3A_785, 8 : i32
    %dma_start3A_787 = tpu.memref_slice %arg2[%multiple_of3A_786] : memref<618496xf32, #tpu.memory_space<hbm>> -> memref<19328xf32, #tpu.memory_space<hbm>>
    %dma_start3A_788 = tpu.memref_slice %arg2[%multiple_of3A_786] : memref<618496xf32, #tpu.memory_space<hbm>> -> memref<19328xf32, #tpu.memory_space<hbm>>
    tpu.enqueue_dma source(%dma_start3A_788 : memref<19328xf32, #tpu.memory_space<hbm>>) target(%arg7 : memref<19328xf32, #tpu.memory_space<vmem>>) target_semaphore(%arg11 : memref<!tpu.dma_semaphore, #tpu.memory_space<semaphore_mem>>)
    %add3A_789 = arith.constant 17625600 : i32
    %add3A_790 = arith.addi %add3A_789, %mul3A_2 : i32
    %add3A_791 = arith.constant 0 : i32
    %add3A_792 = arith.addi %add3A_790, %add3A_791 : i32
    %multiple_of3A_793 = tpu.assume_multiple %add3A_792, 8 : i32
    %dma_wait3A_794 = tpu.memref_slice %arg4[%multiple_of3A_793] : memref<33177600xf32, #tpu.memory_space<hbm>> -> memref<16160xf32, #tpu.memory_space<hbm>>
    %dma_wait3A_795 = tpu.memref_slice %arg4[%multiple_of3A_793] : memref<33177600xf32, #tpu.memory_space<hbm>> -> memref<16160xf32, #tpu.memory_space<hbm>>
    tpu.wait_dma2 semaphore(%arg12 : memref<!tpu.dma_semaphore, #tpu.memory_space<semaphore_mem>>) src(%arg8 : memref<16160xf32, #tpu.memory_space<vmem>>) dst(%dma_wait3A_795 : memref<16160xf32, #tpu.memory_space<hbm>>)
    %parallel_loop3A_796 = arith.constant 0 : i32
    %parallel_loop3A_797 = arith.constant 16160 : i32
    %parallel_loop3A_798 = arith.constant 16 : i32
    %parallel_loop3A_799 = arith.constant 0 : i32
    scf.for %parallel_loop3A_1407 = %parallel_loop3A_796 to %parallel_loop3A_797 step %parallel_loop3A_798  : i32 {
      %parallel_loop3A_1408 = arith.addi %parallel_loop3A_799, %parallel_loop3A_1407 : i32
      %parallel_loop3A_1409 = arith.index_cast %parallel_loop3A_1408 : i32 to index
      %parallel_loop3A_1410 = tpu.vector_load %arg5[%parallel_loop3A_1409] {strides = array<i32>} : memref<32400xi32, #tpu.memory_space<vmem>>, vector<16xi32>,
      %parallel_loop3A_1411 = tpu.vector_load_idx %arg6[%parallel_loop3A_1410] : memref<19328xf32, #tpu.memory_space<vmem>>[vector<16xi32>], vector<16xf32>,
      %parallel_loop3A_1412 = arith.index_cast %parallel_loop3A_1407 : i32 to index
      %parallel_loop3A_1413 = tpu.vector_load %arg8[%parallel_loop3A_1412] {strides = array<i32>} : memref<16160xf32, #tpu.memory_space<vmem>>, vector<16xf32>,
      tpu.vector_store %arg8[%parallel_loop3A_1412], %parallel_loop3A_1411 {strides = array<i32>} : memref<16160xf32, #tpu.memory_space<vmem>>, vector<16xf32>,
    } {sc.loop_unroll_factor = 5 : i64, sc.parallel_access}
    %add3A_800 = arith.constant 18662400 : i32
    %add3A_801 = arith.addi %add3A_800, %mul3A_2 : i32
    %add3A_802 = arith.constant 0 : i32
    %add3A_803 = arith.addi %add3A_801, %add3A_802 : i32
    %multiple_of3A_804 = tpu.assume_multiple %add3A_803, 8 : i32
    %dma_start3A_805 = tpu.memref_slice %arg4[%multiple_of3A_804] : memref<33177600xf32, #tpu.memory_space<hbm>> -> memref<16160xf32, #tpu.memory_space<hbm>>
    %dma_start3A_806 = tpu.memref_slice %arg4[%multiple_of3A_804] : memref<33177600xf32, #tpu.memory_space<hbm>> -> memref<16160xf32, #tpu.memory_space<hbm>>
    tpu.enqueue_dma source(%arg8 : memref<16160xf32, #tpu.memory_space<vmem>>) target(%dma_start3A_806 : memref<16160xf32, #tpu.memory_space<hbm>>) target_semaphore(%arg12 : memref<!tpu.dma_semaphore, #tpu.memory_space<semaphore_mem>>)
    %add3A_807 = arith.constant 17625600 : i32
    %add3A_808 = arith.addi %add3A_807, %mul3A_2 : i32
    %add3A_809 = arith.constant 16160 : i32
    %add3A_810 = arith.addi %add3A_808, %add3A_809 : i32
    %multiple_of3A_811 = tpu.assume_multiple %add3A_810, 8 : i32
    %dma_wait3A_812 = tpu.memref_slice %arg4[%multiple_of3A_811] : memref<33177600xf32, #tpu.memory_space<hbm>> -> memref<16240xf32, #tpu.memory_space<hbm>>
    %dma_wait3A_813 = tpu.memref_slice %arg4[%multiple_of3A_811] : memref<33177600xf32, #tpu.memory_space<hbm>> -> memref<16240xf32, #tpu.memory_space<hbm>>
    tpu.wait_dma2 semaphore(%arg13 : memref<!tpu.dma_semaphore, #tpu.memory_space<semaphore_mem>>) src(%arg9 : memref<16240xf32, #tpu.memory_space<vmem>>) dst(%dma_wait3A_813 : memref<16240xf32, #tpu.memory_space<hbm>>)
    %parallel_loop3A_814 = arith.constant 0 : i32
    %parallel_loop3A_815 = arith.constant 16240 : i32
    %parallel_loop3A_816 = arith.constant 16 : i32
    %parallel_loop3A_817 = arith.constant 16160 : i32
    scf.for %parallel_loop3A_1407 = %parallel_loop3A_814 to %parallel_loop3A_815 step %parallel_loop3A_816  : i32 {
      %parallel_loop3A_1408 = arith.addi %parallel_loop3A_817, %parallel_loop3A_1407 : i32
      %parallel_loop3A_1409 = arith.index_cast %parallel_loop3A_1408 : i32 to index
      %parallel_loop3A_1410 = tpu.vector_load %arg5[%parallel_loop3A_1409] {strides = array<i32>} : memref<32400xi32, #tpu.memory_space<vmem>>, vector<16xi32>,
      %parallel_loop3A_1411 = tpu.vector_load_idx %arg6[%parallel_loop3A_1410] : memref<19328xf32, #tpu.memory_space<vmem>>[vector<16xi32>], vector<16xf32>,
      %parallel_loop3A_1412 = arith.index_cast %parallel_loop3A_1407 : i32 to index
      %parallel_loop3A_1413 = tpu.vector_load %arg9[%parallel_loop3A_1412] {strides = array<i32>} : memref<16240xf32, #tpu.memory_space<vmem>>, vector<16xf32>,
      tpu.vector_store %arg9[%parallel_loop3A_1412], %parallel_loop3A_1411 {strides = array<i32>} : memref<16240xf32, #tpu.memory_space<vmem>>, vector<16xf32>,
    } {sc.loop_unroll_factor = 5 : i64, sc.parallel_access}
    %add3A_818 = arith.constant 18662400 : i32
    %add3A_819 = arith.addi %add3A_818, %mul3A_2 : i32
    %add3A_820 = arith.constant 16160 : i32
    %add3A_821 = arith.addi %add3A_819, %add3A_820 : i32
    %multiple_of3A_822 = tpu.assume_multiple %add3A_821, 8 : i32
    %dma_start3A_823 = tpu.memref_slice %arg4[%multiple_of3A_822] : memref<33177600xf32, #tpu.memory_space<hbm>> -> memref<16240xf32, #tpu.memory_space<hbm>>
    %dma_start3A_824 = tpu.memref_slice %arg4[%multiple_of3A_822] : memref<33177600xf32, #tpu.memory_space<hbm>> -> memref<16240xf32, #tpu.memory_space<hbm>>
    tpu.enqueue_dma source(%arg9 : memref<16240xf32, #tpu.memory_space<vmem>>) target(%dma_start3A_824 : memref<16240xf32, #tpu.memory_space<hbm>>) target_semaphore(%arg13 : memref<!tpu.dma_semaphore, #tpu.memory_space<semaphore_mem>>)
    %multiple_of3A_825 = arith.constant 367232 : i32
    %multiple_of3A_826 = tpu.assume_multiple %multiple_of3A_825, 8 : i32
    %dma_wait3A_827 = tpu.memref_slice %arg2[%multiple_of3A_826] : memref<618496xf32, #tpu.memory_space<hbm>> -> memref<19328xf32, #tpu.memory_space<hbm>>
    %dma_wait3A_828 = tpu.memref_slice %arg2[%multiple_of3A_826] : memref<618496xf32, #tpu.memory_space<hbm>> -> memref<19328xf32, #tpu.memory_space<hbm>>
    tpu.wait_dma2 semaphore(%arg11 : memref<!tpu.dma_semaphore, #tpu.memory_space<semaphore_mem>>) src(%dma_wait3A_828 : memref<19328xf32, #tpu.memory_space<hbm>>) dst(%arg7 : memref<19328xf32, #tpu.memory_space<vmem>>)
    %multiple_of3A_829 = arith.constant 386560 : i32
    %multiple_of3A_830 = tpu.assume_multiple %multiple_of3A_829, 8 : i32
    %dma_start3A_831 = tpu.memref_slice %arg2[%multiple_of3A_830] : memref<618496xf32, #tpu.memory_space<hbm>> -> memref<19328xf32, #tpu.memory_space<hbm>>
    %dma_start3A_832 = tpu.memref_slice %arg2[%multiple_of3A_830] : memref<618496xf32, #tpu.memory_space<hbm>> -> memref<19328xf32, #tpu.memory_space<hbm>>
    tpu.enqueue_dma source(%dma_start3A_832 : memref<19328xf32, #tpu.memory_space<hbm>>) target(%arg6 : memref<19328xf32, #tpu.memory_space<vmem>>) target_semaphore(%arg10 : memref<!tpu.dma_semaphore, #tpu.memory_space<semaphore_mem>>)
    %add3A_833 = arith.constant 18662400 : i32
    %add3A_834 = arith.addi %add3A_833, %mul3A_2 : i32
    %add3A_835 = arith.constant 0 : i32
    %add3A_836 = arith.addi %add3A_834, %add3A_835 : i32
    %multiple_of3A_837 = tpu.assume_multiple %add3A_836, 8 : i32
    %dma_wait3A_838 = tpu.memref_slice %arg4[%multiple_of3A_837] : memref<33177600xf32, #tpu.memory_space<hbm>> -> memref<16160xf32, #tpu.memory_space<hbm>>
    %dma_wait3A_839 = tpu.memref_slice %arg4[%multiple_of3A_837] : memref<33177600xf32, #tpu.memory_space<hbm>> -> memref<16160xf32, #tpu.memory_space<hbm>>
    tpu.wait_dma2 semaphore(%arg12 : memref<!tpu.dma_semaphore, #tpu.memory_space<semaphore_mem>>) src(%arg8 : memref<16160xf32, #tpu.memory_space<vmem>>) dst(%dma_wait3A_839 : memref<16160xf32, #tpu.memory_space<hbm>>)
    %parallel_loop3A_840 = arith.constant 0 : i32
    %parallel_loop3A_841 = arith.constant 16160 : i32
    %parallel_loop3A_842 = arith.constant 16 : i32
    %parallel_loop3A_843 = arith.constant 0 : i32
    scf.for %parallel_loop3A_1407 = %parallel_loop3A_840 to %parallel_loop3A_841 step %parallel_loop3A_842  : i32 {
      %parallel_loop3A_1408 = arith.addi %parallel_loop3A_843, %parallel_loop3A_1407 : i32
      %parallel_loop3A_1409 = arith.index_cast %parallel_loop3A_1408 : i32 to index
      %parallel_loop3A_1410 = tpu.vector_load %arg5[%parallel_loop3A_1409] {strides = array<i32>} : memref<32400xi32, #tpu.memory_space<vmem>>, vector<16xi32>,
      %parallel_loop3A_1411 = tpu.vector_load_idx %arg7[%parallel_loop3A_1410] : memref<19328xf32, #tpu.memory_space<vmem>>[vector<16xi32>], vector<16xf32>,
      %parallel_loop3A_1412 = arith.index_cast %parallel_loop3A_1407 : i32 to index
      %parallel_loop3A_1413 = tpu.vector_load %arg8[%parallel_loop3A_1412] {strides = array<i32>} : memref<16160xf32, #tpu.memory_space<vmem>>, vector<16xf32>,
      tpu.vector_store %arg8[%parallel_loop3A_1412], %parallel_loop3A_1411 {strides = array<i32>} : memref<16160xf32, #tpu.memory_space<vmem>>, vector<16xf32>,
    } {sc.loop_unroll_factor = 5 : i64, sc.parallel_access}
    %add3A_844 = arith.constant 19699200 : i32
    %add3A_845 = arith.addi %add3A_844, %mul3A_2 : i32
    %add3A_846 = arith.constant 0 : i32
    %add3A_847 = arith.addi %add3A_845, %add3A_846 : i32
    %multiple_of3A_848 = tpu.assume_multiple %add3A_847, 8 : i32
    %dma_start3A_849 = tpu.memref_slice %arg4[%multiple_of3A_848] : memref<33177600xf32, #tpu.memory_space<hbm>> -> memref<16160xf32, #tpu.memory_space<hbm>>
    %dma_start3A_850 = tpu.memref_slice %arg4[%multiple_of3A_848] : memref<33177600xf32, #tpu.memory_space<hbm>> -> memref<16160xf32, #tpu.memory_space<hbm>>
    tpu.enqueue_dma source(%arg8 : memref<16160xf32, #tpu.memory_space<vmem>>) target(%dma_start3A_850 : memref<16160xf32, #tpu.memory_space<hbm>>) target_semaphore(%arg12 : memref<!tpu.dma_semaphore, #tpu.memory_space<semaphore_mem>>)
    %add3A_851 = arith.constant 18662400 : i32
    %add3A_852 = arith.addi %add3A_851, %mul3A_2 : i32
    %add3A_853 = arith.constant 16160 : i32
    %add3A_854 = arith.addi %add3A_852, %add3A_853 : i32
    %multiple_of3A_855 = tpu.assume_multiple %add3A_854, 8 : i32
    %dma_wait3A_856 = tpu.memref_slice %arg4[%multiple_of3A_855] : memref<33177600xf32, #tpu.memory_space<hbm>> -> memref<16240xf32, #tpu.memory_space<hbm>>
    %dma_wait3A_857 = tpu.memref_slice %arg4[%multiple_of3A_855] : memref<33177600xf32, #tpu.memory_space<hbm>> -> memref<16240xf32, #tpu.memory_space<hbm>>
    tpu.wait_dma2 semaphore(%arg13 : memref<!tpu.dma_semaphore, #tpu.memory_space<semaphore_mem>>) src(%arg9 : memref<16240xf32, #tpu.memory_space<vmem>>) dst(%dma_wait3A_857 : memref<16240xf32, #tpu.memory_space<hbm>>)
    %parallel_loop3A_858 = arith.constant 0 : i32
    %parallel_loop3A_859 = arith.constant 16240 : i32
    %parallel_loop3A_860 = arith.constant 16 : i32
    %parallel_loop3A_861 = arith.constant 16160 : i32
    scf.for %parallel_loop3A_1407 = %parallel_loop3A_858 to %parallel_loop3A_859 step %parallel_loop3A_860  : i32 {
      %parallel_loop3A_1408 = arith.addi %parallel_loop3A_861, %parallel_loop3A_1407 : i32
      %parallel_loop3A_1409 = arith.index_cast %parallel_loop3A_1408 : i32 to index
      %parallel_loop3A_1410 = tpu.vector_load %arg5[%parallel_loop3A_1409] {strides = array<i32>} : memref<32400xi32, #tpu.memory_space<vmem>>, vector<16xi32>,
      %parallel_loop3A_1411 = tpu.vector_load_idx %arg7[%parallel_loop3A_1410] : memref<19328xf32, #tpu.memory_space<vmem>>[vector<16xi32>], vector<16xf32>,
      %parallel_loop3A_1412 = arith.index_cast %parallel_loop3A_1407 : i32 to index
      %parallel_loop3A_1413 = tpu.vector_load %arg9[%parallel_loop3A_1412] {strides = array<i32>} : memref<16240xf32, #tpu.memory_space<vmem>>, vector<16xf32>,
      tpu.vector_store %arg9[%parallel_loop3A_1412], %parallel_loop3A_1411 {strides = array<i32>} : memref<16240xf32, #tpu.memory_space<vmem>>, vector<16xf32>,
    } {sc.loop_unroll_factor = 5 : i64, sc.parallel_access}
    %add3A_862 = arith.constant 19699200 : i32
    %add3A_863 = arith.addi %add3A_862, %mul3A_2 : i32
    %add3A_864 = arith.constant 16160 : i32
    %add3A_865 = arith.addi %add3A_863, %add3A_864 : i32
    %multiple_of3A_866 = tpu.assume_multiple %add3A_865, 8 : i32
    %dma_start3A_867 = tpu.memref_slice %arg4[%multiple_of3A_866] : memref<33177600xf32, #tpu.memory_space<hbm>> -> memref<16240xf32, #tpu.memory_space<hbm>>
    %dma_start3A_868 = tpu.memref_slice %arg4[%multiple_of3A_866] : memref<33177600xf32, #tpu.memory_space<hbm>> -> memref<16240xf32, #tpu.memory_space<hbm>>
    tpu.enqueue_dma source(%arg9 : memref<16240xf32, #tpu.memory_space<vmem>>) target(%dma_start3A_868 : memref<16240xf32, #tpu.memory_space<hbm>>) target_semaphore(%arg13 : memref<!tpu.dma_semaphore, #tpu.memory_space<semaphore_mem>>)
    %multiple_of3A_869 = arith.constant 386560 : i32
    %multiple_of3A_870 = tpu.assume_multiple %multiple_of3A_869, 8 : i32
    %dma_wait3A_871 = tpu.memref_slice %arg2[%multiple_of3A_870] : memref<618496xf32, #tpu.memory_space<hbm>> -> memref<19328xf32, #tpu.memory_space<hbm>>
    %dma_wait3A_872 = tpu.memref_slice %arg2[%multiple_of3A_870] : memref<618496xf32, #tpu.memory_space<hbm>> -> memref<19328xf32, #tpu.memory_space<hbm>>
    tpu.wait_dma2 semaphore(%arg10 : memref<!tpu.dma_semaphore, #tpu.memory_space<semaphore_mem>>) src(%dma_wait3A_872 : memref<19328xf32, #tpu.memory_space<hbm>>) dst(%arg6 : memref<19328xf32, #tpu.memory_space<vmem>>)
    %multiple_of3A_873 = arith.constant 405888 : i32
    %multiple_of3A_874 = tpu.assume_multiple %multiple_of3A_873, 8 : i32
    %dma_start3A_875 = tpu.memref_slice %arg2[%multiple_of3A_874] : memref<618496xf32, #tpu.memory_space<hbm>> -> memref<19328xf32, #tpu.memory_space<hbm>>
    %dma_start3A_876 = tpu.memref_slice %arg2[%multiple_of3A_874] : memref<618496xf32, #tpu.memory_space<hbm>> -> memref<19328xf32, #tpu.memory_space<hbm>>
    tpu.enqueue_dma source(%dma_start3A_876 : memref<19328xf32, #tpu.memory_space<hbm>>) target(%arg7 : memref<19328xf32, #tpu.memory_space<vmem>>) target_semaphore(%arg11 : memref<!tpu.dma_semaphore, #tpu.memory_space<semaphore_mem>>)
    %add3A_877 = arith.constant 19699200 : i32
    %add3A_878 = arith.addi %add3A_877, %mul3A_2 : i32
    %add3A_879 = arith.constant 0 : i32
    %add3A_880 = arith.addi %add3A_878, %add3A_879 : i32
    %multiple_of3A_881 = tpu.assume_multiple %add3A_880, 8 : i32
    %dma_wait3A_882 = tpu.memref_slice %arg4[%multiple_of3A_881] : memref<33177600xf32, #tpu.memory_space<hbm>> -> memref<16160xf32, #tpu.memory_space<hbm>>
    %dma_wait3A_883 = tpu.memref_slice %arg4[%multiple_of3A_881] : memref<33177600xf32, #tpu.memory_space<hbm>> -> memref<16160xf32, #tpu.memory_space<hbm>>
    tpu.wait_dma2 semaphore(%arg12 : memref<!tpu.dma_semaphore, #tpu.memory_space<semaphore_mem>>) src(%arg8 : memref<16160xf32, #tpu.memory_space<vmem>>) dst(%dma_wait3A_883 : memref<16160xf32, #tpu.memory_space<hbm>>)
    %parallel_loop3A_884 = arith.constant 0 : i32
    %parallel_loop3A_885 = arith.constant 16160 : i32
    %parallel_loop3A_886 = arith.constant 16 : i32
    %parallel_loop3A_887 = arith.constant 0 : i32
    scf.for %parallel_loop3A_1407 = %parallel_loop3A_884 to %parallel_loop3A_885 step %parallel_loop3A_886  : i32 {
      %parallel_loop3A_1408 = arith.addi %parallel_loop3A_887, %parallel_loop3A_1407 : i32
      %parallel_loop3A_1409 = arith.index_cast %parallel_loop3A_1408 : i32 to index
      %parallel_loop3A_1410 = tpu.vector_load %arg5[%parallel_loop3A_1409] {strides = array<i32>} : memref<32400xi32, #tpu.memory_space<vmem>>, vector<16xi32>,
      %parallel_loop3A_1411 = tpu.vector_load_idx %arg6[%parallel_loop3A_1410] : memref<19328xf32, #tpu.memory_space<vmem>>[vector<16xi32>], vector<16xf32>,
      %parallel_loop3A_1412 = arith.index_cast %parallel_loop3A_1407 : i32 to index
      %parallel_loop3A_1413 = tpu.vector_load %arg8[%parallel_loop3A_1412] {strides = array<i32>} : memref<16160xf32, #tpu.memory_space<vmem>>, vector<16xf32>,
      tpu.vector_store %arg8[%parallel_loop3A_1412], %parallel_loop3A_1411 {strides = array<i32>} : memref<16160xf32, #tpu.memory_space<vmem>>, vector<16xf32>,
    } {sc.loop_unroll_factor = 5 : i64, sc.parallel_access}
    %add3A_888 = arith.constant 20736000 : i32
    %add3A_889 = arith.addi %add3A_888, %mul3A_2 : i32
    %add3A_890 = arith.constant 0 : i32
    %add3A_891 = arith.addi %add3A_889, %add3A_890 : i32
    %multiple_of3A_892 = tpu.assume_multiple %add3A_891, 8 : i32
    %dma_start3A_893 = tpu.memref_slice %arg4[%multiple_of3A_892] : memref<33177600xf32, #tpu.memory_space<hbm>> -> memref<16160xf32, #tpu.memory_space<hbm>>
    %dma_start3A_894 = tpu.memref_slice %arg4[%multiple_of3A_892] : memref<33177600xf32, #tpu.memory_space<hbm>> -> memref<16160xf32, #tpu.memory_space<hbm>>
    tpu.enqueue_dma source(%arg8 : memref<16160xf32, #tpu.memory_space<vmem>>) target(%dma_start3A_894 : memref<16160xf32, #tpu.memory_space<hbm>>) target_semaphore(%arg12 : memref<!tpu.dma_semaphore, #tpu.memory_space<semaphore_mem>>)
    %add3A_895 = arith.constant 19699200 : i32
    %add3A_896 = arith.addi %add3A_895, %mul3A_2 : i32
    %add3A_897 = arith.constant 16160 : i32
    %add3A_898 = arith.addi %add3A_896, %add3A_897 : i32
    %multiple_of3A_899 = tpu.assume_multiple %add3A_898, 8 : i32
    %dma_wait3A_900 = tpu.memref_slice %arg4[%multiple_of3A_899] : memref<33177600xf32, #tpu.memory_space<hbm>> -> memref<16240xf32, #tpu.memory_space<hbm>>
    %dma_wait3A_901 = tpu.memref_slice %arg4[%multiple_of3A_899] : memref<33177600xf32, #tpu.memory_space<hbm>> -> memref<16240xf32, #tpu.memory_space<hbm>>
    tpu.wait_dma2 semaphore(%arg13 : memref<!tpu.dma_semaphore, #tpu.memory_space<semaphore_mem>>) src(%arg9 : memref<16240xf32, #tpu.memory_space<vmem>>) dst(%dma_wait3A_901 : memref<16240xf32, #tpu.memory_space<hbm>>)
    %parallel_loop3A_902 = arith.constant 0 : i32
    %parallel_loop3A_903 = arith.constant 16240 : i32
    %parallel_loop3A_904 = arith.constant 16 : i32
    %parallel_loop3A_905 = arith.constant 16160 : i32
    scf.for %parallel_loop3A_1407 = %parallel_loop3A_902 to %parallel_loop3A_903 step %parallel_loop3A_904  : i32 {
      %parallel_loop3A_1408 = arith.addi %parallel_loop3A_905, %parallel_loop3A_1407 : i32
      %parallel_loop3A_1409 = arith.index_cast %parallel_loop3A_1408 : i32 to index
      %parallel_loop3A_1410 = tpu.vector_load %arg5[%parallel_loop3A_1409] {strides = array<i32>} : memref<32400xi32, #tpu.memory_space<vmem>>, vector<16xi32>,
      %parallel_loop3A_1411 = tpu.vector_load_idx %arg6[%parallel_loop3A_1410] : memref<19328xf32, #tpu.memory_space<vmem>>[vector<16xi32>], vector<16xf32>,
      %parallel_loop3A_1412 = arith.index_cast %parallel_loop3A_1407 : i32 to index
      %parallel_loop3A_1413 = tpu.vector_load %arg9[%parallel_loop3A_1412] {strides = array<i32>} : memref<16240xf32, #tpu.memory_space<vmem>>, vector<16xf32>,
      tpu.vector_store %arg9[%parallel_loop3A_1412], %parallel_loop3A_1411 {strides = array<i32>} : memref<16240xf32, #tpu.memory_space<vmem>>, vector<16xf32>,
    } {sc.loop_unroll_factor = 5 : i64, sc.parallel_access}
    %add3A_906 = arith.constant 20736000 : i32
    %add3A_907 = arith.addi %add3A_906, %mul3A_2 : i32
    %add3A_908 = arith.constant 16160 : i32
    %add3A_909 = arith.addi %add3A_907, %add3A_908 : i32
    %multiple_of3A_910 = tpu.assume_multiple %add3A_909, 8 : i32
    %dma_start3A_911 = tpu.memref_slice %arg4[%multiple_of3A_910] : memref<33177600xf32, #tpu.memory_space<hbm>> -> memref<16240xf32, #tpu.memory_space<hbm>>
    %dma_start3A_912 = tpu.memref_slice %arg4[%multiple_of3A_910] : memref<33177600xf32, #tpu.memory_space<hbm>> -> memref<16240xf32, #tpu.memory_space<hbm>>
    tpu.enqueue_dma source(%arg9 : memref<16240xf32, #tpu.memory_space<vmem>>) target(%dma_start3A_912 : memref<16240xf32, #tpu.memory_space<hbm>>) target_semaphore(%arg13 : memref<!tpu.dma_semaphore, #tpu.memory_space<semaphore_mem>>)
    %multiple_of3A_913 = arith.constant 405888 : i32
    %multiple_of3A_914 = tpu.assume_multiple %multiple_of3A_913, 8 : i32
    %dma_wait3A_915 = tpu.memref_slice %arg2[%multiple_of3A_914] : memref<618496xf32, #tpu.memory_space<hbm>> -> memref<19328xf32, #tpu.memory_space<hbm>>
    %dma_wait3A_916 = tpu.memref_slice %arg2[%multiple_of3A_914] : memref<618496xf32, #tpu.memory_space<hbm>> -> memref<19328xf32, #tpu.memory_space<hbm>>
    tpu.wait_dma2 semaphore(%arg11 : memref<!tpu.dma_semaphore, #tpu.memory_space<semaphore_mem>>) src(%dma_wait3A_916 : memref<19328xf32, #tpu.memory_space<hbm>>) dst(%arg7 : memref<19328xf32, #tpu.memory_space<vmem>>)
    %multiple_of3A_917 = arith.constant 425216 : i32
    %multiple_of3A_918 = tpu.assume_multiple %multiple_of3A_917, 8 : i32
    %dma_start3A_919 = tpu.memref_slice %arg2[%multiple_of3A_918] : memref<618496xf32, #tpu.memory_space<hbm>> -> memref<19328xf32, #tpu.memory_space<hbm>>
    %dma_start3A_920 = tpu.memref_slice %arg2[%multiple_of3A_918] : memref<618496xf32, #tpu.memory_space<hbm>> -> memref<19328xf32, #tpu.memory_space<hbm>>
    tpu.enqueue_dma source(%dma_start3A_920 : memref<19328xf32, #tpu.memory_space<hbm>>) target(%arg6 : memref<19328xf32, #tpu.memory_space<vmem>>) target_semaphore(%arg10 : memref<!tpu.dma_semaphore, #tpu.memory_space<semaphore_mem>>)
    %add3A_921 = arith.constant 20736000 : i32
    %add3A_922 = arith.addi %add3A_921, %mul3A_2 : i32
    %add3A_923 = arith.constant 0 : i32
    %add3A_924 = arith.addi %add3A_922, %add3A_923 : i32
    %multiple_of3A_925 = tpu.assume_multiple %add3A_924, 8 : i32
    %dma_wait3A_926 = tpu.memref_slice %arg4[%multiple_of3A_925] : memref<33177600xf32, #tpu.memory_space<hbm>> -> memref<16160xf32, #tpu.memory_space<hbm>>
    %dma_wait3A_927 = tpu.memref_slice %arg4[%multiple_of3A_925] : memref<33177600xf32, #tpu.memory_space<hbm>> -> memref<16160xf32, #tpu.memory_space<hbm>>
    tpu.wait_dma2 semaphore(%arg12 : memref<!tpu.dma_semaphore, #tpu.memory_space<semaphore_mem>>) src(%arg8 : memref<16160xf32, #tpu.memory_space<vmem>>) dst(%dma_wait3A_927 : memref<16160xf32, #tpu.memory_space<hbm>>)
    %parallel_loop3A_928 = arith.constant 0 : i32
    %parallel_loop3A_929 = arith.constant 16160 : i32
    %parallel_loop3A_930 = arith.constant 16 : i32
    %parallel_loop3A_931 = arith.constant 0 : i32
    scf.for %parallel_loop3A_1407 = %parallel_loop3A_928 to %parallel_loop3A_929 step %parallel_loop3A_930  : i32 {
      %parallel_loop3A_1408 = arith.addi %parallel_loop3A_931, %parallel_loop3A_1407 : i32
      %parallel_loop3A_1409 = arith.index_cast %parallel_loop3A_1408 : i32 to index
      %parallel_loop3A_1410 = tpu.vector_load %arg5[%parallel_loop3A_1409] {strides = array<i32>} : memref<32400xi32, #tpu.memory_space<vmem>>, vector<16xi32>,
      %parallel_loop3A_1411 = tpu.vector_load_idx %arg7[%parallel_loop3A_1410] : memref<19328xf32, #tpu.memory_space<vmem>>[vector<16xi32>], vector<16xf32>,
      %parallel_loop3A_1412 = arith.index_cast %parallel_loop3A_1407 : i32 to index
      %parallel_loop3A_1413 = tpu.vector_load %arg8[%parallel_loop3A_1412] {strides = array<i32>} : memref<16160xf32, #tpu.memory_space<vmem>>, vector<16xf32>,
      tpu.vector_store %arg8[%parallel_loop3A_1412], %parallel_loop3A_1411 {strides = array<i32>} : memref<16160xf32, #tpu.memory_space<vmem>>, vector<16xf32>,
    } {sc.loop_unroll_factor = 5 : i64, sc.parallel_access}
    %add3A_932 = arith.constant 21772800 : i32
    %add3A_933 = arith.addi %add3A_932, %mul3A_2 : i32
    %add3A_934 = arith.constant 0 : i32
    %add3A_935 = arith.addi %add3A_933, %add3A_934 : i32
    %multiple_of3A_936 = tpu.assume_multiple %add3A_935, 8 : i32
    %dma_start3A_937 = tpu.memref_slice %arg4[%multiple_of3A_936] : memref<33177600xf32, #tpu.memory_space<hbm>> -> memref<16160xf32, #tpu.memory_space<hbm>>
    %dma_start3A_938 = tpu.memref_slice %arg4[%multiple_of3A_936] : memref<33177600xf32, #tpu.memory_space<hbm>> -> memref<16160xf32, #tpu.memory_space<hbm>>
    tpu.enqueue_dma source(%arg8 : memref<16160xf32, #tpu.memory_space<vmem>>) target(%dma_start3A_938 : memref<16160xf32, #tpu.memory_space<hbm>>) target_semaphore(%arg12 : memref<!tpu.dma_semaphore, #tpu.memory_space<semaphore_mem>>)
    %add3A_939 = arith.constant 20736000 : i32
    %add3A_940 = arith.addi %add3A_939, %mul3A_2 : i32
    %add3A_941 = arith.constant 16160 : i32
    %add3A_942 = arith.addi %add3A_940, %add3A_941 : i32
    %multiple_of3A_943 = tpu.assume_multiple %add3A_942, 8 : i32
    %dma_wait3A_944 = tpu.memref_slice %arg4[%multiple_of3A_943] : memref<33177600xf32, #tpu.memory_space<hbm>> -> memref<16240xf32, #tpu.memory_space<hbm>>
    %dma_wait3A_945 = tpu.memref_slice %arg4[%multiple_of3A_943] : memref<33177600xf32, #tpu.memory_space<hbm>> -> memref<16240xf32, #tpu.memory_space<hbm>>
    tpu.wait_dma2 semaphore(%arg13 : memref<!tpu.dma_semaphore, #tpu.memory_space<semaphore_mem>>) src(%arg9 : memref<16240xf32, #tpu.memory_space<vmem>>) dst(%dma_wait3A_945 : memref<16240xf32, #tpu.memory_space<hbm>>)
    %parallel_loop3A_946 = arith.constant 0 : i32
    %parallel_loop3A_947 = arith.constant 16240 : i32
    %parallel_loop3A_948 = arith.constant 16 : i32
    %parallel_loop3A_949 = arith.constant 16160 : i32
    scf.for %parallel_loop3A_1407 = %parallel_loop3A_946 to %parallel_loop3A_947 step %parallel_loop3A_948  : i32 {
      %parallel_loop3A_1408 = arith.addi %parallel_loop3A_949, %parallel_loop3A_1407 : i32
      %parallel_loop3A_1409 = arith.index_cast %parallel_loop3A_1408 : i32 to index
      %parallel_loop3A_1410 = tpu.vector_load %arg5[%parallel_loop3A_1409] {strides = array<i32>} : memref<32400xi32, #tpu.memory_space<vmem>>, vector<16xi32>,
      %parallel_loop3A_1411 = tpu.vector_load_idx %arg7[%parallel_loop3A_1410] : memref<19328xf32, #tpu.memory_space<vmem>>[vector<16xi32>], vector<16xf32>,
      %parallel_loop3A_1412 = arith.index_cast %parallel_loop3A_1407 : i32 to index
      %parallel_loop3A_1413 = tpu.vector_load %arg9[%parallel_loop3A_1412] {strides = array<i32>} : memref<16240xf32, #tpu.memory_space<vmem>>, vector<16xf32>,
      tpu.vector_store %arg9[%parallel_loop3A_1412], %parallel_loop3A_1411 {strides = array<i32>} : memref<16240xf32, #tpu.memory_space<vmem>>, vector<16xf32>,
    } {sc.loop_unroll_factor = 5 : i64, sc.parallel_access}
    %add3A_950 = arith.constant 21772800 : i32
    %add3A_951 = arith.addi %add3A_950, %mul3A_2 : i32
    %add3A_952 = arith.constant 16160 : i32
    %add3A_953 = arith.addi %add3A_951, %add3A_952 : i32
    %multiple_of3A_954 = tpu.assume_multiple %add3A_953, 8 : i32
    %dma_start3A_955 = tpu.memref_slice %arg4[%multiple_of3A_954] : memref<33177600xf32, #tpu.memory_space<hbm>> -> memref<16240xf32, #tpu.memory_space<hbm>>
    %dma_start3A_956 = tpu.memref_slice %arg4[%multiple_of3A_954] : memref<33177600xf32, #tpu.memory_space<hbm>> -> memref<16240xf32, #tpu.memory_space<hbm>>
    tpu.enqueue_dma source(%arg9 : memref<16240xf32, #tpu.memory_space<vmem>>) target(%dma_start3A_956 : memref<16240xf32, #tpu.memory_space<hbm>>) target_semaphore(%arg13 : memref<!tpu.dma_semaphore, #tpu.memory_space<semaphore_mem>>)
    %multiple_of3A_957 = arith.constant 425216 : i32
    %multiple_of3A_958 = tpu.assume_multiple %multiple_of3A_957, 8 : i32
    %dma_wait3A_959 = tpu.memref_slice %arg2[%multiple_of3A_958] : memref<618496xf32, #tpu.memory_space<hbm>> -> memref<19328xf32, #tpu.memory_space<hbm>>
    %dma_wait3A_960 = tpu.memref_slice %arg2[%multiple_of3A_958] : memref<618496xf32, #tpu.memory_space<hbm>> -> memref<19328xf32, #tpu.memory_space<hbm>>
    tpu.wait_dma2 semaphore(%arg10 : memref<!tpu.dma_semaphore, #tpu.memory_space<semaphore_mem>>) src(%dma_wait3A_960 : memref<19328xf32, #tpu.memory_space<hbm>>) dst(%arg6 : memref<19328xf32, #tpu.memory_space<vmem>>)
    %multiple_of3A_961 = arith.constant 444544 : i32
    %multiple_of3A_962 = tpu.assume_multiple %multiple_of3A_961, 8 : i32
    %dma_start3A_963 = tpu.memref_slice %arg2[%multiple_of3A_962] : memref<618496xf32, #tpu.memory_space<hbm>> -> memref<19328xf32, #tpu.memory_space<hbm>>
    %dma_start3A_964 = tpu.memref_slice %arg2[%multiple_of3A_962] : memref<618496xf32, #tpu.memory_space<hbm>> -> memref<19328xf32, #tpu.memory_space<hbm>>
    tpu.enqueue_dma source(%dma_start3A_964 : memref<19328xf32, #tpu.memory_space<hbm>>) target(%arg7 : memref<19328xf32, #tpu.memory_space<vmem>>) target_semaphore(%arg11 : memref<!tpu.dma_semaphore, #tpu.memory_space<semaphore_mem>>)
    %add3A_965 = arith.constant 21772800 : i32
    %add3A_966 = arith.addi %add3A_965, %mul3A_2 : i32
    %add3A_967 = arith.constant 0 : i32
    %add3A_968 = arith.addi %add3A_966, %add3A_967 : i32
    %multiple_of3A_969 = tpu.assume_multiple %add3A_968, 8 : i32
    %dma_wait3A_970 = tpu.memref_slice %arg4[%multiple_of3A_969] : memref<33177600xf32, #tpu.memory_space<hbm>> -> memref<16160xf32, #tpu.memory_space<hbm>>
    %dma_wait3A_971 = tpu.memref_slice %arg4[%multiple_of3A_969] : memref<33177600xf32, #tpu.memory_space<hbm>> -> memref<16160xf32, #tpu.memory_space<hbm>>
    tpu.wait_dma2 semaphore(%arg12 : memref<!tpu.dma_semaphore, #tpu.memory_space<semaphore_mem>>) src(%arg8 : memref<16160xf32, #tpu.memory_space<vmem>>) dst(%dma_wait3A_971 : memref<16160xf32, #tpu.memory_space<hbm>>)
    %parallel_loop3A_972 = arith.constant 0 : i32
    %parallel_loop3A_973 = arith.constant 16160 : i32
    %parallel_loop3A_974 = arith.constant 16 : i32
    %parallel_loop3A_975 = arith.constant 0 : i32
    scf.for %parallel_loop3A_1407 = %parallel_loop3A_972 to %parallel_loop3A_973 step %parallel_loop3A_974  : i32 {
      %parallel_loop3A_1408 = arith.addi %parallel_loop3A_975, %parallel_loop3A_1407 : i32
      %parallel_loop3A_1409 = arith.index_cast %parallel_loop3A_1408 : i32 to index
      %parallel_loop3A_1410 = tpu.vector_load %arg5[%parallel_loop3A_1409] {strides = array<i32>} : memref<32400xi32, #tpu.memory_space<vmem>>, vector<16xi32>,
      %parallel_loop3A_1411 = tpu.vector_load_idx %arg6[%parallel_loop3A_1410] : memref<19328xf32, #tpu.memory_space<vmem>>[vector<16xi32>], vector<16xf32>,
      %parallel_loop3A_1412 = arith.index_cast %parallel_loop3A_1407 : i32 to index
      %parallel_loop3A_1413 = tpu.vector_load %arg8[%parallel_loop3A_1412] {strides = array<i32>} : memref<16160xf32, #tpu.memory_space<vmem>>, vector<16xf32>,
      tpu.vector_store %arg8[%parallel_loop3A_1412], %parallel_loop3A_1411 {strides = array<i32>} : memref<16160xf32, #tpu.memory_space<vmem>>, vector<16xf32>,
    } {sc.loop_unroll_factor = 5 : i64, sc.parallel_access}
    %add3A_976 = arith.constant 22809600 : i32
    %add3A_977 = arith.addi %add3A_976, %mul3A_2 : i32
    %add3A_978 = arith.constant 0 : i32
    %add3A_979 = arith.addi %add3A_977, %add3A_978 : i32
    %multiple_of3A_980 = tpu.assume_multiple %add3A_979, 8 : i32
    %dma_start3A_981 = tpu.memref_slice %arg4[%multiple_of3A_980] : memref<33177600xf32, #tpu.memory_space<hbm>> -> memref<16160xf32, #tpu.memory_space<hbm>>
    %dma_start3A_982 = tpu.memref_slice %arg4[%multiple_of3A_980] : memref<33177600xf32, #tpu.memory_space<hbm>> -> memref<16160xf32, #tpu.memory_space<hbm>>
    tpu.enqueue_dma source(%arg8 : memref<16160xf32, #tpu.memory_space<vmem>>) target(%dma_start3A_982 : memref<16160xf32, #tpu.memory_space<hbm>>) target_semaphore(%arg12 : memref<!tpu.dma_semaphore, #tpu.memory_space<semaphore_mem>>)
    %add3A_983 = arith.constant 21772800 : i32
    %add3A_984 = arith.addi %add3A_983, %mul3A_2 : i32
    %add3A_985 = arith.constant 16160 : i32
    %add3A_986 = arith.addi %add3A_984, %add3A_985 : i32
    %multiple_of3A_987 = tpu.assume_multiple %add3A_986, 8 : i32
    %dma_wait3A_988 = tpu.memref_slice %arg4[%multiple_of3A_987] : memref<33177600xf32, #tpu.memory_space<hbm>> -> memref<16240xf32, #tpu.memory_space<hbm>>
    %dma_wait3A_989 = tpu.memref_slice %arg4[%multiple_of3A_987] : memref<33177600xf32, #tpu.memory_space<hbm>> -> memref<16240xf32, #tpu.memory_space<hbm>>
    tpu.wait_dma2 semaphore(%arg13 : memref<!tpu.dma_semaphore, #tpu.memory_space<semaphore_mem>>) src(%arg9 : memref<16240xf32, #tpu.memory_space<vmem>>) dst(%dma_wait3A_989 : memref<16240xf32, #tpu.memory_space<hbm>>)
    %parallel_loop3A_990 = arith.constant 0 : i32
    %parallel_loop3A_991 = arith.constant 16240 : i32
    %parallel_loop3A_992 = arith.constant 16 : i32
    %parallel_loop3A_993 = arith.constant 16160 : i32
    scf.for %parallel_loop3A_1407 = %parallel_loop3A_990 to %parallel_loop3A_991 step %parallel_loop3A_992  : i32 {
      %parallel_loop3A_1408 = arith.addi %parallel_loop3A_993, %parallel_loop3A_1407 : i32
      %parallel_loop3A_1409 = arith.index_cast %parallel_loop3A_1408 : i32 to index
      %parallel_loop3A_1410 = tpu.vector_load %arg5[%parallel_loop3A_1409] {strides = array<i32>} : memref<32400xi32, #tpu.memory_space<vmem>>, vector<16xi32>,
      %parallel_loop3A_1411 = tpu.vector_load_idx %arg6[%parallel_loop3A_1410] : memref<19328xf32, #tpu.memory_space<vmem>>[vector<16xi32>], vector<16xf32>,
      %parallel_loop3A_1412 = arith.index_cast %parallel_loop3A_1407 : i32 to index
      %parallel_loop3A_1413 = tpu.vector_load %arg9[%parallel_loop3A_1412] {strides = array<i32>} : memref<16240xf32, #tpu.memory_space<vmem>>, vector<16xf32>,
      tpu.vector_store %arg9[%parallel_loop3A_1412], %parallel_loop3A_1411 {strides = array<i32>} : memref<16240xf32, #tpu.memory_space<vmem>>, vector<16xf32>,
    } {sc.loop_unroll_factor = 5 : i64, sc.parallel_access}
    %add3A_994 = arith.constant 22809600 : i32
    %add3A_995 = arith.addi %add3A_994, %mul3A_2 : i32
    %add3A_996 = arith.constant 16160 : i32
    %add3A_997 = arith.addi %add3A_995, %add3A_996 : i32
    %multiple_of3A_998 = tpu.assume_multiple %add3A_997, 8 : i32
    %dma_start3A_999 = tpu.memref_slice %arg4[%multiple_of3A_998] : memref<33177600xf32, #tpu.memory_space<hbm>> -> memref<16240xf32, #tpu.memory_space<hbm>>
    %dma_start3A_1000 = tpu.memref_slice %arg4[%multiple_of3A_998] : memref<33177600xf32, #tpu.memory_space<hbm>> -> memref<16240xf32, #tpu.memory_space<hbm>>
    tpu.enqueue_dma source(%arg9 : memref<16240xf32, #tpu.memory_space<vmem>>) target(%dma_start3A_1000 : memref<16240xf32, #tpu.memory_space<hbm>>) target_semaphore(%arg13 : memref<!tpu.dma_semaphore, #tpu.memory_space<semaphore_mem>>)
    %multiple_of3A_1001 = arith.constant 444544 : i32
    %multiple_of3A_1002 = tpu.assume_multiple %multiple_of3A_1001, 8 : i32
    %dma_wait3A_1003 = tpu.memref_slice %arg2[%multiple_of3A_1002] : memref<618496xf32, #tpu.memory_space<hbm>> -> memref<19328xf32, #tpu.memory_space<hbm>>
    %dma_wait3A_1004 = tpu.memref_slice %arg2[%multiple_of3A_1002] : memref<618496xf32, #tpu.memory_space<hbm>> -> memref<19328xf32, #tpu.memory_space<hbm>>
    tpu.wait_dma2 semaphore(%arg11 : memref<!tpu.dma_semaphore, #tpu.memory_space<semaphore_mem>>) src(%dma_wait3A_1004 : memref<19328xf32, #tpu.memory_space<hbm>>) dst(%arg7 : memref<19328xf32, #tpu.memory_space<vmem>>)
    %multiple_of3A_1005 = arith.constant 463872 : i32
    %multiple_of3A_1006 = tpu.assume_multiple %multiple_of3A_1005, 8 : i32
    %dma_start3A_1007 = tpu.memref_slice %arg2[%multiple_of3A_1006] : memref<618496xf32, #tpu.memory_space<hbm>> -> memref<19328xf32, #tpu.memory_space<hbm>>
    %dma_start3A_1008 = tpu.memref_slice %arg2[%multiple_of3A_1006] : memref<618496xf32, #tpu.memory_space<hbm>> -> memref<19328xf32, #tpu.memory_space<hbm>>
    tpu.enqueue_dma source(%dma_start3A_1008 : memref<19328xf32, #tpu.memory_space<hbm>>) target(%arg6 : memref<19328xf32, #tpu.memory_space<vmem>>) target_semaphore(%arg10 : memref<!tpu.dma_semaphore, #tpu.memory_space<semaphore_mem>>)
    %add3A_1009 = arith.constant 22809600 : i32
    %add3A_1010 = arith.addi %add3A_1009, %mul3A_2 : i32
    %add3A_1011 = arith.constant 0 : i32
    %add3A_1012 = arith.addi %add3A_1010, %add3A_1011 : i32
    %multiple_of3A_1013 = tpu.assume_multiple %add3A_1012, 8 : i32
    %dma_wait3A_1014 = tpu.memref_slice %arg4[%multiple_of3A_1013] : memref<33177600xf32, #tpu.memory_space<hbm>> -> memref<16160xf32, #tpu.memory_space<hbm>>
    %dma_wait3A_1015 = tpu.memref_slice %arg4[%multiple_of3A_1013] : memref<33177600xf32, #tpu.memory_space<hbm>> -> memref<16160xf32, #tpu.memory_space<hbm>>
    tpu.wait_dma2 semaphore(%arg12 : memref<!tpu.dma_semaphore, #tpu.memory_space<semaphore_mem>>) src(%arg8 : memref<16160xf32, #tpu.memory_space<vmem>>) dst(%dma_wait3A_1015 : memref<16160xf32, #tpu.memory_space<hbm>>)
    %parallel_loop3A_1016 = arith.constant 0 : i32
    %parallel_loop3A_1017 = arith.constant 16160 : i32
    %parallel_loop3A_1018 = arith.constant 16 : i32
    %parallel_loop3A_1019 = arith.constant 0 : i32
    scf.for %parallel_loop3A_1407 = %parallel_loop3A_1016 to %parallel_loop3A_1017 step %parallel_loop3A_1018  : i32 {
      %parallel_loop3A_1408 = arith.addi %parallel_loop3A_1019, %parallel_loop3A_1407 : i32
      %parallel_loop3A_1409 = arith.index_cast %parallel_loop3A_1408 : i32 to index
      %parallel_loop3A_1410 = tpu.vector_load %arg5[%parallel_loop3A_1409] {strides = array<i32>} : memref<32400xi32, #tpu.memory_space<vmem>>, vector<16xi32>,
      %parallel_loop3A_1411 = tpu.vector_load_idx %arg7[%parallel_loop3A_1410] : memref<19328xf32, #tpu.memory_space<vmem>>[vector<16xi32>], vector<16xf32>,
      %parallel_loop3A_1412 = arith.index_cast %parallel_loop3A_1407 : i32 to index
      %parallel_loop3A_1413 = tpu.vector_load %arg8[%parallel_loop3A_1412] {strides = array<i32>} : memref<16160xf32, #tpu.memory_space<vmem>>, vector<16xf32>,
      tpu.vector_store %arg8[%parallel_loop3A_1412], %parallel_loop3A_1411 {strides = array<i32>} : memref<16160xf32, #tpu.memory_space<vmem>>, vector<16xf32>,
    } {sc.loop_unroll_factor = 5 : i64, sc.parallel_access}
    %add3A_1020 = arith.constant 23846400 : i32
    %add3A_1021 = arith.addi %add3A_1020, %mul3A_2 : i32
    %add3A_1022 = arith.constant 0 : i32
    %add3A_1023 = arith.addi %add3A_1021, %add3A_1022 : i32
    %multiple_of3A_1024 = tpu.assume_multiple %add3A_1023, 8 : i32
    %dma_start3A_1025 = tpu.memref_slice %arg4[%multiple_of3A_1024] : memref<33177600xf32, #tpu.memory_space<hbm>> -> memref<16160xf32, #tpu.memory_space<hbm>>
    %dma_start3A_1026 = tpu.memref_slice %arg4[%multiple_of3A_1024] : memref<33177600xf32, #tpu.memory_space<hbm>> -> memref<16160xf32, #tpu.memory_space<hbm>>
    tpu.enqueue_dma source(%arg8 : memref<16160xf32, #tpu.memory_space<vmem>>) target(%dma_start3A_1026 : memref<16160xf32, #tpu.memory_space<hbm>>) target_semaphore(%arg12 : memref<!tpu.dma_semaphore, #tpu.memory_space<semaphore_mem>>)
    %add3A_1027 = arith.constant 22809600 : i32
    %add3A_1028 = arith.addi %add3A_1027, %mul3A_2 : i32
    %add3A_1029 = arith.constant 16160 : i32
    %add3A_1030 = arith.addi %add3A_1028, %add3A_1029 : i32
    %multiple_of3A_1031 = tpu.assume_multiple %add3A_1030, 8 : i32
    %dma_wait3A_1032 = tpu.memref_slice %arg4[%multiple_of3A_1031] : memref<33177600xf32, #tpu.memory_space<hbm>> -> memref<16240xf32, #tpu.memory_space<hbm>>
    %dma_wait3A_1033 = tpu.memref_slice %arg4[%multiple_of3A_1031] : memref<33177600xf32, #tpu.memory_space<hbm>> -> memref<16240xf32, #tpu.memory_space<hbm>>
    tpu.wait_dma2 semaphore(%arg13 : memref<!tpu.dma_semaphore, #tpu.memory_space<semaphore_mem>>) src(%arg9 : memref<16240xf32, #tpu.memory_space<vmem>>) dst(%dma_wait3A_1033 : memref<16240xf32, #tpu.memory_space<hbm>>)
    %parallel_loop3A_1034 = arith.constant 0 : i32
    %parallel_loop3A_1035 = arith.constant 16240 : i32
    %parallel_loop3A_1036 = arith.constant 16 : i32
    %parallel_loop3A_1037 = arith.constant 16160 : i32
    scf.for %parallel_loop3A_1407 = %parallel_loop3A_1034 to %parallel_loop3A_1035 step %parallel_loop3A_1036  : i32 {
      %parallel_loop3A_1408 = arith.addi %parallel_loop3A_1037, %parallel_loop3A_1407 : i32
      %parallel_loop3A_1409 = arith.index_cast %parallel_loop3A_1408 : i32 to index
      %parallel_loop3A_1410 = tpu.vector_load %arg5[%parallel_loop3A_1409] {strides = array<i32>} : memref<32400xi32, #tpu.memory_space<vmem>>, vector<16xi32>,
      %parallel_loop3A_1411 = tpu.vector_load_idx %arg7[%parallel_loop3A_1410] : memref<19328xf32, #tpu.memory_space<vmem>>[vector<16xi32>], vector<16xf32>,
      %parallel_loop3A_1412 = arith.index_cast %parallel_loop3A_1407 : i32 to index
      %parallel_loop3A_1413 = tpu.vector_load %arg9[%parallel_loop3A_1412] {strides = array<i32>} : memref<16240xf32, #tpu.memory_space<vmem>>, vector<16xf32>,
      tpu.vector_store %arg9[%parallel_loop3A_1412], %parallel_loop3A_1411 {strides = array<i32>} : memref<16240xf32, #tpu.memory_space<vmem>>, vector<16xf32>,
    } {sc.loop_unroll_factor = 5 : i64, sc.parallel_access}
    %add3A_1038 = arith.constant 23846400 : i32
    %add3A_1039 = arith.addi %add3A_1038, %mul3A_2 : i32
    %add3A_1040 = arith.constant 16160 : i32
    %add3A_1041 = arith.addi %add3A_1039, %add3A_1040 : i32
    %multiple_of3A_1042 = tpu.assume_multiple %add3A_1041, 8 : i32
    %dma_start3A_1043 = tpu.memref_slice %arg4[%multiple_of3A_1042] : memref<33177600xf32, #tpu.memory_space<hbm>> -> memref<16240xf32, #tpu.memory_space<hbm>>
    %dma_start3A_1044 = tpu.memref_slice %arg4[%multiple_of3A_1042] : memref<33177600xf32, #tpu.memory_space<hbm>> -> memref<16240xf32, #tpu.memory_space<hbm>>
    tpu.enqueue_dma source(%arg9 : memref<16240xf32, #tpu.memory_space<vmem>>) target(%dma_start3A_1044 : memref<16240xf32, #tpu.memory_space<hbm>>) target_semaphore(%arg13 : memref<!tpu.dma_semaphore, #tpu.memory_space<semaphore_mem>>)
    %multiple_of3A_1045 = arith.constant 463872 : i32
    %multiple_of3A_1046 = tpu.assume_multiple %multiple_of3A_1045, 8 : i32
    %dma_wait3A_1047 = tpu.memref_slice %arg2[%multiple_of3A_1046] : memref<618496xf32, #tpu.memory_space<hbm>> -> memref<19328xf32, #tpu.memory_space<hbm>>
    %dma_wait3A_1048 = tpu.memref_slice %arg2[%multiple_of3A_1046] : memref<618496xf32, #tpu.memory_space<hbm>> -> memref<19328xf32, #tpu.memory_space<hbm>>
    tpu.wait_dma2 semaphore(%arg10 : memref<!tpu.dma_semaphore, #tpu.memory_space<semaphore_mem>>) src(%dma_wait3A_1048 : memref<19328xf32, #tpu.memory_space<hbm>>) dst(%arg6 : memref<19328xf32, #tpu.memory_space<vmem>>)
    %multiple_of3A_1049 = arith.constant 483200 : i32
    %multiple_of3A_1050 = tpu.assume_multiple %multiple_of3A_1049, 8 : i32
    %dma_start3A_1051 = tpu.memref_slice %arg2[%multiple_of3A_1050] : memref<618496xf32, #tpu.memory_space<hbm>> -> memref<19328xf32, #tpu.memory_space<hbm>>
    %dma_start3A_1052 = tpu.memref_slice %arg2[%multiple_of3A_1050] : memref<618496xf32, #tpu.memory_space<hbm>> -> memref<19328xf32, #tpu.memory_space<hbm>>
    tpu.enqueue_dma source(%dma_start3A_1052 : memref<19328xf32, #tpu.memory_space<hbm>>) target(%arg7 : memref<19328xf32, #tpu.memory_space<vmem>>) target_semaphore(%arg11 : memref<!tpu.dma_semaphore, #tpu.memory_space<semaphore_mem>>)
    %add3A_1053 = arith.constant 23846400 : i32
    %add3A_1054 = arith.addi %add3A_1053, %mul3A_2 : i32
    %add3A_1055 = arith.constant 0 : i32
    %add3A_1056 = arith.addi %add3A_1054, %add3A_1055 : i32
    %multiple_of3A_1057 = tpu.assume_multiple %add3A_1056, 8 : i32
    %dma_wait3A_1058 = tpu.memref_slice %arg4[%multiple_of3A_1057] : memref<33177600xf32, #tpu.memory_space<hbm>> -> memref<16160xf32, #tpu.memory_space<hbm>>
    %dma_wait3A_1059 = tpu.memref_slice %arg4[%multiple_of3A_1057] : memref<33177600xf32, #tpu.memory_space<hbm>> -> memref<16160xf32, #tpu.memory_space<hbm>>
    tpu.wait_dma2 semaphore(%arg12 : memref<!tpu.dma_semaphore, #tpu.memory_space<semaphore_mem>>) src(%arg8 : memref<16160xf32, #tpu.memory_space<vmem>>) dst(%dma_wait3A_1059 : memref<16160xf32, #tpu.memory_space<hbm>>)
    %parallel_loop3A_1060 = arith.constant 0 : i32
    %parallel_loop3A_1061 = arith.constant 16160 : i32
    %parallel_loop3A_1062 = arith.constant 16 : i32
    %parallel_loop3A_1063 = arith.constant 0 : i32
    scf.for %parallel_loop3A_1407 = %parallel_loop3A_1060 to %parallel_loop3A_1061 step %parallel_loop3A_1062  : i32 {
      %parallel_loop3A_1408 = arith.addi %parallel_loop3A_1063, %parallel_loop3A_1407 : i32
      %parallel_loop3A_1409 = arith.index_cast %parallel_loop3A_1408 : i32 to index
      %parallel_loop3A_1410 = tpu.vector_load %arg5[%parallel_loop3A_1409] {strides = array<i32>} : memref<32400xi32, #tpu.memory_space<vmem>>, vector<16xi32>,
      %parallel_loop3A_1411 = tpu.vector_load_idx %arg6[%parallel_loop3A_1410] : memref<19328xf32, #tpu.memory_space<vmem>>[vector<16xi32>], vector<16xf32>,
      %parallel_loop3A_1412 = arith.index_cast %parallel_loop3A_1407 : i32 to index
      %parallel_loop3A_1413 = tpu.vector_load %arg8[%parallel_loop3A_1412] {strides = array<i32>} : memref<16160xf32, #tpu.memory_space<vmem>>, vector<16xf32>,
      tpu.vector_store %arg8[%parallel_loop3A_1412], %parallel_loop3A_1411 {strides = array<i32>} : memref<16160xf32, #tpu.memory_space<vmem>>, vector<16xf32>,
    } {sc.loop_unroll_factor = 5 : i64, sc.parallel_access}
    %add3A_1064 = arith.constant 24883200 : i32
    %add3A_1065 = arith.addi %add3A_1064, %mul3A_2 : i32
    %add3A_1066 = arith.constant 0 : i32
    %add3A_1067 = arith.addi %add3A_1065, %add3A_1066 : i32
    %multiple_of3A_1068 = tpu.assume_multiple %add3A_1067, 8 : i32
    %dma_start3A_1069 = tpu.memref_slice %arg4[%multiple_of3A_1068] : memref<33177600xf32, #tpu.memory_space<hbm>> -> memref<16160xf32, #tpu.memory_space<hbm>>
    %dma_start3A_1070 = tpu.memref_slice %arg4[%multiple_of3A_1068] : memref<33177600xf32, #tpu.memory_space<hbm>> -> memref<16160xf32, #tpu.memory_space<hbm>>
    tpu.enqueue_dma source(%arg8 : memref<16160xf32, #tpu.memory_space<vmem>>) target(%dma_start3A_1070 : memref<16160xf32, #tpu.memory_space<hbm>>) target_semaphore(%arg12 : memref<!tpu.dma_semaphore, #tpu.memory_space<semaphore_mem>>)
    %add3A_1071 = arith.constant 23846400 : i32
    %add3A_1072 = arith.addi %add3A_1071, %mul3A_2 : i32
    %add3A_1073 = arith.constant 16160 : i32
    %add3A_1074 = arith.addi %add3A_1072, %add3A_1073 : i32
    %multiple_of3A_1075 = tpu.assume_multiple %add3A_1074, 8 : i32
    %dma_wait3A_1076 = tpu.memref_slice %arg4[%multiple_of3A_1075] : memref<33177600xf32, #tpu.memory_space<hbm>> -> memref<16240xf32, #tpu.memory_space<hbm>>
    %dma_wait3A_1077 = tpu.memref_slice %arg4[%multiple_of3A_1075] : memref<33177600xf32, #tpu.memory_space<hbm>> -> memref<16240xf32, #tpu.memory_space<hbm>>
    tpu.wait_dma2 semaphore(%arg13 : memref<!tpu.dma_semaphore, #tpu.memory_space<semaphore_mem>>) src(%arg9 : memref<16240xf32, #tpu.memory_space<vmem>>) dst(%dma_wait3A_1077 : memref<16240xf32, #tpu.memory_space<hbm>>)
    %parallel_loop3A_1078 = arith.constant 0 : i32
    %parallel_loop3A_1079 = arith.constant 16240 : i32
    %parallel_loop3A_1080 = arith.constant 16 : i32
    %parallel_loop3A_1081 = arith.constant 16160 : i32
    scf.for %parallel_loop3A_1407 = %parallel_loop3A_1078 to %parallel_loop3A_1079 step %parallel_loop3A_1080  : i32 {
      %parallel_loop3A_1408 = arith.addi %parallel_loop3A_1081, %parallel_loop3A_1407 : i32
      %parallel_loop3A_1409 = arith.index_cast %parallel_loop3A_1408 : i32 to index
      %parallel_loop3A_1410 = tpu.vector_load %arg5[%parallel_loop3A_1409] {strides = array<i32>} : memref<32400xi32, #tpu.memory_space<vmem>>, vector<16xi32>,
      %parallel_loop3A_1411 = tpu.vector_load_idx %arg6[%parallel_loop3A_1410] : memref<19328xf32, #tpu.memory_space<vmem>>[vector<16xi32>], vector<16xf32>,
      %parallel_loop3A_1412 = arith.index_cast %parallel_loop3A_1407 : i32 to index
      %parallel_loop3A_1413 = tpu.vector_load %arg9[%parallel_loop3A_1412] {strides = array<i32>} : memref<16240xf32, #tpu.memory_space<vmem>>, vector<16xf32>,
      tpu.vector_store %arg9[%parallel_loop3A_1412], %parallel_loop3A_1411 {strides = array<i32>} : memref<16240xf32, #tpu.memory_space<vmem>>, vector<16xf32>,
    } {sc.loop_unroll_factor = 5 : i64, sc.parallel_access}
    %add3A_1082 = arith.constant 24883200 : i32
    %add3A_1083 = arith.addi %add3A_1082, %mul3A_2 : i32
    %add3A_1084 = arith.constant 16160 : i32
    %add3A_1085 = arith.addi %add3A_1083, %add3A_1084 : i32
    %multiple_of3A_1086 = tpu.assume_multiple %add3A_1085, 8 : i32
    %dma_start3A_1087 = tpu.memref_slice %arg4[%multiple_of3A_1086] : memref<33177600xf32, #tpu.memory_space<hbm>> -> memref<16240xf32, #tpu.memory_space<hbm>>
    %dma_start3A_1088 = tpu.memref_slice %arg4[%multiple_of3A_1086] : memref<33177600xf32, #tpu.memory_space<hbm>> -> memref<16240xf32, #tpu.memory_space<hbm>>
    tpu.enqueue_dma source(%arg9 : memref<16240xf32, #tpu.memory_space<vmem>>) target(%dma_start3A_1088 : memref<16240xf32, #tpu.memory_space<hbm>>) target_semaphore(%arg13 : memref<!tpu.dma_semaphore, #tpu.memory_space<semaphore_mem>>)
    %multiple_of3A_1089 = arith.constant 483200 : i32
    %multiple_of3A_1090 = tpu.assume_multiple %multiple_of3A_1089, 8 : i32
    %dma_wait3A_1091 = tpu.memref_slice %arg2[%multiple_of3A_1090] : memref<618496xf32, #tpu.memory_space<hbm>> -> memref<19328xf32, #tpu.memory_space<hbm>>
    %dma_wait3A_1092 = tpu.memref_slice %arg2[%multiple_of3A_1090] : memref<618496xf32, #tpu.memory_space<hbm>> -> memref<19328xf32, #tpu.memory_space<hbm>>
    tpu.wait_dma2 semaphore(%arg11 : memref<!tpu.dma_semaphore, #tpu.memory_space<semaphore_mem>>) src(%dma_wait3A_1092 : memref<19328xf32, #tpu.memory_space<hbm>>) dst(%arg7 : memref<19328xf32, #tpu.memory_space<vmem>>)
    %multiple_of3A_1093 = arith.constant 502528 : i32
    %multiple_of3A_1094 = tpu.assume_multiple %multiple_of3A_1093, 8 : i32
    %dma_start3A_1095 = tpu.memref_slice %arg2[%multiple_of3A_1094] : memref<618496xf32, #tpu.memory_space<hbm>> -> memref<19328xf32, #tpu.memory_space<hbm>>
    %dma_start3A_1096 = tpu.memref_slice %arg2[%multiple_of3A_1094] : memref<618496xf32, #tpu.memory_space<hbm>> -> memref<19328xf32, #tpu.memory_space<hbm>>
    tpu.enqueue_dma source(%dma_start3A_1096 : memref<19328xf32, #tpu.memory_space<hbm>>) target(%arg6 : memref<19328xf32, #tpu.memory_space<vmem>>) target_semaphore(%arg10 : memref<!tpu.dma_semaphore, #tpu.memory_space<semaphore_mem>>)
    %add3A_1097 = arith.constant 24883200 : i32
    %add3A_1098 = arith.addi %add3A_1097, %mul3A_2 : i32
    %add3A_1099 = arith.constant 0 : i32
    %add3A_1100 = arith.addi %add3A_1098, %add3A_1099 : i32
    %multiple_of3A_1101 = tpu.assume_multiple %add3A_1100, 8 : i32
    %dma_wait3A_1102 = tpu.memref_slice %arg4[%multiple_of3A_1101] : memref<33177600xf32, #tpu.memory_space<hbm>> -> memref<16160xf32, #tpu.memory_space<hbm>>
    %dma_wait3A_1103 = tpu.memref_slice %arg4[%multiple_of3A_1101] : memref<33177600xf32, #tpu.memory_space<hbm>> -> memref<16160xf32, #tpu.memory_space<hbm>>
    tpu.wait_dma2 semaphore(%arg12 : memref<!tpu.dma_semaphore, #tpu.memory_space<semaphore_mem>>) src(%arg8 : memref<16160xf32, #tpu.memory_space<vmem>>) dst(%dma_wait3A_1103 : memref<16160xf32, #tpu.memory_space<hbm>>)
    %parallel_loop3A_1104 = arith.constant 0 : i32
    %parallel_loop3A_1105 = arith.constant 16160 : i32
    %parallel_loop3A_1106 = arith.constant 16 : i32
    %parallel_loop3A_1107 = arith.constant 0 : i32
    scf.for %parallel_loop3A_1407 = %parallel_loop3A_1104 to %parallel_loop3A_1105 step %parallel_loop3A_1106  : i32 {
      %parallel_loop3A_1408 = arith.addi %parallel_loop3A_1107, %parallel_loop3A_1407 : i32
      %parallel_loop3A_1409 = arith.index_cast %parallel_loop3A_1408 : i32 to index
      %parallel_loop3A_1410 = tpu.vector_load %arg5[%parallel_loop3A_1409] {strides = array<i32>} : memref<32400xi32, #tpu.memory_space<vmem>>, vector<16xi32>,
      %parallel_loop3A_1411 = tpu.vector_load_idx %arg7[%parallel_loop3A_1410] : memref<19328xf32, #tpu.memory_space<vmem>>[vector<16xi32>], vector<16xf32>,
      %parallel_loop3A_1412 = arith.index_cast %parallel_loop3A_1407 : i32 to index
      %parallel_loop3A_1413 = tpu.vector_load %arg8[%parallel_loop3A_1412] {strides = array<i32>} : memref<16160xf32, #tpu.memory_space<vmem>>, vector<16xf32>,
      tpu.vector_store %arg8[%parallel_loop3A_1412], %parallel_loop3A_1411 {strides = array<i32>} : memref<16160xf32, #tpu.memory_space<vmem>>, vector<16xf32>,
    } {sc.loop_unroll_factor = 5 : i64, sc.parallel_access}
    %add3A_1108 = arith.constant 25920000 : i32
    %add3A_1109 = arith.addi %add3A_1108, %mul3A_2 : i32
    %add3A_1110 = arith.constant 0 : i32
    %add3A_1111 = arith.addi %add3A_1109, %add3A_1110 : i32
    %multiple_of3A_1112 = tpu.assume_multiple %add3A_1111, 8 : i32
    %dma_start3A_1113 = tpu.memref_slice %arg4[%multiple_of3A_1112] : memref<33177600xf32, #tpu.memory_space<hbm>> -> memref<16160xf32, #tpu.memory_space<hbm>>
    %dma_start3A_1114 = tpu.memref_slice %arg4[%multiple_of3A_1112] : memref<33177600xf32, #tpu.memory_space<hbm>> -> memref<16160xf32, #tpu.memory_space<hbm>>
    tpu.enqueue_dma source(%arg8 : memref<16160xf32, #tpu.memory_space<vmem>>) target(%dma_start3A_1114 : memref<16160xf32, #tpu.memory_space<hbm>>) target_semaphore(%arg12 : memref<!tpu.dma_semaphore, #tpu.memory_space<semaphore_mem>>)
    %add3A_1115 = arith.constant 24883200 : i32
    %add3A_1116 = arith.addi %add3A_1115, %mul3A_2 : i32
    %add3A_1117 = arith.constant 16160 : i32
    %add3A_1118 = arith.addi %add3A_1116, %add3A_1117 : i32
    %multiple_of3A_1119 = tpu.assume_multiple %add3A_1118, 8 : i32
    %dma_wait3A_1120 = tpu.memref_slice %arg4[%multiple_of3A_1119] : memref<33177600xf32, #tpu.memory_space<hbm>> -> memref<16240xf32, #tpu.memory_space<hbm>>
    %dma_wait3A_1121 = tpu.memref_slice %arg4[%multiple_of3A_1119] : memref<33177600xf32, #tpu.memory_space<hbm>> -> memref<16240xf32, #tpu.memory_space<hbm>>
    tpu.wait_dma2 semaphore(%arg13 : memref<!tpu.dma_semaphore, #tpu.memory_space<semaphore_mem>>) src(%arg9 : memref<16240xf32, #tpu.memory_space<vmem>>) dst(%dma_wait3A_1121 : memref<16240xf32, #tpu.memory_space<hbm>>)
    %parallel_loop3A_1122 = arith.constant 0 : i32
    %parallel_loop3A_1123 = arith.constant 16240 : i32
    %parallel_loop3A_1124 = arith.constant 16 : i32
    %parallel_loop3A_1125 = arith.constant 16160 : i32
    scf.for %parallel_loop3A_1407 = %parallel_loop3A_1122 to %parallel_loop3A_1123 step %parallel_loop3A_1124  : i32 {
      %parallel_loop3A_1408 = arith.addi %parallel_loop3A_1125, %parallel_loop3A_1407 : i32
      %parallel_loop3A_1409 = arith.index_cast %parallel_loop3A_1408 : i32 to index
      %parallel_loop3A_1410 = tpu.vector_load %arg5[%parallel_loop3A_1409] {strides = array<i32>} : memref<32400xi32, #tpu.memory_space<vmem>>, vector<16xi32>,
      %parallel_loop3A_1411 = tpu.vector_load_idx %arg7[%parallel_loop3A_1410] : memref<19328xf32, #tpu.memory_space<vmem>>[vector<16xi32>], vector<16xf32>,
      %parallel_loop3A_1412 = arith.index_cast %parallel_loop3A_1407 : i32 to index
      %parallel_loop3A_1413 = tpu.vector_load %arg9[%parallel_loop3A_1412] {strides = array<i32>} : memref<16240xf32, #tpu.memory_space<vmem>>, vector<16xf32>,
      tpu.vector_store %arg9[%parallel_loop3A_1412], %parallel_loop3A_1411 {strides = array<i32>} : memref<16240xf32, #tpu.memory_space<vmem>>, vector<16xf32>,
    } {sc.loop_unroll_factor = 5 : i64, sc.parallel_access}
    %add3A_1126 = arith.constant 25920000 : i32
    %add3A_1127 = arith.addi %add3A_1126, %mul3A_2 : i32
    %add3A_1128 = arith.constant 16160 : i32
    %add3A_1129 = arith.addi %add3A_1127, %add3A_1128 : i32
    %multiple_of3A_1130 = tpu.assume_multiple %add3A_1129, 8 : i32
    %dma_start3A_1131 = tpu.memref_slice %arg4[%multiple_of3A_1130] : memref<33177600xf32, #tpu.memory_space<hbm>> -> memref<16240xf32, #tpu.memory_space<hbm>>
    %dma_start3A_1132 = tpu.memref_slice %arg4[%multiple_of3A_1130] : memref<33177600xf32, #tpu.memory_space<hbm>> -> memref<16240xf32, #tpu.memory_space<hbm>>
    tpu.enqueue_dma source(%arg9 : memref<16240xf32, #tpu.memory_space<vmem>>) target(%dma_start3A_1132 : memref<16240xf32, #tpu.memory_space<hbm>>) target_semaphore(%arg13 : memref<!tpu.dma_semaphore, #tpu.memory_space<semaphore_mem>>)
    %multiple_of3A_1133 = arith.constant 502528 : i32
    %multiple_of3A_1134 = tpu.assume_multiple %multiple_of3A_1133, 8 : i32
    %dma_wait3A_1135 = tpu.memref_slice %arg2[%multiple_of3A_1134] : memref<618496xf32, #tpu.memory_space<hbm>> -> memref<19328xf32, #tpu.memory_space<hbm>>
    %dma_wait3A_1136 = tpu.memref_slice %arg2[%multiple_of3A_1134] : memref<618496xf32, #tpu.memory_space<hbm>> -> memref<19328xf32, #tpu.memory_space<hbm>>
    tpu.wait_dma2 semaphore(%arg10 : memref<!tpu.dma_semaphore, #tpu.memory_space<semaphore_mem>>) src(%dma_wait3A_1136 : memref<19328xf32, #tpu.memory_space<hbm>>) dst(%arg6 : memref<19328xf32, #tpu.memory_space<vmem>>)
    %multiple_of3A_1137 = arith.constant 521856 : i32
    %multiple_of3A_1138 = tpu.assume_multiple %multiple_of3A_1137, 8 : i32
    %dma_start3A_1139 = tpu.memref_slice %arg2[%multiple_of3A_1138] : memref<618496xf32, #tpu.memory_space<hbm>> -> memref<19328xf32, #tpu.memory_space<hbm>>
    %dma_start3A_1140 = tpu.memref_slice %arg2[%multiple_of3A_1138] : memref<618496xf32, #tpu.memory_space<hbm>> -> memref<19328xf32, #tpu.memory_space<hbm>>
    tpu.enqueue_dma source(%dma_start3A_1140 : memref<19328xf32, #tpu.memory_space<hbm>>) target(%arg7 : memref<19328xf32, #tpu.memory_space<vmem>>) target_semaphore(%arg11 : memref<!tpu.dma_semaphore, #tpu.memory_space<semaphore_mem>>)
    %add3A_1141 = arith.constant 25920000 : i32
    %add3A_1142 = arith.addi %add3A_1141, %mul3A_2 : i32
    %add3A_1143 = arith.constant 0 : i32
    %add3A_1144 = arith.addi %add3A_1142, %add3A_1143 : i32
    %multiple_of3A_1145 = tpu.assume_multiple %add3A_1144, 8 : i32
    %dma_wait3A_1146 = tpu.memref_slice %arg4[%multiple_of3A_1145] : memref<33177600xf32, #tpu.memory_space<hbm>> -> memref<16160xf32, #tpu.memory_space<hbm>>
    %dma_wait3A_1147 = tpu.memref_slice %arg4[%multiple_of3A_1145] : memref<33177600xf32, #tpu.memory_space<hbm>> -> memref<16160xf32, #tpu.memory_space<hbm>>
    tpu.wait_dma2 semaphore(%arg12 : memref<!tpu.dma_semaphore, #tpu.memory_space<semaphore_mem>>) src(%arg8 : memref<16160xf32, #tpu.memory_space<vmem>>) dst(%dma_wait3A_1147 : memref<16160xf32, #tpu.memory_space<hbm>>)
    %parallel_loop3A_1148 = arith.constant 0 : i32
    %parallel_loop3A_1149 = arith.constant 16160 : i32
    %parallel_loop3A_1150 = arith.constant 16 : i32
    %parallel_loop3A_1151 = arith.constant 0 : i32
    scf.for %parallel_loop3A_1407 = %parallel_loop3A_1148 to %parallel_loop3A_1149 step %parallel_loop3A_1150  : i32 {
      %parallel_loop3A_1408 = arith.addi %parallel_loop3A_1151, %parallel_loop3A_1407 : i32
      %parallel_loop3A_1409 = arith.index_cast %parallel_loop3A_1408 : i32 to index
      %parallel_loop3A_1410 = tpu.vector_load %arg5[%parallel_loop3A_1409] {strides = array<i32>} : memref<32400xi32, #tpu.memory_space<vmem>>, vector<16xi32>,
      %parallel_loop3A_1411 = tpu.vector_load_idx %arg6[%parallel_loop3A_1410] : memref<19328xf32, #tpu.memory_space<vmem>>[vector<16xi32>], vector<16xf32>,
      %parallel_loop3A_1412 = arith.index_cast %parallel_loop3A_1407 : i32 to index
      %parallel_loop3A_1413 = tpu.vector_load %arg8[%parallel_loop3A_1412] {strides = array<i32>} : memref<16160xf32, #tpu.memory_space<vmem>>, vector<16xf32>,
      tpu.vector_store %arg8[%parallel_loop3A_1412], %parallel_loop3A_1411 {strides = array<i32>} : memref<16160xf32, #tpu.memory_space<vmem>>, vector<16xf32>,
    } {sc.loop_unroll_factor = 5 : i64, sc.parallel_access}
    %add3A_1152 = arith.constant 26956800 : i32
    %add3A_1153 = arith.addi %add3A_1152, %mul3A_2 : i32
    %add3A_1154 = arith.constant 0 : i32
    %add3A_1155 = arith.addi %add3A_1153, %add3A_1154 : i32
    %multiple_of3A_1156 = tpu.assume_multiple %add3A_1155, 8 : i32
    %dma_start3A_1157 = tpu.memref_slice %arg4[%multiple_of3A_1156] : memref<33177600xf32, #tpu.memory_space<hbm>> -> memref<16160xf32, #tpu.memory_space<hbm>>
    %dma_start3A_1158 = tpu.memref_slice %arg4[%multiple_of3A_1156] : memref<33177600xf32, #tpu.memory_space<hbm>> -> memref<16160xf32, #tpu.memory_space<hbm>>
    tpu.enqueue_dma source(%arg8 : memref<16160xf32, #tpu.memory_space<vmem>>) target(%dma_start3A_1158 : memref<16160xf32, #tpu.memory_space<hbm>>) target_semaphore(%arg12 : memref<!tpu.dma_semaphore, #tpu.memory_space<semaphore_mem>>)
    %add3A_1159 = arith.constant 25920000 : i32
    %add3A_1160 = arith.addi %add3A_1159, %mul3A_2 : i32
    %add3A_1161 = arith.constant 16160 : i32
    %add3A_1162 = arith.addi %add3A_1160, %add3A_1161 : i32
    %multiple_of3A_1163 = tpu.assume_multiple %add3A_1162, 8 : i32
    %dma_wait3A_1164 = tpu.memref_slice %arg4[%multiple_of3A_1163] : memref<33177600xf32, #tpu.memory_space<hbm>> -> memref<16240xf32, #tpu.memory_space<hbm>>
    %dma_wait3A_1165 = tpu.memref_slice %arg4[%multiple_of3A_1163] : memref<33177600xf32, #tpu.memory_space<hbm>> -> memref<16240xf32, #tpu.memory_space<hbm>>
    tpu.wait_dma2 semaphore(%arg13 : memref<!tpu.dma_semaphore, #tpu.memory_space<semaphore_mem>>) src(%arg9 : memref<16240xf32, #tpu.memory_space<vmem>>) dst(%dma_wait3A_1165 : memref<16240xf32, #tpu.memory_space<hbm>>)
    %parallel_loop3A_1166 = arith.constant 0 : i32
    %parallel_loop3A_1167 = arith.constant 16240 : i32
    %parallel_loop3A_1168 = arith.constant 16 : i32
    %parallel_loop3A_1169 = arith.constant 16160 : i32
    scf.for %parallel_loop3A_1407 = %parallel_loop3A_1166 to %parallel_loop3A_1167 step %parallel_loop3A_1168  : i32 {
      %parallel_loop3A_1408 = arith.addi %parallel_loop3A_1169, %parallel_loop3A_1407 : i32
      %parallel_loop3A_1409 = arith.index_cast %parallel_loop3A_1408 : i32 to index
      %parallel_loop3A_1410 = tpu.vector_load %arg5[%parallel_loop3A_1409] {strides = array<i32>} : memref<32400xi32, #tpu.memory_space<vmem>>, vector<16xi32>,
      %parallel_loop3A_1411 = tpu.vector_load_idx %arg6[%parallel_loop3A_1410] : memref<19328xf32, #tpu.memory_space<vmem>>[vector<16xi32>], vector<16xf32>,
      %parallel_loop3A_1412 = arith.index_cast %parallel_loop3A_1407 : i32 to index
      %parallel_loop3A_1413 = tpu.vector_load %arg9[%parallel_loop3A_1412] {strides = array<i32>} : memref<16240xf32, #tpu.memory_space<vmem>>, vector<16xf32>,
      tpu.vector_store %arg9[%parallel_loop3A_1412], %parallel_loop3A_1411 {strides = array<i32>} : memref<16240xf32, #tpu.memory_space<vmem>>, vector<16xf32>,
    } {sc.loop_unroll_factor = 5 : i64, sc.parallel_access}
    %add3A_1170 = arith.constant 26956800 : i32
    %add3A_1171 = arith.addi %add3A_1170, %mul3A_2 : i32
    %add3A_1172 = arith.constant 16160 : i32
    %add3A_1173 = arith.addi %add3A_1171, %add3A_1172 : i32
    %multiple_of3A_1174 = tpu.assume_multiple %add3A_1173, 8 : i32
    %dma_start3A_1175 = tpu.memref_slice %arg4[%multiple_of3A_1174] : memref<33177600xf32, #tpu.memory_space<hbm>> -> memref<16240xf32, #tpu.memory_space<hbm>>
    %dma_start3A_1176 = tpu.memref_slice %arg4[%multiple_of3A_1174] : memref<33177600xf32, #tpu.memory_space<hbm>> -> memref<16240xf32, #tpu.memory_space<hbm>>
    tpu.enqueue_dma source(%arg9 : memref<16240xf32, #tpu.memory_space<vmem>>) target(%dma_start3A_1176 : memref<16240xf32, #tpu.memory_space<hbm>>) target_semaphore(%arg13 : memref<!tpu.dma_semaphore, #tpu.memory_space<semaphore_mem>>)
    %multiple_of3A_1177 = arith.constant 521856 : i32
    %multiple_of3A_1178 = tpu.assume_multiple %multiple_of3A_1177, 8 : i32
    %dma_wait3A_1179 = tpu.memref_slice %arg2[%multiple_of3A_1178] : memref<618496xf32, #tpu.memory_space<hbm>> -> memref<19328xf32, #tpu.memory_space<hbm>>
    %dma_wait3A_1180 = tpu.memref_slice %arg2[%multiple_of3A_1178] : memref<618496xf32, #tpu.memory_space<hbm>> -> memref<19328xf32, #tpu.memory_space<hbm>>
    tpu.wait_dma2 semaphore(%arg11 : memref<!tpu.dma_semaphore, #tpu.memory_space<semaphore_mem>>) src(%dma_wait3A_1180 : memref<19328xf32, #tpu.memory_space<hbm>>) dst(%arg7 : memref<19328xf32, #tpu.memory_space<vmem>>)
    %multiple_of3A_1181 = arith.constant 541184 : i32
    %multiple_of3A_1182 = tpu.assume_multiple %multiple_of3A_1181, 8 : i32
    %dma_start3A_1183 = tpu.memref_slice %arg2[%multiple_of3A_1182] : memref<618496xf32, #tpu.memory_space<hbm>> -> memref<19328xf32, #tpu.memory_space<hbm>>
    %dma_start3A_1184 = tpu.memref_slice %arg2[%multiple_of3A_1182] : memref<618496xf32, #tpu.memory_space<hbm>> -> memref<19328xf32, #tpu.memory_space<hbm>>
    tpu.enqueue_dma source(%dma_start3A_1184 : memref<19328xf32, #tpu.memory_space<hbm>>) target(%arg6 : memref<19328xf32, #tpu.memory_space<vmem>>) target_semaphore(%arg10 : memref<!tpu.dma_semaphore, #tpu.memory_space<semaphore_mem>>)
    %add3A_1185 = arith.constant 26956800 : i32
    %add3A_1186 = arith.addi %add3A_1185, %mul3A_2 : i32
    %add3A_1187 = arith.constant 0 : i32
    %add3A_1188 = arith.addi %add3A_1186, %add3A_1187 : i32
    %multiple_of3A_1189 = tpu.assume_multiple %add3A_1188, 8 : i32
    %dma_wait3A_1190 = tpu.memref_slice %arg4[%multiple_of3A_1189] : memref<33177600xf32, #tpu.memory_space<hbm>> -> memref<16160xf32, #tpu.memory_space<hbm>>
    %dma_wait3A_1191 = tpu.memref_slice %arg4[%multiple_of3A_1189] : memref<33177600xf32, #tpu.memory_space<hbm>> -> memref<16160xf32, #tpu.memory_space<hbm>>
    tpu.wait_dma2 semaphore(%arg12 : memref<!tpu.dma_semaphore, #tpu.memory_space<semaphore_mem>>) src(%arg8 : memref<16160xf32, #tpu.memory_space<vmem>>) dst(%dma_wait3A_1191 : memref<16160xf32, #tpu.memory_space<hbm>>)
    %parallel_loop3A_1192 = arith.constant 0 : i32
    %parallel_loop3A_1193 = arith.constant 16160 : i32
    %parallel_loop3A_1194 = arith.constant 16 : i32
    %parallel_loop3A_1195 = arith.constant 0 : i32
    scf.for %parallel_loop3A_1407 = %parallel_loop3A_1192 to %parallel_loop3A_1193 step %parallel_loop3A_1194  : i32 {
      %parallel_loop3A_1408 = arith.addi %parallel_loop3A_1195, %parallel_loop3A_1407 : i32
      %parallel_loop3A_1409 = arith.index_cast %parallel_loop3A_1408 : i32 to index
      %parallel_loop3A_1410 = tpu.vector_load %arg5[%parallel_loop3A_1409] {strides = array<i32>} : memref<32400xi32, #tpu.memory_space<vmem>>, vector<16xi32>,
      %parallel_loop3A_1411 = tpu.vector_load_idx %arg7[%parallel_loop3A_1410] : memref<19328xf32, #tpu.memory_space<vmem>>[vector<16xi32>], vector<16xf32>,
      %parallel_loop3A_1412 = arith.index_cast %parallel_loop3A_1407 : i32 to index
      %parallel_loop3A_1413 = tpu.vector_load %arg8[%parallel_loop3A_1412] {strides = array<i32>} : memref<16160xf32, #tpu.memory_space<vmem>>, vector<16xf32>,
      tpu.vector_store %arg8[%parallel_loop3A_1412], %parallel_loop3A_1411 {strides = array<i32>} : memref<16160xf32, #tpu.memory_space<vmem>>, vector<16xf32>,
    } {sc.loop_unroll_factor = 5 : i64, sc.parallel_access}
    %add3A_1196 = arith.constant 27993600 : i32
    %add3A_1197 = arith.addi %add3A_1196, %mul3A_2 : i32
    %add3A_1198 = arith.constant 0 : i32
    %add3A_1199 = arith.addi %add3A_1197, %add3A_1198 : i32
    %multiple_of3A_1200 = tpu.assume_multiple %add3A_1199, 8 : i32
    %dma_start3A_1201 = tpu.memref_slice %arg4[%multiple_of3A_1200] : memref<33177600xf32, #tpu.memory_space<hbm>> -> memref<16160xf32, #tpu.memory_space<hbm>>
    %dma_start3A_1202 = tpu.memref_slice %arg4[%multiple_of3A_1200] : memref<33177600xf32, #tpu.memory_space<hbm>> -> memref<16160xf32, #tpu.memory_space<hbm>>
    tpu.enqueue_dma source(%arg8 : memref<16160xf32, #tpu.memory_space<vmem>>) target(%dma_start3A_1202 : memref<16160xf32, #tpu.memory_space<hbm>>) target_semaphore(%arg12 : memref<!tpu.dma_semaphore, #tpu.memory_space<semaphore_mem>>)
    %add3A_1203 = arith.constant 26956800 : i32
    %add3A_1204 = arith.addi %add3A_1203, %mul3A_2 : i32
    %add3A_1205 = arith.constant 16160 : i32
    %add3A_1206 = arith.addi %add3A_1204, %add3A_1205 : i32
    %multiple_of3A_1207 = tpu.assume_multiple %add3A_1206, 8 : i32
    %dma_wait3A_1208 = tpu.memref_slice %arg4[%multiple_of3A_1207] : memref<33177600xf32, #tpu.memory_space<hbm>> -> memref<16240xf32, #tpu.memory_space<hbm>>
    %dma_wait3A_1209 = tpu.memref_slice %arg4[%multiple_of3A_1207] : memref<33177600xf32, #tpu.memory_space<hbm>> -> memref<16240xf32, #tpu.memory_space<hbm>>
    tpu.wait_dma2 semaphore(%arg13 : memref<!tpu.dma_semaphore, #tpu.memory_space<semaphore_mem>>) src(%arg9 : memref<16240xf32, #tpu.memory_space<vmem>>) dst(%dma_wait3A_1209 : memref<16240xf32, #tpu.memory_space<hbm>>)
    %parallel_loop3A_1210 = arith.constant 0 : i32
    %parallel_loop3A_1211 = arith.constant 16240 : i32
    %parallel_loop3A_1212 = arith.constant 16 : i32
    %parallel_loop3A_1213 = arith.constant 16160 : i32
    scf.for %parallel_loop3A_1407 = %parallel_loop3A_1210 to %parallel_loop3A_1211 step %parallel_loop3A_1212  : i32 {
      %parallel_loop3A_1408 = arith.addi %parallel_loop3A_1213, %parallel_loop3A_1407 : i32
      %parallel_loop3A_1409 = arith.index_cast %parallel_loop3A_1408 : i32 to index
      %parallel_loop3A_1410 = tpu.vector_load %arg5[%parallel_loop3A_1409] {strides = array<i32>} : memref<32400xi32, #tpu.memory_space<vmem>>, vector<16xi32>,
      %parallel_loop3A_1411 = tpu.vector_load_idx %arg7[%parallel_loop3A_1410] : memref<19328xf32, #tpu.memory_space<vmem>>[vector<16xi32>], vector<16xf32>,
      %parallel_loop3A_1412 = arith.index_cast %parallel_loop3A_1407 : i32 to index
      %parallel_loop3A_1413 = tpu.vector_load %arg9[%parallel_loop3A_1412] {strides = array<i32>} : memref<16240xf32, #tpu.memory_space<vmem>>, vector<16xf32>,
      tpu.vector_store %arg9[%parallel_loop3A_1412], %parallel_loop3A_1411 {strides = array<i32>} : memref<16240xf32, #tpu.memory_space<vmem>>, vector<16xf32>,
    } {sc.loop_unroll_factor = 5 : i64, sc.parallel_access}
    %add3A_1214 = arith.constant 27993600 : i32
    %add3A_1215 = arith.addi %add3A_1214, %mul3A_2 : i32
    %add3A_1216 = arith.constant 16160 : i32
    %add3A_1217 = arith.addi %add3A_1215, %add3A_1216 : i32
    %multiple_of3A_1218 = tpu.assume_multiple %add3A_1217, 8 : i32
    %dma_start3A_1219 = tpu.memref_slice %arg4[%multiple_of3A_1218] : memref<33177600xf32, #tpu.memory_space<hbm>> -> memref<16240xf32, #tpu.memory_space<hbm>>
    %dma_start3A_1220 = tpu.memref_slice %arg4[%multiple_of3A_1218] : memref<33177600xf32, #tpu.memory_space<hbm>> -> memref<16240xf32, #tpu.memory_space<hbm>>
    tpu.enqueue_dma source(%arg9 : memref<16240xf32, #tpu.memory_space<vmem>>) target(%dma_start3A_1220 : memref<16240xf32, #tpu.memory_space<hbm>>) target_semaphore(%arg13 : memref<!tpu.dma_semaphore, #tpu.memory_space<semaphore_mem>>)
    %multiple_of3A_1221 = arith.constant 541184 : i32
    %multiple_of3A_1222 = tpu.assume_multiple %multiple_of3A_1221, 8 : i32
    %dma_wait3A_1223 = tpu.memref_slice %arg2[%multiple_of3A_1222] : memref<618496xf32, #tpu.memory_space<hbm>> -> memref<19328xf32, #tpu.memory_space<hbm>>
    %dma_wait3A_1224 = tpu.memref_slice %arg2[%multiple_of3A_1222] : memref<618496xf32, #tpu.memory_space<hbm>> -> memref<19328xf32, #tpu.memory_space<hbm>>
    tpu.wait_dma2 semaphore(%arg10 : memref<!tpu.dma_semaphore, #tpu.memory_space<semaphore_mem>>) src(%dma_wait3A_1224 : memref<19328xf32, #tpu.memory_space<hbm>>) dst(%arg6 : memref<19328xf32, #tpu.memory_space<vmem>>)
    %multiple_of3A_1225 = arith.constant 560512 : i32
    %multiple_of3A_1226 = tpu.assume_multiple %multiple_of3A_1225, 8 : i32
    %dma_start3A_1227 = tpu.memref_slice %arg2[%multiple_of3A_1226] : memref<618496xf32, #tpu.memory_space<hbm>> -> memref<19328xf32, #tpu.memory_space<hbm>>
    %dma_start3A_1228 = tpu.memref_slice %arg2[%multiple_of3A_1226] : memref<618496xf32, #tpu.memory_space<hbm>> -> memref<19328xf32, #tpu.memory_space<hbm>>
    tpu.enqueue_dma source(%dma_start3A_1228 : memref<19328xf32, #tpu.memory_space<hbm>>) target(%arg7 : memref<19328xf32, #tpu.memory_space<vmem>>) target_semaphore(%arg11 : memref<!tpu.dma_semaphore, #tpu.memory_space<semaphore_mem>>)
    %add3A_1229 = arith.constant 27993600 : i32
    %add3A_1230 = arith.addi %add3A_1229, %mul3A_2 : i32
    %add3A_1231 = arith.constant 0 : i32
    %add3A_1232 = arith.addi %add3A_1230, %add3A_1231 : i32
    %multiple_of3A_1233 = tpu.assume_multiple %add3A_1232, 8 : i32
    %dma_wait3A_1234 = tpu.memref_slice %arg4[%multiple_of3A_1233] : memref<33177600xf32, #tpu.memory_space<hbm>> -> memref<16160xf32, #tpu.memory_space<hbm>>
    %dma_wait3A_1235 = tpu.memref_slice %arg4[%multiple_of3A_1233] : memref<33177600xf32, #tpu.memory_space<hbm>> -> memref<16160xf32, #tpu.memory_space<hbm>>
    tpu.wait_dma2 semaphore(%arg12 : memref<!tpu.dma_semaphore, #tpu.memory_space<semaphore_mem>>) src(%arg8 : memref<16160xf32, #tpu.memory_space<vmem>>) dst(%dma_wait3A_1235 : memref<16160xf32, #tpu.memory_space<hbm>>)
    %parallel_loop3A_1236 = arith.constant 0 : i32
    %parallel_loop3A_1237 = arith.constant 16160 : i32
    %parallel_loop3A_1238 = arith.constant 16 : i32
    %parallel_loop3A_1239 = arith.constant 0 : i32
    scf.for %parallel_loop3A_1407 = %parallel_loop3A_1236 to %parallel_loop3A_1237 step %parallel_loop3A_1238  : i32 {
      %parallel_loop3A_1408 = arith.addi %parallel_loop3A_1239, %parallel_loop3A_1407 : i32
      %parallel_loop3A_1409 = arith.index_cast %parallel_loop3A_1408 : i32 to index
      %parallel_loop3A_1410 = tpu.vector_load %arg5[%parallel_loop3A_1409] {strides = array<i32>} : memref<32400xi32, #tpu.memory_space<vmem>>, vector<16xi32>,
      %parallel_loop3A_1411 = tpu.vector_load_idx %arg6[%parallel_loop3A_1410] : memref<19328xf32, #tpu.memory_space<vmem>>[vector<16xi32>], vector<16xf32>,
      %parallel_loop3A_1412 = arith.index_cast %parallel_loop3A_1407 : i32 to index
      %parallel_loop3A_1413 = tpu.vector_load %arg8[%parallel_loop3A_1412] {strides = array<i32>} : memref<16160xf32, #tpu.memory_space<vmem>>, vector<16xf32>,
      tpu.vector_store %arg8[%parallel_loop3A_1412], %parallel_loop3A_1411 {strides = array<i32>} : memref<16160xf32, #tpu.memory_space<vmem>>, vector<16xf32>,
    } {sc.loop_unroll_factor = 5 : i64, sc.parallel_access}
    %add3A_1240 = arith.constant 29030400 : i32
    %add3A_1241 = arith.addi %add3A_1240, %mul3A_2 : i32
    %add3A_1242 = arith.constant 0 : i32
    %add3A_1243 = arith.addi %add3A_1241, %add3A_1242 : i32
    %multiple_of3A_1244 = tpu.assume_multiple %add3A_1243, 8 : i32
    %dma_start3A_1245 = tpu.memref_slice %arg4[%multiple_of3A_1244] : memref<33177600xf32, #tpu.memory_space<hbm>> -> memref<16160xf32, #tpu.memory_space<hbm>>
    %dma_start3A_1246 = tpu.memref_slice %arg4[%multiple_of3A_1244] : memref<33177600xf32, #tpu.memory_space<hbm>> -> memref<16160xf32, #tpu.memory_space<hbm>>
    tpu.enqueue_dma source(%arg8 : memref<16160xf32, #tpu.memory_space<vmem>>) target(%dma_start3A_1246 : memref<16160xf32, #tpu.memory_space<hbm>>) target_semaphore(%arg12 : memref<!tpu.dma_semaphore, #tpu.memory_space<semaphore_mem>>)
    %add3A_1247 = arith.constant 27993600 : i32
    %add3A_1248 = arith.addi %add3A_1247, %mul3A_2 : i32
    %add3A_1249 = arith.constant 16160 : i32
    %add3A_1250 = arith.addi %add3A_1248, %add3A_1249 : i32
    %multiple_of3A_1251 = tpu.assume_multiple %add3A_1250, 8 : i32
    %dma_wait3A_1252 = tpu.memref_slice %arg4[%multiple_of3A_1251] : memref<33177600xf32, #tpu.memory_space<hbm>> -> memref<16240xf32, #tpu.memory_space<hbm>>
    %dma_wait3A_1253 = tpu.memref_slice %arg4[%multiple_of3A_1251] : memref<33177600xf32, #tpu.memory_space<hbm>> -> memref<16240xf32, #tpu.memory_space<hbm>>
    tpu.wait_dma2 semaphore(%arg13 : memref<!tpu.dma_semaphore, #tpu.memory_space<semaphore_mem>>) src(%arg9 : memref<16240xf32, #tpu.memory_space<vmem>>) dst(%dma_wait3A_1253 : memref<16240xf32, #tpu.memory_space<hbm>>)
    %parallel_loop3A_1254 = arith.constant 0 : i32
    %parallel_loop3A_1255 = arith.constant 16240 : i32
    %parallel_loop3A_1256 = arith.constant 16 : i32
    %parallel_loop3A_1257 = arith.constant 16160 : i32
    scf.for %parallel_loop3A_1407 = %parallel_loop3A_1254 to %parallel_loop3A_1255 step %parallel_loop3A_1256  : i32 {
      %parallel_loop3A_1408 = arith.addi %parallel_loop3A_1257, %parallel_loop3A_1407 : i32
      %parallel_loop3A_1409 = arith.index_cast %parallel_loop3A_1408 : i32 to index
      %parallel_loop3A_1410 = tpu.vector_load %arg5[%parallel_loop3A_1409] {strides = array<i32>} : memref<32400xi32, #tpu.memory_space<vmem>>, vector<16xi32>,
      %parallel_loop3A_1411 = tpu.vector_load_idx %arg6[%parallel_loop3A_1410] : memref<19328xf32, #tpu.memory_space<vmem>>[vector<16xi32>], vector<16xf32>,
      %parallel_loop3A_1412 = arith.index_cast %parallel_loop3A_1407 : i32 to index
      %parallel_loop3A_1413 = tpu.vector_load %arg9[%parallel_loop3A_1412] {strides = array<i32>} : memref<16240xf32, #tpu.memory_space<vmem>>, vector<16xf32>,
      tpu.vector_store %arg9[%parallel_loop3A_1412], %parallel_loop3A_1411 {strides = array<i32>} : memref<16240xf32, #tpu.memory_space<vmem>>, vector<16xf32>,
    } {sc.loop_unroll_factor = 5 : i64, sc.parallel_access}
    %add3A_1258 = arith.constant 29030400 : i32
    %add3A_1259 = arith.addi %add3A_1258, %mul3A_2 : i32
    %add3A_1260 = arith.constant 16160 : i32
    %add3A_1261 = arith.addi %add3A_1259, %add3A_1260 : i32
    %multiple_of3A_1262 = tpu.assume_multiple %add3A_1261, 8 : i32
    %dma_start3A_1263 = tpu.memref_slice %arg4[%multiple_of3A_1262] : memref<33177600xf32, #tpu.memory_space<hbm>> -> memref<16240xf32, #tpu.memory_space<hbm>>
    %dma_start3A_1264 = tpu.memref_slice %arg4[%multiple_of3A_1262] : memref<33177600xf32, #tpu.memory_space<hbm>> -> memref<16240xf32, #tpu.memory_space<hbm>>
    tpu.enqueue_dma source(%arg9 : memref<16240xf32, #tpu.memory_space<vmem>>) target(%dma_start3A_1264 : memref<16240xf32, #tpu.memory_space<hbm>>) target_semaphore(%arg13 : memref<!tpu.dma_semaphore, #tpu.memory_space<semaphore_mem>>)
    %multiple_of3A_1265 = arith.constant 560512 : i32
    %multiple_of3A_1266 = tpu.assume_multiple %multiple_of3A_1265, 8 : i32
    %dma_wait3A_1267 = tpu.memref_slice %arg2[%multiple_of3A_1266] : memref<618496xf32, #tpu.memory_space<hbm>> -> memref<19328xf32, #tpu.memory_space<hbm>>
    %dma_wait3A_1268 = tpu.memref_slice %arg2[%multiple_of3A_1266] : memref<618496xf32, #tpu.memory_space<hbm>> -> memref<19328xf32, #tpu.memory_space<hbm>>
    tpu.wait_dma2 semaphore(%arg11 : memref<!tpu.dma_semaphore, #tpu.memory_space<semaphore_mem>>) src(%dma_wait3A_1268 : memref<19328xf32, #tpu.memory_space<hbm>>) dst(%arg7 : memref<19328xf32, #tpu.memory_space<vmem>>)
    %multiple_of3A_1269 = arith.constant 579840 : i32
    %multiple_of3A_1270 = tpu.assume_multiple %multiple_of3A_1269, 8 : i32
    %dma_start3A_1271 = tpu.memref_slice %arg2[%multiple_of3A_1270] : memref<618496xf32, #tpu.memory_space<hbm>> -> memref<19328xf32, #tpu.memory_space<hbm>>
    %dma_start3A_1272 = tpu.memref_slice %arg2[%multiple_of3A_1270] : memref<618496xf32, #tpu.memory_space<hbm>> -> memref<19328xf32, #tpu.memory_space<hbm>>
    tpu.enqueue_dma source(%dma_start3A_1272 : memref<19328xf32, #tpu.memory_space<hbm>>) target(%arg6 : memref<19328xf32, #tpu.memory_space<vmem>>) target_semaphore(%arg10 : memref<!tpu.dma_semaphore, #tpu.memory_space<semaphore_mem>>)
    %add3A_1273 = arith.constant 29030400 : i32
    %add3A_1274 = arith.addi %add3A_1273, %mul3A_2 : i32
    %add3A_1275 = arith.constant 0 : i32
    %add3A_1276 = arith.addi %add3A_1274, %add3A_1275 : i32
    %multiple_of3A_1277 = tpu.assume_multiple %add3A_1276, 8 : i32
    %dma_wait3A_1278 = tpu.memref_slice %arg4[%multiple_of3A_1277] : memref<33177600xf32, #tpu.memory_space<hbm>> -> memref<16160xf32, #tpu.memory_space<hbm>>
    %dma_wait3A_1279 = tpu.memref_slice %arg4[%multiple_of3A_1277] : memref<33177600xf32, #tpu.memory_space<hbm>> -> memref<16160xf32, #tpu.memory_space<hbm>>
    tpu.wait_dma2 semaphore(%arg12 : memref<!tpu.dma_semaphore, #tpu.memory_space<semaphore_mem>>) src(%arg8 : memref<16160xf32, #tpu.memory_space<vmem>>) dst(%dma_wait3A_1279 : memref<16160xf32, #tpu.memory_space<hbm>>)
    %parallel_loop3A_1280 = arith.constant 0 : i32
    %parallel_loop3A_1281 = arith.constant 16160 : i32
    %parallel_loop3A_1282 = arith.constant 16 : i32
    %parallel_loop3A_1283 = arith.constant 0 : i32
    scf.for %parallel_loop3A_1407 = %parallel_loop3A_1280 to %parallel_loop3A_1281 step %parallel_loop3A_1282  : i32 {
      %parallel_loop3A_1408 = arith.addi %parallel_loop3A_1283, %parallel_loop3A_1407 : i32
      %parallel_loop3A_1409 = arith.index_cast %parallel_loop3A_1408 : i32 to index
      %parallel_loop3A_1410 = tpu.vector_load %arg5[%parallel_loop3A_1409] {strides = array<i32>} : memref<32400xi32, #tpu.memory_space<vmem>>, vector<16xi32>,
      %parallel_loop3A_1411 = tpu.vector_load_idx %arg7[%parallel_loop3A_1410] : memref<19328xf32, #tpu.memory_space<vmem>>[vector<16xi32>], vector<16xf32>,
      %parallel_loop3A_1412 = arith.index_cast %parallel_loop3A_1407 : i32 to index
      %parallel_loop3A_1413 = tpu.vector_load %arg8[%parallel_loop3A_1412] {strides = array<i32>} : memref<16160xf32, #tpu.memory_space<vmem>>, vector<16xf32>,
      tpu.vector_store %arg8[%parallel_loop3A_1412], %parallel_loop3A_1411 {strides = array<i32>} : memref<16160xf32, #tpu.memory_space<vmem>>, vector<16xf32>,
    } {sc.loop_unroll_factor = 5 : i64, sc.parallel_access}
    %add3A_1284 = arith.constant 30067200 : i32
    %add3A_1285 = arith.addi %add3A_1284, %mul3A_2 : i32
    %add3A_1286 = arith.constant 0 : i32
    %add3A_1287 = arith.addi %add3A_1285, %add3A_1286 : i32
    %multiple_of3A_1288 = tpu.assume_multiple %add3A_1287, 8 : i32
    %dma_start3A_1289 = tpu.memref_slice %arg4[%multiple_of3A_1288] : memref<33177600xf32, #tpu.memory_space<hbm>> -> memref<16160xf32, #tpu.memory_space<hbm>>
    %dma_start3A_1290 = tpu.memref_slice %arg4[%multiple_of3A_1288] : memref<33177600xf32, #tpu.memory_space<hbm>> -> memref<16160xf32, #tpu.memory_space<hbm>>
    tpu.enqueue_dma source(%arg8 : memref<16160xf32, #tpu.memory_space<vmem>>) target(%dma_start3A_1290 : memref<16160xf32, #tpu.memory_space<hbm>>) target_semaphore(%arg12 : memref<!tpu.dma_semaphore, #tpu.memory_space<semaphore_mem>>)
    %add3A_1291 = arith.constant 29030400 : i32
    %add3A_1292 = arith.addi %add3A_1291, %mul3A_2 : i32
    %add3A_1293 = arith.constant 16160 : i32
    %add3A_1294 = arith.addi %add3A_1292, %add3A_1293 : i32
    %multiple_of3A_1295 = tpu.assume_multiple %add3A_1294, 8 : i32
    %dma_wait3A_1296 = tpu.memref_slice %arg4[%multiple_of3A_1295] : memref<33177600xf32, #tpu.memory_space<hbm>> -> memref<16240xf32, #tpu.memory_space<hbm>>
    %dma_wait3A_1297 = tpu.memref_slice %arg4[%multiple_of3A_1295] : memref<33177600xf32, #tpu.memory_space<hbm>> -> memref<16240xf32, #tpu.memory_space<hbm>>
    tpu.wait_dma2 semaphore(%arg13 : memref<!tpu.dma_semaphore, #tpu.memory_space<semaphore_mem>>) src(%arg9 : memref<16240xf32, #tpu.memory_space<vmem>>) dst(%dma_wait3A_1297 : memref<16240xf32, #tpu.memory_space<hbm>>)
    %parallel_loop3A_1298 = arith.constant 0 : i32
    %parallel_loop3A_1299 = arith.constant 16240 : i32
    %parallel_loop3A_1300 = arith.constant 16 : i32
    %parallel_loop3A_1301 = arith.constant 16160 : i32
    scf.for %parallel_loop3A_1407 = %parallel_loop3A_1298 to %parallel_loop3A_1299 step %parallel_loop3A_1300  : i32 {
      %parallel_loop3A_1408 = arith.addi %parallel_loop3A_1301, %parallel_loop3A_1407 : i32
      %parallel_loop3A_1409 = arith.index_cast %parallel_loop3A_1408 : i32 to index
      %parallel_loop3A_1410 = tpu.vector_load %arg5[%parallel_loop3A_1409] {strides = array<i32>} : memref<32400xi32, #tpu.memory_space<vmem>>, vector<16xi32>,
      %parallel_loop3A_1411 = tpu.vector_load_idx %arg7[%parallel_loop3A_1410] : memref<19328xf32, #tpu.memory_space<vmem>>[vector<16xi32>], vector<16xf32>,
      %parallel_loop3A_1412 = arith.index_cast %parallel_loop3A_1407 : i32 to index
      %parallel_loop3A_1413 = tpu.vector_load %arg9[%parallel_loop3A_1412] {strides = array<i32>} : memref<16240xf32, #tpu.memory_space<vmem>>, vector<16xf32>,
      tpu.vector_store %arg9[%parallel_loop3A_1412], %parallel_loop3A_1411 {strides = array<i32>} : memref<16240xf32, #tpu.memory_space<vmem>>, vector<16xf32>,
    } {sc.loop_unroll_factor = 5 : i64, sc.parallel_access}
    %add3A_1302 = arith.constant 30067200 : i32
    %add3A_1303 = arith.addi %add3A_1302, %mul3A_2 : i32
    %add3A_1304 = arith.constant 16160 : i32
    %add3A_1305 = arith.addi %add3A_1303, %add3A_1304 : i32
    %multiple_of3A_1306 = tpu.assume_multiple %add3A_1305, 8 : i32
    %dma_start3A_1307 = tpu.memref_slice %arg4[%multiple_of3A_1306] : memref<33177600xf32, #tpu.memory_space<hbm>> -> memref<16240xf32, #tpu.memory_space<hbm>>
    %dma_start3A_1308 = tpu.memref_slice %arg4[%multiple_of3A_1306] : memref<33177600xf32, #tpu.memory_space<hbm>> -> memref<16240xf32, #tpu.memory_space<hbm>>
    tpu.enqueue_dma source(%arg9 : memref<16240xf32, #tpu.memory_space<vmem>>) target(%dma_start3A_1308 : memref<16240xf32, #tpu.memory_space<hbm>>) target_semaphore(%arg13 : memref<!tpu.dma_semaphore, #tpu.memory_space<semaphore_mem>>)
    %multiple_of3A_1309 = arith.constant 579840 : i32
    %multiple_of3A_1310 = tpu.assume_multiple %multiple_of3A_1309, 8 : i32
    %dma_wait3A_1311 = tpu.memref_slice %arg2[%multiple_of3A_1310] : memref<618496xf32, #tpu.memory_space<hbm>> -> memref<19328xf32, #tpu.memory_space<hbm>>
    %dma_wait3A_1312 = tpu.memref_slice %arg2[%multiple_of3A_1310] : memref<618496xf32, #tpu.memory_space<hbm>> -> memref<19328xf32, #tpu.memory_space<hbm>>
    tpu.wait_dma2 semaphore(%arg10 : memref<!tpu.dma_semaphore, #tpu.memory_space<semaphore_mem>>) src(%dma_wait3A_1312 : memref<19328xf32, #tpu.memory_space<hbm>>) dst(%arg6 : memref<19328xf32, #tpu.memory_space<vmem>>)
    %multiple_of3A_1313 = arith.constant 599168 : i32
    %multiple_of3A_1314 = tpu.assume_multiple %multiple_of3A_1313, 8 : i32
    %dma_start3A_1315 = tpu.memref_slice %arg2[%multiple_of3A_1314] : memref<618496xf32, #tpu.memory_space<hbm>> -> memref<19328xf32, #tpu.memory_space<hbm>>
    %dma_start3A_1316 = tpu.memref_slice %arg2[%multiple_of3A_1314] : memref<618496xf32, #tpu.memory_space<hbm>> -> memref<19328xf32, #tpu.memory_space<hbm>>
    tpu.enqueue_dma source(%dma_start3A_1316 : memref<19328xf32, #tpu.memory_space<hbm>>) target(%arg7 : memref<19328xf32, #tpu.memory_space<vmem>>) target_semaphore(%arg11 : memref<!tpu.dma_semaphore, #tpu.memory_space<semaphore_mem>>)
    %add3A_1317 = arith.constant 30067200 : i32
    %add3A_1318 = arith.addi %add3A_1317, %mul3A_2 : i32
    %add3A_1319 = arith.constant 0 : i32
    %add3A_1320 = arith.addi %add3A_1318, %add3A_1319 : i32
    %multiple_of3A_1321 = tpu.assume_multiple %add3A_1320, 8 : i32
    %dma_wait3A_1322 = tpu.memref_slice %arg4[%multiple_of3A_1321] : memref<33177600xf32, #tpu.memory_space<hbm>> -> memref<16160xf32, #tpu.memory_space<hbm>>
    %dma_wait3A_1323 = tpu.memref_slice %arg4[%multiple_of3A_1321] : memref<33177600xf32, #tpu.memory_space<hbm>> -> memref<16160xf32, #tpu.memory_space<hbm>>
    tpu.wait_dma2 semaphore(%arg12 : memref<!tpu.dma_semaphore, #tpu.memory_space<semaphore_mem>>) src(%arg8 : memref<16160xf32, #tpu.memory_space<vmem>>) dst(%dma_wait3A_1323 : memref<16160xf32, #tpu.memory_space<hbm>>)
    %parallel_loop3A_1324 = arith.constant 0 : i32
    %parallel_loop3A_1325 = arith.constant 16160 : i32
    %parallel_loop3A_1326 = arith.constant 16 : i32
    %parallel_loop3A_1327 = arith.constant 0 : i32
    scf.for %parallel_loop3A_1407 = %parallel_loop3A_1324 to %parallel_loop3A_1325 step %parallel_loop3A_1326  : i32 {
      %parallel_loop3A_1408 = arith.addi %parallel_loop3A_1327, %parallel_loop3A_1407 : i32
      %parallel_loop3A_1409 = arith.index_cast %parallel_loop3A_1408 : i32 to index
      %parallel_loop3A_1410 = tpu.vector_load %arg5[%parallel_loop3A_1409] {strides = array<i32>} : memref<32400xi32, #tpu.memory_space<vmem>>, vector<16xi32>,
      %parallel_loop3A_1411 = tpu.vector_load_idx %arg6[%parallel_loop3A_1410] : memref<19328xf32, #tpu.memory_space<vmem>>[vector<16xi32>], vector<16xf32>,
      %parallel_loop3A_1412 = arith.index_cast %parallel_loop3A_1407 : i32 to index
      %parallel_loop3A_1413 = tpu.vector_load %arg8[%parallel_loop3A_1412] {strides = array<i32>} : memref<16160xf32, #tpu.memory_space<vmem>>, vector<16xf32>,
      tpu.vector_store %arg8[%parallel_loop3A_1412], %parallel_loop3A_1411 {strides = array<i32>} : memref<16160xf32, #tpu.memory_space<vmem>>, vector<16xf32>,
    } {sc.loop_unroll_factor = 5 : i64, sc.parallel_access}
    %add3A_1328 = arith.constant 31104000 : i32
    %add3A_1329 = arith.addi %add3A_1328, %mul3A_2 : i32
    %add3A_1330 = arith.constant 0 : i32
    %add3A_1331 = arith.addi %add3A_1329, %add3A_1330 : i32
    %multiple_of3A_1332 = tpu.assume_multiple %add3A_1331, 8 : i32
    %dma_start3A_1333 = tpu.memref_slice %arg4[%multiple_of3A_1332] : memref<33177600xf32, #tpu.memory_space<hbm>> -> memref<16160xf32, #tpu.memory_space<hbm>>
    %dma_start3A_1334 = tpu.memref_slice %arg4[%multiple_of3A_1332] : memref<33177600xf32, #tpu.memory_space<hbm>> -> memref<16160xf32, #tpu.memory_space<hbm>>
    tpu.enqueue_dma source(%arg8 : memref<16160xf32, #tpu.memory_space<vmem>>) target(%dma_start3A_1334 : memref<16160xf32, #tpu.memory_space<hbm>>) target_semaphore(%arg12 : memref<!tpu.dma_semaphore, #tpu.memory_space<semaphore_mem>>)
    %add3A_1335 = arith.constant 30067200 : i32
    %add3A_1336 = arith.addi %add3A_1335, %mul3A_2 : i32
    %add3A_1337 = arith.constant 16160 : i32
    %add3A_1338 = arith.addi %add3A_1336, %add3A_1337 : i32
    %multiple_of3A_1339 = tpu.assume_multiple %add3A_1338, 8 : i32
    %dma_wait3A_1340 = tpu.memref_slice %arg4[%multiple_of3A_1339] : memref<33177600xf32, #tpu.memory_space<hbm>> -> memref<16240xf32, #tpu.memory_space<hbm>>
    %dma_wait3A_1341 = tpu.memref_slice %arg4[%multiple_of3A_1339] : memref<33177600xf32, #tpu.memory_space<hbm>> -> memref<16240xf32, #tpu.memory_space<hbm>>
    tpu.wait_dma2 semaphore(%arg13 : memref<!tpu.dma_semaphore, #tpu.memory_space<semaphore_mem>>) src(%arg9 : memref<16240xf32, #tpu.memory_space<vmem>>) dst(%dma_wait3A_1341 : memref<16240xf32, #tpu.memory_space<hbm>>)
    %parallel_loop3A_1342 = arith.constant 0 : i32
    %parallel_loop3A_1343 = arith.constant 16240 : i32
    %parallel_loop3A_1344 = arith.constant 16 : i32
    %parallel_loop3A_1345 = arith.constant 16160 : i32
    scf.for %parallel_loop3A_1407 = %parallel_loop3A_1342 to %parallel_loop3A_1343 step %parallel_loop3A_1344  : i32 {
      %parallel_loop3A_1408 = arith.addi %parallel_loop3A_1345, %parallel_loop3A_1407 : i32
      %parallel_loop3A_1409 = arith.index_cast %parallel_loop3A_1408 : i32 to index
      %parallel_loop3A_1410 = tpu.vector_load %arg5[%parallel_loop3A_1409] {strides = array<i32>} : memref<32400xi32, #tpu.memory_space<vmem>>, vector<16xi32>,
      %parallel_loop3A_1411 = tpu.vector_load_idx %arg6[%parallel_loop3A_1410] : memref<19328xf32, #tpu.memory_space<vmem>>[vector<16xi32>], vector<16xf32>,
      %parallel_loop3A_1412 = arith.index_cast %parallel_loop3A_1407 : i32 to index
      %parallel_loop3A_1413 = tpu.vector_load %arg9[%parallel_loop3A_1412] {strides = array<i32>} : memref<16240xf32, #tpu.memory_space<vmem>>, vector<16xf32>,
      tpu.vector_store %arg9[%parallel_loop3A_1412], %parallel_loop3A_1411 {strides = array<i32>} : memref<16240xf32, #tpu.memory_space<vmem>>, vector<16xf32>,
    } {sc.loop_unroll_factor = 5 : i64, sc.parallel_access}
    %add3A_1346 = arith.constant 31104000 : i32
    %add3A_1347 = arith.addi %add3A_1346, %mul3A_2 : i32
    %add3A_1348 = arith.constant 16160 : i32
    %add3A_1349 = arith.addi %add3A_1347, %add3A_1348 : i32
    %multiple_of3A_1350 = tpu.assume_multiple %add3A_1349, 8 : i32
    %dma_start3A_1351 = tpu.memref_slice %arg4[%multiple_of3A_1350] : memref<33177600xf32, #tpu.memory_space<hbm>> -> memref<16240xf32, #tpu.memory_space<hbm>>
    %dma_start3A_1352 = tpu.memref_slice %arg4[%multiple_of3A_1350] : memref<33177600xf32, #tpu.memory_space<hbm>> -> memref<16240xf32, #tpu.memory_space<hbm>>
    tpu.enqueue_dma source(%arg9 : memref<16240xf32, #tpu.memory_space<vmem>>) target(%dma_start3A_1352 : memref<16240xf32, #tpu.memory_space<hbm>>) target_semaphore(%arg13 : memref<!tpu.dma_semaphore, #tpu.memory_space<semaphore_mem>>)
    %multiple_of3A_1353 = arith.constant 599168 : i32
    %multiple_of3A_1354 = tpu.assume_multiple %multiple_of3A_1353, 8 : i32
    %dma_wait3A_1355 = tpu.memref_slice %arg2[%multiple_of3A_1354] : memref<618496xf32, #tpu.memory_space<hbm>> -> memref<19328xf32, #tpu.memory_space<hbm>>
    %dma_wait3A_1356 = tpu.memref_slice %arg2[%multiple_of3A_1354] : memref<618496xf32, #tpu.memory_space<hbm>> -> memref<19328xf32, #tpu.memory_space<hbm>>
    tpu.wait_dma2 semaphore(%arg11 : memref<!tpu.dma_semaphore, #tpu.memory_space<semaphore_mem>>) src(%dma_wait3A_1356 : memref<19328xf32, #tpu.memory_space<hbm>>) dst(%arg7 : memref<19328xf32, #tpu.memory_space<vmem>>)
    %add3A_1357 = arith.constant 31104000 : i32
    %add3A_1358 = arith.addi %add3A_1357, %mul3A_2 : i32
    %add3A_1359 = arith.constant 0 : i32
    %add3A_1360 = arith.addi %add3A_1358, %add3A_1359 : i32
    %multiple_of3A_1361 = tpu.assume_multiple %add3A_1360, 8 : i32
    %dma_wait3A_1362 = tpu.memref_slice %arg4[%multiple_of3A_1361] : memref<33177600xf32, #tpu.memory_space<hbm>> -> memref<16160xf32, #tpu.memory_space<hbm>>
    %dma_wait3A_1363 = tpu.memref_slice %arg4[%multiple_of3A_1361] : memref<33177600xf32, #tpu.memory_space<hbm>> -> memref<16160xf32, #tpu.memory_space<hbm>>
    tpu.wait_dma2 semaphore(%arg12 : memref<!tpu.dma_semaphore, #tpu.memory_space<semaphore_mem>>) src(%arg8 : memref<16160xf32, #tpu.memory_space<vmem>>) dst(%dma_wait3A_1363 : memref<16160xf32, #tpu.memory_space<hbm>>)
    %parallel_loop3A_1364 = arith.constant 0 : i32
    %parallel_loop3A_1365 = arith.constant 16160 : i32
    %parallel_loop3A_1366 = arith.constant 16 : i32
    %parallel_loop3A_1367 = arith.constant 0 : i32
    scf.for %parallel_loop3A_1407 = %parallel_loop3A_1364 to %parallel_loop3A_1365 step %parallel_loop3A_1366  : i32 {
      %parallel_loop3A_1408 = arith.addi %parallel_loop3A_1367, %parallel_loop3A_1407 : i32
      %parallel_loop3A_1409 = arith.index_cast %parallel_loop3A_1408 : i32 to index
      %parallel_loop3A_1410 = tpu.vector_load %arg5[%parallel_loop3A_1409] {strides = array<i32>} : memref<32400xi32, #tpu.memory_space<vmem>>, vector<16xi32>,
      %parallel_loop3A_1411 = tpu.vector_load_idx %arg7[%parallel_loop3A_1410] : memref<19328xf32, #tpu.memory_space<vmem>>[vector<16xi32>], vector<16xf32>,
      %parallel_loop3A_1412 = arith.index_cast %parallel_loop3A_1407 : i32 to index
      %parallel_loop3A_1413 = tpu.vector_load %arg8[%parallel_loop3A_1412] {strides = array<i32>} : memref<16160xf32, #tpu.memory_space<vmem>>, vector<16xf32>,
      tpu.vector_store %arg8[%parallel_loop3A_1412], %parallel_loop3A_1411 {strides = array<i32>} : memref<16160xf32, #tpu.memory_space<vmem>>, vector<16xf32>,
    } {sc.loop_unroll_factor = 5 : i64, sc.parallel_access}
    %add3A_1368 = arith.constant 32140800 : i32
    %add3A_1369 = arith.addi %add3A_1368, %mul3A_2 : i32
    %add3A_1370 = arith.constant 0 : i32
    %add3A_1371 = arith.addi %add3A_1369, %add3A_1370 : i32
    %multiple_of3A_1372 = tpu.assume_multiple %add3A_1371, 8 : i32
    %dma_start3A_1373 = tpu.memref_slice %arg4[%multiple_of3A_1372] : memref<33177600xf32, #tpu.memory_space<hbm>> -> memref<16160xf32, #tpu.memory_space<hbm>>
    %dma_start3A_1374 = tpu.memref_slice %arg4[%multiple_of3A_1372] : memref<33177600xf32, #tpu.memory_space<hbm>> -> memref<16160xf32, #tpu.memory_space<hbm>>
    tpu.enqueue_dma source(%arg8 : memref<16160xf32, #tpu.memory_space<vmem>>) target(%dma_start3A_1374 : memref<16160xf32, #tpu.memory_space<hbm>>) target_semaphore(%arg12 : memref<!tpu.dma_semaphore, #tpu.memory_space<semaphore_mem>>)
    %add3A_1375 = arith.constant 31104000 : i32
    %add3A_1376 = arith.addi %add3A_1375, %mul3A_2 : i32
    %add3A_1377 = arith.constant 16160 : i32
    %add3A_1378 = arith.addi %add3A_1376, %add3A_1377 : i32
    %multiple_of3A_1379 = tpu.assume_multiple %add3A_1378, 8 : i32
    %dma_wait3A_1380 = tpu.memref_slice %arg4[%multiple_of3A_1379] : memref<33177600xf32, #tpu.memory_space<hbm>> -> memref<16240xf32, #tpu.memory_space<hbm>>
    %dma_wait3A_1381 = tpu.memref_slice %arg4[%multiple_of3A_1379] : memref<33177600xf32, #tpu.memory_space<hbm>> -> memref<16240xf32, #tpu.memory_space<hbm>>
    tpu.wait_dma2 semaphore(%arg13 : memref<!tpu.dma_semaphore, #tpu.memory_space<semaphore_mem>>) src(%arg9 : memref<16240xf32, #tpu.memory_space<vmem>>) dst(%dma_wait3A_1381 : memref<16240xf32, #tpu.memory_space<hbm>>)
    %parallel_loop3A_1382 = arith.constant 0 : i32
    %parallel_loop3A_1383 = arith.constant 16240 : i32
    %parallel_loop3A_1384 = arith.constant 16 : i32
    %parallel_loop3A_1385 = arith.constant 16160 : i32
    scf.for %parallel_loop3A_1407 = %parallel_loop3A_1382 to %parallel_loop3A_1383 step %parallel_loop3A_1384  : i32 {
      %parallel_loop3A_1408 = arith.addi %parallel_loop3A_1385, %parallel_loop3A_1407 : i32
      %parallel_loop3A_1409 = arith.index_cast %parallel_loop3A_1408 : i32 to index
      %parallel_loop3A_1410 = tpu.vector_load %arg5[%parallel_loop3A_1409] {strides = array<i32>} : memref<32400xi32, #tpu.memory_space<vmem>>, vector<16xi32>,
      %parallel_loop3A_1411 = tpu.vector_load_idx %arg7[%parallel_loop3A_1410] : memref<19328xf32, #tpu.memory_space<vmem>>[vector<16xi32>], vector<16xf32>,
      %parallel_loop3A_1412 = arith.index_cast %parallel_loop3A_1407 : i32 to index
      %parallel_loop3A_1413 = tpu.vector_load %arg9[%parallel_loop3A_1412] {strides = array<i32>} : memref<16240xf32, #tpu.memory_space<vmem>>, vector<16xf32>,
      tpu.vector_store %arg9[%parallel_loop3A_1412], %parallel_loop3A_1411 {strides = array<i32>} : memref<16240xf32, #tpu.memory_space<vmem>>, vector<16xf32>,
    } {sc.loop_unroll_factor = 5 : i64, sc.parallel_access}
    %add3A_1386 = arith.constant 32140800 : i32
    %add3A_1387 = arith.addi %add3A_1386, %mul3A_2 : i32
    %add3A_1388 = arith.constant 16160 : i32
    %add3A_1389 = arith.addi %add3A_1387, %add3A_1388 : i32
    %multiple_of3A_1390 = tpu.assume_multiple %add3A_1389, 8 : i32
    %dma_start3A_1391 = tpu.memref_slice %arg4[%multiple_of3A_1390] : memref<33177600xf32, #tpu.memory_space<hbm>> -> memref<16240xf32, #tpu.memory_space<hbm>>
    %dma_start3A_1392 = tpu.memref_slice %arg4[%multiple_of3A_1390] : memref<33177600xf32, #tpu.memory_space<hbm>> -> memref<16240xf32, #tpu.memory_space<hbm>>
    tpu.enqueue_dma source(%arg9 : memref<16240xf32, #tpu.memory_space<vmem>>) target(%dma_start3A_1392 : memref<16240xf32, #tpu.memory_space<hbm>>) target_semaphore(%arg13 : memref<!tpu.dma_semaphore, #tpu.memory_space<semaphore_mem>>)
    %add3A_1393 = arith.constant 32140800 : i32
    %add3A_1394 = arith.addi %add3A_1393, %mul3A_2 : i32
    %add3A_1395 = arith.constant 0 : i32
    %add3A_1396 = arith.addi %add3A_1394, %add3A_1395 : i32
    %multiple_of3A_1397 = tpu.assume_multiple %add3A_1396, 8 : i32
    %dma_wait3A_1398 = tpu.memref_slice %arg4[%multiple_of3A_1397] : memref<33177600xf32, #tpu.memory_space<hbm>> -> memref<16160xf32, #tpu.memory_space<hbm>>
    %dma_wait3A_1399 = tpu.memref_slice %arg4[%multiple_of3A_1397] : memref<33177600xf32, #tpu.memory_space<hbm>> -> memref<16160xf32, #tpu.memory_space<hbm>>
    tpu.wait_dma2 semaphore(%arg12 : memref<!tpu.dma_semaphore, #tpu.memory_space<semaphore_mem>>) src(%arg8 : memref<16160xf32, #tpu.memory_space<vmem>>) dst(%dma_wait3A_1399 : memref<16160xf32, #tpu.memory_space<hbm>>)
    %add3A_1400 = arith.constant 32140800 : i32
    %add3A_1401 = arith.addi %add3A_1400, %mul3A_2 : i32
    %add3A_1402 = arith.constant 16160 : i32
    %add3A_1403 = arith.addi %add3A_1401, %add3A_1402 : i32
    %multiple_of3A_1404 = tpu.assume_multiple %add3A_1403, 8 : i32
    %dma_wait3A_1405 = tpu.memref_slice %arg4[%multiple_of3A_1404] : memref<33177600xf32, #tpu.memory_space<hbm>> -> memref<16240xf32, #tpu.memory_space<hbm>>
    %dma_wait3A_1406 = tpu.memref_slice %arg4[%multiple_of3A_1404] : memref<33177600xf32, #tpu.memory_space<hbm>> -> memref<16240xf32, #tpu.memory_space<hbm>>
    tpu.wait_dma2 semaphore(%arg13 : memref<!tpu.dma_semaphore, #tpu.memory_space<semaphore_mem>>) src(%arg9 : memref<16240xf32, #tpu.memory_space<vmem>>) dst(%dma_wait3A_1406 : memref<16240xf32, #tpu.memory_space<hbm>>)
    return
  }
}

</mosaic_0001>

<sc_bundles>
// kernel: kernel.3.cloned.1.call-start
scs
__scs_entry_jumppad:
0x0: {  	(pc) =	sbr.rel $0x88, $3  }
0x1: {  	(tag) =	ssettag $0x0;
	lr =	simm.s32 $0x1  }
0x2: {  	[smem:$0x3F9C] =	sst lr;
	_ =	strace $0xD0000000  }
0x3: {  	_ = 	snop  }
0x4: {  	_ = 	snop  }
0x5: {  	_ = 	snop  }
0x6: {  	_ = 	snop  }
0x7: {  	_ = 	snop  }
__scs_overlays_trampoline_lowered:
0x8: {  	[smem:$0x3FAB] =	sst s0  }
0x9: {  	[smem:$0x3FAC] =	sst s1  }
0xa: {  	[smem:$0x3FAD] =	sst s2  }
0xb: {  	[smem:$0x3FAE] =	sst s3  }
0xc: {  	[smem:$0x3FAF] =	sst s4  }
0xd: {  	[smem:$0x3FB0] =	sst s5  }
0xe: {  	[smem:$0x3FB1] =	sst s6  }
0xf: {  	[smem:$0x3FB2] =	sst s7  }
0x10: {  	[smem:$0x3FB3] =	sst s8  }
0x11: {  	[smem:$0x3FB4] =	sst s9;
	s0 =	simm.s32 @!p0 $0x0  }
0x12: {  	s1 =	sld [smem:$0x3F9A];
	s0 =	simm.s32 @p0 $0x1  }
0x13: {  	[smem:$0x3FB5] =	sst s0;
	s0 =	simm.s32 @!p1 $0x0  }
0x14: {  	s2 =	sld [smem:$0x3F99];
	s0 =	simm.s32 @p1 $0x1  }
0x15: {  	[smem:$0x3FB6] =	sst s0;
	s0 =	simm.s32 @!p2 $0x0  }
0x16: {  	s3 =	sld [smem:$0x3FDB];
	s0 =	simm.s32 @p2 $0x1  }
0x17: {  	s4 =	simm.s32 $0x1BF5;
	[smem:$0x3FB8] =	sst s0  }
0x18: {  	s0 =	sld [smem:$0x3F9B];
	_ =	swait.ge [sflag:s4], $0x0  }
0x19: {  	s7 =	sld [smem:$0x3F9C]  }
0x1a: {  	s8 =	sadd.s32 $0xFFFFE003, lr  }
0x1b: {  	s9 =	sadd.s32 $0xFFFFFEF7, lr;
	s5 =	simm.s32 $0xFFFFFFFF;
	p2 =	slt.u32 s8, $0xFFFFF086  }
0x1c: {  	p1 =	slt.u32 s9, $0xF7A;
	s5 =	simm.s32 @!p2 $0x0  }
0x1d: {  	s5 =	simm.s32 @p1 $0x1;
	p0 =	seq.s32 s7, s2  }
0x1e: {  	s7 =	smul.u32 @!p0 $0xF7A, s2;
	p2 =	seq.s32 @!p0 s5, $0x0  }
0x1f: {  	s9 =	smul.u32 $0xF7A, s1;
	s8 =	simm.s32 @!p0 $0x1BF5;
	p2 =	por !p2, p0  }
0x20: {  	[sflag:s8] =	ssyncset.s32 @!p0 $0xFFFFF086;
	s6 =	sadd.s32 @!p0 s3, s7;
	s7 =	simm.s32 @!p0 $0x108  }
0x21: {  	s3 =	sadd.s32 s3, s9;
	s6 =	sadd.s32 @!p0 $0x88, s6;
	s7 =	simm.s32 @p2 $0x1082  }
0x22: {  	[simem:s7], [sflag:s8] =	dma.local @!p0 [hbm:s6], $0xF7A  }
0x23: {  	s9 =	sor.u32 $0xD0000000, s2;
	s6 =	simm.s32 $0x108;
	_ =	swait.ge @!p0 [sflag:s8], $0x0  }
0x24: {  	s3 =	sadd.s32 $0x88, s3;
	s6 =	simm.s32 @!p1 $0x1082;
	[sflag:s4] =	ssyncset.s32 $0xFFFFF086  }
0x25: {  	[simem:s6], [sflag:s4] =	dma.local [hbm:s3], $0xF7A  }
0x26: {  	[smem:$0x3F9C] =	sst s1;
	(tag) =	ssettag s2;
	_ =	strace s9  }
0x27: {  	s1 =	sld [smem:$0x3FAC]  }
0x28: {  	s2 =	sld [smem:$0x3FAD]  }
0x29: {  	s4 =	sld [smem:$0x3FAF]  }
0x2a: {  	p0 =	seq.s32 s5, $0x0;
	s5 =	sld [smem:$0x3FB0]  }
0x2b: {  	s6 =	sld [smem:$0x3FB1]  }
0x2c: {  	s7 =	sld [smem:$0x3FB2]  }
0x2d: {  	s3 =	simm.s32 $0x108;
	s8 =	sld [smem:$0x3FB3]  }
0x2e: {  	s3 =	simm.s32 @!p0 $0x1082;
	s9 =	sld [smem:$0x3FB4]  }
0x2f: {  	lr =	sadd.s32 s0, s3;
	s0 =	sld [smem:$0x3FAB]  }
0x30: {  	s3 =	sld [smem:$0x3FAE]  }
0x31: {  	[smem:$0x3FB7] =	sst s10  }
0x32: {  	s10 =	sld [smem:$0x3FB5];
	_ =	sdelay $0x3  }
0x33: {  	p0 =	seq.s32 s10, $0x1;
	s10 =	sld [smem:$0x3FB7];
	_ =	sdelay $0x3  }
0x34: {  	[smem:$0x3FB7] =	sst s10  }
0x35: {  	s10 =	sld [smem:$0x3FB6];
	_ =	sdelay $0x3  }
0x36: {  	p1 =	seq.s32 s10, $0x1;
	s10 =	sld [smem:$0x3FB7];
	_ =	sdelay $0x3  }
0x37: {  	[smem:$0x3FB7] =	sst s10  }
0x38: {  	s10 =	sld [smem:$0x3FB8]  }
0x39: {  	_ = 	snop;
	(pc) =	sbr.ind lr, $3  }
0x3a: {  	_ = 	snop  }
0x3b: {  	_ = 	snop  }
0x3c: {  	p2 =	seq.s32 s10, $0x1;
	s10 =	sld [smem:$0x3FB7]  }
0x3d: {  	_ =	shalt  }
0x3e: {  	_ =	shalt  }
0x3f: {  	_ =	shalt  }
0x40: {  	_ =	shalt  }
0x41: {  	_ =	shalt  }
0x42: {  	_ =	shalt  }
0x43: {  	_ =	shalt  }
0x44: {  	_ =	shalt  }
0x45: {  	_ =	shalt  }
0x46: {  	_ =	shalt  }
0x47: {  	_ =	shalt  }
0x48: {  	_ =	shalt  }
0x49: {  	_ =	shalt  }
0x4a: {  	_ =	shalt  }
0x4b: {  	_ =	shalt  }
0x4c: {  	_ =	shalt  }
0x4d: {  	_ =	shalt  }
0x4e: {  	_ =	shalt  }
0x4f: {  	_ =	shalt  }
0x50: {  	_ =	shalt  }
0x51: {  	_ =	shalt  }
0x52: {  	_ =	shalt  }
0x53: {  	_ =	shalt  }
0x54: {  	_ =	shalt  }
0x55: {  	_ =	shalt  }
0x56: {  	_ =	shalt  }
0x57: {  	_ =	shalt  }
0x58: {  	_ =	shalt  }
0x59: {  	_ =	shalt  }
0x5a: {  	_ =	shalt  }
0x5b: {  	_ =	shalt  }
0x5c: {  	_ =	shalt  }
0x5d: {  	_ =	shalt  }
0x5e: {  	_ =	shalt  }
0x5f: {  	_ =	shalt  }
0x60: {  	_ =	shalt  }
0x61: {  	_ =	shalt  }
0x62: {  	_ =	shalt  }
0x63: {  	_ =	shalt  }
0x64: {  	_ =	shalt  }
0x65: {  	_ =	shalt  }
0x66: {  	_ =	shalt  }
0x67: {  	_ =	shalt  }
0x68: {  	_ =	shalt  }
0x69: {  	_ =	shalt  }
0x6a: {  	_ =	shalt  }
0x6b: {  	_ =	shalt  }
0x6c: {  	_ =	shalt  }
0x6d: {  	_ =	shalt  }
0x6e: {  	_ =	shalt  }
0x6f: {  	_ =	shalt  }
0x70: {  	_ =	shalt  }
0x71: {  	_ =	shalt  }
0x72: {  	_ =	shalt  }
0x73: {  	_ =	shalt  }
0x74: {  	_ =	shalt  }
0x75: {  	_ =	shalt  }
0x76: {  	_ =	shalt  }
0x77: {  	_ =	shalt  }
0x78: {  	_ =	shalt  }
0x79: {  	_ =	shalt  }
0x7a: {  	_ =	shalt  }
0x7b: {  	_ =	shalt  }
0x7c: {  	_ =	shalt  }
0x7d: {  	_ =	shalt  }
0x7e: {  	_ =	shalt  }
0x7f: {  	_ =	shalt  }
0x80: {  	_ =	shalt  }
0x81: {  	_ =	shalt  }
0x82: {  	_ =	shalt  }
0x83: {  	_ =	shalt  }
0x84: {  	_ =	shalt  }
0x85: {  	_ =	shalt  }
0x86: {  	_ =	shalt  }
0x87: {  	_ =	shalt  }
.Lfunc_end0:
.L_simem_size_0:
called_computation_lowered:
.L_overlay_start_0:
0x88: {  	s2 =	sld [smem:$0x3FD9]  }
0x89: {  	s3 =	sld [smem:$0x3FFE];
	_ =	sdelay $0x1  }
0x8a: {  	s1 =	srdreg.scid  }
0x8b: {  	s0 =	sand.u32 $0x1, s1  }
0x8c: {  	s17 =	sshll.u32 s0, $0xA;
	s2 =	sadd.s32 s3, s2  }
0x8d: {  	s2 =	sadd.s32 s2, s17  }
0x8e: {  	[smem:$0x3FC3] =	sst s2  }
0x8f: {  	_ = 	snop  }
0x90: {  	s2 =	sld [smem:$0x3FD0];
	(tm) =	ssettm $0x1  }
0x91: {  	s18 =	sld [smem:$0x3FFB];
	_ =	sdelay $0x3  }
0x92: {  	_ =	strace s18  }
0x93: {  	s3 =	sld [smem:$0x3FFC];
	_ =	sdelay $0x3  }
0x94: {  	_ =	strace s3  }
0x95: {  	s3 =	sld [smem:$0x3FFD];
	_ =	sdelay $0x3  }
0x96: {  	_ =	strace s3  }
0x97: {  	_ =	strace $0x8FFFFFFF  }
0x98: {  	s19 =	sld [smem:$0x3FDB];
	_ =	sdelay $0x1  }
0x99: {  	s4 =	simm.s32 $_scs_section_size  }
0x9a: {  	s5 =	simm.s32 $_size__tile_overlayer_lowered;
	s6 =	simm.s32 $_tile_overlayer_lowered  }
0x9b: {  	s22 =	simm.s32 $0x1BFF;
	s21 =	sshll.u32 s6, $0x1;
	s3 =	sadd.s32 s4, s19  }
0x9c: {  	s7 =	simm.s32 $0x0;
	s20 =	sshll.u32 s5, $0x1;
	s5 =	sadd.s32 s21, s3  }
0x9d: {  	[timem:s7], [sflag:s22] =	dma.local [hbm:s5], s20  }
0x9e: {  	_ =	swait.ge [sflag:s22], s20  }
0x9f: {  	s4 =	ssub.s32 $0x0, s20;
	[sflag:s22] =	ssyncset.done $0x0  }
0xa0: {  	[sflag:s22] =	ssyncadd.s32 s4;
	_ =	sdelay $0x1  }
0xa1: {  	s23 =	simm.s32 $0x1B8B  }
0xa2: {  	_ =	swait.ge [sflag:s23], $0x1  }
0xa3: {  	[sflag:s23] =	ssyncset.done $0x0  }
0xa4: {  	s25 =	simm.s32 $0x1B8E;
	s24 =	sld [smem:$0x3FFE];
	[sflag:s23] =	ssyncadd.s32 $0xFFFFFFFF  }
0xa5: {  	s26 =	simm.s32 $execute0_lowered;
	[smem:$0x3FD2] =	sst s25  }
0xa6: {  	s5 =	sshll.u32 s26, $0x1;
	_ =	strace $0x80000046;
	[dreg:$0x1] =	wrdreg $0xFFFFFFFF  }
0xa7: {  	s28 =	simm.s32 $_size_execute0_lowered;
	s3 =	sadd.s32 s3, s5;
	[dreg:$0x0] =	wrdreg $0x0  }
0xa8: {  	s5 =	sshll.u32 s28, $0x1;
	[dreg:$0x2] =	wrdreg s3  }
0xa9: {  	[dreg:$0x3] =	wrdreg s5  }
0xaa: {  	[dreg:$0x4] =	wrdreg $0xC0  }
0xab: {  	_ =	task [dreg:s7], $0x5FFFF  }
0xac: {  	[dreg:$0x1] =	wrdreg $0xFFFFFFFF  }
0xad: {  	[dreg:$0x0] =	wrdreg $0x60  }
0xae: {  	[dreg:$0x2] =	wrdreg s24  }
0xaf: {  	[dreg:$0x3] =	wrdreg s2  }
0xb0: {  	[dreg:$0x4] =	wrdreg $0x9  }
0xb1: {  	_ =	task.clear_ibuf [dreg:s7], $0x5FFFF;
	_ =	strace $0x90000046  }
0xb2: {  	s29 =	simm.s32 $0x9;
	_ =	strace $0x80000048  }
0xb3: {  	_ =	swait.ge [sflag:s29], $0x1  }
0xb4: {  	[sflag:s29] =	ssyncadd.s32 $0xFFFFFFFF  }
0xb5: {  	_ =	strace $0x90000048  }
0xb6: {  	_ =	sfence  }
0xb7: {  	s30 =	sld [smem:$0x0];
	_ =	sdelay $0x2  }
0xb8: {  	s31 =	sshll.u32 s1, $0xD;
	s1 =	sshrl.u32 s1, $0x2  }
0xb9: {  	s3 =	sand.u32 $0x4000, s31;
	s1 =	sadd.s32 s1, s30  }
0xba: {  	s0 =	sor.u32 s3, s0;
	s1 =	sshll.u32 s1, $0x11  }
0xbb: {  	s0 =	sor.u32 s1, s0  }
0xbc: {  	s0 =	sadd.s32 $0x8F2B, s0  }
0xbd: {  	[sflag:s0] =	ssyncadd.remote.s32 $0x1  }
0xbe: {  	_ =	sfence.sel $0xFFFF  }
0xbf: {  	[dreg:$0x0] =	wrdreg $0xFFFFFFFF;
	(pc) =	sbr.abs _section_cstart, $3  }
0xc0: {  	[dreg:$0x1] =	wrdreg $0xFFFFFFFF  }
0xc1: {  	_ =	task.clear_ibuf [dreg:s7], $0x2FFFF;
	_ =	strace $0x9FFFFFFF  }
0xc2: {  	(tm) =	ssettm $0x7FFFFFFF  }
0xc3: {  	_ =	shalt  }
tec
execute0_lowered:
.L_overlay_start_1:
0x0: {  	(tag) =	ssettag $0x1  }
0x1: {  	s3 =	rddreg [dreg:$0x0]  }
0x2: {  	s6 =	rddreg [dreg:$0x1];
	s2 =	simm.s32 $0x0  }
0x3: {  	[smem:$0x7FF] =	sst s2;
	s5 =	sadd.s32 $0x5A00, s3  }
0x4: {  	s8 =	sadd.s32 $0x6370, s3;
	_ =	strace $0x80000047;
	[dreg:$0x3] =	wrdreg s5  }
0x5: {  	s10 =	sadd.s32 $0x6CE0, s3;
	[dreg:$0x4] =	wrdreg s8  }
0x6: {  	s11 =	sadd.s32 $0x7650, s3;
	[dreg:$0x5] =	wrdreg s10  }
0x7: {  	s12 =	sadd.s32 $0x7FC0, s3;
	[dreg:$0x6] =	wrdreg s11  }
0x8: {  	s13 =	sadd.s32 $0x8930, s3;
	[dreg:$0x7] =	wrdreg s12  }
0x9: {  	s14 =	sadd.s32 $0x92A0, s3;
	[dreg:$0x8] =	wrdreg s13  }
0xa: {  	s15 =	sadd.s32 $0x9C10, s3;
	[dreg:$0x9] =	wrdreg s14  }
0xb: {  	s16 =	sadd.s32 $0xA580, s3;
	[dreg:$0xa] =	wrdreg s15  }
0xc: {  	s17 =	sadd.s32 $0xAEF0, s3;
	[dreg:$0xb] =	wrdreg s16  }
0xd: {  	s18 =	sadd.s32 $0xB860, s3;
	[dreg:$0xc] =	wrdreg s17  }
0xe: {  	s19 =	sadd.s32 $0xC1D0, s3;
	[dreg:$0xd] =	wrdreg s18  }
0xf: {  	s20 =	sadd.s32 $0xCB40, s3;
	[dreg:$0xe] =	wrdreg s19  }
0x10: {  	s21 =	sadd.s32 $0xD4B0, s3;
	[dreg:$0xf] =	wrdreg s20  }
0x11: {  	s22 =	sadd.s32 $0xDE20, s3;
	[dreg:$0x10] =	wrdreg s21  }
0x12: {  	s23 =	sadd.s32 $0xE790, s3;
	[dreg:$0x11] =	wrdreg s22  }
0x13: {  	s24 =	sadd.s32 $0xF100, s3;
	[dreg:$0x12] =	wrdreg s23  }
0x14: {  	s25 =	sadd.s32 $0xFA70, s3;
	[dreg:$0x13] =	wrdreg s24  }
0x15: {  	s26 =	sadd.s32 $0x103E0, s3;
	[dreg:$0x14] =	wrdreg s25  }
0x16: {  	s4 =	sadd.s32 $0x10D50, s3;
	[dreg:$0x15] =	wrdreg s26  }
0x17: {  	[dreg:$0x16] =	wrdreg s4;
	s5 =	sadd.s32 $0x116C0, s3  }
0x18: {  	s8 =	sadd.s32 $0x12030, s3;
	[dreg:$0x17] =	wrdreg s5  }
0x19: {  	s10 =	sadd.s32 $0x129A0, s3;
	[dreg:$0x18] =	wrdreg s8  }
0x1a: {  	s0 =	srdreg.scid;
	s11 =	sadd.s32 $0x13310, s3;
	[dreg:$0x19] =	wrdreg s10  }
0x1b: {  	s1 =	stileid.u32;
	s12 =	sadd.s32 $0x13C80, s3;
	[dreg:$0x1a] =	wrdreg s11  }
0x1c: {  	s0 =	sand.u32 $0x1, s0;
	s13 =	sadd.s32 $0x145F0, s3;
	[dreg:$0x1b] =	wrdreg s12  }
0x1d: {  	s1 =	sshll.u32 s1, $0x1;
	s14 =	sadd.s32 $0x14F60, s3;
	[dreg:$0x1c] =	wrdreg s13  }
0x1e: {  	s1 =	sor.u32 s0, s1;
	s15 =	sadd.s32 $0x158D0, s3;
	[dreg:$0x1d] =	wrdreg s14  }
0x1f: {  	s16 =	sadd.s32 $0x16240, s3;
	s1 =	smul.u32 $0x7E90, s1;
	[dreg:$0x1e] =	wrdreg s15  }
0x20: {  	s17 =	sadd.s32 $0x16BB0, s3;
	[dreg:$0x1f] =	wrdreg s16  }
0x21: {  	s18 =	sadd.s32 $0x17520, s3;
	[smem:$0x7CA] =	sst s17;
	s7 =	sshrl.u32 s1, $0x3  }
0x22: {  	s19 =	sadd.s32 $0x17E90, s3;
	[smem:$0x7CB] =	sst s18;
	s9 =	sadd.s32 s7, s3  }
0x23: {  	[smem:$0x7CC] =	sst s19;
	s20 =	sadd.s32 $0x18800, s9  }
0x24: {  	s21 =	sadd.s32 $0x18FE4, s9;
	[smem:$0x7CD] =	sst s20  }
0x25: {  	s22 =	sadd.s32 $0x38240, s9;
	[smem:$0x7CE] =	sst s21  }
0x26: {  	s23 =	sadd.s32 $0x38A24, s9;
	[smem:$0x7CF] =	sst s22  }
0x27: {  	s24 =	sadd.s32 $0x57C80, s9;
	[smem:$0x7D0] =	sst s23  }
0x28: {  	s25 =	sadd.s32 $0x58464, s9;
	[smem:$0x7D1] =	sst s24  }
0x29: {  	s26 =	sadd.s32 $0x776C0, s9;
	[smem:$0x7D2] =	sst s25  }
0x2a: {  	s3 =	sadd.s32 $0x77EA4, s9;
	[smem:$0x7D3] =	sst s26  }
0x2b: {  	s4 =	sadd.s32 $0x97100, s9;
	[smem:$0x7D4] =	sst s3  }
0x2c: {  	s5 =	sadd.s32 $0x978E4, s9;
	[smem:$0x7D5] =	sst s4  }
0x2d: {  	s8 =	sadd.s32 $0xB6B40, s9;
	[smem:$0x7D6] =	sst s5  }
0x2e: {  	s10 =	sadd.s32 $0xB7324, s9;
	s15 =	sadd.s32 $0x115A00, s9;
	[smem:$0x7D7] =	sst s8  }
0x2f: {  	s11 =	sadd.s32 $0xD6580, s9;
	s16 =	sadd.s32 $0x1161E4, s9;
	[smem:$0x7D8] =	sst s10  }
0x30: {  	s12 =	sadd.s32 $0xD6D64, s9;
	s17 =	sadd.s32 $0x135440, s9;
	[smem:$0x7D9] =	sst s11  }
0x31: {  	s13 =	sadd.s32 $0xF5FC0, s9;
	s18 =	sadd.s32 $0x135C24, s9;
	[smem:$0x7DA] =	sst s12  }
0x32: {  	s14 =	sadd.s32 $0xF67A4, s9;
	s19 =	sadd.s32 $0x154E80, s9;
	[smem:$0x7DB] =	sst s13  }
0x33: {  	s28 =	sadd.s32 $0x34F280, s9;
	[smem:$0x7DC] =	sst s14  }
0x34: {  	s29 =	sadd.s32 $0x34FA64, s9;
	[smem:$0x7DD] =	sst s15  }
0x35: {  	s30 =	sadd.s32 $0x36ECC0, s9;
	[smem:$0x7DE] =	sst s16  }
0x36: {  	s31 =	sadd.s32 $0x36F4A4, s9;
	[smem:$0x7DF] =	sst s17  }
0x37: {  	s1 =	sadd.s32 $0x38E700, s9;
	[smem:$0x7E0] =	sst s18  }
0x38: {  	[smem:$0x7E1] =	sst s19;
	s20 =	sadd.s32 $0x155664, s9  }
0x39: {  	s21 =	sadd.s32 $0x1748C0, s9;
	[smem:$0x7E2] =	sst s20  }
0x3a: {  	s22 =	sadd.s32 $0x1750A4, s9;
	[smem:$0x7E3] =	sst s21  }
0x3b: {  	s23 =	sadd.s32 $0x194300, s9;
	[smem:$0x7E4] =	sst s22  }
0x3c: {  	s24 =	sadd.s32 $0x194AE4, s9;
	[smem:$0x7E5] =	sst s23  }
0x3d: {  	s25 =	sadd.s32 $0x1B3D40, s9;
	[smem:$0x7E6] =	sst s24  }
0x3e: {  	s26 =	sadd.s32 $0x1B4524, s9;
	[smem:$0x7E7] =	sst s25  }
0x3f: {  	s3 =	sadd.s32 $0x1D3780, s9;
	[smem:$0x7E8] =	sst s26  }
0x40: {  	s4 =	sadd.s32 $0x1D3F64, s9;
	[smem:$0x7E9] =	sst s3  }
0x41: {  	s5 =	sadd.s32 $0x1F31C0, s9;
	[smem:$0x7EA] =	sst s4  }
0x42: {  	s8 =	sadd.s32 $0x1F39A4, s9;
	[smem:$0x7EB] =	sst s5  }
0x43: {  	s10 =	sadd.s32 $0x212C00, s9;
	[smem:$0x7EC] =	sst s8  }
0x44: {  	s11 =	sadd.s32 $0x2133E4, s9;
	[smem:$0x7ED] =	sst s10  }
0x45: {  	s12 =	sadd.s32 $0x232640, s9;
	[smem:$0x7EE] =	sst s11  }
0x46: {  	s13 =	sadd.s32 $0x232E24, s9;
	[smem:$0x7EF] =	sst s12  }
0x47: {  	s14 =	sadd.s32 $0x252080, s9;
	[smem:$0x7F0] =	sst s13  }
0x48: {  	s15 =	sadd.s32 $0x252864, s9;
	[smem:$0x7F1] =	sst s14  }
0x49: {  	s16 =	sadd.s32 $0x271AC0, s9;
	[smem:$0x7F2] =	sst s15  }
0x4a: {  	s17 =	sadd.s32 $0x2722A4, s9;
	[smem:$0x7F3] =	sst s16  }
0x4b: {  	s18 =	sadd.s32 $0x291500, s9;
	[smem:$0x7F4] =	sst s17  }
0x4c: {  	s19 =	sadd.s32 $0x291CE4, s9;
	[smem:$0x7F5] =	sst s18  }
0x4d: {  	s6 =	sadd.s32 s6, s7;
	s7 =	sadd.s32 $0x3CE364, s9;
	[smem:$0x7F6] =	sst s19  }
0x4e: {  	s20 =	sadd.s32 $0x2B0F40, s9;
	s21 =	sadd.s32 $0x2B1724, s9  }
0x4f: {  	s22 =	sadd.s32 $0x2D0980, s9;
	s23 =	sadd.s32 $0x2D1164, s9  }
0x50: {  	s24 =	sadd.s32 $0x2F03C0, s9;
	s25 =	sadd.s32 $0x2F0BA4, s9  }
0x51: {  	s26 =	sadd.s32 $0x30FE00, s9;
	s4 =	ssub.s32 $0x2, s0;
	s0 =	sadd.s32 $0x38EEE4, s9  }
0x52: {  	s3 =	sadd.s32 $0x3AE140, s9;
	[smem:$0x7F7] =	sst s20  }
0x53: {  	s8 =	sadd.s32 $0x3ED5C0, s9;
	[smem:$0x7F8] =	sst s21  }
0x54: {  	s11 =	simm.s32 $0x7F00;
	s12 =	simm.s32 $0x5;
	[smem:$0x7F9] =	sst s22  }
0x55: {  	s13 =	simm.s32 $0x1;
	s14 =	simm.s32 $0xCA80;
	[smem:$0x7FA] =	sst s23  }
0x56: {  	s15 =	simm.s32 $0x11600;
	s16 =	simm.s32 $0x15580;
	[smem:$0x7FB] =	sst s24  }
0x57: {  	s17 =	simm.s32 $0x2;
	s18 =	simm.s32 $0x3;
	[smem:$0x7FC] =	sst s25  }
0x58: {  	s19 =	simm.s32 $0x4;
	[smem:$0x7FD] =	sst s26;
	s24 =	sadd.s32 $0x3105E4, s9  }
0x59: {  	s25 =	sadd.s32 $0x32F840, s9;
	s26 =	sadd.s32 $0x330024, s9;
	s5 =	sshrl.u32 s4, $0x1  }
0x5a: {  	s20 =	simm.s32 $0x0;
	s10 =	ssub.s32 s4, s5;
	s4 =	sadd.s32 $0x3AE924, s9  }
0x5b: {  	s5 =	sadd.s32 $0x3CDB80, s9;
	s9 =	sadd.s32 $0x3EDDA4, s9;
	s10 =	smax.u32 s10, $0x1  }
.LBB2_1:
0x5c: {  	s21 =	rddreg [dreg:$0x3]  }
0x5d: {  	[tilespmem:s11], [sflag:$0x1] =	stream.linear.gather [hbm4b:s21+s2], $0x4B80, $0x38;
	[tilespmem:$0x19500] =	vst v63  }
0x5e: {  	_ = 	snop  }
0x5f: {  	[tilespmem:s2], [sflag:$0x5] =	stream.linear.gather [hbm4b:s6+s2], $0x7E90, $0x38;
	[tilespmem:$0x19500] =	vst v63  }
0x60: {  	_ =	swait.ge [sflag:s12], $0x7E90  }
0x61: {  	[sflag:s12] =	ssyncset.done $0x0  }
0x62: {  	[sflag:s12] =	ssyncadd.s32 $0xFFFF8170  }
0x63: {  	_ =	swait.ge [sflag:s13], $0x4B80  }
0x64: {  	[sflag:s13] =	ssyncset.done $0x0  }
0x65: {  	s22 =	simm.s32 $0x20;
	s23 =	rddreg [dreg:$0x4];
	[sflag:s13] =	ssyncadd.s32 $0xFFFFB480  }
0x66: {  	[tilespmem:s14], [sflag:$0x2] =	stream.linear.gather [hbm4b:s23+s2], $0x4B80, $0x38;
	[tilespmem:$0x19500] =	vst v63  }
0x67: {  	v0 =	vld [tilespmem:s22+$0x20]  }
0x68: {  	v1 =	vld [tilespmem:s22+$0xFFFFFFF0]  }
0x69: {  	v2 =	vld [tilespmem:s22+$0x0]  }
0x6a: {  	v3 =	vld [tilespmem:s22+$0x10]  }
0x6b: {  	s23 =	simm.s32 $0x70;
	v4 =	vld [tilespmem:s22+$0xFFFFFFE0]  }
0x6c: {  	v10 =	vld [tilespmem:s23+$0x20]  }
0x6d: {  	v11 =	vld [tilespmem:s23+$0xFFFFFFF0]  }
0x6e: {  	v5 =	vld [tilespmem:s23+$0xFFFFFFE0]  }
0x6f: {  	v8 =	vld.idx.msk [tilespmem:v0+s11+$0x0], $0xffff  }
0x70: {  	v9 =	vld.idx.msk [tilespmem:v1+s11+$0x0], $0xffff  }
0x71: {  	v1 =	vld [tilespmem:s23+$0x0]  }
0x72: {  	v0 =	vld [tilespmem:s23+$0x10]  }
0x73: {  	v7 =	vld.idx.msk [tilespmem:v4+s11+$0x0], $0xffff  }
0x74: {  	v6 =	vld.idx.msk [tilespmem:v2+s11+$0x0], $0xffff  }
0x75: {  	s21 =	simm.s32 $0x11620;
	v3 =	vld.idx.msk [tilespmem:v3+s11+$0x0], $0xffff  }
0x76: {  	v2 =	vld.idx.msk [tilespmem:v10+s11+$0x0], $0xffff;
	[tilespmem:s21+$0x20] =	vst v8  }
0x77: {  	s22 =	simm.s32 $0x50;
	v4 =	vld.idx.msk [tilespmem:v11+s11+$0x0], $0xffff;
	s23 =	simm.s32 $0xC0;
	[tilespmem:s21+$0xFFFFFFF0] =	vst v9  }
.LBB2_2:
0x78: {  	v8 =	vld [tilespmem:s23+$0x20];
	s22 =	sadd.s32 $0x50, s22  }
0x79: {  	v9 =	vld [tilespmem:s23+$0xFFFFFFF0];
	p0 =	slt.u32 s22, $0x3ED0;
	[tilespmem:s21+$0xFFFFFFE0] =	vst v7  }
0x7a: {  	v10 =	vld [tilespmem:s23+$0x0];
	[tilespmem:s21+$0x0] =	vst v6  }
0x7b: {  	v11 =	vld [tilespmem:s23+$0x10];
	[tilespmem:s21+$0x10] =	vst v3;
	s21 =	sadd.s32 $0x50, s21  }
0x7c: {  	v12 =	vld [tilespmem:s23+$0xFFFFFFE0];
	[tilespmem:s21+$0x20] =	vst v2  }
.Ltmp0:
0x7d: {  	v7 =	vld.idx.msk [tilespmem:v5+s11+$0x0], $0xffff;
	[tilespmem:s21+$0xFFFFFFF0] =	vst v4;
	(pc) =	sbr.rel @p0 .LBB2_2-.Ltmp0, $4  }
0x7e: {  	v6 =	vld.idx.msk [tilespmem:v1+s11+$0x0], $0xffff  }
0x7f: {  	v3 =	vld.idx.msk [tilespmem:v0+s11+$0x0], $0xffff;
	v1 =	vmov v10  }
0x80: {  	v2 =	vld.idx.msk [tilespmem:v8+s11+$0x0], $0xffff;
	v0 =	vmov v11  }
0x81: {  	s23 =	sadd.s32 $0x50, s23;
	v4 =	vld.idx.msk [tilespmem:v9+s11+$0x0], $0xffff;
	v5 =	vmov v12  }
0x82: {  	_ =	sdelay $0x3  }
0x83: {  	[tilespmem:s21+$0xFFFFFFE0] =	vst v7;
	v5 =	vld.idx.msk [tilespmem:v5+s11+$0x0], $0xffff  }
0x84: {  	v1 =	vld.idx.msk [tilespmem:v1+s11+$0x0], $0xffff;
	[tilespmem:s21+$0x0] =	vst v6  }
0x85: {  	s23 =	sadd.s32 $0x50, s21;
	v0 =	vld.idx.msk [tilespmem:v0+s11+$0x0], $0xffff;
	[tilespmem:s21+$0x10] =	vst v3  }
0x86: {  	[tilespmem:s23+$0x20] =	vst v2  }
0x87: {  	[tilespmem:s23+$0xFFFFFFF0] =	vst v4  }
0x88: {  	[tilespmem:s23+$0xFFFFFFE0] =	vst v5  }
0x89: {  	[tilespmem:s23+$0x0] =	vst v1  }
0x8a: {  	[tilespmem:s23+$0x10] =	vst v0  }
0x8b: {  	s21 =	sld [smem:$0x7CD];
	_ =	sdelay $0x1  }
0x8c: {  	s22 =	simm.s32 $0x3F60  }
0x8d: {  	[hbm4b:s21+s2] =	stream.linear.scatter [tilespmem:s15], [sflag:$0x3], $0x3F20, $0x38;
	[tilespmem:$0x19500] =	vst v63  }
0x8e: {  	v0 =	vld [tilespmem:s22+$0x0]  }
0x8f: {  	v1 =	vld [tilespmem:s22+$0xFFFFFFD0]  }
0x90: {  	v2 =	vld [tilespmem:s22+$0xFFFFFFE0]  }
0x91: {  	v3 =	vld [tilespmem:s22+$0xFFFFFFF0]  }
0x92: {  	s23 =	simm.s32 $0x3FB0;
	v4 =	vld [tilespmem:s22+$0xFFFFFFC0]  }
0x93: {  	v10 =	vld [tilespmem:s23+$0x0]  }
0x94: {  	v11 =	vld [tilespmem:s23+$0xFFFFFFD0]  }
0x95: {  	v5 =	vld [tilespmem:s23+$0xFFFFFFC0]  }
0x96: {  	v8 =	vld.idx.msk [tilespmem:v0+s11+$0x0], $0xffff  }
0x97: {  	v9 =	vld.idx.msk [tilespmem:v1+s11+$0x0], $0xffff  }
0x98: {  	v1 =	vld [tilespmem:s23+$0xFFFFFFE0]  }
0x99: {  	v0 =	vld [tilespmem:s23+$0xFFFFFFF0]  }
0x9a: {  	v7 =	vld.idx.msk [tilespmem:v4+s11+$0x0], $0xffff  }
0x9b: {  	v6 =	vld.idx.msk [tilespmem:v2+s11+$0x0], $0xffff  }
0x9c: {  	s21 =	simm.s32 $0x155A0;
	v3 =	vld.idx.msk [tilespmem:v3+s11+$0x0], $0xffff  }
0x9d: {  	v2 =	vld.idx.msk [tilespmem:v10+s11+$0x0], $0xffff;
	[tilespmem:s21+$0x20] =	vst v8  }
0x9e: {  	s22 =	simm.s32 $0x50;
	v4 =	vld.idx.msk [tilespmem:v11+s11+$0x0], $0xffff;
	s23 =	simm.s32 $0x4000;
	[tilespmem:s21+$0xFFFFFFF0] =	vst v9  }
.LBB2_4:
0x9f: {  	v8 =	vld [tilespmem:s23+$0x0];
	s22 =	sadd.s32 $0x50, s22  }
0xa0: {  	v9 =	vld [tilespmem:s23+$0xFFFFFFD0];
	p0 =	slt.u32 s22, $0x3F20;
	[tilespmem:s21+$0xFFFFFFE0] =	vst v7  }
0xa1: {  	v10 =	vld [tilespmem:s23+$0xFFFFFFE0];
	[tilespmem:s21+$0x0] =	vst v6  }
0xa2: {  	v11 =	vld [tilespmem:s23+$0xFFFFFFF0];
	[tilespmem:s21+$0x10] =	vst v3;
	s21 =	sadd.s32 $0x50, s21  }
0xa3: {  	v12 =	vld [tilespmem:s23+$0xFFFFFFC0];
	[tilespmem:s21+$0x20] =	vst v2  }
.Ltmp1:
0xa4: {  	v7 =	vld.idx.msk [tilespmem:v5+s11+$0x0], $0xffff;
	[tilespmem:s21+$0xFFFFFFF0] =	vst v4;
	(pc) =	sbr.rel @p0 .LBB2_4-.Ltmp1, $4  }
0xa5: {  	v6 =	vld.idx.msk [tilespmem:v1+s11+$0x0], $0xffff  }
0xa6: {  	v3 =	vld.idx.msk [tilespmem:v0+s11+$0x0], $0xffff;
	v1 =	vmov v10  }
0xa7: {  	v2 =	vld.idx.msk [tilespmem:v8+s11+$0x0], $0xffff;
	v0 =	vmov v11  }
0xa8: {  	s23 =	sadd.s32 $0x50, s23;
	v4 =	vld.idx.msk [tilespmem:v9+s11+$0x0], $0xffff;
	v5 =	vmov v12  }
0xa9: {  	_ =	sdelay $0x3  }
0xaa: {  	[tilespmem:s21+$0xFFFFFFE0] =	vst v7;
	v5 =	vld.idx.msk [tilespmem:v5+s11+$0x0], $0xffff  }
0xab: {  	v1 =	vld.idx.msk [tilespmem:v1+s11+$0x0], $0xffff;
	[tilespmem:s21+$0x0] =	vst v6  }
0xac: {  	s22 =	sadd.s32 $0x50, s21;
	v0 =	vld.idx.msk [tilespmem:v0+s11+$0x0], $0xffff;
	[tilespmem:s21+$0x10] =	vst v3  }
0xad: {  	[tilespmem:s22+$0x20] =	vst v2  }
0xae: {  	[tilespmem:s22+$0xFFFFFFF0] =	vst v4  }
0xaf: {  	[tilespmem:s22+$0xFFFFFFE0] =	vst v5  }
0xb0: {  	[tilespmem:s22+$0x0] =	vst v1  }
0xb1: {  	[tilespmem:s22+$0x10] =	vst v0  }
0xb2: {  	s21 =	sld [smem:$0x7CE];
	_ =	sdelay $0x2  }
0xb3: {  	[hbm4b:s21+s2] =	stream.linear.scatter [tilespmem:s16], [sflag:$0x4], $0x3F70, $0x38;
	[tilespmem:$0x19500] =	vst v63  }
0xb4: {  	_ =	swait.ge [sflag:s17], $0x4B80  }
0xb5: {  	[sflag:s17] =	ssyncset.done $0x0  }
0xb6: {  	s23 =	rddreg [dreg:$0x5];
	[sflag:s17] =	ssyncadd.s32 $0xFFFFB480  }
0xb7: {  	[tilespmem:s11], [sflag:$0x1] =	stream.linear.gather [hbm4b:s23+s2], $0x4B80, $0x38;
	[tilespmem:$0x19500] =	vst v63  }
0xb8: {  	_ =	swait.ge [sflag:s18], $0x3F20  }
0xb9: {  	[sflag:s18] =	ssyncset.done $0x0  }
0xba: {  	s22 =	simm.s32 $0x20;
	[sflag:s18] =	ssyncadd.s32 $0xFFFFC0E0  }
0xbb: {  	v0 =	vld [tilespmem:s22+$0x20]  }
0xbc: {  	v1 =	vld [tilespmem:s22+$0xFFFFFFF0]  }
0xbd: {  	v2 =	vld [tilespmem:s22+$0x0]  }
0xbe: {  	v3 =	vld [tilespmem:s22+$0x10]  }
0xbf: {  	s23 =	simm.s32 $0x70;
	v4 =	vld [tilespmem:s22+$0xFFFFFFE0]  }
0xc0: {  	v10 =	vld [tilespmem:s23+$0x20]  }
0xc1: {  	v11 =	vld [tilespmem:s23+$0xFFFFFFF0]  }
0xc2: {  	v5 =	vld [tilespmem:s23+$0xFFFFFFE0]  }
0xc3: {  	v8 =	vld.idx.msk [tilespmem:v0+s14+$0x0], $0xffff  }
0xc4: {  	v9 =	vld.idx.msk [tilespmem:v1+s14+$0x0], $0xffff  }
0xc5: {  	v1 =	vld [tilespmem:s23+$0x0]  }
0xc6: {  	v0 =	vld [tilespmem:s23+$0x10]  }
0xc7: {  	v7 =	vld.idx.msk [tilespmem:v4+s14+$0x0], $0xffff  }
0xc8: {  	v6 =	vld.idx.msk [tilespmem:v2+s14+$0x0], $0xffff  }
0xc9: {  	s21 =	simm.s32 $0x11620;
	v3 =	vld.idx.msk [tilespmem:v3+s14+$0x0], $0xffff  }
0xca: {  	v2 =	vld.idx.msk [tilespmem:v10+s14+$0x0], $0xffff;
	[tilespmem:s21+$0x20] =	vst v8  }
0xcb: {  	s22 =	simm.s32 $0x50;
	v4 =	vld.idx.msk [tilespmem:v11+s14+$0x0], $0xffff;
	s23 =	simm.s32 $0xC0;
	[tilespmem:s21+$0xFFFFFFF0] =	vst v9  }
.LBB2_6:
0xcc: {  	v8 =	vld [tilespmem:s23+$0x20];
	s22 =	sadd.s32 $0x50, s22  }
0xcd: {  	v9 =	vld [tilespmem:s23+$0xFFFFFFF0];
	p0 =	slt.u32 s22, $0x3ED0;
	[tilespmem:s21+$0xFFFFFFE0] =	vst v7  }
0xce: {  	v10 =	vld [tilespmem:s23+$0x0];
	[tilespmem:s21+$0x0] =	vst v6  }
0xcf: {  	v11 =	vld [tilespmem:s23+$0x10];
	[tilespmem:s21+$0x10] =	vst v3;
	s21 =	sadd.s32 $0x50, s21  }
0xd0: {  	v12 =	vld [tilespmem:s23+$0xFFFFFFE0];
	[tilespmem:s21+$0x20] =	vst v2  }
.Ltmp2:
0xd1: {  	v7 =	vld.idx.msk [tilespmem:v5+s14+$0x0], $0xffff;
	[tilespmem:s21+$0xFFFFFFF0] =	vst v4;
	(pc) =	sbr.rel @p0 .LBB2_6-.Ltmp2, $4  }
0xd2: {  	v6 =	vld.idx.msk [tilespmem:v1+s14+$0x0], $0xffff  }
0xd3: {  	v3 =	vld.idx.msk [tilespmem:v0+s14+$0x0], $0xffff;
	v1 =	vmov v10  }
0xd4: {  	v2 =	vld.idx.msk [tilespmem:v8+s14+$0x0], $0xffff;
	v0 =	vmov v11  }
0xd5: {  	s23 =	sadd.s32 $0x50, s23;
	v4 =	vld.idx.msk [tilespmem:v9+s14+$0x0], $0xffff;
	v5 =	vmov v12  }
0xd6: {  	_ =	sdelay $0x3  }
0xd7: {  	[tilespmem:s21+$0xFFFFFFE0] =	vst v7;
	v5 =	vld.idx.msk [tilespmem:v5+s14+$0x0], $0xffff  }
0xd8: {  	v1 =	vld.idx.msk [tilespmem:v1+s14+$0x0], $0xffff;
	[tilespmem:s21+$0x0] =	vst v6  }
0xd9: {  	s23 =	sadd.s32 $0x50, s21;
	v0 =	vld.idx.msk [tilespmem:v0+s14+$0x0], $0xffff;
	[tilespmem:s21+$0x10] =	vst v3  }
0xda: {  	[tilespmem:s23+$0x20] =	vst v2  }
0xdb: {  	[tilespmem:s23+$0xFFFFFFF0] =	vst v4  }
0xdc: {  	[tilespmem:s23+$0xFFFFFFE0] =	vst v5  }
0xdd: {  	[tilespmem:s23+$0x0] =	vst v1  }
0xde: {  	[tilespmem:s23+$0x10] =	vst v0  }
0xdf: {  	s21 =	sld [smem:$0x7CF];
	_ =	sdelay $0x2  }
0xe0: {  	[hbm4b:s21+s2] =	stream.linear.scatter [tilespmem:s15], [sflag:$0x3], $0x3F20, $0x38;
	[tilespmem:$0x19500] =	vst v63  }
0xe1: {  	_ =	swait.ge [sflag:s19], $0x3F70  }
0xe2: {  	[sflag:s19] =	ssyncset.done $0x0  }
0xe3: {  	s22 =	simm.s32 $0x3F60;
	[sflag:s19] =	ssyncadd.s32 $0xFFFFC090  }
0xe4: {  	v0 =	vld [tilespmem:s22+$0x0]  }
0xe5: {  	v1 =	vld [tilespmem:s22+$0xFFFFFFD0]  }
0xe6: {  	v2 =	vld [tilespmem:s22+$0xFFFFFFE0]  }
0xe7: {  	v3 =	vld [tilespmem:s22+$0xFFFFFFF0]  }
0xe8: {  	s23 =	simm.s32 $0x3FB0;
	v4 =	vld [tilespmem:s22+$0xFFFFFFC0]  }
0xe9: {  	v10 =	vld [tilespmem:s23+$0x0]  }
0xea: {  	v11 =	vld [tilespmem:s23+$0xFFFFFFD0]  }
0xeb: {  	v5 =	vld [tilespmem:s23+$0xFFFFFFC0]  }
0xec: {  	v8 =	vld.idx.msk [tilespmem:v0+s14+$0x0], $0xffff  }
0xed: {  	v9 =	vld.idx.msk [tilespmem:v1+s14+$0x0], $0xffff  }
0xee: {  	v1 =	vld [tilespmem:s23+$0xFFFFFFE0]  }
0xef: {  	v0 =	vld [tilespmem:s23+$0xFFFFFFF0]  }
0xf0: {  	v7 =	vld.idx.msk [tilespmem:v4+s14+$0x0], $0xffff  }
0xf1: {  	v6 =	vld.idx.msk [tilespmem:v2+s14+$0x0], $0xffff  }
0xf2: {  	s21 =	simm.s32 $0x155A0;
	v3 =	vld.idx.msk [tilespmem:v3+s14+$0x0], $0xffff  }
0xf3: {  	v2 =	vld.idx.msk [tilespmem:v10+s14+$0x0], $0xffff;
	[tilespmem:s21+$0x20] =	vst v8  }
0xf4: {  	s22 =	simm.s32 $0x50;
	v4 =	vld.idx.msk [tilespmem:v11+s14+$0x0], $0xffff;
	s23 =	simm.s32 $0x4000;
	[tilespmem:s21+$0xFFFFFFF0] =	vst v9  }
.LBB2_8:
0xf5: {  	v8 =	vld [tilespmem:s23+$0x0];
	s22 =	sadd.s32 $0x50, s22  }
0xf6: {  	v9 =	vld [tilespmem:s23+$0xFFFFFFD0];
	p0 =	slt.u32 s22, $0x3F20;
	[tilespmem:s21+$0xFFFFFFE0] =	vst v7  }
0xf7: {  	v10 =	vld [tilespmem:s23+$0xFFFFFFE0];
	[tilespmem:s21+$0x0] =	vst v6  }
0xf8: {  	v11 =	vld [tilespmem:s23+$0xFFFFFFF0];
	[tilespmem:s21+$0x10] =	vst v3;
	s21 =	sadd.s32 $0x50, s21  }
0xf9: {  	v12 =	vld [tilespmem:s23+$0xFFFFFFC0];
	[tilespmem:s21+$0x20] =	vst v2  }
.Ltmp3:
0xfa: {  	v7 =	vld.idx.msk [tilespmem:v5+s14+$0x0], $0xffff;
	[tilespmem:s21+$0xFFFFFFF0] =	vst v4;
	(pc) =	sbr.rel @p0 .LBB2_8-.Ltmp3, $4  }
0xfb: {  	v6 =	vld.idx.msk [tilespmem:v1+s14+$0x0], $0xffff  }
0xfc: {  	v3 =	vld.idx.msk [tilespmem:v0+s14+$0x0], $0xffff;
	v1 =	vmov v10  }
0xfd: {  	v2 =	vld.idx.msk [tilespmem:v8+s14+$0x0], $0xffff;
	v0 =	vmov v11  }
0xfe: {  	s23 =	sadd.s32 $0x50, s23;
	v4 =	vld.idx.msk [tilespmem:v9+s14+$0x0], $0xffff;
	v5 =	vmov v12  }
0xff: {  	_ =	sdelay $0x3  }
0x100: {  	[tilespmem:s21+$0xFFFFFFE0] =	vst v7;
	v5 =	vld.idx.msk [tilespmem:v5+s14+$0x0], $0xffff  }
0x101: {  	v1 =	vld.idx.msk [tilespmem:v1+s14+$0x0], $0xffff;
	[tilespmem:s21+$0x0] =	vst v6  }
0x102: {  	s22 =	sadd.s32 $0x50, s21;
	v0 =	vld.idx.msk [tilespmem:v0+s14+$0x0], $0xffff;
	[tilespmem:s21+$0x10] =	vst v3  }
0x103: {  	[tilespmem:s22+$0x20] =	vst v2  }
0x104: {  	[tilespmem:s22+$0xFFFFFFF0] =	vst v4  }
0x105: {  	[tilespmem:s22+$0xFFFFFFE0] =	vst v5  }
0x106: {  	[tilespmem:s22+$0x0] =	vst v1  }
0x107: {  	[tilespmem:s22+$0x10] =	vst v0  }
0x108: {  	s21 =	sld [smem:$0x7D0];
	_ =	sdelay $0x2  }
0x109: {  	[hbm4b:s21+s2] =	stream.linear.scatter [tilespmem:s16], [sflag:$0x4], $0x3F70, $0x38;
	[tilespmem:$0x19500] =	vst v63  }
0x10a: {  	_ =	swait.ge [sflag:s13], $0x4B80  }
0x10b: {  	[sflag:s13] =	ssyncset.done $0x0  }
0x10c: {  	s23 =	rddreg [dreg:$0x6];
	[sflag:s13] =	ssyncadd.s32 $0xFFFFB480  }
0x10d: {  	[tilespmem:s14], [sflag:$0x2] =	stream.linear.gather [hbm4b:s23+s2], $0x4B80, $0x38;
	[tilespmem:$0x19500] =	vst v63  }
0x10e: {  	_ =	swait.ge [sflag:s18], $0x3F20  }
0x10f: {  	[sflag:s18] =	ssyncset.done $0x0  }
0x110: {  	s22 =	simm.s32 $0x20;
	[sflag:s18] =	ssyncadd.s32 $0xFFFFC0E0  }
0x111: {  	v0 =	vld [tilespmem:s22+$0x20]  }
0x112: {  	v1 =	vld [tilespmem:s22+$0xFFFFFFF0]  }
0x113: {  	v2 =	vld [tilespmem:s22+$0x0]  }
0x114: {  	v3 =	vld [tilespmem:s22+$0x10]  }
0x115: {  	s23 =	simm.s32 $0x70;
	v4 =	vld [tilespmem:s22+$0xFFFFFFE0]  }
0x116: {  	v10 =	vld [tilespmem:s23+$0x20]  }
0x117: {  	v11 =	vld [tilespmem:s23+$0xFFFFFFF0]  }
0x118: {  	v5 =	vld [tilespmem:s23+$0xFFFFFFE0]  }
0x119: {  	v8 =	vld.idx.msk [tilespmem:v0+s11+$0x0], $0xffff  }
0x11a: {  	v9 =	vld.idx.msk [tilespmem:v1+s11+$0x0], $0xffff  }
0x11b: {  	v1 =	vld [tilespmem:s23+$0x0]  }
0x11c: {  	v0 =	vld [tilespmem:s23+$0x10]  }
0x11d: {  	v7 =	vld.idx.msk [tilespmem:v4+s11+$0x0], $0xffff  }
0x11e: {  	v6 =	vld.idx.msk [tilespmem:v2+s11+$0x0], $0xffff  }
0x11f: {  	s21 =	simm.s32 $0x11620;
	v3 =	vld.idx.msk [tilespmem:v3+s11+$0x0], $0xffff  }
0x120: {  	v2 =	vld.idx.msk [tilespmem:v10+s11+$0x0], $0xffff;
	[tilespmem:s21+$0x20] =	vst v8  }
0x121: {  	s22 =	simm.s32 $0x50;
	v4 =	vld.idx.msk [tilespmem:v11+s11+$0x0], $0xffff;
	s23 =	simm.s32 $0xC0;
	[tilespmem:s21+$0xFFFFFFF0] =	vst v9  }
.LBB2_10:
0x122: {  	v8 =	vld [tilespmem:s23+$0x20];
	s22 =	sadd.s32 $0x50, s22  }
0x123: {  	v9 =	vld [tilespmem:s23+$0xFFFFFFF0];
	p0 =	slt.u32 s22, $0x3ED0;
	[tilespmem:s21+$0xFFFFFFE0] =	vst v7  }
0x124: {  	v10 =	vld [tilespmem:s23+$0x0];
	[tilespmem:s21+$0x0] =	vst v6  }
0x125: {  	v11 =	vld [tilespmem:s23+$0x10];
	[tilespmem:s21+$0x10] =	vst v3;
	s21 =	sadd.s32 $0x50, s21  }
0x126: {  	v12 =	vld [tilespmem:s23+$0xFFFFFFE0];
	[tilespmem:s21+$0x20] =	vst v2  }
.Ltmp4:
0x127: {  	v7 =	vld.idx.msk [tilespmem:v5+s11+$0x0], $0xffff;
	[tilespmem:s21+$0xFFFFFFF0] =	vst v4;
	(pc) =	sbr.rel @p0 .LBB2_10-.Ltmp4, $4  }
0x128: {  	v6 =	vld.idx.msk [tilespmem:v1+s11+$0x0], $0xffff  }
0x129: {  	v3 =	vld.idx.msk [tilespmem:v0+s11+$0x0], $0xffff;
	v1 =	vmov v10  }
0x12a: {  	v2 =	vld.idx.msk [tilespmem:v8+s11+$0x0], $0xffff;
	v0 =	vmov v11  }
0x12b: {  	s23 =	sadd.s32 $0x50, s23;
	v4 =	vld.idx.msk [tilespmem:v9+s11+$0x0], $0xffff;
	v5 =	vmov v12  }
0x12c: {  	_ =	sdelay $0x3  }
0x12d: {  	[tilespmem:s21+$0xFFFFFFE0] =	vst v7;
	v5 =	vld.idx.msk [tilespmem:v5+s11+$0x0], $0xffff  }
0x12e: {  	v1 =	vld.idx.msk [tilespmem:v1+s11+$0x0], $0xffff;
	[tilespmem:s21+$0x0] =	vst v6  }
0x12f: {  	s23 =	sadd.s32 $0x50, s21;
	v0 =	vld.idx.msk [tilespmem:v0+s11+$0x0], $0xffff;
	[tilespmem:s21+$0x10] =	vst v3  }
0x130: {  	[tilespmem:s23+$0x20] =	vst v2  }
0x131: {  	[tilespmem:s23+$0xFFFFFFF0] =	vst v4  }
0x132: {  	[tilespmem:s23+$0xFFFFFFE0] =	vst v5  }
0x133: {  	[tilespmem:s23+$0x0] =	vst v1  }
0x134: {  	[tilespmem:s23+$0x10] =	vst v0  }
0x135: {  	s21 =	sld [smem:$0x7D1];
	_ =	sdelay $0x2  }
0x136: {  	[hbm4b:s21+s2] =	stream.linear.scatter [tilespmem:s15], [sflag:$0x3], $0x3F20, $0x38;
	[tilespmem:$0x19500] =	vst v63  }
0x137: {  	_ =	swait.ge [sflag:s19], $0x3F70  }
0x138: {  	[sflag:s19] =	ssyncset.done $0x0  }
0x139: {  	s22 =	simm.s32 $0x3F60;
	[sflag:s19] =	ssyncadd.s32 $0xFFFFC090  }
0x13a: {  	v0 =	vld [tilespmem:s22+$0x0]  }
0x13b: {  	v1 =	vld [tilespmem:s22+$0xFFFFFFD0]  }
0x13c: {  	v2 =	vld [tilespmem:s22+$0xFFFFFFE0]  }
0x13d: {  	v3 =	vld [tilespmem:s22+$0xFFFFFFF0]  }
0x13e: {  	s23 =	simm.s32 $0x3FB0;
	v4 =	vld [tilespmem:s22+$0xFFFFFFC0]  }
0x13f: {  	v10 =	vld [tilespmem:s23+$0x0]  }
0x140: {  	v11 =	vld [tilespmem:s23+$0xFFFFFFD0]  }
0x141: {  	v5 =	vld [tilespmem:s23+$0xFFFFFFC0]  }
0x142: {  	v8 =	vld.idx.msk [tilespmem:v0+s11+$0x0], $0xffff  }
0x143: {  	v9 =	vld.idx.msk [tilespmem:v1+s11+$0x0], $0xffff  }
0x144: {  	v1 =	vld [tilespmem:s23+$0xFFFFFFE0]  }
0x145: {  	v0 =	vld [tilespmem:s23+$0xFFFFFFF0]  }
0x146: {  	v7 =	vld.idx.msk [tilespmem:v4+s11+$0x0], $0xffff  }
0x147: {  	v6 =	vld.idx.msk [tilespmem:v2+s11+$0x0], $0xffff  }
0x148: {  	s21 =	simm.s32 $0x155A0;
	v3 =	vld.idx.msk [tilespmem:v3+s11+$0x0], $0xffff  }
0x149: {  	v2 =	vld.idx.msk [tilespmem:v10+s11+$0x0], $0xffff;
	[tilespmem:s21+$0x20] =	vst v8  }
0x14a: {  	s22 =	simm.s32 $0x50;
	v4 =	vld.idx.msk [tilespmem:v11+s11+$0x0], $0xffff;
	s23 =	simm.s32 $0x4000;
	[tilespmem:s21+$0xFFFFFFF0] =	vst v9  }
.LBB2_12:
0x14b: {  	v8 =	vld [tilespmem:s23+$0x0];
	s22 =	sadd.s32 $0x50, s22  }
0x14c: {  	v9 =	vld [tilespmem:s23+$0xFFFFFFD0];
	p0 =	slt.u32 s22, $0x3F20;
	[tilespmem:s21+$0xFFFFFFE0] =	vst v7  }
0x14d: {  	v10 =	vld [tilespmem:s23+$0xFFFFFFE0];
	[tilespmem:s21+$0x0] =	vst v6  }
0x14e: {  	v11 =	vld [tilespmem:s23+$0xFFFFFFF0];
	[tilespmem:s21+$0x10] =	vst v3;
	s21 =	sadd.s32 $0x50, s21  }
0x14f: {  	v12 =	vld [tilespmem:s23+$0xFFFFFFC0];
	[tilespmem:s21+$0x20] =	vst v2  }
.Ltmp5:
0x150: {  	v7 =	vld.idx.msk [tilespmem:v5+s11+$0x0], $0xffff;
	[tilespmem:s21+$0xFFFFFFF0] =	vst v4;
	(pc) =	sbr.rel @p0 .LBB2_12-.Ltmp5, $4  }
0x151: {  	v6 =	vld.idx.msk [tilespmem:v1+s11+$0x0], $0xffff  }
0x152: {  	v3 =	vld.idx.msk [tilespmem:v0+s11+$0x0], $0xffff;
	v1 =	vmov v10  }
0x153: {  	v2 =	vld.idx.msk [tilespmem:v8+s11+$0x0], $0xffff;
	v0 =	vmov v11  }
0x154: {  	s23 =	sadd.s32 $0x50, s23;
	v4 =	vld.idx.msk [tilespmem:v9+s11+$0x0], $0xffff;
	v5 =	vmov v12  }
0x155: {  	_ =	sdelay $0x3  }
0x156: {  	[tilespmem:s21+$0xFFFFFFE0] =	vst v7;
	v5 =	vld.idx.msk [tilespmem:v5+s11+$0x0], $0xffff  }
0x157: {  	v1 =	vld.idx.msk [tilespmem:v1+s11+$0x0], $0xffff;
	[tilespmem:s21+$0x0] =	vst v6  }
0x158: {  	s22 =	sadd.s32 $0x50, s21;
	v0 =	vld.idx.msk [tilespmem:v0+s11+$0x0], $0xffff;
	[tilespmem:s21+$0x10] =	vst v3  }
0x159: {  	[tilespmem:s22+$0x20] =	vst v2  }
0x15a: {  	[tilespmem:s22+$0xFFFFFFF0] =	vst v4  }
0x15b: {  	[tilespmem:s22+$0xFFFFFFE0] =	vst v5  }
0x15c: {  	[tilespmem:s22+$0x0] =	vst v1  }
0x15d: {  	[tilespmem:s22+$0x10] =	vst v0  }
0x15e: {  	s21 =	sld [smem:$0x7D2];
	_ =	sdelay $0x2  }
0x15f: {  	[hbm4b:s21+s2] =	stream.linear.scatter [tilespmem:s16], [sflag:$0x4], $0x3F70, $0x38;
	[tilespmem:$0x19500] =	vst v63  }
0x160: {  	_ =	swait.ge [sflag:s17], $0x4B80  }
0x161: {  	[sflag:s17] =	ssyncset.done $0x0  }
0x162: {  	s23 =	rddreg [dreg:$0x7];
	[sflag:s17] =	ssyncadd.s32 $0xFFFFB480  }
0x163: {  	[tilespmem:s11], [sflag:$0x1] =	stream.linear.gather [hbm4b:s23+s2], $0x4B80, $0x38;
	[tilespmem:$0x19500] =	vst v63  }
0x164: {  	_ =	swait.ge [sflag:s18], $0x3F20  }
0x165: {  	[sflag:s18] =	ssyncset.done $0x0  }
0x166: {  	s22 =	simm.s32 $0x20;
	[sflag:s18] =	ssyncadd.s32 $0xFFFFC0E0  }
0x167: {  	v0 =	vld [tilespmem:s22+$0x20]  }
0x168: {  	v1 =	vld [tilespmem:s22+$0xFFFFFFF0]  }
0x169: {  	v2 =	vld [tilespmem:s22+$0x0]  }
0x16a: {  	v3 =	vld [tilespmem:s22+$0x10]  }
0x16b: {  	s23 =	simm.s32 $0x70;
	v4 =	vld [tilespmem:s22+$0xFFFFFFE0]  }
0x16c: {  	v10 =	vld [tilespmem:s23+$0x20]  }
0x16d: {  	v11 =	vld [tilespmem:s23+$0xFFFFFFF0]  }
0x16e: {  	v5 =	vld [tilespmem:s23+$0xFFFFFFE0]  }
0x16f: {  	v8 =	vld.idx.msk [tilespmem:v0+s14+$0x0], $0xffff  }
0x170: {  	v9 =	vld.idx.msk [tilespmem:v1+s14+$0x0], $0xffff  }
0x171: {  	v1 =	vld [tilespmem:s23+$0x0]  }
0x172: {  	v0 =	vld [tilespmem:s23+$0x10]  }
0x173: {  	v7 =	vld.idx.msk [tilespmem:v4+s14+$0x0], $0xffff  }
0x174: {  	v6 =	vld.idx.msk [tilespmem:v2+s14+$0x0], $0xffff  }
0x175: {  	s21 =	simm.s32 $0x11620;
	v3 =	vld.idx.msk [tilespmem:v3+s14+$0x0], $0xffff  }
0x176: {  	v2 =	vld.idx.msk [tilespmem:v10+s14+$0x0], $0xffff;
	[tilespmem:s21+$0x20] =	vst v8  }
0x177: {  	s22 =	simm.s32 $0x50;
	v4 =	vld.idx.msk [tilespmem:v11+s14+$0x0], $0xffff;
	s23 =	simm.s32 $0xC0;
	[tilespmem:s21+$0xFFFFFFF0] =	vst v9  }
.LBB2_14:
0x178: {  	v8 =	vld [tilespmem:s23+$0x20];
	s22 =	sadd.s32 $0x50, s22  }
0x179: {  	v9 =	vld [tilespmem:s23+$0xFFFFFFF0];
	p0 =	slt.u32 s22, $0x3ED0;
	[tilespmem:s21+$0xFFFFFFE0] =	vst v7  }
0x17a: {  	v10 =	vld [tilespmem:s23+$0x0];
	[tilespmem:s21+$0x0] =	vst v6  }
0x17b: {  	v11 =	vld [tilespmem:s23+$0x10];
	[tilespmem:s21+$0x10] =	vst v3;
	s21 =	sadd.s32 $0x50, s21  }
0x17c: {  	v12 =	vld [tilespmem:s23+$0xFFFFFFE0];
	[tilespmem:s21+$0x20] =	vst v2  }
.Ltmp6:
0x17d: {  	v7 =	vld.idx.msk [tilespmem:v5+s14+$0x0], $0xffff;
	[tilespmem:s21+$0xFFFFFFF0] =	vst v4;
	(pc) =	sbr.rel @p0 .LBB2_14-.Ltmp6, $4  }
0x17e: {  	v6 =	vld.idx.msk [tilespmem:v1+s14+$0x0], $0xffff  }
0x17f: {  	v3 =	vld.idx.msk [tilespmem:v0+s14+$0x0], $0xffff;
	v1 =	vmov v10  }
0x180: {  	v2 =	vld.idx.msk [tilespmem:v8+s14+$0x0], $0xffff;
	v0 =	vmov v11  }
0x181: {  	s23 =	sadd.s32 $0x50, s23;
	v4 =	vld.idx.msk [tilespmem:v9+s14+$0x0], $0xffff;
	v5 =	vmov v12  }
0x182: {  	_ =	sdelay $0x3  }
0x183: {  	[tilespmem:s21+$0xFFFFFFE0] =	vst v7;
	v5 =	vld.idx.msk [tilespmem:v5+s14+$0x0], $0xffff  }
0x184: {  	v1 =	vld.idx.msk [tilespmem:v1+s14+$0x0], $0xffff;
	[tilespmem:s21+$0x0] =	vst v6  }
0x185: {  	s23 =	sadd.s32 $0x50, s21;
	v0 =	vld.idx.msk [tilespmem:v0+s14+$0x0], $0xffff;
	[tilespmem:s21+$0x10] =	vst v3  }
0x186: {  	[tilespmem:s23+$0x20] =	vst v2  }
0x187: {  	[tilespmem:s23+$0xFFFFFFF0] =	vst v4  }
0x188: {  	[tilespmem:s23+$0xFFFFFFE0] =	vst v5  }
0x189: {  	[tilespmem:s23+$0x0] =	vst v1  }
0x18a: {  	[tilespmem:s23+$0x10] =	vst v0  }
0x18b: {  	s21 =	sld [smem:$0x7D3];
	_ =	sdelay $0x2  }
0x18c: {  	[hbm4b:s21+s2] =	stream.linear.scatter [tilespmem:s15], [sflag:$0x3], $0x3F20, $0x38;
	[tilespmem:$0x19500] =	vst v63  }
0x18d: {  	_ =	swait.ge [sflag:s19], $0x3F70  }
0x18e: {  	[sflag:s19] =	ssyncset.done $0x0  }
0x18f: {  	s22 =	simm.s32 $0x3F60;
	[sflag:s19] =	ssyncadd.s32 $0xFFFFC090  }
0x190: {  	v0 =	vld [tilespmem:s22+$0x0]  }
0x191: {  	v1 =	vld [tilespmem:s22+$0xFFFFFFD0]  }
0x192: {  	v2 =	vld [tilespmem:s22+$0xFFFFFFE0]  }
0x193: {  	v3 =	vld [tilespmem:s22+$0xFFFFFFF0]  }
0x194: {  	s23 =	simm.s32 $0x3FB0;
	v4 =	vld [tilespmem:s22+$0xFFFFFFC0]  }
0x195: {  	v10 =	vld [tilespmem:s23+$0x0]  }
0x196: {  	v11 =	vld [tilespmem:s23+$0xFFFFFFD0]  }
0x197: {  	v5 =	vld [tilespmem:s23+$0xFFFFFFC0]  }
0x198: {  	v8 =	vld.idx.msk [tilespmem:v0+s14+$0x0], $0xffff  }
0x199: {  	v9 =	vld.idx.msk [tilespmem:v1+s14+$0x0], $0xffff  }
0x19a: {  	v1 =	vld [tilespmem:s23+$0xFFFFFFE0]  }
0x19b: {  	v0 =	vld [tilespmem:s23+$0xFFFFFFF0]  }
0x19c: {  	v7 =	vld.idx.msk [tilespmem:v4+s14+$0x0], $0xffff  }
0x19d: {  	v6 =	vld.idx.msk [tilespmem:v2+s14+$0x0], $0xffff  }
0x19e: {  	s21 =	simm.s32 $0x155A0;
	v3 =	vld.idx.msk [tilespmem:v3+s14+$0x0], $0xffff  }
0x19f: {  	v2 =	vld.idx.msk [tilespmem:v10+s14+$0x0], $0xffff;
	[tilespmem:s21+$0x20] =	vst v8  }
0x1a0: {  	s22 =	simm.s32 $0x50;
	v4 =	vld.idx.msk [tilespmem:v11+s14+$0x0], $0xffff;
	s23 =	simm.s32 $0x4000;
	[tilespmem:s21+$0xFFFFFFF0] =	vst v9  }
.LBB2_16:
0x1a1: {  	v8 =	vld [tilespmem:s23+$0x0];
	s22 =	sadd.s32 $0x50, s22  }
0x1a2: {  	v9 =	vld [tilespmem:s23+$0xFFFFFFD0];
	p0 =	slt.u32 s22, $0x3F20;
	[tilespmem:s21+$0xFFFFFFE0] =	vst v7  }
0x1a3: {  	v10 =	vld [tilespmem:s23+$0xFFFFFFE0];
	[tilespmem:s21+$0x0] =	vst v6  }
0x1a4: {  	v11 =	vld [tilespmem:s23+$0xFFFFFFF0];
	[tilespmem:s21+$0x10] =	vst v3;
	s21 =	sadd.s32 $0x50, s21  }
0x1a5: {  	v12 =	vld [tilespmem:s23+$0xFFFFFFC0];
	[tilespmem:s21+$0x20] =	vst v2  }
.Ltmp7:
0x1a6: {  	v7 =	vld.idx.msk [tilespmem:v5+s14+$0x0], $0xffff;
	[tilespmem:s21+$0xFFFFFFF0] =	vst v4;
	(pc) =	sbr.rel @p0 .LBB2_16-.Ltmp7, $4  }
0x1a7: {  	v6 =	vld.idx.msk [tilespmem:v1+s14+$0x0], $0xffff  }
0x1a8: {  	v3 =	vld.idx.msk [tilespmem:v0+s14+$0x0], $0xffff;
	v1 =	vmov v10  }
0x1a9: {  	v2 =	vld.idx.msk [tilespmem:v8+s14+$0x0], $0xffff;
	v0 =	vmov v11  }
0x1aa: {  	s23 =	sadd.s32 $0x50, s23;
	v4 =	vld.idx.msk [tilespmem:v9+s14+$0x0], $0xffff;
	v5 =	vmov v12  }
0x1ab: {  	_ =	sdelay $0x3  }
0x1ac: {  	[tilespmem:s21+$0xFFFFFFE0] =	vst v7;
	v5 =	vld.idx.msk [tilespmem:v5+s14+$0x0], $0xffff  }
0x1ad: {  	v1 =	vld.idx.msk [tilespmem:v1+s14+$0x0], $0xffff;
	[tilespmem:s21+$0x0] =	vst v6  }
0x1ae: {  	s22 =	sadd.s32 $0x50, s21;
	v0 =	vld.idx.msk [tilespmem:v0+s14+$0x0], $0xffff;
	[tilespmem:s21+$0x10] =	vst v3  }
0x1af: {  	[tilespmem:s22+$0x20] =	vst v2  }
0x1b0: {  	[tilespmem:s22+$0xFFFFFFF0] =	vst v4  }
0x1b1: {  	[tilespmem:s22+$0xFFFFFFE0] =	vst v5  }
0x1b2: {  	[tilespmem:s22+$0x0] =	vst v1  }
0x1b3: {  	[tilespmem:s22+$0x10] =	vst v0  }
0x1b4: {  	s21 =	sld [smem:$0x7D4];
	_ =	sdelay $0x2  }
0x1b5: {  	[hbm4b:s21+s2] =	stream.linear.scatter [tilespmem:s16], [sflag:$0x4], $0x3F70, $0x38;
	[tilespmem:$0x19500] =	vst v63  }
0x1b6: {  	_ =	swait.ge [sflag:s13], $0x4B80  }
0x1b7: {  	[sflag:s13] =	ssyncset.done $0x0  }
0x1b8: {  	s23 =	rddreg [dreg:$0x8];
	[sflag:s13] =	ssyncadd.s32 $0xFFFFB480  }
0x1b9: {  	[tilespmem:s14], [sflag:$0x2] =	stream.linear.gather [hbm4b:s23+s2], $0x4B80, $0x38;
	[tilespmem:$0x19500] =	vst v63  }
0x1ba: {  	_ =	swait.ge [sflag:s18], $0x3F20  }
0x1bb: {  	[sflag:s18] =	ssyncset.done $0x0  }
0x1bc: {  	s22 =	simm.s32 $0x20;
	[sflag:s18] =	ssyncadd.s32 $0xFFFFC0E0  }
0x1bd: {  	v0 =	vld [tilespmem:s22+$0x20]  }
0x1be: {  	v1 =	vld [tilespmem:s22+$0xFFFFFFF0]  }
0x1bf: {  	v2 =	vld [tilespmem:s22+$0x0]  }
0x1c0: {  	v3 =	vld [tilespmem:s22+$0x10]  }
0x1c1: {  	s23 =	simm.s32 $0x70;
	v4 =	vld [tilespmem:s22+$0xFFFFFFE0]  }
0x1c2: {  	v10 =	vld [tilespmem:s23+$0x20]  }
0x1c3: {  	v11 =	vld [tilespmem:s23+$0xFFFFFFF0]  }
0x1c4: {  	v5 =	vld [tilespmem:s23+$0xFFFFFFE0]  }
0x1c5: {  	v8 =	vld.idx.msk [tilespmem:v0+s11+$0x0], $0xffff  }
0x1c6: {  	v9 =	vld.idx.msk [tilespmem:v1+s11+$0x0], $0xffff  }
0x1c7: {  	v1 =	vld [tilespmem:s23+$0x0]  }
0x1c8: {  	v0 =	vld [tilespmem:s23+$0x10]  }
0x1c9: {  	v7 =	vld.idx.msk [tilespmem:v4+s11+$0x0], $0xffff  }
0x1ca: {  	v6 =	vld.idx.msk [tilespmem:v2+s11+$0x0], $0xffff  }
0x1cb: {  	s21 =	simm.s32 $0x11620;
	v3 =	vld.idx.msk [tilespmem:v3+s11+$0x0], $0xffff  }
0x1cc: {  	v2 =	vld.idx.msk [tilespmem:v10+s11+$0x0], $0xffff;
	[tilespmem:s21+$0x20] =	vst v8  }
0x1cd: {  	s22 =	simm.s32 $0x50;
	v4 =	vld.idx.msk [tilespmem:v11+s11+$0x0], $0xffff;
	s23 =	simm.s32 $0xC0;
	[tilespmem:s21+$0xFFFFFFF0] =	vst v9  }
.LBB2_18:
0x1ce: {  	v8 =	vld [tilespmem:s23+$0x20];
	s22 =	sadd.s32 $0x50, s22  }
0x1cf: {  	v9 =	vld [tilespmem:s23+$0xFFFFFFF0];
	p0 =	slt.u32 s22, $0x3ED0;
	[tilespmem:s21+$0xFFFFFFE0] =	vst v7  }
0x1d0: {  	v10 =	vld [tilespmem:s23+$0x0];
	[tilespmem:s21+$0x0] =	vst v6  }
0x1d1: {  	v11 =	vld [tilespmem:s23+$0x10];
	[tilespmem:s21+$0x10] =	vst v3;
	s21 =	sadd.s32 $0x50, s21  }
0x1d2: {  	v12 =	vld [tilespmem:s23+$0xFFFFFFE0];
	[tilespmem:s21+$0x20] =	vst v2  }
.Ltmp8:
0x1d3: {  	v7 =	vld.idx.msk [tilespmem:v5+s11+$0x0], $0xffff;
	[tilespmem:s21+$0xFFFFFFF0] =	vst v4;
	(pc) =	sbr.rel @p0 .LBB2_18-.Ltmp8, $4  }
0x1d4: {  	v6 =	vld.idx.msk [tilespmem:v1+s11+$0x0], $0xffff  }
0x1d5: {  	v3 =	vld.idx.msk [tilespmem:v0+s11+$0x0], $0xffff;
	v1 =	vmov v10  }
0x1d6: {  	v2 =	vld.idx.msk [tilespmem:v8+s11+$0x0], $0xffff;
	v0 =	vmov v11  }
0x1d7: {  	s23 =	sadd.s32 $0x50, s23;
	v4 =	vld.idx.msk [tilespmem:v9+s11+$0x0], $0xffff;
	v5 =	vmov v12  }
0x1d8: {  	_ =	sdelay $0x3  }
0x1d9: {  	[tilespmem:s21+$0xFFFFFFE0] =	vst v7;
	v5 =	vld.idx.msk [tilespmem:v5+s11+$0x0], $0xffff  }
0x1da: {  	v1 =	vld.idx.msk [tilespmem:v1+s11+$0x0], $0xffff;
	[tilespmem:s21+$0x0] =	vst v6  }
0x1db: {  	s23 =	sadd.s32 $0x50, s21;
	v0 =	vld.idx.msk [tilespmem:v0+s11+$0x0], $0xffff;
	[tilespmem:s21+$0x10] =	vst v3  }
0x1dc: {  	[tilespmem:s23+$0x20] =	vst v2  }
0x1dd: {  	[tilespmem:s23+$0xFFFFFFF0] =	vst v4  }
0x1de: {  	[tilespmem:s23+$0xFFFFFFE0] =	vst v5  }
0x1df: {  	[tilespmem:s23+$0x0] =	vst v1  }
0x1e0: {  	[tilespmem:s23+$0x10] =	vst v0  }
0x1e1: {  	s21 =	sld [smem:$0x7D5];
	_ =	sdelay $0x2  }
0x1e2: {  	[hbm4b:s21+s2] =	stream.linear.scatter [tilespmem:s15], [sflag:$0x3], $0x3F20, $0x38;
	[tilespmem:$0x19500] =	vst v63  }
0x1e3: {  	_ =	swait.ge [sflag:s19], $0x3F70  }
0x1e4: {  	[sflag:s19] =	ssyncset.done $0x0  }
0x1e5: {  	s22 =	simm.s32 $0x3F60;
	[sflag:s19] =	ssyncadd.s32 $0xFFFFC090  }
0x1e6: {  	v0 =	vld [tilespmem:s22+$0x0]  }
0x1e7: {  	v1 =	vld [tilespmem:s22+$0xFFFFFFD0]  }
0x1e8: {  	v2 =	vld [tilespmem:s22+$0xFFFFFFE0]  }
0x1e9: {  	v3 =	vld [tilespmem:s22+$0xFFFFFFF0]  }
0x1ea: {  	s23 =	simm.s32 $0x3FB0;
	v4 =	vld [tilespmem:s22+$0xFFFFFFC0]  }
0x1eb: {  	v10 =	vld [tilespmem:s23+$0x0]  }
0x1ec: {  	v11 =	vld [tilespmem:s23+$0xFFFFFFD0]  }
0x1ed: {  	v5 =	vld [tilespmem:s23+$0xFFFFFFC0]  }
0x1ee: {  	v8 =	vld.idx.msk [tilespmem:v0+s11+$0x0], $0xffff  }
0x1ef: {  	v9 =	vld.idx.msk [tilespmem:v1+s11+$0x0], $0xffff  }
0x1f0: {  	v1 =	vld [tilespmem:s23+$0xFFFFFFE0]  }
0x1f1: {  	v0 =	vld [tilespmem:s23+$0xFFFFFFF0]  }
0x1f2: {  	v7 =	vld.idx.msk [tilespmem:v4+s11+$0x0], $0xffff  }
0x1f3: {  	v6 =	vld.idx.msk [tilespmem:v2+s11+$0x0], $0xffff  }
0x1f4: {  	s21 =	simm.s32 $0x155A0;
	v3 =	vld.idx.msk [tilespmem:v3+s11+$0x0], $0xffff  }
0x1f5: {  	v2 =	vld.idx.msk [tilespmem:v10+s11+$0x0], $0xffff;
	[tilespmem:s21+$0x20] =	vst v8  }
0x1f6: {  	s22 =	simm.s32 $0x50;
	v4 =	vld.idx.msk [tilespmem:v11+s11+$0x0], $0xffff;
	s23 =	simm.s32 $0x4000;
	[tilespmem:s21+$0xFFFFFFF0] =	vst v9  }
.LBB2_20:
0x1f7: {  	v8 =	vld [tilespmem:s23+$0x0];
	s22 =	sadd.s32 $0x50, s22  }
0x1f8: {  	v9 =	vld [tilespmem:s23+$0xFFFFFFD0];
	p0 =	slt.u32 s22, $0x3F20;
	[tilespmem:s21+$0xFFFFFFE0] =	vst v7  }
0x1f9: {  	v10 =	vld [tilespmem:s23+$0xFFFFFFE0];
	[tilespmem:s21+$0x0] =	vst v6  }
0x1fa: {  	v11 =	vld [tilespmem:s23+$0xFFFFFFF0];
	[tilespmem:s21+$0x10] =	vst v3;
	s21 =	sadd.s32 $0x50, s21  }
0x1fb: {  	v12 =	vld [tilespmem:s23+$0xFFFFFFC0];
	[tilespmem:s21+$0x20] =	vst v2  }
.Ltmp9:
0x1fc: {  	v7 =	vld.idx.msk [tilespmem:v5+s11+$0x0], $0xffff;
	[tilespmem:s21+$0xFFFFFFF0] =	vst v4;
	(pc) =	sbr.rel @p0 .LBB2_20-.Ltmp9, $4  }
0x1fd: {  	v6 =	vld.idx.msk [tilespmem:v1+s11+$0x0], $0xffff  }
0x1fe: {  	v3 =	vld.idx.msk [tilespmem:v0+s11+$0x0], $0xffff;
	v1 =	vmov v10  }
0x1ff: {  	v2 =	vld.idx.msk [tilespmem:v8+s11+$0x0], $0xffff;
	v0 =	vmov v11  }
0x200: {  	s23 =	sadd.s32 $0x50, s23;
	v4 =	vld.idx.msk [tilespmem:v9+s11+$0x0], $0xffff;
	v5 =	vmov v12  }
0x201: {  	_ =	sdelay $0x3  }
0x202: {  	[tilespmem:s21+$0xFFFFFFE0] =	vst v7;
	v5 =	vld.idx.msk [tilespmem:v5+s11+$0x0], $0xffff  }
0x203: {  	v1 =	vld.idx.msk [tilespmem:v1+s11+$0x0], $0xffff;
	[tilespmem:s21+$0x0] =	vst v6  }
0x204: {  	s22 =	sadd.s32 $0x50, s21;
	v0 =	vld.idx.msk [tilespmem:v0+s11+$0x0], $0xffff;
	[tilespmem:s21+$0x10] =	vst v3  }
0x205: {  	[tilespmem:s22+$0x20] =	vst v2  }
0x206: {  	[tilespmem:s22+$0xFFFFFFF0] =	vst v4  }
0x207: {  	[tilespmem:s22+$0xFFFFFFE0] =	vst v5  }
0x208: {  	[tilespmem:s22+$0x0] =	vst v1  }
0x209: {  	[tilespmem:s22+$0x10] =	vst v0  }
0x20a: {  	s21 =	sld [smem:$0x7D6];
	_ =	sdelay $0x2  }
0x20b: {  	[hbm4b:s21+s2] =	stream.linear.scatter [tilespmem:s16], [sflag:$0x4], $0x3F70, $0x38;
	[tilespmem:$0x19500] =	vst v63  }
0x20c: {  	_ =	swait.ge [sflag:s17], $0x4B80  }
0x20d: {  	[sflag:s17] =	ssyncset.done $0x0  }
0x20e: {  	s23 =	rddreg [dreg:$0x9];
	[sflag:s17] =	ssyncadd.s32 $0xFFFFB480  }
0x20f: {  	[tilespmem:s11], [sflag:$0x1] =	stream.linear.gather [hbm4b:s23+s2], $0x4B80, $0x38;
	[tilespmem:$0x19500] =	vst v63  }
0x210: {  	_ =	swait.ge [sflag:s18], $0x3F20  }
0x211: {  	[sflag:s18] =	ssyncset.done $0x0  }
0x212: {  	s22 =	simm.s32 $0x20;
	[sflag:s18] =	ssyncadd.s32 $0xFFFFC0E0  }
0x213: {  	v0 =	vld [tilespmem:s22+$0x20]  }
0x214: {  	v1 =	vld [tilespmem:s22+$0xFFFFFFF0]  }
0x215: {  	v2 =	vld [tilespmem:s22+$0x0]  }
0x216: {  	v3 =	vld [tilespmem:s22+$0x10]  }
0x217: {  	s23 =	simm.s32 $0x70;
	v4 =	vld [tilespmem:s22+$0xFFFFFFE0]  }
0x218: {  	v10 =	vld [tilespmem:s23+$0x20]  }
0x219: {  	v11 =	vld [tilespmem:s23+$0xFFFFFFF0]  }
0x21a: {  	v5 =	vld [tilespmem:s23+$0xFFFFFFE0]  }
0x21b: {  	v8 =	vld.idx.msk [tilespmem:v0+s14+$0x0], $0xffff  }
0x21c: {  	v9 =	vld.idx.msk [tilespmem:v1+s14+$0x0], $0xffff  }
0x21d: {  	v1 =	vld [tilespmem:s23+$0x0]  }
0x21e: {  	v0 =	vld [tilespmem:s23+$0x10]  }
0x21f: {  	v7 =	vld.idx.msk [tilespmem:v4+s14+$0x0], $0xffff  }
0x220: {  	v6 =	vld.idx.msk [tilespmem:v2+s14+$0x0], $0xffff  }
0x221: {  	s21 =	simm.s32 $0x11620;
	v3 =	vld.idx.msk [tilespmem:v3+s14+$0x0], $0xffff  }
0x222: {  	v2 =	vld.idx.msk [tilespmem:v10+s14+$0x0], $0xffff;
	[tilespmem:s21+$0x20] =	vst v8  }
0x223: {  	s22 =	simm.s32 $0x50;
	v4 =	vld.idx.msk [tilespmem:v11+s14+$0x0], $0xffff;
	s23 =	simm.s32 $0xC0;
	[tilespmem:s21+$0xFFFFFFF0] =	vst v9  }
.LBB2_22:
0x224: {  	v8 =	vld [tilespmem:s23+$0x20];
	s22 =	sadd.s32 $0x50, s22  }
0x225: {  	v9 =	vld [tilespmem:s23+$0xFFFFFFF0];
	p0 =	slt.u32 s22, $0x3ED0;
	[tilespmem:s21+$0xFFFFFFE0] =	vst v7  }
0x226: {  	v10 =	vld [tilespmem:s23+$0x0];
	[tilespmem:s21+$0x0] =	vst v6  }
0x227: {  	v11 =	vld [tilespmem:s23+$0x10];
	[tilespmem:s21+$0x10] =	vst v3;
	s21 =	sadd.s32 $0x50, s21  }
0x228: {  	v12 =	vld [tilespmem:s23+$0xFFFFFFE0];
	[tilespmem:s21+$0x20] =	vst v2  }
.Ltmp10:
0x229: {  	v7 =	vld.idx.msk [tilespmem:v5+s14+$0x0], $0xffff;
	[tilespmem:s21+$0xFFFFFFF0] =	vst v4;
	(pc) =	sbr.rel @p0 .LBB2_22-.Ltmp10, $4  }
0x22a: {  	v6 =	vld.idx.msk [tilespmem:v1+s14+$0x0], $0xffff  }
0x22b: {  	v3 =	vld.idx.msk [tilespmem:v0+s14+$0x0], $0xffff;
	v1 =	vmov v10  }
0x22c: {  	v2 =	vld.idx.msk [tilespmem:v8+s14+$0x0], $0xffff;
	v0 =	vmov v11  }
0x22d: {  	s23 =	sadd.s32 $0x50, s23;
	v4 =	vld.idx.msk [tilespmem:v9+s14+$0x0], $0xffff;
	v5 =	vmov v12  }
0x22e: {  	_ =	sdelay $0x3  }
0x22f: {  	[tilespmem:s21+$0xFFFFFFE0] =	vst v7;
	v5 =	vld.idx.msk [tilespmem:v5+s14+$0x0], $0xffff  }
0x230: {  	v1 =	vld.idx.msk [tilespmem:v1+s14+$0x0], $0xffff;
	[tilespmem:s21+$0x0] =	vst v6  }
0x231: {  	s23 =	sadd.s32 $0x50, s21;
	v0 =	vld.idx.msk [tilespmem:v0+s14+$0x0], $0xffff;
	[tilespmem:s21+$0x10] =	vst v3  }
0x232: {  	[tilespmem:s23+$0x20] =	vst v2  }
0x233: {  	[tilespmem:s23+$0xFFFFFFF0] =	vst v4  }
0x234: {  	[tilespmem:s23+$0xFFFFFFE0] =	vst v5  }
0x235: {  	[tilespmem:s23+$0x0] =	vst v1  }
0x236: {  	[tilespmem:s23+$0x10] =	vst v0  }
0x237: {  	s21 =	sld [smem:$0x7D7];
	_ =	sdelay $0x2  }
0x238: {  	[hbm4b:s21+s2] =	stream.linear.scatter [tilespmem:s15], [sflag:$0x3], $0x3F20, $0x38;
	[tilespmem:$0x19500] =	vst v63  }
0x239: {  	_ =	swait.ge [sflag:s19], $0x3F70  }
0x23a: {  	[sflag:s19] =	ssyncset.done $0x0  }
0x23b: {  	s22 =	simm.s32 $0x3F60;
	[sflag:s19] =	ssyncadd.s32 $0xFFFFC090  }
0x23c: {  	v0 =	vld [tilespmem:s22+$0x0]  }
0x23d: {  	v1 =	vld [tilespmem:s22+$0xFFFFFFD0]  }
0x23e: {  	v2 =	vld [tilespmem:s22+$0xFFFFFFE0]  }
0x23f: {  	v3 =	vld [tilespmem:s22+$0xFFFFFFF0]  }
0x240: {  	s23 =	simm.s32 $0x3FB0;
	v4 =	vld [tilespmem:s22+$0xFFFFFFC0]  }
0x241: {  	v10 =	vld [tilespmem:s23+$0x0]  }
0x242: {  	v11 =	vld [tilespmem:s23+$0xFFFFFFD0]  }
0x243: {  	v5 =	vld [tilespmem:s23+$0xFFFFFFC0]  }
0x244: {  	v8 =	vld.idx.msk [tilespmem:v0+s14+$0x0], $0xffff  }
0x245: {  	v9 =	vld.idx.msk [tilespmem:v1+s14+$0x0], $0xffff  }
0x246: {  	v1 =	vld [tilespmem:s23+$0xFFFFFFE0]  }
0x247: {  	v0 =	vld [tilespmem:s23+$0xFFFFFFF0]  }
0x248: {  	v7 =	vld.idx.msk [tilespmem:v4+s14+$0x0], $0xffff  }
0x249: {  	v6 =	vld.idx.msk [tilespmem:v2+s14+$0x0], $0xffff  }
0x24a: {  	s21 =	simm.s32 $0x155A0;
	v3 =	vld.idx.msk [tilespmem:v3+s14+$0x0], $0xffff  }
0x24b: {  	v2 =	vld.idx.msk [tilespmem:v10+s14+$0x0], $0xffff;
	[tilespmem:s21+$0x20] =	vst v8  }
0x24c: {  	s22 =	simm.s32 $0x50;
	v4 =	vld.idx.msk [tilespmem:v11+s14+$0x0], $0xffff;
	s23 =	simm.s32 $0x4000;
	[tilespmem:s21+$0xFFFFFFF0] =	vst v9  }
.LBB2_24:
0x24d: {  	v8 =	vld [tilespmem:s23+$0x0];
	s22 =	sadd.s32 $0x50, s22  }
0x24e: {  	v9 =	vld [tilespmem:s23+$0xFFFFFFD0];
	p0 =	slt.u32 s22, $0x3F20;
	[tilespmem:s21+$0xFFFFFFE0] =	vst v7  }
0x24f: {  	v10 =	vld [tilespmem:s23+$0xFFFFFFE0];
	[tilespmem:s21+$0x0] =	vst v6  }
0x250: {  	v11 =	vld [tilespmem:s23+$0xFFFFFFF0];
	[tilespmem:s21+$0x10] =	vst v3;
	s21 =	sadd.s32 $0x50, s21  }
0x251: {  	v12 =	vld [tilespmem:s23+$0xFFFFFFC0];
	[tilespmem:s21+$0x20] =	vst v2  }
.Ltmp11:
0x252: {  	v7 =	vld.idx.msk [tilespmem:v5+s14+$0x0], $0xffff;
	[tilespmem:s21+$0xFFFFFFF0] =	vst v4;
	(pc) =	sbr.rel @p0 .LBB2_24-.Ltmp11, $4  }
0x253: {  	v6 =	vld.idx.msk [tilespmem:v1+s14+$0x0], $0xffff  }
0x254: {  	v3 =	vld.idx.msk [tilespmem:v0+s14+$0x0], $0xffff;
	v1 =	vmov v10  }
0x255: {  	v2 =	vld.idx.msk [tilespmem:v8+s14+$0x0], $0xffff;
	v0 =	vmov v11  }
0x256: {  	s23 =	sadd.s32 $0x50, s23;
	v4 =	vld.idx.msk [tilespmem:v9+s14+$0x0], $0xffff;
	v5 =	vmov v12  }
0x257: {  	_ =	sdelay $0x3  }
0x258: {  	[tilespmem:s21+$0xFFFFFFE0] =	vst v7;
	v5 =	vld.idx.msk [tilespmem:v5+s14+$0x0], $0xffff  }
0x259: {  	v1 =	vld.idx.msk [tilespmem:v1+s14+$0x0], $0xffff;
	[tilespmem:s21+$0x0] =	vst v6  }
0x25a: {  	s22 =	sadd.s32 $0x50, s21;
	v0 =	vld.idx.msk [tilespmem:v0+s14+$0x0], $0xffff;
	[tilespmem:s21+$0x10] =	vst v3  }
0x25b: {  	[tilespmem:s22+$0x20] =	vst v2  }
0x25c: {  	[tilespmem:s22+$0xFFFFFFF0] =	vst v4  }
0x25d: {  	[tilespmem:s22+$0xFFFFFFE0] =	vst v5  }
0x25e: {  	[tilespmem:s22+$0x0] =	vst v1  }
0x25f: {  	[tilespmem:s22+$0x10] =	vst v0  }
0x260: {  	s21 =	sld [smem:$0x7D8];
	_ =	sdelay $0x2  }
0x261: {  	[hbm4b:s21+s2] =	stream.linear.scatter [tilespmem:s16], [sflag:$0x4], $0x3F70, $0x38;
	[tilespmem:$0x19500] =	vst v63  }
0x262: {  	_ =	swait.ge [sflag:s13], $0x4B80  }
0x263: {  	[sflag:s13] =	ssyncset.done $0x0  }
0x264: {  	s23 =	rddreg [dreg:$0xa];
	[sflag:s13] =	ssyncadd.s32 $0xFFFFB480  }
0x265: {  	[tilespmem:s14], [sflag:$0x2] =	stream.linear.gather [hbm4b:s23+s2], $0x4B80, $0x38;
	[tilespmem:$0x19500] =	vst v63  }
0x266: {  	_ =	swait.ge [sflag:s18], $0x3F20  }
0x267: {  	[sflag:s18] =	ssyncset.done $0x0  }
0x268: {  	s22 =	simm.s32 $0x20;
	[sflag:s18] =	ssyncadd.s32 $0xFFFFC0E0  }
0x269: {  	v0 =	vld [tilespmem:s22+$0x20]  }
0x26a: {  	v1 =	vld [tilespmem:s22+$0xFFFFFFF0]  }
0x26b: {  	v2 =	vld [tilespmem:s22+$0x0]  }
0x26c: {  	v3 =	vld [tilespmem:s22+$0x10]  }
0x26d: {  	s23 =	simm.s32 $0x70;
	v4 =	vld [tilespmem:s22+$0xFFFFFFE0]  }
0x26e: {  	v10 =	vld [tilespmem:s23+$0x20]  }
0x26f: {  	v11 =	vld [tilespmem:s23+$0xFFFFFFF0]  }
0x270: {  	v5 =	vld [tilespmem:s23+$0xFFFFFFE0]  }
0x271: {  	v8 =	vld.idx.msk [tilespmem:v0+s11+$0x0], $0xffff  }
0x272: {  	v9 =	vld.idx.msk [tilespmem:v1+s11+$0x0], $0xffff  }
0x273: {  	v1 =	vld [tilespmem:s23+$0x0]  }
0x274: {  	v0 =	vld [tilespmem:s23+$0x10]  }
0x275: {  	v7 =	vld.idx.msk [tilespmem:v4+s11+$0x0], $0xffff  }
0x276: {  	v6 =	vld.idx.msk [tilespmem:v2+s11+$0x0], $0xffff  }
0x277: {  	s21 =	simm.s32 $0x11620;
	v3 =	vld.idx.msk [tilespmem:v3+s11+$0x0], $0xffff  }
0x278: {  	v2 =	vld.idx.msk [tilespmem:v10+s11+$0x0], $0xffff;
	[tilespmem:s21+$0x20] =	vst v8  }
0x279: {  	s22 =	simm.s32 $0x50;
	v4 =	vld.idx.msk [tilespmem:v11+s11+$0x0], $0xffff;
	s23 =	simm.s32 $0xC0;
	[tilespmem:s21+$0xFFFFFFF0] =	vst v9  }
.LBB2_26:
0x27a: {  	v8 =	vld [tilespmem:s23+$0x20];
	s22 =	sadd.s32 $0x50, s22  }
0x27b: {  	v9 =	vld [tilespmem:s23+$0xFFFFFFF0];
	p0 =	slt.u32 s22, $0x3ED0;
	[tilespmem:s21+$0xFFFFFFE0] =	vst v7  }
0x27c: {  	v10 =	vld [tilespmem:s23+$0x0];
	[tilespmem:s21+$0x0] =	vst v6  }
0x27d: {  	v11 =	vld [tilespmem:s23+$0x10];
	[tilespmem:s21+$0x10] =	vst v3;
	s21 =	sadd.s32 $0x50, s21  }
0x27e: {  	v12 =	vld [tilespmem:s23+$0xFFFFFFE0];
	[tilespmem:s21+$0x20] =	vst v2  }
.Ltmp12:
0x27f: {  	v7 =	vld.idx.msk [tilespmem:v5+s11+$0x0], $0xffff;
	[tilespmem:s21+$0xFFFFFFF0] =	vst v4;
	(pc) =	sbr.rel @p0 .LBB2_26-.Ltmp12, $4  }
0x280: {  	v6 =	vld.idx.msk [tilespmem:v1+s11+$0x0], $0xffff  }
0x281: {  	v3 =	vld.idx.msk [tilespmem:v0+s11+$0x0], $0xffff;
	v1 =	vmov v10  }
0x282: {  	v2 =	vld.idx.msk [tilespmem:v8+s11+$0x0], $0xffff;
	v0 =	vmov v11  }
0x283: {  	s23 =	sadd.s32 $0x50, s23;
	v4 =	vld.idx.msk [tilespmem:v9+s11+$0x0], $0xffff;
	v5 =	vmov v12  }
0x284: {  	_ =	sdelay $0x3  }
0x285: {  	[tilespmem:s21+$0xFFFFFFE0] =	vst v7;
	v5 =	vld.idx.msk [tilespmem:v5+s11+$0x0], $0xffff  }
0x286: {  	v1 =	vld.idx.msk [tilespmem:v1+s11+$0x0], $0xffff;
	[tilespmem:s21+$0x0] =	vst v6  }
0x287: {  	s23 =	sadd.s32 $0x50, s21;
	v0 =	vld.idx.msk [tilespmem:v0+s11+$0x0], $0xffff;
	[tilespmem:s21+$0x10] =	vst v3  }
0x288: {  	[tilespmem:s23+$0x20] =	vst v2  }
0x289: {  	[tilespmem:s23+$0xFFFFFFF0] =	vst v4  }
0x28a: {  	[tilespmem:s23+$0xFFFFFFE0] =	vst v5  }
0x28b: {  	[tilespmem:s23+$0x0] =	vst v1  }
0x28c: {  	[tilespmem:s23+$0x10] =	vst v0  }
0x28d: {  	s21 =	sld [smem:$0x7D9];
	_ =	sdelay $0x2  }
0x28e: {  	[hbm4b:s21+s2] =	stream.linear.scatter [tilespmem:s15], [sflag:$0x3], $0x3F20, $0x38;
	[tilespmem:$0x19500] =	vst v63  }
0x28f: {  	_ =	swait.ge [sflag:s19], $0x3F70  }
0x290: {  	[sflag:s19] =	ssyncset.done $0x0  }
0x291: {  	s22 =	simm.s32 $0x3F60;
	[sflag:s19] =	ssyncadd.s32 $0xFFFFC090  }
0x292: {  	v0 =	vld [tilespmem:s22+$0x0]  }
0x293: {  	v1 =	vld [tilespmem:s22+$0xFFFFFFD0]  }
0x294: {  	v2 =	vld [tilespmem:s22+$0xFFFFFFE0]  }
0x295: {  	v3 =	vld [tilespmem:s22+$0xFFFFFFF0]  }
0x296: {  	s23 =	simm.s32 $0x3FB0;
	v4 =	vld [tilespmem:s22+$0xFFFFFFC0]  }
0x297: {  	v10 =	vld [tilespmem:s23+$0x0]  }
0x298: {  	v11 =	vld [tilespmem:s23+$0xFFFFFFD0]  }
0x299: {  	v5 =	vld [tilespmem:s23+$0xFFFFFFC0]  }
0x29a: {  	v8 =	vld.idx.msk [tilespmem:v0+s11+$0x0], $0xffff  }
0x29b: {  	v9 =	vld.idx.msk [tilespmem:v1+s11+$0x0], $0xffff  }
0x29c: {  	v1 =	vld [tilespmem:s23+$0xFFFFFFE0]  }
0x29d: {  	v0 =	vld [tilespmem:s23+$0xFFFFFFF0]  }
0x29e: {  	v7 =	vld.idx.msk [tilespmem:v4+s11+$0x0], $0xffff  }
0x29f: {  	v6 =	vld.idx.msk [tilespmem:v2+s11+$0x0], $0xffff  }
0x2a0: {  	s21 =	simm.s32 $0x155A0;
	v3 =	vld.idx.msk [tilespmem:v3+s11+$0x0], $0xffff  }
0x2a1: {  	v2 =	vld.idx.msk [tilespmem:v10+s11+$0x0], $0xffff;
	[tilespmem:s21+$0x20] =	vst v8  }
0x2a2: {  	s22 =	simm.s32 $0x50;
	v4 =	vld.idx.msk [tilespmem:v11+s11+$0x0], $0xffff;
	s23 =	simm.s32 $0x4000;
	[tilespmem:s21+$0xFFFFFFF0] =	vst v9  }
.LBB2_28:
0x2a3: {  	v8 =	vld [tilespmem:s23+$0x0];
	s22 =	sadd.s32 $0x50, s22  }
0x2a4: {  	v9 =	vld [tilespmem:s23+$0xFFFFFFD0];
	p0 =	slt.u32 s22, $0x3F20;
	[tilespmem:s21+$0xFFFFFFE0] =	vst v7  }
0x2a5: {  	v10 =	vld [tilespmem:s23+$0xFFFFFFE0];
	[tilespmem:s21+$0x0] =	vst v6  }
0x2a6: {  	v11 =	vld [tilespmem:s23+$0xFFFFFFF0];
	[tilespmem:s21+$0x10] =	vst v3;
	s21 =	sadd.s32 $0x50, s21  }
0x2a7: {  	v12 =	vld [tilespmem:s23+$0xFFFFFFC0];
	[tilespmem:s21+$0x20] =	vst v2  }
.Ltmp13:
0x2a8: {  	v7 =	vld.idx.msk [tilespmem:v5+s11+$0x0], $0xffff;
	[tilespmem:s21+$0xFFFFFFF0] =	vst v4;
	(pc) =	sbr.rel @p0 .LBB2_28-.Ltmp13, $4  }
0x2a9: {  	v6 =	vld.idx.msk [tilespmem:v1+s11+$0x0], $0xffff  }
0x2aa: {  	v3 =	vld.idx.msk [tilespmem:v0+s11+$0x0], $0xffff;
	v1 =	vmov v10  }
0x2ab: {  	v2 =	vld.idx.msk [tilespmem:v8+s11+$0x0], $0xffff;
	v0 =	vmov v11  }
0x2ac: {  	s23 =	sadd.s32 $0x50, s23;
	v4 =	vld.idx.msk [tilespmem:v9+s11+$0x0], $0xffff;
	v5 =	vmov v12  }
0x2ad: {  	_ =	sdelay $0x3  }
0x2ae: {  	[tilespmem:s21+$0xFFFFFFE0] =	vst v7;
	v5 =	vld.idx.msk [tilespmem:v5+s11+$0x0], $0xffff  }
0x2af: {  	v1 =	vld.idx.msk [tilespmem:v1+s11+$0x0], $0xffff;
	[tilespmem:s21+$0x0] =	vst v6  }
0x2b0: {  	s22 =	sadd.s32 $0x50, s21;
	v0 =	vld.idx.msk [tilespmem:v0+s11+$0x0], $0xffff;
	[tilespmem:s21+$0x10] =	vst v3  }
0x2b1: {  	[tilespmem:s22+$0x20] =	vst v2  }
0x2b2: {  	[tilespmem:s22+$0xFFFFFFF0] =	vst v4  }
0x2b3: {  	[tilespmem:s22+$0xFFFFFFE0] =	vst v5  }
0x2b4: {  	[tilespmem:s22+$0x0] =	vst v1  }
0x2b5: {  	[tilespmem:s22+$0x10] =	vst v0  }
0x2b6: {  	s21 =	sld [smem:$0x7DA];
	_ =	sdelay $0x2  }
0x2b7: {  	[hbm4b:s21+s2] =	stream.linear.scatter [tilespmem:s16], [sflag:$0x4], $0x3F70, $0x38;
	[tilespmem:$0x19500] =	vst v63  }
0x2b8: {  	_ =	swait.ge [sflag:s17], $0x4B80  }
0x2b9: {  	[sflag:s17] =	ssyncset.done $0x0  }
0x2ba: {  	s23 =	rddreg [dreg:$0xb];
	[sflag:s17] =	ssyncadd.s32 $0xFFFFB480  }
0x2bb: {  	[tilespmem:s11], [sflag:$0x1] =	stream.linear.gather [hbm4b:s23+s2], $0x4B80, $0x38;
	[tilespmem:$0x19500] =	vst v63  }
0x2bc: {  	_ =	swait.ge [sflag:s18], $0x3F20  }
0x2bd: {  	[sflag:s18] =	ssyncset.done $0x0  }
0x2be: {  	s22 =	simm.s32 $0x20;
	[sflag:s18] =	ssyncadd.s32 $0xFFFFC0E0  }
0x2bf: {  	v0 =	vld [tilespmem:s22+$0x20]  }
0x2c0: {  	v1 =	vld [tilespmem:s22+$0xFFFFFFF0]  }
0x2c1: {  	v2 =	vld [tilespmem:s22+$0x0]  }
0x2c2: {  	v3 =	vld [tilespmem:s22+$0x10]  }
0x2c3: {  	s23 =	simm.s32 $0x70;
	v4 =	vld [tilespmem:s22+$0xFFFFFFE0]  }
0x2c4: {  	v10 =	vld [tilespmem:s23+$0x20]  }
0x2c5: {  	v11 =	vld [tilespmem:s23+$0xFFFFFFF0]  }
0x2c6: {  	v5 =	vld [tilespmem:s23+$0xFFFFFFE0]  }
0x2c7: {  	v8 =	vld.idx.msk [tilespmem:v0+s14+$0x0], $0xffff  }
0x2c8: {  	v9 =	vld.idx.msk [tilespmem:v1+s14+$0x0], $0xffff  }
0x2c9: {  	v1 =	vld [tilespmem:s23+$0x0]  }
0x2ca: {  	v0 =	vld [tilespmem:s23+$0x10]  }
0x2cb: {  	v7 =	vld.idx.msk [tilespmem:v4+s14+$0x0], $0xffff  }
0x2cc: {  	v6 =	vld.idx.msk [tilespmem:v2+s14+$0x0], $0xffff  }
0x2cd: {  	s21 =	simm.s32 $0x11620;
	v3 =	vld.idx.msk [tilespmem:v3+s14+$0x0], $0xffff  }
0x2ce: {  	v2 =	vld.idx.msk [tilespmem:v10+s14+$0x0], $0xffff;
	[tilespmem:s21+$0x20] =	vst v8  }
0x2cf: {  	s22 =	simm.s32 $0x50;
	v4 =	vld.idx.msk [tilespmem:v11+s14+$0x0], $0xffff;
	s23 =	simm.s32 $0xC0;
	[tilespmem:s21+$0xFFFFFFF0] =	vst v9  }
.LBB2_30:
0x2d0: {  	v8 =	vld [tilespmem:s23+$0x20];
	s22 =	sadd.s32 $0x50, s22  }
0x2d1: {  	v9 =	vld [tilespmem:s23+$0xFFFFFFF0];
	p0 =	slt.u32 s22, $0x3ED0;
	[tilespmem:s21+$0xFFFFFFE0] =	vst v7  }
0x2d2: {  	v10 =	vld [tilespmem:s23+$0x0];
	[tilespmem:s21+$0x0] =	vst v6  }
0x2d3: {  	v11 =	vld [tilespmem:s23+$0x10];
	[tilespmem:s21+$0x10] =	vst v3;
	s21 =	sadd.s32 $0x50, s21  }
0x2d4: {  	v12 =	vld [tilespmem:s23+$0xFFFFFFE0];
	[tilespmem:s21+$0x20] =	vst v2  }
.Ltmp14:
0x2d5: {  	v7 =	vld.idx.msk [tilespmem:v5+s14+$0x0], $0xffff;
	[tilespmem:s21+$0xFFFFFFF0] =	vst v4;
	(pc) =	sbr.rel @p0 .LBB2_30-.Ltmp14, $4  }
0x2d6: {  	v6 =	vld.idx.msk [tilespmem:v1+s14+$0x0], $0xffff  }
0x2d7: {  	v3 =	vld.idx.msk [tilespmem:v0+s14+$0x0], $0xffff;
	v1 =	vmov v10  }
0x2d8: {  	v2 =	vld.idx.msk [tilespmem:v8+s14+$0x0], $0xffff;
	v0 =	vmov v11  }
0x2d9: {  	s23 =	sadd.s32 $0x50, s23;
	v4 =	vld.idx.msk [tilespmem:v9+s14+$0x0], $0xffff;
	v5 =	vmov v12  }
0x2da: {  	_ =	sdelay $0x3  }
0x2db: {  	[tilespmem:s21+$0xFFFFFFE0] =	vst v7;
	v5 =	vld.idx.msk [tilespmem:v5+s14+$0x0], $0xffff  }
0x2dc: {  	v1 =	vld.idx.msk [tilespmem:v1+s14+$0x0], $0xffff;
	[tilespmem:s21+$0x0] =	vst v6  }
0x2dd: {  	s23 =	sadd.s32 $0x50, s21;
	v0 =	vld.idx.msk [tilespmem:v0+s14+$0x0], $0xffff;
	[tilespmem:s21+$0x10] =	vst v3  }
0x2de: {  	[tilespmem:s23+$0x20] =	vst v2  }
0x2df: {  	[tilespmem:s23+$0xFFFFFFF0] =	vst v4  }
0x2e0: {  	[tilespmem:s23+$0xFFFFFFE0] =	vst v5  }
0x2e1: {  	[tilespmem:s23+$0x0] =	vst v1  }
0x2e2: {  	[tilespmem:s23+$0x10] =	vst v0  }
0x2e3: {  	s21 =	sld [smem:$0x7DB];
	_ =	sdelay $0x2  }
0x2e4: {  	[hbm4b:s21+s2] =	stream.linear.scatter [tilespmem:s15], [sflag:$0x3], $0x3F20, $0x38;
	[tilespmem:$0x19500] =	vst v63  }
0x2e5: {  	_ =	swait.ge [sflag:s19], $0x3F70  }
0x2e6: {  	[sflag:s19] =	ssyncset.done $0x0  }
0x2e7: {  	s22 =	simm.s32 $0x3F60;
	[sflag:s19] =	ssyncadd.s32 $0xFFFFC090  }
0x2e8: {  	v0 =	vld [tilespmem:s22+$0x0]  }
0x2e9: {  	v1 =	vld [tilespmem:s22+$0xFFFFFFD0]  }
0x2ea: {  	v2 =	vld [tilespmem:s22+$0xFFFFFFE0]  }
0x2eb: {  	v3 =	vld [tilespmem:s22+$0xFFFFFFF0]  }
0x2ec: {  	s23 =	simm.s32 $0x3FB0;
	v4 =	vld [tilespmem:s22+$0xFFFFFFC0]  }
0x2ed: {  	v10 =	vld [tilespmem:s23+$0x0]  }
0x2ee: {  	v11 =	vld [tilespmem:s23+$0xFFFFFFD0]  }
0x2ef: {  	v5 =	vld [tilespmem:s23+$0xFFFFFFC0]  }
0x2f0: {  	v8 =	vld.idx.msk [tilespmem:v0+s14+$0x0], $0xffff  }
0x2f1: {  	v9 =	vld.idx.msk [tilespmem:v1+s14+$0x0], $0xffff  }
0x2f2: {  	v1 =	vld [tilespmem:s23+$0xFFFFFFE0]  }
0x2f3: {  	v0 =	vld [tilespmem:s23+$0xFFFFFFF0]  }
0x2f4: {  	v7 =	vld.idx.msk [tilespmem:v4+s14+$0x0], $0xffff  }
0x2f5: {  	v6 =	vld.idx.msk [tilespmem:v2+s14+$0x0], $0xffff  }
0x2f6: {  	s21 =	simm.s32 $0x155A0;
	v3 =	vld.idx.msk [tilespmem:v3+s14+$0x0], $0xffff  }
0x2f7: {  	v2 =	vld.idx.msk [tilespmem:v10+s14+$0x0], $0xffff;
	[tilespmem:s21+$0x20] =	vst v8  }
0x2f8: {  	s22 =	simm.s32 $0x50;
	v4 =	vld.idx.msk [tilespmem:v11+s14+$0x0], $0xffff;
	s23 =	simm.s32 $0x4000;
	[tilespmem:s21+$0xFFFFFFF0] =	vst v9  }
.LBB2_32:
0x2f9: {  	v8 =	vld [tilespmem:s23+$0x0];
	s22 =	sadd.s32 $0x50, s22  }
0x2fa: {  	v9 =	vld [tilespmem:s23+$0xFFFFFFD0];
	p0 =	slt.u32 s22, $0x3F20;
	[tilespmem:s21+$0xFFFFFFE0] =	vst v7  }
0x2fb: {  	v10 =	vld [tilespmem:s23+$0xFFFFFFE0];
	[tilespmem:s21+$0x0] =	vst v6  }
0x2fc: {  	v11 =	vld [tilespmem:s23+$0xFFFFFFF0];
	[tilespmem:s21+$0x10] =	vst v3;
	s21 =	sadd.s32 $0x50, s21  }
0x2fd: {  	v12 =	vld [tilespmem:s23+$0xFFFFFFC0];
	[tilespmem:s21+$0x20] =	vst v2  }
.Ltmp15:
0x2fe: {  	v7 =	vld.idx.msk [tilespmem:v5+s14+$0x0], $0xffff;
	[tilespmem:s21+$0xFFFFFFF0] =	vst v4;
	(pc) =	sbr.rel @p0 .LBB2_32-.Ltmp15, $4  }
0x2ff: {  	v6 =	vld.idx.msk [tilespmem:v1+s14+$0x0], $0xffff  }
0x300: {  	v3 =	vld.idx.msk [tilespmem:v0+s14+$0x0], $0xffff;
	v1 =	vmov v10  }
0x301: {  	v2 =	vld.idx.msk [tilespmem:v8+s14+$0x0], $0xffff;
	v0 =	vmov v11  }
0x302: {  	s23 =	sadd.s32 $0x50, s23;
	v4 =	vld.idx.msk [tilespmem:v9+s14+$0x0], $0xffff;
	v5 =	vmov v12  }
0x303: {  	_ =	sdelay $0x3  }
0x304: {  	[tilespmem:s21+$0xFFFFFFE0] =	vst v7;
	v5 =	vld.idx.msk [tilespmem:v5+s14+$0x0], $0xffff  }
0x305: {  	v1 =	vld.idx.msk [tilespmem:v1+s14+$0x0], $0xffff;
	[tilespmem:s21+$0x0] =	vst v6  }
0x306: {  	s22 =	sadd.s32 $0x50, s21;
	v0 =	vld.idx.msk [tilespmem:v0+s14+$0x0], $0xffff;
	[tilespmem:s21+$0x10] =	vst v3  }
0x307: {  	[tilespmem:s22+$0x20] =	vst v2  }
0x308: {  	[tilespmem:s22+$0xFFFFFFF0] =	vst v4  }
0x309: {  	[tilespmem:s22+$0xFFFFFFE0] =	vst v5  }
0x30a: {  	[tilespmem:s22+$0x0] =	vst v1  }
0x30b: {  	[tilespmem:s22+$0x10] =	vst v0  }
0x30c: {  	s21 =	sld [smem:$0x7DC];
	_ =	sdelay $0x2  }
0x30d: {  	[hbm4b:s21+s2] =	stream.linear.scatter [tilespmem:s16], [sflag:$0x4], $0x3F70, $0x38;
	[tilespmem:$0x19500] =	vst v63  }
0x30e: {  	_ =	swait.ge [sflag:s13], $0x4B80  }
0x30f: {  	[sflag:s13] =	ssyncset.done $0x0  }
0x310: {  	s23 =	rddreg [dreg:$0xc];
	[sflag:s13] =	ssyncadd.s32 $0xFFFFB480  }
0x311: {  	[tilespmem:s14], [sflag:$0x2] =	stream.linear.gather [hbm4b:s23+s2], $0x4B80, $0x38;
	[tilespmem:$0x19500] =	vst v63  }
0x312: {  	_ =	swait.ge [sflag:s18], $0x3F20  }
0x313: {  	[sflag:s18] =	ssyncset.done $0x0  }
0x314: {  	s22 =	simm.s32 $0x20;
	[sflag:s18] =	ssyncadd.s32 $0xFFFFC0E0  }
0x315: {  	v0 =	vld [tilespmem:s22+$0x20]  }
0x316: {  	v1 =	vld [tilespmem:s22+$0xFFFFFFF0]  }
0x317: {  	v2 =	vld [tilespmem:s22+$0x0]  }
0x318: {  	v3 =	vld [tilespmem:s22+$0x10]  }
0x319: {  	s23 =	simm.s32 $0x70;
	v4 =	vld [tilespmem:s22+$0xFFFFFFE0]  }
0x31a: {  	v10 =	vld [tilespmem:s23+$0x20]  }
0x31b: {  	v11 =	vld [tilespmem:s23+$0xFFFFFFF0]  }
0x31c: {  	v5 =	vld [tilespmem:s23+$0xFFFFFFE0]  }
0x31d: {  	v8 =	vld.idx.msk [tilespmem:v0+s11+$0x0], $0xffff  }
0x31e: {  	v9 =	vld.idx.msk [tilespmem:v1+s11+$0x0], $0xffff  }
0x31f: {  	v1 =	vld [tilespmem:s23+$0x0]  }
0x320: {  	v0 =	vld [tilespmem:s23+$0x10]  }
0x321: {  	v7 =	vld.idx.msk [tilespmem:v4+s11+$0x0], $0xffff  }
0x322: {  	v6 =	vld.idx.msk [tilespmem:v2+s11+$0x0], $0xffff  }
0x323: {  	s21 =	simm.s32 $0x11620;
	v3 =	vld.idx.msk [tilespmem:v3+s11+$0x0], $0xffff  }
0x324: {  	v2 =	vld.idx.msk [tilespmem:v10+s11+$0x0], $0xffff;
	[tilespmem:s21+$0x20] =	vst v8  }
0x325: {  	s22 =	simm.s32 $0x50;
	v4 =	vld.idx.msk [tilespmem:v11+s11+$0x0], $0xffff;
	s23 =	simm.s32 $0xC0;
	[tilespmem:s21+$0xFFFFFFF0] =	vst v9  }
.LBB2_34:
0x326: {  	v8 =	vld [tilespmem:s23+$0x20];
	s22 =	sadd.s32 $0x50, s22  }
0x327: {  	v9 =	vld [tilespmem:s23+$0xFFFFFFF0];
	p0 =	slt.u32 s22, $0x3ED0;
	[tilespmem:s21+$0xFFFFFFE0] =	vst v7  }
0x328: {  	v10 =	vld [tilespmem:s23+$0x0];
	[tilespmem:s21+$0x0] =	vst v6  }
0x329: {  	v11 =	vld [tilespmem:s23+$0x10];
	[tilespmem:s21+$0x10] =	vst v3;
	s21 =	sadd.s32 $0x50, s21  }
0x32a: {  	v12 =	vld [tilespmem:s23+$0xFFFFFFE0];
	[tilespmem:s21+$0x20] =	vst v2  }
.Ltmp16:
0x32b: {  	v7 =	vld.idx.msk [tilespmem:v5+s11+$0x0], $0xffff;
	[tilespmem:s21+$0xFFFFFFF0] =	vst v4;
	(pc) =	sbr.rel @p0 .LBB2_34-.Ltmp16, $4  }
0x32c: {  	v6 =	vld.idx.msk [tilespmem:v1+s11+$0x0], $0xffff  }
0x32d: {  	v3 =	vld.idx.msk [tilespmem:v0+s11+$0x0], $0xffff;
	v1 =	vmov v10  }
0x32e: {  	v2 =	vld.idx.msk [tilespmem:v8+s11+$0x0], $0xffff;
	v0 =	vmov v11  }
0x32f: {  	s23 =	sadd.s32 $0x50, s23;
	v4 =	vld.idx.msk [tilespmem:v9+s11+$0x0], $0xffff;
	v5 =	vmov v12  }
0x330: {  	_ =	sdelay $0x3  }
0x331: {  	[tilespmem:s21+$0xFFFFFFE0] =	vst v7;
	v5 =	vld.idx.msk [tilespmem:v5+s11+$0x0], $0xffff  }
0x332: {  	v1 =	vld.idx.msk [tilespmem:v1+s11+$0x0], $0xffff;
	[tilespmem:s21+$0x0] =	vst v6  }
0x333: {  	s23 =	sadd.s32 $0x50, s21;
	v0 =	vld.idx.msk [tilespmem:v0+s11+$0x0], $0xffff;
	[tilespmem:s21+$0x10] =	vst v3  }
0x334: {  	[tilespmem:s23+$0x20] =	vst v2  }
0x335: {  	[tilespmem:s23+$0xFFFFFFF0] =	vst v4  }
0x336: {  	[tilespmem:s23+$0xFFFFFFE0] =	vst v5  }
0x337: {  	[tilespmem:s23+$0x0] =	vst v1  }
0x338: {  	[tilespmem:s23+$0x10] =	vst v0  }
0x339: {  	s21 =	sld [smem:$0x7DD];
	_ =	sdelay $0x2  }
0x33a: {  	[hbm4b:s21+s2] =	stream.linear.scatter [tilespmem:s15], [sflag:$0x3], $0x3F20, $0x38;
	[tilespmem:$0x19500] =	vst v63  }
0x33b: {  	_ =	swait.ge [sflag:s19], $0x3F70  }
0x33c: {  	[sflag:s19] =	ssyncset.done $0x0  }
0x33d: {  	s22 =	simm.s32 $0x3F60;
	[sflag:s19] =	ssyncadd.s32 $0xFFFFC090  }
0x33e: {  	v0 =	vld [tilespmem:s22+$0x0]  }
0x33f: {  	v1 =	vld [tilespmem:s22+$0xFFFFFFD0]  }
0x340: {  	v2 =	vld [tilespmem:s22+$0xFFFFFFE0]  }
0x341: {  	v3 =	vld [tilespmem:s22+$0xFFFFFFF0]  }
0x342: {  	s23 =	simm.s32 $0x3FB0;
	v4 =	vld [tilespmem:s22+$0xFFFFFFC0]  }
0x343: {  	v10 =	vld [tilespmem:s23+$0x0]  }
0x344: {  	v11 =	vld [tilespmem:s23+$0xFFFFFFD0]  }
0x345: {  	v5 =	vld [tilespmem:s23+$0xFFFFFFC0]  }
0x346: {  	v8 =	vld.idx.msk [tilespmem:v0+s11+$0x0], $0xffff  }
0x347: {  	v9 =	vld.idx.msk [tilespmem:v1+s11+$0x0], $0xffff  }
0x348: {  	v1 =	vld [tilespmem:s23+$0xFFFFFFE0]  }
0x349: {  	v0 =	vld [tilespmem:s23+$0xFFFFFFF0]  }
0x34a: {  	v7 =	vld.idx.msk [tilespmem:v4+s11+$0x0], $0xffff  }
0x34b: {  	v6 =	vld.idx.msk [tilespmem:v2+s11+$0x0], $0xffff  }
0x34c: {  	s21 =	simm.s32 $0x155A0;
	v3 =	vld.idx.msk [tilespmem:v3+s11+$0x0], $0xffff  }
0x34d: {  	v2 =	vld.idx.msk [tilespmem:v10+s11+$0x0], $0xffff;
	[tilespmem:s21+$0x20] =	vst v8  }
0x34e: {  	s22 =	simm.s32 $0x50;
	v4 =	vld.idx.msk [tilespmem:v11+s11+$0x0], $0xffff;
	s23 =	simm.s32 $0x4000;
	[tilespmem:s21+$0xFFFFFFF0] =	vst v9  }
.LBB2_36:
0x34f: {  	v8 =	vld [tilespmem:s23+$0x0];
	s22 =	sadd.s32 $0x50, s22  }
0x350: {  	v9 =	vld [tilespmem:s23+$0xFFFFFFD0];
	p0 =	slt.u32 s22, $0x3F20;
	[tilespmem:s21+$0xFFFFFFE0] =	vst v7  }
0x351: {  	v10 =	vld [tilespmem:s23+$0xFFFFFFE0];
	[tilespmem:s21+$0x0] =	vst v6  }
0x352: {  	v11 =	vld [tilespmem:s23+$0xFFFFFFF0];
	[tilespmem:s21+$0x10] =	vst v3;
	s21 =	sadd.s32 $0x50, s21  }
0x353: {  	v12 =	vld [tilespmem:s23+$0xFFFFFFC0];
	[tilespmem:s21+$0x20] =	vst v2  }
.Ltmp17:
0x354: {  	v7 =	vld.idx.msk [tilespmem:v5+s11+$0x0], $0xffff;
	[tilespmem:s21+$0xFFFFFFF0] =	vst v4;
	(pc) =	sbr.rel @p0 .LBB2_36-.Ltmp17, $4  }
0x355: {  	v6 =	vld.idx.msk [tilespmem:v1+s11+$0x0], $0xffff  }
0x356: {  	v3 =	vld.idx.msk [tilespmem:v0+s11+$0x0], $0xffff;
	v1 =	vmov v10  }
0x357: {  	v2 =	vld.idx.msk [tilespmem:v8+s11+$0x0], $0xffff;
	v0 =	vmov v11  }
0x358: {  	s23 =	sadd.s32 $0x50, s23;
	v4 =	vld.idx.msk [tilespmem:v9+s11+$0x0], $0xffff;
	v5 =	vmov v12  }
0x359: {  	_ =	sdelay $0x3  }
0x35a: {  	[tilespmem:s21+$0xFFFFFFE0] =	vst v7;
	v5 =	vld.idx.msk [tilespmem:v5+s11+$0x0], $0xffff  }
0x35b: {  	v1 =	vld.idx.msk [tilespmem:v1+s11+$0x0], $0xffff;
	[tilespmem:s21+$0x0] =	vst v6  }
0x35c: {  	s22 =	sadd.s32 $0x50, s21;
	v0 =	vld.idx.msk [tilespmem:v0+s11+$0x0], $0xffff;
	[tilespmem:s21+$0x10] =	vst v3  }
0x35d: {  	[tilespmem:s22+$0x20] =	vst v2  }
0x35e: {  	[tilespmem:s22+$0xFFFFFFF0] =	vst v4  }
0x35f: {  	[tilespmem:s22+$0xFFFFFFE0] =	vst v5  }
0x360: {  	[tilespmem:s22+$0x0] =	vst v1  }
0x361: {  	[tilespmem:s22+$0x10] =	vst v0  }
0x362: {  	s21 =	sld [smem:$0x7DE];
	_ =	sdelay $0x2  }
0x363: {  	[hbm4b:s21+s2] =	stream.linear.scatter [tilespmem:s16], [sflag:$0x4], $0x3F70, $0x38;
	[tilespmem:$0x19500] =	vst v63  }
0x364: {  	_ =	swait.ge [sflag:s17], $0x4B80  }
0x365: {  	[sflag:s17] =	ssyncset.done $0x0  }
0x366: {  	s23 =	rddreg [dreg:$0xd];
	[sflag:s17] =	ssyncadd.s32 $0xFFFFB480  }
0x367: {  	[tilespmem:s11], [sflag:$0x1] =	stream.linear.gather [hbm4b:s23+s2], $0x4B80, $0x38;
	[tilespmem:$0x19500] =	vst v63  }
0x368: {  	_ =	swait.ge [sflag:s18], $0x3F20  }
0x369: {  	[sflag:s18] =	ssyncset.done $0x0  }
0x36a: {  	s22 =	simm.s32 $0x20;
	[sflag:s18] =	ssyncadd.s32 $0xFFFFC0E0  }
0x36b: {  	v0 =	vld [tilespmem:s22+$0x20]  }
0x36c: {  	v1 =	vld [tilespmem:s22+$0xFFFFFFF0]  }
0x36d: {  	v2 =	vld [tilespmem:s22+$0x0]  }
0x36e: {  	v3 =	vld [tilespmem:s22+$0x10]  }
0x36f: {  	s23 =	simm.s32 $0x70;
	v4 =	vld [tilespmem:s22+$0xFFFFFFE0]  }
0x370: {  	v10 =	vld [tilespmem:s23+$0x20]  }
0x371: {  	v11 =	vld [tilespmem:s23+$0xFFFFFFF0]  }
0x372: {  	v5 =	vld [tilespmem:s23+$0xFFFFFFE0]  }
0x373: {  	v8 =	vld.idx.msk [tilespmem:v0+s14+$0x0], $0xffff  }
0x374: {  	v9 =	vld.idx.msk [tilespmem:v1+s14+$0x0], $0xffff  }
0x375: {  	v1 =	vld [tilespmem:s23+$0x0]  }
0x376: {  	v0 =	vld [tilespmem:s23+$0x10]  }
0x377: {  	v7 =	vld.idx.msk [tilespmem:v4+s14+$0x0], $0xffff  }
0x378: {  	v6 =	vld.idx.msk [tilespmem:v2+s14+$0x0], $0xffff  }
0x379: {  	s21 =	simm.s32 $0x11620;
	v3 =	vld.idx.msk [tilespmem:v3+s14+$0x0], $0xffff  }
0x37a: {  	v2 =	vld.idx.msk [tilespmem:v10+s14+$0x0], $0xffff;
	[tilespmem:s21+$0x20] =	vst v8  }
0x37b: {  	s22 =	simm.s32 $0x50;
	v4 =	vld.idx.msk [tilespmem:v11+s14+$0x0], $0xffff;
	s23 =	simm.s32 $0xC0;
	[tilespmem:s21+$0xFFFFFFF0] =	vst v9  }
.LBB2_38:
0x37c: {  	v8 =	vld [tilespmem:s23+$0x20];
	s22 =	sadd.s32 $0x50, s22  }
0x37d: {  	v9 =	vld [tilespmem:s23+$0xFFFFFFF0];
	p0 =	slt.u32 s22, $0x3ED0;
	[tilespmem:s21+$0xFFFFFFE0] =	vst v7  }
0x37e: {  	v10 =	vld [tilespmem:s23+$0x0];
	[tilespmem:s21+$0x0] =	vst v6  }
0x37f: {  	v11 =	vld [tilespmem:s23+$0x10];
	[tilespmem:s21+$0x10] =	vst v3;
	s21 =	sadd.s32 $0x50, s21  }
0x380: {  	v12 =	vld [tilespmem:s23+$0xFFFFFFE0];
	[tilespmem:s21+$0x20] =	vst v2  }
.Ltmp18:
0x381: {  	v7 =	vld.idx.msk [tilespmem:v5+s14+$0x0], $0xffff;
	[tilespmem:s21+$0xFFFFFFF0] =	vst v4;
	(pc) =	sbr.rel @p0 .LBB2_38-.Ltmp18, $4  }
0x382: {  	v6 =	vld.idx.msk [tilespmem:v1+s14+$0x0], $0xffff  }
0x383: {  	v3 =	vld.idx.msk [tilespmem:v0+s14+$0x0], $0xffff;
	v1 =	vmov v10  }
0x384: {  	v2 =	vld.idx.msk [tilespmem:v8+s14+$0x0], $0xffff;
	v0 =	vmov v11  }
0x385: {  	s23 =	sadd.s32 $0x50, s23;
	v4 =	vld.idx.msk [tilespmem:v9+s14+$0x0], $0xffff;
	v5 =	vmov v12  }
0x386: {  	_ =	sdelay $0x3  }
0x387: {  	[tilespmem:s21+$0xFFFFFFE0] =	vst v7;
	v5 =	vld.idx.msk [tilespmem:v5+s14+$0x0], $0xffff  }
0x388: {  	v1 =	vld.idx.msk [tilespmem:v1+s14+$0x0], $0xffff;
	[tilespmem:s21+$0x0] =	vst v6  }
0x389: {  	s23 =	sadd.s32 $0x50, s21;
	v0 =	vld.idx.msk [tilespmem:v0+s14+$0x0], $0xffff;
	[tilespmem:s21+$0x10] =	vst v3  }
0x38a: {  	[tilespmem:s23+$0x20] =	vst v2  }
0x38b: {  	[tilespmem:s23+$0xFFFFFFF0] =	vst v4  }
0x38c: {  	[tilespmem:s23+$0xFFFFFFE0] =	vst v5  }
0x38d: {  	[tilespmem:s23+$0x0] =	vst v1  }
0x38e: {  	[tilespmem:s23+$0x10] =	vst v0  }
0x38f: {  	s21 =	sld [smem:$0x7DF];
	_ =	sdelay $0x2  }
0x390: {  	[hbm4b:s21+s2] =	stream.linear.scatter [tilespmem:s15], [sflag:$0x3], $0x3F20, $0x38;
	[tilespmem:$0x19500] =	vst v63  }
0x391: {  	_ =	swait.ge [sflag:s19], $0x3F70  }
0x392: {  	[sflag:s19] =	ssyncset.done $0x0  }
0x393: {  	s22 =	simm.s32 $0x3F60;
	[sflag:s19] =	ssyncadd.s32 $0xFFFFC090  }
0x394: {  	v0 =	vld [tilespmem:s22+$0x0]  }
0x395: {  	v1 =	vld [tilespmem:s22+$0xFFFFFFD0]  }
0x396: {  	v2 =	vld [tilespmem:s22+$0xFFFFFFE0]  }
0x397: {  	v3 =	vld [tilespmem:s22+$0xFFFFFFF0]  }
0x398: {  	s23 =	simm.s32 $0x3FB0;
	v4 =	vld [tilespmem:s22+$0xFFFFFFC0]  }
0x399: {  	v10 =	vld [tilespmem:s23+$0x0]  }
0x39a: {  	v11 =	vld [tilespmem:s23+$0xFFFFFFD0]  }
0x39b: {  	v5 =	vld [tilespmem:s23+$0xFFFFFFC0]  }
0x39c: {  	v8 =	vld.idx.msk [tilespmem:v0+s14+$0x0], $0xffff  }
0x39d: {  	v9 =	vld.idx.msk [tilespmem:v1+s14+$0x0], $0xffff  }
0x39e: {  	v1 =	vld [tilespmem:s23+$0xFFFFFFE0]  }
0x39f: {  	v0 =	vld [tilespmem:s23+$0xFFFFFFF0]  }
0x3a0: {  	v7 =	vld.idx.msk [tilespmem:v4+s14+$0x0], $0xffff  }
0x3a1: {  	v6 =	vld.idx.msk [tilespmem:v2+s14+$0x0], $0xffff  }
0x3a2: {  	s21 =	simm.s32 $0x155A0;
	v3 =	vld.idx.msk [tilespmem:v3+s14+$0x0], $0xffff  }
0x3a3: {  	v2 =	vld.idx.msk [tilespmem:v10+s14+$0x0], $0xffff;
	[tilespmem:s21+$0x20] =	vst v8  }
0x3a4: {  	s22 =	simm.s32 $0x50;
	v4 =	vld.idx.msk [tilespmem:v11+s14+$0x0], $0xffff;
	s23 =	simm.s32 $0x4000;
	[tilespmem:s21+$0xFFFFFFF0] =	vst v9  }
.LBB2_40:
0x3a5: {  	v8 =	vld [tilespmem:s23+$0x0];
	s22 =	sadd.s32 $0x50, s22  }
0x3a6: {  	v9 =	vld [tilespmem:s23+$0xFFFFFFD0];
	p0 =	slt.u32 s22, $0x3F20;
	[tilespmem:s21+$0xFFFFFFE0] =	vst v7  }
0x3a7: {  	v10 =	vld [tilespmem:s23+$0xFFFFFFE0];
	[tilespmem:s21+$0x0] =	vst v6  }
0x3a8: {  	v11 =	vld [tilespmem:s23+$0xFFFFFFF0];
	[tilespmem:s21+$0x10] =	vst v3;
	s21 =	sadd.s32 $0x50, s21  }
0x3a9: {  	v12 =	vld [tilespmem:s23+$0xFFFFFFC0];
	[tilespmem:s21+$0x20] =	vst v2  }
.Ltmp19:
0x3aa: {  	v7 =	vld.idx.msk [tilespmem:v5+s14+$0x0], $0xffff;
	[tilespmem:s21+$0xFFFFFFF0] =	vst v4;
	(pc) =	sbr.rel @p0 .LBB2_40-.Ltmp19, $4  }
0x3ab: {  	v6 =	vld.idx.msk [tilespmem:v1+s14+$0x0], $0xffff  }
0x3ac: {  	v3 =	vld.idx.msk [tilespmem:v0+s14+$0x0], $0xffff;
	v1 =	vmov v10  }
0x3ad: {  	v2 =	vld.idx.msk [tilespmem:v8+s14+$0x0], $0xffff;
	v0 =	vmov v11  }
0x3ae: {  	s23 =	sadd.s32 $0x50, s23;
	v4 =	vld.idx.msk [tilespmem:v9+s14+$0x0], $0xffff;
	v5 =	vmov v12  }
0x3af: {  	_ =	sdelay $0x3  }
0x3b0: {  	[tilespmem:s21+$0xFFFFFFE0] =	vst v7;
	v5 =	vld.idx.msk [tilespmem:v5+s14+$0x0], $0xffff  }
0x3b1: {  	v1 =	vld.idx.msk [tilespmem:v1+s14+$0x0], $0xffff;
	[tilespmem:s21+$0x0] =	vst v6  }
0x3b2: {  	s22 =	sadd.s32 $0x50, s21;
	v0 =	vld.idx.msk [tilespmem:v0+s14+$0x0], $0xffff;
	[tilespmem:s21+$0x10] =	vst v3  }
0x3b3: {  	[tilespmem:s22+$0x20] =	vst v2  }
0x3b4: {  	[tilespmem:s22+$0xFFFFFFF0] =	vst v4  }
0x3b5: {  	[tilespmem:s22+$0xFFFFFFE0] =	vst v5  }
0x3b6: {  	[tilespmem:s22+$0x0] =	vst v1  }
0x3b7: {  	[tilespmem:s22+$0x10] =	vst v0  }
0x3b8: {  	s21 =	sld [smem:$0x7E0];
	_ =	sdelay $0x2  }
0x3b9: {  	[hbm4b:s21+s2] =	stream.linear.scatter [tilespmem:s16], [sflag:$0x4], $0x3F70, $0x38;
	[tilespmem:$0x19500] =	vst v63  }
0x3ba: {  	_ =	swait.ge [sflag:s13], $0x4B80  }
0x3bb: {  	[sflag:s13] =	ssyncset.done $0x0  }
0x3bc: {  	s23 =	rddreg [dreg:$0xe];
	[sflag:s13] =	ssyncadd.s32 $0xFFFFB480  }
0x3bd: {  	[tilespmem:s14], [sflag:$0x2] =	stream.linear.gather [hbm4b:s23+s2], $0x4B80, $0x38;
	[tilespmem:$0x19500] =	vst v63  }
0x3be: {  	_ =	swait.ge [sflag:s18], $0x3F20  }
0x3bf: {  	[sflag:s18] =	ssyncset.done $0x0  }
0x3c0: {  	s22 =	simm.s32 $0x20;
	[sflag:s18] =	ssyncadd.s32 $0xFFFFC0E0  }
0x3c1: {  	v0 =	vld [tilespmem:s22+$0x20]  }
0x3c2: {  	v1 =	vld [tilespmem:s22+$0xFFFFFFF0]  }
0x3c3: {  	v2 =	vld [tilespmem:s22+$0x0]  }
0x3c4: {  	v3 =	vld [tilespmem:s22+$0x10]  }
0x3c5: {  	s23 =	simm.s32 $0x70;
	v4 =	vld [tilespmem:s22+$0xFFFFFFE0]  }
0x3c6: {  	v10 =	vld [tilespmem:s23+$0x20]  }
0x3c7: {  	v11 =	vld [tilespmem:s23+$0xFFFFFFF0]  }
0x3c8: {  	v5 =	vld [tilespmem:s23+$0xFFFFFFE0]  }
0x3c9: {  	v8 =	vld.idx.msk [tilespmem:v0+s11+$0x0], $0xffff  }
0x3ca: {  	v9 =	vld.idx.msk [tilespmem:v1+s11+$0x0], $0xffff  }
0x3cb: {  	v1 =	vld [tilespmem:s23+$0x0]  }
0x3cc: {  	v0 =	vld [tilespmem:s23+$0x10]  }
0x3cd: {  	v7 =	vld.idx.msk [tilespmem:v4+s11+$0x0], $0xffff  }
0x3ce: {  	v6 =	vld.idx.msk [tilespmem:v2+s11+$0x0], $0xffff  }
0x3cf: {  	s21 =	simm.s32 $0x11620;
	v3 =	vld.idx.msk [tilespmem:v3+s11+$0x0], $0xffff  }
0x3d0: {  	v2 =	vld.idx.msk [tilespmem:v10+s11+$0x0], $0xffff;
	[tilespmem:s21+$0x20] =	vst v8  }
0x3d1: {  	s22 =	simm.s32 $0x50;
	v4 =	vld.idx.msk [tilespmem:v11+s11+$0x0], $0xffff;
	s23 =	simm.s32 $0xC0;
	[tilespmem:s21+$0xFFFFFFF0] =	vst v9  }
.LBB2_42:
0x3d2: {  	v8 =	vld [tilespmem:s23+$0x20];
	s22 =	sadd.s32 $0x50, s22  }
0x3d3: {  	v9 =	vld [tilespmem:s23+$0xFFFFFFF0];
	p0 =	slt.u32 s22, $0x3ED0;
	[tilespmem:s21+$0xFFFFFFE0] =	vst v7  }
0x3d4: {  	v10 =	vld [tilespmem:s23+$0x0];
	[tilespmem:s21+$0x0] =	vst v6  }
0x3d5: {  	v11 =	vld [tilespmem:s23+$0x10];
	[tilespmem:s21+$0x10] =	vst v3;
	s21 =	sadd.s32 $0x50, s21  }
0x3d6: {  	v12 =	vld [tilespmem:s23+$0xFFFFFFE0];
	[tilespmem:s21+$0x20] =	vst v2  }
.Ltmp20:
0x3d7: {  	v7 =	vld.idx.msk [tilespmem:v5+s11+$0x0], $0xffff;
	[tilespmem:s21+$0xFFFFFFF0] =	vst v4;
	(pc) =	sbr.rel @p0 .LBB2_42-.Ltmp20, $4  }
0x3d8: {  	v6 =	vld.idx.msk [tilespmem:v1+s11+$0x0], $0xffff  }
0x3d9: {  	v3 =	vld.idx.msk [tilespmem:v0+s11+$0x0], $0xffff;
	v1 =	vmov v10  }
0x3da: {  	v2 =	vld.idx.msk [tilespmem:v8+s11+$0x0], $0xffff;
	v0 =	vmov v11  }
0x3db: {  	s23 =	sadd.s32 $0x50, s23;
	v4 =	vld.idx.msk [tilespmem:v9+s11+$0x0], $0xffff;
	v5 =	vmov v12  }
0x3dc: {  	_ =	sdelay $0x3  }
0x3dd: {  	[tilespmem:s21+$0xFFFFFFE0] =	vst v7;
	v5 =	vld.idx.msk [tilespmem:v5+s11+$0x0], $0xffff  }
0x3de: {  	v1 =	vld.idx.msk [tilespmem:v1+s11+$0x0], $0xffff;
	[tilespmem:s21+$0x0] =	vst v6  }
0x3df: {  	s23 =	sadd.s32 $0x50, s21;
	v0 =	vld.idx.msk [tilespmem:v0+s11+$0x0], $0xffff;
	[tilespmem:s21+$0x10] =	vst v3  }
0x3e0: {  	[tilespmem:s23+$0x20] =	vst v2  }
0x3e1: {  	[tilespmem:s23+$0xFFFFFFF0] =	vst v4  }
0x3e2: {  	[tilespmem:s23+$0xFFFFFFE0] =	vst v5  }
0x3e3: {  	[tilespmem:s23+$0x0] =	vst v1  }
0x3e4: {  	[tilespmem:s23+$0x10] =	vst v0  }
0x3e5: {  	s21 =	sld [smem:$0x7E1];
	_ =	sdelay $0x2  }
0x3e6: {  	[hbm4b:s21+s2] =	stream.linear.scatter [tilespmem:s15], [sflag:$0x3], $0x3F20, $0x38;
	[tilespmem:$0x19500] =	vst v63  }
0x3e7: {  	_ =	swait.ge [sflag:s19], $0x3F70  }
0x3e8: {  	[sflag:s19] =	ssyncset.done $0x0  }
0x3e9: {  	s22 =	simm.s32 $0x3F60;
	[sflag:s19] =	ssyncadd.s32 $0xFFFFC090  }
0x3ea: {  	v0 =	vld [tilespmem:s22+$0x0]  }
0x3eb: {  	v1 =	vld [tilespmem:s22+$0xFFFFFFD0]  }
0x3ec: {  	v2 =	vld [tilespmem:s22+$0xFFFFFFE0]  }
0x3ed: {  	v3 =	vld [tilespmem:s22+$0xFFFFFFF0]  }
0x3ee: {  	s23 =	simm.s32 $0x3FB0;
	v4 =	vld [tilespmem:s22+$0xFFFFFFC0]  }
0x3ef: {  	v10 =	vld [tilespmem:s23+$0x0]  }
0x3f0: {  	v11 =	vld [tilespmem:s23+$0xFFFFFFD0]  }
0x3f1: {  	v5 =	vld [tilespmem:s23+$0xFFFFFFC0]  }
0x3f2: {  	v8 =	vld.idx.msk [tilespmem:v0+s11+$0x0], $0xffff  }
0x3f3: {  	v9 =	vld.idx.msk [tilespmem:v1+s11+$0x0], $0xffff  }
0x3f4: {  	v1 =	vld [tilespmem:s23+$0xFFFFFFE0]  }
0x3f5: {  	v0 =	vld [tilespmem:s23+$0xFFFFFFF0]  }
0x3f6: {  	v7 =	vld.idx.msk [tilespmem:v4+s11+$0x0], $0xffff  }
0x3f7: {  	v6 =	vld.idx.msk [tilespmem:v2+s11+$0x0], $0xffff  }
0x3f8: {  	s21 =	simm.s32 $0x155A0;
	v3 =	vld.idx.msk [tilespmem:v3+s11+$0x0], $0xffff  }
0x3f9: {  	v2 =	vld.idx.msk [tilespmem:v10+s11+$0x0], $0xffff;
	[tilespmem:s21+$0x20] =	vst v8  }
0x3fa: {  	s22 =	simm.s32 $0x50;
	v4 =	vld.idx.msk [tilespmem:v11+s11+$0x0], $0xffff;
	s23 =	simm.s32 $0x4000;
	[tilespmem:s21+$0xFFFFFFF0] =	vst v9  }
.LBB2_44:
0x3fb: {  	v8 =	vld [tilespmem:s23+$0x0];
	s22 =	sadd.s32 $0x50, s22  }
0x3fc: {  	v9 =	vld [tilespmem:s23+$0xFFFFFFD0];
	p0 =	slt.u32 s22, $0x3F20;
	[tilespmem:s21+$0xFFFFFFE0] =	vst v7  }
0x3fd: {  	v10 =	vld [tilespmem:s23+$0xFFFFFFE0];
	[tilespmem:s21+$0x0] =	vst v6  }
0x3fe: {  	v11 =	vld [tilespmem:s23+$0xFFFFFFF0];
	[tilespmem:s21+$0x10] =	vst v3;
	s21 =	sadd.s32 $0x50, s21  }
0x3ff: {  	v12 =	vld [tilespmem:s23+$0xFFFFFFC0];
	[tilespmem:s21+$0x20] =	vst v2  }
.Ltmp21:
0x400: {  	v7 =	vld.idx.msk [tilespmem:v5+s11+$0x0], $0xffff;
	[tilespmem:s21+$0xFFFFFFF0] =	vst v4;
	(pc) =	sbr.rel @p0 .LBB2_44-.Ltmp21, $4  }
0x401: {  	v6 =	vld.idx.msk [tilespmem:v1+s11+$0x0], $0xffff  }
0x402: {  	v3 =	vld.idx.msk [tilespmem:v0+s11+$0x0], $0xffff;
	v1 =	vmov v10  }
0x403: {  	v2 =	vld.idx.msk [tilespmem:v8+s11+$0x0], $0xffff;
	v0 =	vmov v11  }
0x404: {  	s23 =	sadd.s32 $0x50, s23;
	v4 =	vld.idx.msk [tilespmem:v9+s11+$0x0], $0xffff;
	v5 =	vmov v12  }
0x405: {  	_ =	sdelay $0x3  }
0x406: {  	[tilespmem:s21+$0xFFFFFFE0] =	vst v7;
	v5 =	vld.idx.msk [tilespmem:v5+s11+$0x0], $0xffff  }
0x407: {  	v1 =	vld.idx.msk [tilespmem:v1+s11+$0x0], $0xffff;
	[tilespmem:s21+$0x0] =	vst v6  }
0x408: {  	s22 =	sadd.s32 $0x50, s21;
	v0 =	vld.idx.msk [tilespmem:v0+s11+$0x0], $0xffff;
	[tilespmem:s21+$0x10] =	vst v3  }
0x409: {  	[tilespmem:s22+$0x20] =	vst v2  }
0x40a: {  	[tilespmem:s22+$0xFFFFFFF0] =	vst v4  }
0x40b: {  	[tilespmem:s22+$0xFFFFFFE0] =	vst v5  }
0x40c: {  	[tilespmem:s22+$0x0] =	vst v1  }
0x40d: {  	[tilespmem:s22+$0x10] =	vst v0  }
0x40e: {  	s21 =	sld [smem:$0x7E2];
	_ =	sdelay $0x2  }
0x40f: {  	[hbm4b:s21+s2] =	stream.linear.scatter [tilespmem:s16], [sflag:$0x4], $0x3F70, $0x38;
	[tilespmem:$0x19500] =	vst v63  }
0x410: {  	_ =	swait.ge [sflag:s17], $0x4B80  }
0x411: {  	[sflag:s17] =	ssyncset.done $0x0  }
0x412: {  	s23 =	rddreg [dreg:$0xf];
	[sflag:s17] =	ssyncadd.s32 $0xFFFFB480  }
0x413: {  	[tilespmem:s11], [sflag:$0x1] =	stream.linear.gather [hbm4b:s23+s2], $0x4B80, $0x38;
	[tilespmem:$0x19500] =	vst v63  }
0x414: {  	_ =	swait.ge [sflag:s18], $0x3F20  }
0x415: {  	[sflag:s18] =	ssyncset.done $0x0  }
0x416: {  	s22 =	simm.s32 $0x20;
	[sflag:s18] =	ssyncadd.s32 $0xFFFFC0E0  }
0x417: {  	v0 =	vld [tilespmem:s22+$0x20]  }
0x418: {  	v1 =	vld [tilespmem:s22+$0xFFFFFFF0]  }
0x419: {  	v2 =	vld [tilespmem:s22+$0x0]  }
0x41a: {  	v3 =	vld [tilespmem:s22+$0x10]  }
0x41b: {  	s23 =	simm.s32 $0x70;
	v4 =	vld [tilespmem:s22+$0xFFFFFFE0]  }
0x41c: {  	v10 =	vld [tilespmem:s23+$0x20]  }
0x41d: {  	v11 =	vld [tilespmem:s23+$0xFFFFFFF0]  }
0x41e: {  	v5 =	vld [tilespmem:s23+$0xFFFFFFE0]  }
0x41f: {  	v8 =	vld.idx.msk [tilespmem:v0+s14+$0x0], $0xffff  }
0x420: {  	v9 =	vld.idx.msk [tilespmem:v1+s14+$0x0], $0xffff  }
0x421: {  	v1 =	vld [tilespmem:s23+$0x0]  }
0x422: {  	v0 =	vld [tilespmem:s23+$0x10]  }
0x423: {  	v7 =	vld.idx.msk [tilespmem:v4+s14+$0x0], $0xffff  }
0x424: {  	v6 =	vld.idx.msk [tilespmem:v2+s14+$0x0], $0xffff  }
0x425: {  	s21 =	simm.s32 $0x11620;
	v3 =	vld.idx.msk [tilespmem:v3+s14+$0x0], $0xffff  }
0x426: {  	v2 =	vld.idx.msk [tilespmem:v10+s14+$0x0], $0xffff;
	[tilespmem:s21+$0x20] =	vst v8  }
0x427: {  	s22 =	simm.s32 $0x50;
	v4 =	vld.idx.msk [tilespmem:v11+s14+$0x0], $0xffff;
	s23 =	simm.s32 $0xC0;
	[tilespmem:s21+$0xFFFFFFF0] =	vst v9  }
.LBB2_46:
0x428: {  	v8 =	vld [tilespmem:s23+$0x20];
	s22 =	sadd.s32 $0x50, s22  }
0x429: {  	v9 =	vld [tilespmem:s23+$0xFFFFFFF0];
	p0 =	slt.u32 s22, $0x3ED0;
	[tilespmem:s21+$0xFFFFFFE0] =	vst v7  }
0x42a: {  	v10 =	vld [tilespmem:s23+$0x0];
	[tilespmem:s21+$0x0] =	vst v6  }
0x42b: {  	v11 =	vld [tilespmem:s23+$0x10];
	[tilespmem:s21+$0x10] =	vst v3;
	s21 =	sadd.s32 $0x50, s21  }
0x42c: {  	v12 =	vld [tilespmem:s23+$0xFFFFFFE0];
	[tilespmem:s21+$0x20] =	vst v2  }
.Ltmp22:
0x42d: {  	v7 =	vld.idx.msk [tilespmem:v5+s14+$0x0], $0xffff;
	[tilespmem:s21+$0xFFFFFFF0] =	vst v4;
	(pc) =	sbr.rel @p0 .LBB2_46-.Ltmp22, $4  }
0x42e: {  	v6 =	vld.idx.msk [tilespmem:v1+s14+$0x0], $0xffff  }
0x42f: {  	v3 =	vld.idx.msk [tilespmem:v0+s14+$0x0], $0xffff;
	v1 =	vmov v10  }
0x430: {  	v2 =	vld.idx.msk [tilespmem:v8+s14+$0x0], $0xffff;
	v0 =	vmov v11  }
0x431: {  	s23 =	sadd.s32 $0x50, s23;
	v4 =	vld.idx.msk [tilespmem:v9+s14+$0x0], $0xffff;
	v5 =	vmov v12  }
0x432: {  	_ =	sdelay $0x3  }
0x433: {  	[tilespmem:s21+$0xFFFFFFE0] =	vst v7;
	v5 =	vld.idx.msk [tilespmem:v5+s14+$0x0], $0xffff  }
0x434: {  	v1 =	vld.idx.msk [tilespmem:v1+s14+$0x0], $0xffff;
	[tilespmem:s21+$0x0] =	vst v6  }
0x435: {  	s23 =	sadd.s32 $0x50, s21;
	v0 =	vld.idx.msk [tilespmem:v0+s14+$0x0], $0xffff;
	[tilespmem:s21+$0x10] =	vst v3  }
0x436: {  	[tilespmem:s23+$0x20] =	vst v2  }
0x437: {  	[tilespmem:s23+$0xFFFFFFF0] =	vst v4  }
0x438: {  	[tilespmem:s23+$0xFFFFFFE0] =	vst v5  }
0x439: {  	[tilespmem:s23+$0x0] =	vst v1  }
0x43a: {  	[tilespmem:s23+$0x10] =	vst v0  }
0x43b: {  	s21 =	sld [smem:$0x7E3];
	_ =	sdelay $0x2  }
0x43c: {  	[hbm4b:s21+s2] =	stream.linear.scatter [tilespmem:s15], [sflag:$0x3], $0x3F20, $0x38;
	[tilespmem:$0x19500] =	vst v63  }
0x43d: {  	_ =	swait.ge [sflag:s19], $0x3F70  }
0x43e: {  	[sflag:s19] =	ssyncset.done $0x0  }
0x43f: {  	s22 =	simm.s32 $0x3F60;
	[sflag:s19] =	ssyncadd.s32 $0xFFFFC090  }
0x440: {  	v0 =	vld [tilespmem:s22+$0x0]  }
0x441: {  	v1 =	vld [tilespmem:s22+$0xFFFFFFD0]  }
0x442: {  	v2 =	vld [tilespmem:s22+$0xFFFFFFE0]  }
0x443: {  	v3 =	vld [tilespmem:s22+$0xFFFFFFF0]  }
0x444: {  	s23 =	simm.s32 $0x3FB0;
	v4 =	vld [tilespmem:s22+$0xFFFFFFC0]  }
0x445: {  	v10 =	vld [tilespmem:s23+$0x0]  }
0x446: {  	v11 =	vld [tilespmem:s23+$0xFFFFFFD0]  }
0x447: {  	v5 =	vld [tilespmem:s23+$0xFFFFFFC0]  }
0x448: {  	v8 =	vld.idx.msk [tilespmem:v0+s14+$0x0], $0xffff  }
0x449: {  	v9 =	vld.idx.msk [tilespmem:v1+s14+$0x0], $0xffff  }
0x44a: {  	v1 =	vld [tilespmem:s23+$0xFFFFFFE0]  }
0x44b: {  	v0 =	vld [tilespmem:s23+$0xFFFFFFF0]  }
0x44c: {  	v7 =	vld.idx.msk [tilespmem:v4+s14+$0x0], $0xffff  }
0x44d: {  	v6 =	vld.idx.msk [tilespmem:v2+s14+$0x0], $0xffff  }
0x44e: {  	s21 =	simm.s32 $0x155A0;
	v3 =	vld.idx.msk [tilespmem:v3+s14+$0x0], $0xffff  }
0x44f: {  	v2 =	vld.idx.msk [tilespmem:v10+s14+$0x0], $0xffff;
	[tilespmem:s21+$0x20] =	vst v8  }
0x450: {  	s22 =	simm.s32 $0x50;
	v4 =	vld.idx.msk [tilespmem:v11+s14+$0x0], $0xffff;
	s23 =	simm.s32 $0x4000;
	[tilespmem:s21+$0xFFFFFFF0] =	vst v9  }
.LBB2_48:
0x451: {  	v8 =	vld [tilespmem:s23+$0x0];
	s22 =	sadd.s32 $0x50, s22  }
0x452: {  	v9 =	vld [tilespmem:s23+$0xFFFFFFD0];
	p0 =	slt.u32 s22, $0x3F20;
	[tilespmem:s21+$0xFFFFFFE0] =	vst v7  }
0x453: {  	v10 =	vld [tilespmem:s23+$0xFFFFFFE0];
	[tilespmem:s21+$0x0] =	vst v6  }
0x454: {  	v11 =	vld [tilespmem:s23+$0xFFFFFFF0];
	[tilespmem:s21+$0x10] =	vst v3;
	s21 =	sadd.s32 $0x50, s21  }
0x455: {  	v12 =	vld [tilespmem:s23+$0xFFFFFFC0];
	[tilespmem:s21+$0x20] =	vst v2  }
.Ltmp23:
0x456: {  	v7 =	vld.idx.msk [tilespmem:v5+s14+$0x0], $0xffff;
	[tilespmem:s21+$0xFFFFFFF0] =	vst v4;
	(pc) =	sbr.rel @p0 .LBB2_48-.Ltmp23, $4  }
0x457: {  	v6 =	vld.idx.msk [tilespmem:v1+s14+$0x0], $0xffff  }
0x458: {  	v3 =	vld.idx.msk [tilespmem:v0+s14+$0x0], $0xffff;
	v1 =	vmov v10  }
0x459: {  	v2 =	vld.idx.msk [tilespmem:v8+s14+$0x0], $0xffff;
	v0 =	vmov v11  }
0x45a: {  	s23 =	sadd.s32 $0x50, s23;
	v4 =	vld.idx.msk [tilespmem:v9+s14+$0x0], $0xffff;
	v5 =	vmov v12  }
0x45b: {  	_ =	sdelay $0x3  }
0x45c: {  	[tilespmem:s21+$0xFFFFFFE0] =	vst v7;
	v5 =	vld.idx.msk [tilespmem:v5+s14+$0x0], $0xffff  }
0x45d: {  	v1 =	vld.idx.msk [tilespmem:v1+s14+$0x0], $0xffff;
	[tilespmem:s21+$0x0] =	vst v6  }
0x45e: {  	s22 =	sadd.s32 $0x50, s21;
	v0 =	vld.idx.msk [tilespmem:v0+s14+$0x0], $0xffff;
	[tilespmem:s21+$0x10] =	vst v3  }
0x45f: {  	[tilespmem:s22+$0x20] =	vst v2  }
0x460: {  	[tilespmem:s22+$0xFFFFFFF0] =	vst v4  }
0x461: {  	[tilespmem:s22+$0xFFFFFFE0] =	vst v5  }
0x462: {  	[tilespmem:s22+$0x0] =	vst v1  }
0x463: {  	[tilespmem:s22+$0x10] =	vst v0  }
0x464: {  	s21 =	sld [smem:$0x7E4];
	_ =	sdelay $0x2  }
0x465: {  	[hbm4b:s21+s2] =	stream.linear.scatter [tilespmem:s16], [sflag:$0x4], $0x3F70, $0x38;
	[tilespmem:$0x19500] =	vst v63  }
0x466: {  	_ =	swait.ge [sflag:s13], $0x4B80  }
0x467: {  	[sflag:s13] =	ssyncset.done $0x0  }
0x468: {  	s23 =	rddreg [dreg:$0x10];
	[sflag:s13] =	ssyncadd.s32 $0xFFFFB480  }
0x469: {  	[tilespmem:s14], [sflag:$0x2] =	stream.linear.gather [hbm4b:s23+s2], $0x4B80, $0x38;
	[tilespmem:$0x19500] =	vst v63  }
0x46a: {  	_ =	swait.ge [sflag:s18], $0x3F20  }
0x46b: {  	[sflag:s18] =	ssyncset.done $0x0  }
0x46c: {  	s22 =	simm.s32 $0x20;
	[sflag:s18] =	ssyncadd.s32 $0xFFFFC0E0  }
0x46d: {  	v0 =	vld [tilespmem:s22+$0x20]  }
0x46e: {  	v1 =	vld [tilespmem:s22+$0xFFFFFFF0]  }
0x46f: {  	v2 =	vld [tilespmem:s22+$0x0]  }
0x470: {  	v3 =	vld [tilespmem:s22+$0x10]  }
0x471: {  	s23 =	simm.s32 $0x70;
	v4 =	vld [tilespmem:s22+$0xFFFFFFE0]  }
0x472: {  	v10 =	vld [tilespmem:s23+$0x20]  }
0x473: {  	v11 =	vld [tilespmem:s23+$0xFFFFFFF0]  }
0x474: {  	v5 =	vld [tilespmem:s23+$0xFFFFFFE0]  }
0x475: {  	v8 =	vld.idx.msk [tilespmem:v0+s11+$0x0], $0xffff  }
0x476: {  	v9 =	vld.idx.msk [tilespmem:v1+s11+$0x0], $0xffff  }
0x477: {  	v1 =	vld [tilespmem:s23+$0x0]  }
0x478: {  	v0 =	vld [tilespmem:s23+$0x10]  }
0x479: {  	v7 =	vld.idx.msk [tilespmem:v4+s11+$0x0], $0xffff  }
0x47a: {  	v6 =	vld.idx.msk [tilespmem:v2+s11+$0x0], $0xffff  }
0x47b: {  	s21 =	simm.s32 $0x11620;
	v3 =	vld.idx.msk [tilespmem:v3+s11+$0x0], $0xffff  }
0x47c: {  	v2 =	vld.idx.msk [tilespmem:v10+s11+$0x0], $0xffff;
	[tilespmem:s21+$0x20] =	vst v8  }
0x47d: {  	s22 =	simm.s32 $0x50;
	v4 =	vld.idx.msk [tilespmem:v11+s11+$0x0], $0xffff;
	s23 =	simm.s32 $0xC0;
	[tilespmem:s21+$0xFFFFFFF0] =	vst v9  }
.LBB2_50:
0x47e: {  	v8 =	vld [tilespmem:s23+$0x20];
	s22 =	sadd.s32 $0x50, s22  }
0x47f: {  	v9 =	vld [tilespmem:s23+$0xFFFFFFF0];
	p0 =	slt.u32 s22, $0x3ED0;
	[tilespmem:s21+$0xFFFFFFE0] =	vst v7  }
0x480: {  	v10 =	vld [tilespmem:s23+$0x0];
	[tilespmem:s21+$0x0] =	vst v6  }
0x481: {  	v11 =	vld [tilespmem:s23+$0x10];
	[tilespmem:s21+$0x10] =	vst v3;
	s21 =	sadd.s32 $0x50, s21  }
0x482: {  	v12 =	vld [tilespmem:s23+$0xFFFFFFE0];
	[tilespmem:s21+$0x20] =	vst v2  }
.Ltmp24:
0x483: {  	v7 =	vld.idx.msk [tilespmem:v5+s11+$0x0], $0xffff;
	[tilespmem:s21+$0xFFFFFFF0] =	vst v4;
	(pc) =	sbr.rel @p0 .LBB2_50-.Ltmp24, $4  }
0x484: {  	v6 =	vld.idx.msk [tilespmem:v1+s11+$0x0], $0xffff  }
0x485: {  	v3 =	vld.idx.msk [tilespmem:v0+s11+$0x0], $0xffff;
	v1 =	vmov v10  }
0x486: {  	v2 =	vld.idx.msk [tilespmem:v8+s11+$0x0], $0xffff;
	v0 =	vmov v11  }
0x487: {  	s23 =	sadd.s32 $0x50, s23;
	v4 =	vld.idx.msk [tilespmem:v9+s11+$0x0], $0xffff;
	v5 =	vmov v12  }
0x488: {  	_ =	sdelay $0x3  }
0x489: {  	[tilespmem:s21+$0xFFFFFFE0] =	vst v7;
	v5 =	vld.idx.msk [tilespmem:v5+s11+$0x0], $0xffff  }
0x48a: {  	v1 =	vld.idx.msk [tilespmem:v1+s11+$0x0], $0xffff;
	[tilespmem:s21+$0x0] =	vst v6  }
0x48b: {  	s23 =	sadd.s32 $0x50, s21;
	v0 =	vld.idx.msk [tilespmem:v0+s11+$0x0], $0xffff;
	[tilespmem:s21+$0x10] =	vst v3  }
0x48c: {  	[tilespmem:s23+$0x20] =	vst v2  }
0x48d: {  	[tilespmem:s23+$0xFFFFFFF0] =	vst v4  }
0x48e: {  	[tilespmem:s23+$0xFFFFFFE0] =	vst v5  }
0x48f: {  	[tilespmem:s23+$0x0] =	vst v1  }
0x490: {  	[tilespmem:s23+$0x10] =	vst v0  }
0x491: {  	s21 =	sld [smem:$0x7E5];
	_ =	sdelay $0x2  }
0x492: {  	[hbm4b:s21+s2] =	stream.linear.scatter [tilespmem:s15], [sflag:$0x3], $0x3F20, $0x38;
	[tilespmem:$0x19500] =	vst v63  }
0x493: {  	_ =	swait.ge [sflag:s19], $0x3F70  }
0x494: {  	[sflag:s19] =	ssyncset.done $0x0  }
0x495: {  	s22 =	simm.s32 $0x3F60;
	[sflag:s19] =	ssyncadd.s32 $0xFFFFC090  }
0x496: {  	v0 =	vld [tilespmem:s22+$0x0]  }
0x497: {  	v1 =	vld [tilespmem:s22+$0xFFFFFFD0]  }
0x498: {  	v2 =	vld [tilespmem:s22+$0xFFFFFFE0]  }
0x499: {  	v3 =	vld [tilespmem:s22+$0xFFFFFFF0]  }
0x49a: {  	s23 =	simm.s32 $0x3FB0;
	v4 =	vld [tilespmem:s22+$0xFFFFFFC0]  }
0x49b: {  	v10 =	vld [tilespmem:s23+$0x0]  }
0x49c: {  	v11 =	vld [tilespmem:s23+$0xFFFFFFD0]  }
0x49d: {  	v5 =	vld [tilespmem:s23+$0xFFFFFFC0]  }
0x49e: {  	v8 =	vld.idx.msk [tilespmem:v0+s11+$0x0], $0xffff  }
0x49f: {  	v9 =	vld.idx.msk [tilespmem:v1+s11+$0x0], $0xffff  }
0x4a0: {  	v1 =	vld [tilespmem:s23+$0xFFFFFFE0]  }
0x4a1: {  	v0 =	vld [tilespmem:s23+$0xFFFFFFF0]  }
0x4a2: {  	v7 =	vld.idx.msk [tilespmem:v4+s11+$0x0], $0xffff  }
0x4a3: {  	v6 =	vld.idx.msk [tilespmem:v2+s11+$0x0], $0xffff  }
0x4a4: {  	s21 =	simm.s32 $0x155A0;
	v3 =	vld.idx.msk [tilespmem:v3+s11+$0x0], $0xffff  }
0x4a5: {  	v2 =	vld.idx.msk [tilespmem:v10+s11+$0x0], $0xffff;
	[tilespmem:s21+$0x20] =	vst v8  }
0x4a6: {  	s22 =	simm.s32 $0x50;
	v4 =	vld.idx.msk [tilespmem:v11+s11+$0x0], $0xffff;
	s23 =	simm.s32 $0x4000;
	[tilespmem:s21+$0xFFFFFFF0] =	vst v9  }
.LBB2_52:
0x4a7: {  	v8 =	vld [tilespmem:s23+$0x0];
	s22 =	sadd.s32 $0x50, s22  }
0x4a8: {  	v9 =	vld [tilespmem:s23+$0xFFFFFFD0];
	p0 =	slt.u32 s22, $0x3F20;
	[tilespmem:s21+$0xFFFFFFE0] =	vst v7  }
0x4a9: {  	v10 =	vld [tilespmem:s23+$0xFFFFFFE0];
	[tilespmem:s21+$0x0] =	vst v6  }
0x4aa: {  	v11 =	vld [tilespmem:s23+$0xFFFFFFF0];
	[tilespmem:s21+$0x10] =	vst v3;
	s21 =	sadd.s32 $0x50, s21  }
0x4ab: {  	v12 =	vld [tilespmem:s23+$0xFFFFFFC0];
	[tilespmem:s21+$0x20] =	vst v2  }
.Ltmp25:
0x4ac: {  	v7 =	vld.idx.msk [tilespmem:v5+s11+$0x0], $0xffff;
	[tilespmem:s21+$0xFFFFFFF0] =	vst v4;
	(pc) =	sbr.rel @p0 .LBB2_52-.Ltmp25, $4  }
0x4ad: {  	v6 =	vld.idx.msk [tilespmem:v1+s11+$0x0], $0xffff  }
0x4ae: {  	v3 =	vld.idx.msk [tilespmem:v0+s11+$0x0], $0xffff;
	v1 =	vmov v10  }
0x4af: {  	v2 =	vld.idx.msk [tilespmem:v8+s11+$0x0], $0xffff;
	v0 =	vmov v11  }
0x4b0: {  	s23 =	sadd.s32 $0x50, s23;
	v4 =	vld.idx.msk [tilespmem:v9+s11+$0x0], $0xffff;
	v5 =	vmov v12  }
0x4b1: {  	_ =	sdelay $0x3  }
0x4b2: {  	[tilespmem:s21+$0xFFFFFFE0] =	vst v7;
	v5 =	vld.idx.msk [tilespmem:v5+s11+$0x0], $0xffff  }
0x4b3: {  	v1 =	vld.idx.msk [tilespmem:v1+s11+$0x0], $0xffff;
	[tilespmem:s21+$0x0] =	vst v6  }
0x4b4: {  	s22 =	sadd.s32 $0x50, s21;
	v0 =	vld.idx.msk [tilespmem:v0+s11+$0x0], $0xffff;
	[tilespmem:s21+$0x10] =	vst v3  }
0x4b5: {  	[tilespmem:s22+$0x20] =	vst v2  }
0x4b6: {  	[tilespmem:s22+$0xFFFFFFF0] =	vst v4  }
0x4b7: {  	[tilespmem:s22+$0xFFFFFFE0] =	vst v5  }
0x4b8: {  	[tilespmem:s22+$0x0] =	vst v1  }
0x4b9: {  	[tilespmem:s22+$0x10] =	vst v0  }
0x4ba: {  	s21 =	sld [smem:$0x7E6];
	_ =	sdelay $0x2  }
0x4bb: {  	[hbm4b:s21+s2] =	stream.linear.scatter [tilespmem:s16], [sflag:$0x4], $0x3F70, $0x38;
	[tilespmem:$0x19500] =	vst v63  }
0x4bc: {  	_ =	swait.ge [sflag:s17], $0x4B80  }
0x4bd: {  	[sflag:s17] =	ssyncset.done $0x0  }
0x4be: {  	s23 =	rddreg [dreg:$0x11];
	[sflag:s17] =	ssyncadd.s32 $0xFFFFB480  }
0x4bf: {  	[tilespmem:s11], [sflag:$0x1] =	stream.linear.gather [hbm4b:s23+s2], $0x4B80, $0x38;
	[tilespmem:$0x19500] =	vst v63  }
0x4c0: {  	_ =	swait.ge [sflag:s18], $0x3F20  }
0x4c1: {  	[sflag:s18] =	ssyncset.done $0x0  }
0x4c2: {  	s22 =	simm.s32 $0x20;
	[sflag:s18] =	ssyncadd.s32 $0xFFFFC0E0  }
0x4c3: {  	v0 =	vld [tilespmem:s22+$0x20]  }
0x4c4: {  	v1 =	vld [tilespmem:s22+$0xFFFFFFF0]  }
0x4c5: {  	v2 =	vld [tilespmem:s22+$0x0]  }
0x4c6: {  	v3 =	vld [tilespmem:s22+$0x10]  }
0x4c7: {  	s23 =	simm.s32 $0x70;
	v4 =	vld [tilespmem:s22+$0xFFFFFFE0]  }
0x4c8: {  	v10 =	vld [tilespmem:s23+$0x20]  }
0x4c9: {  	v11 =	vld [tilespmem:s23+$0xFFFFFFF0]  }
0x4ca: {  	v5 =	vld [tilespmem:s23+$0xFFFFFFE0]  }
0x4cb: {  	v8 =	vld.idx.msk [tilespmem:v0+s14+$0x0], $0xffff  }
0x4cc: {  	v9 =	vld.idx.msk [tilespmem:v1+s14+$0x0], $0xffff  }
0x4cd: {  	v1 =	vld [tilespmem:s23+$0x0]  }
0x4ce: {  	v0 =	vld [tilespmem:s23+$0x10]  }
0x4cf: {  	v7 =	vld.idx.msk [tilespmem:v4+s14+$0x0], $0xffff  }
0x4d0: {  	v6 =	vld.idx.msk [tilespmem:v2+s14+$0x0], $0xffff  }
0x4d1: {  	s21 =	simm.s32 $0x11620;
	v3 =	vld.idx.msk [tilespmem:v3+s14+$0x0], $0xffff  }
0x4d2: {  	v2 =	vld.idx.msk [tilespmem:v10+s14+$0x0], $0xffff;
	[tilespmem:s21+$0x20] =	vst v8  }
0x4d3: {  	s22 =	simm.s32 $0x50;
	v4 =	vld.idx.msk [tilespmem:v11+s14+$0x0], $0xffff;
	s23 =	simm.s32 $0xC0;
	[tilespmem:s21+$0xFFFFFFF0] =	vst v9  }
.LBB2_54:
0x4d4: {  	v8 =	vld [tilespmem:s23+$0x20];
	s22 =	sadd.s32 $0x50, s22  }
0x4d5: {  	v9 =	vld [tilespmem:s23+$0xFFFFFFF0];
	p0 =	slt.u32 s22, $0x3ED0;
	[tilespmem:s21+$0xFFFFFFE0] =	vst v7  }
0x4d6: {  	v10 =	vld [tilespmem:s23+$0x0];
	[tilespmem:s21+$0x0] =	vst v6  }
0x4d7: {  	v11 =	vld [tilespmem:s23+$0x10];
	[tilespmem:s21+$0x10] =	vst v3;
	s21 =	sadd.s32 $0x50, s21  }
0x4d8: {  	v12 =	vld [tilespmem:s23+$0xFFFFFFE0];
	[tilespmem:s21+$0x20] =	vst v2  }
.Ltmp26:
0x4d9: {  	v7 =	vld.idx.msk [tilespmem:v5+s14+$0x0], $0xffff;
	[tilespmem:s21+$0xFFFFFFF0] =	vst v4;
	(pc) =	sbr.rel @p0 .LBB2_54-.Ltmp26, $4  }
0x4da: {  	v6 =	vld.idx.msk [tilespmem:v1+s14+$0x0], $0xffff  }
0x4db: {  	v3 =	vld.idx.msk [tilespmem:v0+s14+$0x0], $0xffff;
	v1 =	vmov v10  }
0x4dc: {  	v2 =	vld.idx.msk [tilespmem:v8+s14+$0x0], $0xffff;
	v0 =	vmov v11  }
0x4dd: {  	s23 =	sadd.s32 $0x50, s23;
	v4 =	vld.idx.msk [tilespmem:v9+s14+$0x0], $0xffff;
	v5 =	vmov v12  }
0x4de: {  	_ =	sdelay $0x3  }
0x4df: {  	[tilespmem:s21+$0xFFFFFFE0] =	vst v7;
	v5 =	vld.idx.msk [tilespmem:v5+s14+$0x0], $0xffff  }
0x4e0: {  	v1 =	vld.idx.msk [tilespmem:v1+s14+$0x0], $0xffff;
	[tilespmem:s21+$0x0] =	vst v6  }
0x4e1: {  	s23 =	sadd.s32 $0x50, s21;
	v0 =	vld.idx.msk [tilespmem:v0+s14+$0x0], $0xffff;
	[tilespmem:s21+$0x10] =	vst v3  }
0x4e2: {  	[tilespmem:s23+$0x20] =	vst v2  }
0x4e3: {  	[tilespmem:s23+$0xFFFFFFF0] =	vst v4  }
0x4e4: {  	[tilespmem:s23+$0xFFFFFFE0] =	vst v5  }
0x4e5: {  	[tilespmem:s23+$0x0] =	vst v1  }
0x4e6: {  	[tilespmem:s23+$0x10] =	vst v0  }
0x4e7: {  	s21 =	sld [smem:$0x7E7];
	_ =	sdelay $0x2  }
0x4e8: {  	[hbm4b:s21+s2] =	stream.linear.scatter [tilespmem:s15], [sflag:$0x3], $0x3F20, $0x38;
	[tilespmem:$0x19500] =	vst v63  }
0x4e9: {  	_ =	swait.ge [sflag:s19], $0x3F70  }
0x4ea: {  	[sflag:s19] =	ssyncset.done $0x0  }
0x4eb: {  	s22 =	simm.s32 $0x3F60;
	[sflag:s19] =	ssyncadd.s32 $0xFFFFC090  }
0x4ec: {  	v0 =	vld [tilespmem:s22+$0x0]  }
0x4ed: {  	v1 =	vld [tilespmem:s22+$0xFFFFFFD0]  }
0x4ee: {  	v2 =	vld [tilespmem:s22+$0xFFFFFFE0]  }
0x4ef: {  	v3 =	vld [tilespmem:s22+$0xFFFFFFF0]  }
0x4f0: {  	s23 =	simm.s32 $0x3FB0;
	v4 =	vld [tilespmem:s22+$0xFFFFFFC0]  }
0x4f1: {  	v10 =	vld [tilespmem:s23+$0x0]  }
0x4f2: {  	v11 =	vld [tilespmem:s23+$0xFFFFFFD0]  }
0x4f3: {  	v5 =	vld [tilespmem:s23+$0xFFFFFFC0]  }
0x4f4: {  	v8 =	vld.idx.msk [tilespmem:v0+s14+$0x0], $0xffff  }
0x4f5: {  	v9 =	vld.idx.msk [tilespmem:v1+s14+$0x0], $0xffff  }
0x4f6: {  	v1 =	vld [tilespmem:s23+$0xFFFFFFE0]  }
0x4f7: {  	v0 =	vld [tilespmem:s23+$0xFFFFFFF0]  }
0x4f8: {  	v7 =	vld.idx.msk [tilespmem:v4+s14+$0x0], $0xffff  }
0x4f9: {  	v6 =	vld.idx.msk [tilespmem:v2+s14+$0x0], $0xffff  }
0x4fa: {  	s21 =	simm.s32 $0x155A0;
	v3 =	vld.idx.msk [tilespmem:v3+s14+$0x0], $0xffff  }
0x4fb: {  	v2 =	vld.idx.msk [tilespmem:v10+s14+$0x0], $0xffff;
	[tilespmem:s21+$0x20] =	vst v8  }
0x4fc: {  	s22 =	simm.s32 $0x50;
	v4 =	vld.idx.msk [tilespmem:v11+s14+$0x0], $0xffff;
	s23 =	simm.s32 $0x4000;
	[tilespmem:s21+$0xFFFFFFF0] =	vst v9  }
.LBB2_56:
0x4fd: {  	v8 =	vld [tilespmem:s23+$0x0];
	s22 =	sadd.s32 $0x50, s22  }
0x4fe: {  	v9 =	vld [tilespmem:s23+$0xFFFFFFD0];
	p0 =	slt.u32 s22, $0x3F20;
	[tilespmem:s21+$0xFFFFFFE0] =	vst v7  }
0x4ff: {  	v10 =	vld [tilespmem:s23+$0xFFFFFFE0];
	[tilespmem:s21+$0x0] =	vst v6  }
0x500: {  	v11 =	vld [tilespmem:s23+$0xFFFFFFF0];
	[tilespmem:s21+$0x10] =	vst v3;
	s21 =	sadd.s32 $0x50, s21  }
0x501: {  	v12 =	vld [tilespmem:s23+$0xFFFFFFC0];
	[tilespmem:s21+$0x20] =	vst v2  }
.Ltmp27:
0x502: {  	v7 =	vld.idx.msk [tilespmem:v5+s14+$0x0], $0xffff;
	[tilespmem:s21+$0xFFFFFFF0] =	vst v4;
	(pc) =	sbr.rel @p0 .LBB2_56-.Ltmp27, $4  }
0x503: {  	v6 =	vld.idx.msk [tilespmem:v1+s14+$0x0], $0xffff  }
0x504: {  	v3 =	vld.idx.msk [tilespmem:v0+s14+$0x0], $0xffff;
	v1 =	vmov v10  }
0x505: {  	v2 =	vld.idx.msk [tilespmem:v8+s14+$0x0], $0xffff;
	v0 =	vmov v11  }
0x506: {  	s23 =	sadd.s32 $0x50, s23;
	v4 =	vld.idx.msk [tilespmem:v9+s14+$0x0], $0xffff;
	v5 =	vmov v12  }
0x507: {  	_ =	sdelay $0x3  }
0x508: {  	[tilespmem:s21+$0xFFFFFFE0] =	vst v7;
	v5 =	vld.idx.msk [tilespmem:v5+s14+$0x0], $0xffff  }
0x509: {  	v1 =	vld.idx.msk [tilespmem:v1+s14+$0x0], $0xffff;
	[tilespmem:s21+$0x0] =	vst v6  }
0x50a: {  	s22 =	sadd.s32 $0x50, s21;
	v0 =	vld.idx.msk [tilespmem:v0+s14+$0x0], $0xffff;
	[tilespmem:s21+$0x10] =	vst v3  }
0x50b: {  	[tilespmem:s22+$0x20] =	vst v2  }
0x50c: {  	[tilespmem:s22+$0xFFFFFFF0] =	vst v4  }
0x50d: {  	[tilespmem:s22+$0xFFFFFFE0] =	vst v5  }
0x50e: {  	[tilespmem:s22+$0x0] =	vst v1  }
0x50f: {  	[tilespmem:s22+$0x10] =	vst v0  }
0x510: {  	s21 =	sld [smem:$0x7E8];
	_ =	sdelay $0x2  }
0x511: {  	[hbm4b:s21+s2] =	stream.linear.scatter [tilespmem:s16], [sflag:$0x4], $0x3F70, $0x38;
	[tilespmem:$0x19500] =	vst v63  }
0x512: {  	_ =	swait.ge [sflag:s13], $0x4B80  }
0x513: {  	[sflag:s13] =	ssyncset.done $0x0  }
0x514: {  	s23 =	rddreg [dreg:$0x12];
	[sflag:s13] =	ssyncadd.s32 $0xFFFFB480  }
0x515: {  	[tilespmem:s14], [sflag:$0x2] =	stream.linear.gather [hbm4b:s23+s2], $0x4B80, $0x38;
	[tilespmem:$0x19500] =	vst v63  }
0x516: {  	_ =	swait.ge [sflag:s18], $0x3F20  }
0x517: {  	[sflag:s18] =	ssyncset.done $0x0  }
0x518: {  	s22 =	simm.s32 $0x20;
	[sflag:s18] =	ssyncadd.s32 $0xFFFFC0E0  }
0x519: {  	v0 =	vld [tilespmem:s22+$0x20]  }
0x51a: {  	v1 =	vld [tilespmem:s22+$0xFFFFFFF0]  }
0x51b: {  	v2 =	vld [tilespmem:s22+$0x0]  }
0x51c: {  	v3 =	vld [tilespmem:s22+$0x10]  }
0x51d: {  	s23 =	simm.s32 $0x70;
	v4 =	vld [tilespmem:s22+$0xFFFFFFE0]  }
0x51e: {  	v10 =	vld [tilespmem:s23+$0x20]  }
0x51f: {  	v11 =	vld [tilespmem:s23+$0xFFFFFFF0]  }
0x520: {  	v5 =	vld [tilespmem:s23+$0xFFFFFFE0]  }
0x521: {  	v8 =	vld.idx.msk [tilespmem:v0+s11+$0x0], $0xffff  }
0x522: {  	v9 =	vld.idx.msk [tilespmem:v1+s11+$0x0], $0xffff  }
0x523: {  	v1 =	vld [tilespmem:s23+$0x0]  }
0x524: {  	v0 =	vld [tilespmem:s23+$0x10]  }
0x525: {  	v7 =	vld.idx.msk [tilespmem:v4+s11+$0x0], $0xffff  }
0x526: {  	v6 =	vld.idx.msk [tilespmem:v2+s11+$0x0], $0xffff  }
0x527: {  	s21 =	simm.s32 $0x11620;
	v3 =	vld.idx.msk [tilespmem:v3+s11+$0x0], $0xffff  }
0x528: {  	v2 =	vld.idx.msk [tilespmem:v10+s11+$0x0], $0xffff;
	[tilespmem:s21+$0x20] =	vst v8  }
0x529: {  	s22 =	simm.s32 $0x50;
	v4 =	vld.idx.msk [tilespmem:v11+s11+$0x0], $0xffff;
	s23 =	simm.s32 $0xC0;
	[tilespmem:s21+$0xFFFFFFF0] =	vst v9  }
.LBB2_58:
0x52a: {  	v8 =	vld [tilespmem:s23+$0x20];
	s22 =	sadd.s32 $0x50, s22  }
0x52b: {  	v9 =	vld [tilespmem:s23+$0xFFFFFFF0];
	p0 =	slt.u32 s22, $0x3ED0;
	[tilespmem:s21+$0xFFFFFFE0] =	vst v7  }
0x52c: {  	v10 =	vld [tilespmem:s23+$0x0];
	[tilespmem:s21+$0x0] =	vst v6  }
0x52d: {  	v11 =	vld [tilespmem:s23+$0x10];
	[tilespmem:s21+$0x10] =	vst v3;
	s21 =	sadd.s32 $0x50, s21  }
0x52e: {  	v12 =	vld [tilespmem:s23+$0xFFFFFFE0];
	[tilespmem:s21+$0x20] =	vst v2  }
.Ltmp28:
0x52f: {  	v7 =	vld.idx.msk [tilespmem:v5+s11+$0x0], $0xffff;
	[tilespmem:s21+$0xFFFFFFF0] =	vst v4;
	(pc) =	sbr.rel @p0 .LBB2_58-.Ltmp28, $4  }
0x530: {  	v6 =	vld.idx.msk [tilespmem:v1+s11+$0x0], $0xffff  }
0x531: {  	v3 =	vld.idx.msk [tilespmem:v0+s11+$0x0], $0xffff;
	v1 =	vmov v10  }
0x532: {  	v2 =	vld.idx.msk [tilespmem:v8+s11+$0x0], $0xffff;
	v0 =	vmov v11  }
0x533: {  	s23 =	sadd.s32 $0x50, s23;
	v4 =	vld.idx.msk [tilespmem:v9+s11+$0x0], $0xffff;
	v5 =	vmov v12  }
0x534: {  	_ =	sdelay $0x3  }
0x535: {  	[tilespmem:s21+$0xFFFFFFE0] =	vst v7;
	v5 =	vld.idx.msk [tilespmem:v5+s11+$0x0], $0xffff  }
0x536: {  	v1 =	vld.idx.msk [tilespmem:v1+s11+$0x0], $0xffff;
	[tilespmem:s21+$0x0] =	vst v6  }
0x537: {  	s23 =	sadd.s32 $0x50, s21;
	v0 =	vld.idx.msk [tilespmem:v0+s11+$0x0], $0xffff;
	[tilespmem:s21+$0x10] =	vst v3  }
0x538: {  	[tilespmem:s23+$0x20] =	vst v2  }
0x539: {  	[tilespmem:s23+$0xFFFFFFF0] =	vst v4  }
0x53a: {  	[tilespmem:s23+$0xFFFFFFE0] =	vst v5  }
0x53b: {  	[tilespmem:s23+$0x0] =	vst v1  }
0x53c: {  	[tilespmem:s23+$0x10] =	vst v0  }
0x53d: {  	s21 =	sld [smem:$0x7E9];
	_ =	sdelay $0x2  }
0x53e: {  	[hbm4b:s21+s2] =	stream.linear.scatter [tilespmem:s15], [sflag:$0x3], $0x3F20, $0x38;
	[tilespmem:$0x19500] =	vst v63  }
0x53f: {  	_ =	swait.ge [sflag:s19], $0x3F70  }
0x540: {  	[sflag:s19] =	ssyncset.done $0x0  }
0x541: {  	s22 =	simm.s32 $0x3F60;
	[sflag:s19] =	ssyncadd.s32 $0xFFFFC090  }
0x542: {  	v0 =	vld [tilespmem:s22+$0x0]  }
0x543: {  	v1 =	vld [tilespmem:s22+$0xFFFFFFD0]  }
0x544: {  	v2 =	vld [tilespmem:s22+$0xFFFFFFE0]  }
0x545: {  	v3 =	vld [tilespmem:s22+$0xFFFFFFF0]  }
0x546: {  	s23 =	simm.s32 $0x3FB0;
	v4 =	vld [tilespmem:s22+$0xFFFFFFC0]  }
0x547: {  	v10 =	vld [tilespmem:s23+$0x0]  }
0x548: {  	v11 =	vld [tilespmem:s23+$0xFFFFFFD0]  }
0x549: {  	v5 =	vld [tilespmem:s23+$0xFFFFFFC0]  }
0x54a: {  	v8 =	vld.idx.msk [tilespmem:v0+s11+$0x0], $0xffff  }
0x54b: {  	v9 =	vld.idx.msk [tilespmem:v1+s11+$0x0], $0xffff  }
0x54c: {  	v1 =	vld [tilespmem:s23+$0xFFFFFFE0]  }
0x54d: {  	v0 =	vld [tilespmem:s23+$0xFFFFFFF0]  }
0x54e: {  	v7 =	vld.idx.msk [tilespmem:v4+s11+$0x0], $0xffff  }
0x54f: {  	v6 =	vld.idx.msk [tilespmem:v2+s11+$0x0], $0xffff  }
0x550: {  	s21 =	simm.s32 $0x155A0;
	v3 =	vld.idx.msk [tilespmem:v3+s11+$0x0], $0xffff  }
0x551: {  	v2 =	vld.idx.msk [tilespmem:v10+s11+$0x0], $0xffff;
	[tilespmem:s21+$0x20] =	vst v8  }
0x552: {  	s22 =	simm.s32 $0x50;
	v4 =	vld.idx.msk [tilespmem:v11+s11+$0x0], $0xffff;
	s23 =	simm.s32 $0x4000;
	[tilespmem:s21+$0xFFFFFFF0] =	vst v9  }
.LBB2_60:
0x553: {  	v8 =	vld [tilespmem:s23+$0x0];
	s22 =	sadd.s32 $0x50, s22  }
0x554: {  	v9 =	vld [tilespmem:s23+$0xFFFFFFD0];
	p0 =	slt.u32 s22, $0x3F20;
	[tilespmem:s21+$0xFFFFFFE0] =	vst v7  }
0x555: {  	v10 =	vld [tilespmem:s23+$0xFFFFFFE0];
	[tilespmem:s21+$0x0] =	vst v6  }
0x556: {  	v11 =	vld [tilespmem:s23+$0xFFFFFFF0];
	[tilespmem:s21+$0x10] =	vst v3;
	s21 =	sadd.s32 $0x50, s21  }
0x557: {  	v12 =	vld [tilespmem:s23+$0xFFFFFFC0];
	[tilespmem:s21+$0x20] =	vst v2  }
.Ltmp29:
0x558: {  	v7 =	vld.idx.msk [tilespmem:v5+s11+$0x0], $0xffff;
	[tilespmem:s21+$0xFFFFFFF0] =	vst v4;
	(pc) =	sbr.rel @p0 .LBB2_60-.Ltmp29, $4  }
0x559: {  	v6 =	vld.idx.msk [tilespmem:v1+s11+$0x0], $0xffff  }
0x55a: {  	v3 =	vld.idx.msk [tilespmem:v0+s11+$0x0], $0xffff;
	v1 =	vmov v10  }
0x55b: {  	v2 =	vld.idx.msk [tilespmem:v8+s11+$0x0], $0xffff;
	v0 =	vmov v11  }
0x55c: {  	s23 =	sadd.s32 $0x50, s23;
	v4 =	vld.idx.msk [tilespmem:v9+s11+$0x0], $0xffff;
	v5 =	vmov v12  }
0x55d: {  	_ =	sdelay $0x3  }
0x55e: {  	[tilespmem:s21+$0xFFFFFFE0] =	vst v7;
	v5 =	vld.idx.msk [tilespmem:v5+s11+$0x0], $0xffff  }
0x55f: {  	v1 =	vld.idx.msk [tilespmem:v1+s11+$0x0], $0xffff;
	[tilespmem:s21+$0x0] =	vst v6  }
0x560: {  	s22 =	sadd.s32 $0x50, s21;
	v0 =	vld.idx.msk [tilespmem:v0+s11+$0x0], $0xffff;
	[tilespmem:s21+$0x10] =	vst v3  }
0x561: {  	[tilespmem:s22+$0x20] =	vst v2  }
0x562: {  	[tilespmem:s22+$0xFFFFFFF0] =	vst v4  }
0x563: {  	[tilespmem:s22+$0xFFFFFFE0] =	vst v5  }
0x564: {  	[tilespmem:s22+$0x0] =	vst v1  }
0x565: {  	[tilespmem:s22+$0x10] =	vst v0  }
0x566: {  	s21 =	sld [smem:$0x7EA];
	_ =	sdelay $0x2  }
0x567: {  	[hbm4b:s21+s2] =	stream.linear.scatter [tilespmem:s16], [sflag:$0x4], $0x3F70, $0x38;
	[tilespmem:$0x19500] =	vst v63  }
0x568: {  	_ =	swait.ge [sflag:s17], $0x4B80  }
0x569: {  	[sflag:s17] =	ssyncset.done $0x0  }
0x56a: {  	s23 =	rddreg [dreg:$0x13];
	[sflag:s17] =	ssyncadd.s32 $0xFFFFB480  }
0x56b: {  	[tilespmem:s11], [sflag:$0x1] =	stream.linear.gather [hbm4b:s23+s2], $0x4B80, $0x38;
	[tilespmem:$0x19500] =	vst v63  }
0x56c: {  	_ =	swait.ge [sflag:s18], $0x3F20  }
0x56d: {  	[sflag:s18] =	ssyncset.done $0x0  }
0x56e: {  	s22 =	simm.s32 $0x20;
	[sflag:s18] =	ssyncadd.s32 $0xFFFFC0E0  }
0x56f: {  	v0 =	vld [tilespmem:s22+$0x20]  }
0x570: {  	v1 =	vld [tilespmem:s22+$0xFFFFFFF0]  }
0x571: {  	v2 =	vld [tilespmem:s22+$0x0]  }
0x572: {  	v3 =	vld [tilespmem:s22+$0x10]  }
0x573: {  	s23 =	simm.s32 $0x70;
	v4 =	vld [tilespmem:s22+$0xFFFFFFE0]  }
0x574: {  	v10 =	vld [tilespmem:s23+$0x20]  }
0x575: {  	v11 =	vld [tilespmem:s23+$0xFFFFFFF0]  }
0x576: {  	v5 =	vld [tilespmem:s23+$0xFFFFFFE0]  }
0x577: {  	v8 =	vld.idx.msk [tilespmem:v0+s14+$0x0], $0xffff  }
0x578: {  	v9 =	vld.idx.msk [tilespmem:v1+s14+$0x0], $0xffff  }
0x579: {  	v1 =	vld [tilespmem:s23+$0x0]  }
0x57a: {  	v0 =	vld [tilespmem:s23+$0x10]  }
0x57b: {  	v7 =	vld.idx.msk [tilespmem:v4+s14+$0x0], $0xffff  }
0x57c: {  	v6 =	vld.idx.msk [tilespmem:v2+s14+$0x0], $0xffff  }
0x57d: {  	s21 =	simm.s32 $0x11620;
	v3 =	vld.idx.msk [tilespmem:v3+s14+$0x0], $0xffff  }
0x57e: {  	v2 =	vld.idx.msk [tilespmem:v10+s14+$0x0], $0xffff;
	[tilespmem:s21+$0x20] =	vst v8  }
0x57f: {  	s22 =	simm.s32 $0x50;
	v4 =	vld.idx.msk [tilespmem:v11+s14+$0x0], $0xffff;
	s23 =	simm.s32 $0xC0;
	[tilespmem:s21+$0xFFFFFFF0] =	vst v9  }
.LBB2_62:
0x580: {  	v8 =	vld [tilespmem:s23+$0x20];
	s22 =	sadd.s32 $0x50, s22  }
0x581: {  	v9 =	vld [tilespmem:s23+$0xFFFFFFF0];
	p0 =	slt.u32 s22, $0x3ED0;
	[tilespmem:s21+$0xFFFFFFE0] =	vst v7  }
0x582: {  	v10 =	vld [tilespmem:s23+$0x0];
	[tilespmem:s21+$0x0] =	vst v6  }
0x583: {  	v11 =	vld [tilespmem:s23+$0x10];
	[tilespmem:s21+$0x10] =	vst v3;
	s21 =	sadd.s32 $0x50, s21  }
0x584: {  	v12 =	vld [tilespmem:s23+$0xFFFFFFE0];
	[tilespmem:s21+$0x20] =	vst v2  }
.Ltmp30:
0x585: {  	v7 =	vld.idx.msk [tilespmem:v5+s14+$0x0], $0xffff;
	[tilespmem:s21+$0xFFFFFFF0] =	vst v4;
	(pc) =	sbr.rel @p0 .LBB2_62-.Ltmp30, $4  }
0x586: {  	v6 =	vld.idx.msk [tilespmem:v1+s14+$0x0], $0xffff  }
0x587: {  	v3 =	vld.idx.msk [tilespmem:v0+s14+$0x0], $0xffff;
	v1 =	vmov v10  }
0x588: {  	v2 =	vld.idx.msk [tilespmem:v8+s14+$0x0], $0xffff;
	v0 =	vmov v11  }
0x589: {  	s23 =	sadd.s32 $0x50, s23;
	v4 =	vld.idx.msk [tilespmem:v9+s14+$0x0], $0xffff;
	v5 =	vmov v12  }
0x58a: {  	_ =	sdelay $0x3  }
0x58b: {  	[tilespmem:s21+$0xFFFFFFE0] =	vst v7;
	v5 =	vld.idx.msk [tilespmem:v5+s14+$0x0], $0xffff  }
0x58c: {  	v1 =	vld.idx.msk [tilespmem:v1+s14+$0x0], $0xffff;
	[tilespmem:s21+$0x0] =	vst v6  }
0x58d: {  	s23 =	sadd.s32 $0x50, s21;
	v0 =	vld.idx.msk [tilespmem:v0+s14+$0x0], $0xffff;
	[tilespmem:s21+$0x10] =	vst v3  }
0x58e: {  	[tilespmem:s23+$0x20] =	vst v2  }
0x58f: {  	[tilespmem:s23+$0xFFFFFFF0] =	vst v4  }
0x590: {  	[tilespmem:s23+$0xFFFFFFE0] =	vst v5  }
0x591: {  	[tilespmem:s23+$0x0] =	vst v1  }
0x592: {  	[tilespmem:s23+$0x10] =	vst v0  }
0x593: {  	s21 =	sld [smem:$0x7EB];
	_ =	sdelay $0x2  }
0x594: {  	[hbm4b:s21+s2] =	stream.linear.scatter [tilespmem:s15], [sflag:$0x3], $0x3F20, $0x38;
	[tilespmem:$0x19500] =	vst v63  }
0x595: {  	_ =	swait.ge [sflag:s19], $0x3F70  }
0x596: {  	[sflag:s19] =	ssyncset.done $0x0  }
0x597: {  	s22 =	simm.s32 $0x3F60;
	[sflag:s19] =	ssyncadd.s32 $0xFFFFC090  }
0x598: {  	v0 =	vld [tilespmem:s22+$0x0]  }
0x599: {  	v1 =	vld [tilespmem:s22+$0xFFFFFFD0]  }
0x59a: {  	v2 =	vld [tilespmem:s22+$0xFFFFFFE0]  }
0x59b: {  	v3 =	vld [tilespmem:s22+$0xFFFFFFF0]  }
0x59c: {  	s23 =	simm.s32 $0x3FB0;
	v4 =	vld [tilespmem:s22+$0xFFFFFFC0]  }
0x59d: {  	v10 =	vld [tilespmem:s23+$0x0]  }
0x59e: {  	v11 =	vld [tilespmem:s23+$0xFFFFFFD0]  }
0x59f: {  	v5 =	vld [tilespmem:s23+$0xFFFFFFC0]  }
0x5a0: {  	v8 =	vld.idx.msk [tilespmem:v0+s14+$0x0], $0xffff  }
0x5a1: {  	v9 =	vld.idx.msk [tilespmem:v1+s14+$0x0], $0xffff  }
0x5a2: {  	v1 =	vld [tilespmem:s23+$0xFFFFFFE0]  }
0x5a3: {  	v0 =	vld [tilespmem:s23+$0xFFFFFFF0]  }
0x5a4: {  	v7 =	vld.idx.msk [tilespmem:v4+s14+$0x0], $0xffff  }
0x5a5: {  	v6 =	vld.idx.msk [tilespmem:v2+s14+$0x0], $0xffff  }
0x5a6: {  	s21 =	simm.s32 $0x155A0;
	v3 =	vld.idx.msk [tilespmem:v3+s14+$0x0], $0xffff  }
0x5a7: {  	v2 =	vld.idx.msk [tilespmem:v10+s14+$0x0], $0xffff;
	[tilespmem:s21+$0x20] =	vst v8  }
0x5a8: {  	s22 =	simm.s32 $0x50;
	v4 =	vld.idx.msk [tilespmem:v11+s14+$0x0], $0xffff;
	s23 =	simm.s32 $0x4000;
	[tilespmem:s21+$0xFFFFFFF0] =	vst v9  }
.LBB2_64:
0x5a9: {  	v8 =	vld [tilespmem:s23+$0x0];
	s22 =	sadd.s32 $0x50, s22  }
0x5aa: {  	v9 =	vld [tilespmem:s23+$0xFFFFFFD0];
	p0 =	slt.u32 s22, $0x3F20;
	[tilespmem:s21+$0xFFFFFFE0] =	vst v7  }
0x5ab: {  	v10 =	vld [tilespmem:s23+$0xFFFFFFE0];
	[tilespmem:s21+$0x0] =	vst v6  }
0x5ac: {  	v11 =	vld [tilespmem:s23+$0xFFFFFFF0];
	[tilespmem:s21+$0x10] =	vst v3;
	s21 =	sadd.s32 $0x50, s21  }
0x5ad: {  	v12 =	vld [tilespmem:s23+$0xFFFFFFC0];
	[tilespmem:s21+$0x20] =	vst v2  }
.Ltmp31:
0x5ae: {  	v7 =	vld.idx.msk [tilespmem:v5+s14+$0x0], $0xffff;
	[tilespmem:s21+$0xFFFFFFF0] =	vst v4;
	(pc) =	sbr.rel @p0 .LBB2_64-.Ltmp31, $4  }
0x5af: {  	v6 =	vld.idx.msk [tilespmem:v1+s14+$0x0], $0xffff  }
0x5b0: {  	v3 =	vld.idx.msk [tilespmem:v0+s14+$0x0], $0xffff;
	v1 =	vmov v10  }
0x5b1: {  	v2 =	vld.idx.msk [tilespmem:v8+s14+$0x0], $0xffff;
	v0 =	vmov v11  }
0x5b2: {  	s23 =	sadd.s32 $0x50, s23;
	v4 =	vld.idx.msk [tilespmem:v9+s14+$0x0], $0xffff;
	v5 =	vmov v12  }
0x5b3: {  	_ =	sdelay $0x3  }
0x5b4: {  	[tilespmem:s21+$0xFFFFFFE0] =	vst v7;
	v5 =	vld.idx.msk [tilespmem:v5+s14+$0x0], $0xffff  }
0x5b5: {  	v1 =	vld.idx.msk [tilespmem:v1+s14+$0x0], $0xffff;
	[tilespmem:s21+$0x0] =	vst v6  }
0x5b6: {  	s22 =	sadd.s32 $0x50, s21;
	v0 =	vld.idx.msk [tilespmem:v0+s14+$0x0], $0xffff;
	[tilespmem:s21+$0x10] =	vst v3  }
0x5b7: {  	[tilespmem:s22+$0x20] =	vst v2  }
0x5b8: {  	[tilespmem:s22+$0xFFFFFFF0] =	vst v4  }
0x5b9: {  	[tilespmem:s22+$0xFFFFFFE0] =	vst v5  }
0x5ba: {  	[tilespmem:s22+$0x0] =	vst v1  }
0x5bb: {  	[tilespmem:s22+$0x10] =	vst v0  }
0x5bc: {  	s21 =	sld [smem:$0x7EC];
	_ =	sdelay $0x2  }
0x5bd: {  	[hbm4b:s21+s2] =	stream.linear.scatter [tilespmem:s16], [sflag:$0x4], $0x3F70, $0x38;
	[tilespmem:$0x19500] =	vst v63  }
0x5be: {  	_ =	swait.ge [sflag:s13], $0x4B80  }
0x5bf: {  	[sflag:s13] =	ssyncset.done $0x0  }
0x5c0: {  	s23 =	rddreg [dreg:$0x14];
	[sflag:s13] =	ssyncadd.s32 $0xFFFFB480  }
0x5c1: {  	[tilespmem:s14], [sflag:$0x2] =	stream.linear.gather [hbm4b:s23+s2], $0x4B80, $0x38;
	[tilespmem:$0x19500] =	vst v63  }
0x5c2: {  	_ =	swait.ge [sflag:s18], $0x3F20  }
0x5c3: {  	[sflag:s18] =	ssyncset.done $0x0  }
0x5c4: {  	s22 =	simm.s32 $0x20;
	[sflag:s18] =	ssyncadd.s32 $0xFFFFC0E0  }
0x5c5: {  	v0 =	vld [tilespmem:s22+$0x20]  }
0x5c6: {  	v1 =	vld [tilespmem:s22+$0xFFFFFFF0]  }
0x5c7: {  	v2 =	vld [tilespmem:s22+$0x0]  }
0x5c8: {  	v3 =	vld [tilespmem:s22+$0x10]  }
0x5c9: {  	s23 =	simm.s32 $0x70;
	v4 =	vld [tilespmem:s22+$0xFFFFFFE0]  }
0x5ca: {  	v10 =	vld [tilespmem:s23+$0x20]  }
0x5cb: {  	v11 =	vld [tilespmem:s23+$0xFFFFFFF0]  }
0x5cc: {  	v5 =	vld [tilespmem:s23+$0xFFFFFFE0]  }
0x5cd: {  	v8 =	vld.idx.msk [tilespmem:v0+s11+$0x0], $0xffff  }
0x5ce: {  	v9 =	vld.idx.msk [tilespmem:v1+s11+$0x0], $0xffff  }
0x5cf: {  	v1 =	vld [tilespmem:s23+$0x0]  }
0x5d0: {  	v0 =	vld [tilespmem:s23+$0x10]  }
0x5d1: {  	v7 =	vld.idx.msk [tilespmem:v4+s11+$0x0], $0xffff  }
0x5d2: {  	v6 =	vld.idx.msk [tilespmem:v2+s11+$0x0], $0xffff  }
0x5d3: {  	s21 =	simm.s32 $0x11620;
	v3 =	vld.idx.msk [tilespmem:v3+s11+$0x0], $0xffff  }
0x5d4: {  	v2 =	vld.idx.msk [tilespmem:v10+s11+$0x0], $0xffff;
	[tilespmem:s21+$0x20] =	vst v8  }
0x5d5: {  	s22 =	simm.s32 $0x50;
	v4 =	vld.idx.msk [tilespmem:v11+s11+$0x0], $0xffff;
	s23 =	simm.s32 $0xC0;
	[tilespmem:s21+$0xFFFFFFF0] =	vst v9  }
.LBB2_66:
0x5d6: {  	v8 =	vld [tilespmem:s23+$0x20];
	s22 =	sadd.s32 $0x50, s22  }
0x5d7: {  	v9 =	vld [tilespmem:s23+$0xFFFFFFF0];
	p0 =	slt.u32 s22, $0x3ED0;
	[tilespmem:s21+$0xFFFFFFE0] =	vst v7  }
0x5d8: {  	v10 =	vld [tilespmem:s23+$0x0];
	[tilespmem:s21+$0x0] =	vst v6  }
0x5d9: {  	v11 =	vld [tilespmem:s23+$0x10];
	[tilespmem:s21+$0x10] =	vst v3;
	s21 =	sadd.s32 $0x50, s21  }
0x5da: {  	v12 =	vld [tilespmem:s23+$0xFFFFFFE0];
	[tilespmem:s21+$0x20] =	vst v2  }
.Ltmp32:
0x5db: {  	v7 =	vld.idx.msk [tilespmem:v5+s11+$0x0], $0xffff;
	[tilespmem:s21+$0xFFFFFFF0] =	vst v4;
	(pc) =	sbr.rel @p0 .LBB2_66-.Ltmp32, $4  }
0x5dc: {  	v6 =	vld.idx.msk [tilespmem:v1+s11+$0x0], $0xffff  }
0x5dd: {  	v3 =	vld.idx.msk [tilespmem:v0+s11+$0x0], $0xffff;
	v1 =	vmov v10  }
0x5de: {  	v2 =	vld.idx.msk [tilespmem:v8+s11+$0x0], $0xffff;
	v0 =	vmov v11  }
0x5df: {  	s23 =	sadd.s32 $0x50, s23;
	v4 =	vld.idx.msk [tilespmem:v9+s11+$0x0], $0xffff;
	v5 =	vmov v12  }
0x5e0: {  	_ =	sdelay $0x3  }
0x5e1: {  	[tilespmem:s21+$0xFFFFFFE0] =	vst v7;
	v5 =	vld.idx.msk [tilespmem:v5+s11+$0x0], $0xffff  }
0x5e2: {  	v1 =	vld.idx.msk [tilespmem:v1+s11+$0x0], $0xffff;
	[tilespmem:s21+$0x0] =	vst v6  }
0x5e3: {  	s23 =	sadd.s32 $0x50, s21;
	v0 =	vld.idx.msk [tilespmem:v0+s11+$0x0], $0xffff;
	[tilespmem:s21+$0x10] =	vst v3  }
0x5e4: {  	[tilespmem:s23+$0x20] =	vst v2  }
0x5e5: {  	[tilespmem:s23+$0xFFFFFFF0] =	vst v4  }
0x5e6: {  	[tilespmem:s23+$0xFFFFFFE0] =	vst v5  }
0x5e7: {  	[tilespmem:s23+$0x0] =	vst v1  }
0x5e8: {  	[tilespmem:s23+$0x10] =	vst v0  }
0x5e9: {  	s21 =	sld [smem:$0x7ED];
	_ =	sdelay $0x2  }
0x5ea: {  	[hbm4b:s21+s2] =	stream.linear.scatter [tilespmem:s15], [sflag:$0x3], $0x3F20, $0x38;
	[tilespmem:$0x19500] =	vst v63  }
0x5eb: {  	_ =	swait.ge [sflag:s19], $0x3F70  }
0x5ec: {  	[sflag:s19] =	ssyncset.done $0x0  }
0x5ed: {  	s22 =	simm.s32 $0x3F60;
	[sflag:s19] =	ssyncadd.s32 $0xFFFFC090  }
0x5ee: {  	v0 =	vld [tilespmem:s22+$0x0]  }
0x5ef: {  	v1 =	vld [tilespmem:s22+$0xFFFFFFD0]  }
0x5f0: {  	v2 =	vld [tilespmem:s22+$0xFFFFFFE0]  }
0x5f1: {  	v3 =	vld [tilespmem:s22+$0xFFFFFFF0]  }
0x5f2: {  	s23 =	simm.s32 $0x3FB0;
	v4 =	vld [tilespmem:s22+$0xFFFFFFC0]  }
0x5f3: {  	v10 =	vld [tilespmem:s23+$0x0]  }
0x5f4: {  	v11 =	vld [tilespmem:s23+$0xFFFFFFD0]  }
0x5f5: {  	v5 =	vld [tilespmem:s23+$0xFFFFFFC0]  }
0x5f6: {  	v8 =	vld.idx.msk [tilespmem:v0+s11+$0x0], $0xffff  }
0x5f7: {  	v9 =	vld.idx.msk [tilespmem:v1+s11+$0x0], $0xffff  }
0x5f8: {  	v1 =	vld [tilespmem:s23+$0xFFFFFFE0]  }
0x5f9: {  	v0 =	vld [tilespmem:s23+$0xFFFFFFF0]  }
0x5fa: {  	v7 =	vld.idx.msk [tilespmem:v4+s11+$0x0], $0xffff  }
0x5fb: {  	v6 =	vld.idx.msk [tilespmem:v2+s11+$0x0], $0xffff  }
0x5fc: {  	s21 =	simm.s32 $0x155A0;
	v3 =	vld.idx.msk [tilespmem:v3+s11+$0x0], $0xffff  }
0x5fd: {  	v2 =	vld.idx.msk [tilespmem:v10+s11+$0x0], $0xffff;
	[tilespmem:s21+$0x20] =	vst v8  }
0x5fe: {  	s22 =	simm.s32 $0x50;
	v4 =	vld.idx.msk [tilespmem:v11+s11+$0x0], $0xffff;
	s23 =	simm.s32 $0x4000;
	[tilespmem:s21+$0xFFFFFFF0] =	vst v9  }
.LBB2_68:
0x5ff: {  	v8 =	vld [tilespmem:s23+$0x0];
	s22 =	sadd.s32 $0x50, s22  }
0x600: {  	v9 =	vld [tilespmem:s23+$0xFFFFFFD0];
	p0 =	slt.u32 s22, $0x3F20;
	[tilespmem:s21+$0xFFFFFFE0] =	vst v7  }
0x601: {  	v10 =	vld [tilespmem:s23+$0xFFFFFFE0];
	[tilespmem:s21+$0x0] =	vst v6  }
0x602: {  	v11 =	vld [tilespmem:s23+$0xFFFFFFF0];
	[tilespmem:s21+$0x10] =	vst v3;
	s21 =	sadd.s32 $0x50, s21  }
0x603: {  	v12 =	vld [tilespmem:s23+$0xFFFFFFC0];
	[tilespmem:s21+$0x20] =	vst v2  }
.Ltmp33:
0x604: {  	v7 =	vld.idx.msk [tilespmem:v5+s11+$0x0], $0xffff;
	[tilespmem:s21+$0xFFFFFFF0] =	vst v4;
	(pc) =	sbr.rel @p0 .LBB2_68-.Ltmp33, $4  }
0x605: {  	v6 =	vld.idx.msk [tilespmem:v1+s11+$0x0], $0xffff  }
0x606: {  	v3 =	vld.idx.msk [tilespmem:v0+s11+$0x0], $0xffff;
	v1 =	vmov v10  }
0x607: {  	v2 =	vld.idx.msk [tilespmem:v8+s11+$0x0], $0xffff;
	v0 =	vmov v11  }
0x608: {  	s23 =	sadd.s32 $0x50, s23;
	v4 =	vld.idx.msk [tilespmem:v9+s11+$0x0], $0xffff;
	v5 =	vmov v12  }
0x609: {  	_ =	sdelay $0x3  }
0x60a: {  	[tilespmem:s21+$0xFFFFFFE0] =	vst v7;
	v5 =	vld.idx.msk [tilespmem:v5+s11+$0x0], $0xffff  }
0x60b: {  	v1 =	vld.idx.msk [tilespmem:v1+s11+$0x0], $0xffff;
	[tilespmem:s21+$0x0] =	vst v6  }
0x60c: {  	s22 =	sadd.s32 $0x50, s21;
	v0 =	vld.idx.msk [tilespmem:v0+s11+$0x0], $0xffff;
	[tilespmem:s21+$0x10] =	vst v3  }
0x60d: {  	[tilespmem:s22+$0x20] =	vst v2  }
0x60e: {  	[tilespmem:s22+$0xFFFFFFF0] =	vst v4  }
0x60f: {  	[tilespmem:s22+$0xFFFFFFE0] =	vst v5  }
0x610: {  	[tilespmem:s22+$0x0] =	vst v1  }
0x611: {  	[tilespmem:s22+$0x10] =	vst v0  }
0x612: {  	s21 =	sld [smem:$0x7EE];
	_ =	sdelay $0x2  }
0x613: {  	[hbm4b:s21+s2] =	stream.linear.scatter [tilespmem:s16], [sflag:$0x4], $0x3F70, $0x38;
	[tilespmem:$0x19500] =	vst v63  }
0x614: {  	_ =	swait.ge [sflag:s17], $0x4B80  }
0x615: {  	[sflag:s17] =	ssyncset.done $0x0  }
0x616: {  	s23 =	rddreg [dreg:$0x15];
	[sflag:s17] =	ssyncadd.s32 $0xFFFFB480  }
0x617: {  	[tilespmem:s11], [sflag:$0x1] =	stream.linear.gather [hbm4b:s23+s2], $0x4B80, $0x38;
	[tilespmem:$0x19500] =	vst v63  }
0x618: {  	_ =	swait.ge [sflag:s18], $0x3F20  }
0x619: {  	[sflag:s18] =	ssyncset.done $0x0  }
0x61a: {  	s22 =	simm.s32 $0x20;
	[sflag:s18] =	ssyncadd.s32 $0xFFFFC0E0  }
0x61b: {  	v0 =	vld [tilespmem:s22+$0x20]  }
0x61c: {  	v1 =	vld [tilespmem:s22+$0xFFFFFFF0]  }
0x61d: {  	v2 =	vld [tilespmem:s22+$0x0]  }
0x61e: {  	v3 =	vld [tilespmem:s22+$0x10]  }
0x61f: {  	s23 =	simm.s32 $0x70;
	v4 =	vld [tilespmem:s22+$0xFFFFFFE0]  }
0x620: {  	v10 =	vld [tilespmem:s23+$0x20]  }
0x621: {  	v11 =	vld [tilespmem:s23+$0xFFFFFFF0]  }
0x622: {  	v5 =	vld [tilespmem:s23+$0xFFFFFFE0]  }
0x623: {  	v8 =	vld.idx.msk [tilespmem:v0+s14+$0x0], $0xffff  }
0x624: {  	v9 =	vld.idx.msk [tilespmem:v1+s14+$0x0], $0xffff  }
0x625: {  	v1 =	vld [tilespmem:s23+$0x0]  }
0x626: {  	v0 =	vld [tilespmem:s23+$0x10]  }
0x627: {  	v7 =	vld.idx.msk [tilespmem:v4+s14+$0x0], $0xffff  }
0x628: {  	v6 =	vld.idx.msk [tilespmem:v2+s14+$0x0], $0xffff  }
0x629: {  	s21 =	simm.s32 $0x11620;
	v3 =	vld.idx.msk [tilespmem:v3+s14+$0x0], $0xffff  }
0x62a: {  	v2 =	vld.idx.msk [tilespmem:v10+s14+$0x0], $0xffff;
	[tilespmem:s21+$0x20] =	vst v8  }
0x62b: {  	s22 =	simm.s32 $0x50;
	v4 =	vld.idx.msk [tilespmem:v11+s14+$0x0], $0xffff;
	s23 =	simm.s32 $0xC0;
	[tilespmem:s21+$0xFFFFFFF0] =	vst v9  }
.LBB2_70:
0x62c: {  	v8 =	vld [tilespmem:s23+$0x20];
	s22 =	sadd.s32 $0x50, s22  }
0x62d: {  	v9 =	vld [tilespmem:s23+$0xFFFFFFF0];
	p0 =	slt.u32 s22, $0x3ED0;
	[tilespmem:s21+$0xFFFFFFE0] =	vst v7  }
0x62e: {  	v10 =	vld [tilespmem:s23+$0x0];
	[tilespmem:s21+$0x0] =	vst v6  }
0x62f: {  	v11 =	vld [tilespmem:s23+$0x10];
	[tilespmem:s21+$0x10] =	vst v3;
	s21 =	sadd.s32 $0x50, s21  }
0x630: {  	v12 =	vld [tilespmem:s23+$0xFFFFFFE0];
	[tilespmem:s21+$0x20] =	vst v2  }
.Ltmp34:
0x631: {  	v7 =	vld.idx.msk [tilespmem:v5+s14+$0x0], $0xffff;
	[tilespmem:s21+$0xFFFFFFF0] =	vst v4;
	(pc) =	sbr.rel @p0 .LBB2_70-.Ltmp34, $4  }
0x632: {  	v6 =	vld.idx.msk [tilespmem:v1+s14+$0x0], $0xffff  }
0x633: {  	v3 =	vld.idx.msk [tilespmem:v0+s14+$0x0], $0xffff;
	v1 =	vmov v10  }
0x634: {  	v2 =	vld.idx.msk [tilespmem:v8+s14+$0x0], $0xffff;
	v0 =	vmov v11  }
0x635: {  	s23 =	sadd.s32 $0x50, s23;
	v4 =	vld.idx.msk [tilespmem:v9+s14+$0x0], $0xffff;
	v5 =	vmov v12  }
0x636: {  	_ =	sdelay $0x3  }
0x637: {  	[tilespmem:s21+$0xFFFFFFE0] =	vst v7;
	v5 =	vld.idx.msk [tilespmem:v5+s14+$0x0], $0xffff  }
0x638: {  	v1 =	vld.idx.msk [tilespmem:v1+s14+$0x0], $0xffff;
	[tilespmem:s21+$0x0] =	vst v6  }
0x639: {  	s23 =	sadd.s32 $0x50, s21;
	v0 =	vld.idx.msk [tilespmem:v0+s14+$0x0], $0xffff;
	[tilespmem:s21+$0x10] =	vst v3  }
0x63a: {  	[tilespmem:s23+$0x20] =	vst v2  }
0x63b: {  	[tilespmem:s23+$0xFFFFFFF0] =	vst v4  }
0x63c: {  	[tilespmem:s23+$0xFFFFFFE0] =	vst v5  }
0x63d: {  	[tilespmem:s23+$0x0] =	vst v1  }
0x63e: {  	[tilespmem:s23+$0x10] =	vst v0  }
0x63f: {  	s21 =	sld [smem:$0x7EF];
	_ =	sdelay $0x2  }
0x640: {  	[hbm4b:s21+s2] =	stream.linear.scatter [tilespmem:s15], [sflag:$0x3], $0x3F20, $0x38;
	[tilespmem:$0x19500] =	vst v63  }
0x641: {  	_ =	swait.ge [sflag:s19], $0x3F70  }
0x642: {  	[sflag:s19] =	ssyncset.done $0x0  }
0x643: {  	s22 =	simm.s32 $0x3F60;
	[sflag:s19] =	ssyncadd.s32 $0xFFFFC090  }
0x644: {  	v0 =	vld [tilespmem:s22+$0x0]  }
0x645: {  	v1 =	vld [tilespmem:s22+$0xFFFFFFD0]  }
0x646: {  	v2 =	vld [tilespmem:s22+$0xFFFFFFE0]  }
0x647: {  	v3 =	vld [tilespmem:s22+$0xFFFFFFF0]  }
0x648: {  	s23 =	simm.s32 $0x3FB0;
	v4 =	vld [tilespmem:s22+$0xFFFFFFC0]  }
0x649: {  	v10 =	vld [tilespmem:s23+$0x0]  }
0x64a: {  	v11 =	vld [tilespmem:s23+$0xFFFFFFD0]  }
0x64b: {  	v5 =	vld [tilespmem:s23+$0xFFFFFFC0]  }
0x64c: {  	v8 =	vld.idx.msk [tilespmem:v0+s14+$0x0], $0xffff  }
0x64d: {  	v9 =	vld.idx.msk [tilespmem:v1+s14+$0x0], $0xffff  }
0x64e: {  	v1 =	vld [tilespmem:s23+$0xFFFFFFE0]  }
0x64f: {  	v0 =	vld [tilespmem:s23+$0xFFFFFFF0]  }
0x650: {  	v7 =	vld.idx.msk [tilespmem:v4+s14+$0x0], $0xffff  }
0x651: {  	v6 =	vld.idx.msk [tilespmem:v2+s14+$0x0], $0xffff  }
0x652: {  	s21 =	simm.s32 $0x155A0;
	v3 =	vld.idx.msk [tilespmem:v3+s14+$0x0], $0xffff  }
0x653: {  	v2 =	vld.idx.msk [tilespmem:v10+s14+$0x0], $0xffff;
	[tilespmem:s21+$0x20] =	vst v8  }
0x654: {  	s22 =	simm.s32 $0x50;
	v4 =	vld.idx.msk [tilespmem:v11+s14+$0x0], $0xffff;
	s23 =	simm.s32 $0x4000;
	[tilespmem:s21+$0xFFFFFFF0] =	vst v9  }
.LBB2_72:
0x655: {  	v8 =	vld [tilespmem:s23+$0x0];
	s22 =	sadd.s32 $0x50, s22  }
0x656: {  	v9 =	vld [tilespmem:s23+$0xFFFFFFD0];
	p0 =	slt.u32 s22, $0x3F20;
	[tilespmem:s21+$0xFFFFFFE0] =	vst v7  }
0x657: {  	v10 =	vld [tilespmem:s23+$0xFFFFFFE0];
	[tilespmem:s21+$0x0] =	vst v6  }
0x658: {  	v11 =	vld [tilespmem:s23+$0xFFFFFFF0];
	[tilespmem:s21+$0x10] =	vst v3;
	s21 =	sadd.s32 $0x50, s21  }
0x659: {  	v12 =	vld [tilespmem:s23+$0xFFFFFFC0];
	[tilespmem:s21+$0x20] =	vst v2  }
.Ltmp35:
0x65a: {  	v7 =	vld.idx.msk [tilespmem:v5+s14+$0x0], $0xffff;
	[tilespmem:s21+$0xFFFFFFF0] =	vst v4;
	(pc) =	sbr.rel @p0 .LBB2_72-.Ltmp35, $4  }
0x65b: {  	v6 =	vld.idx.msk [tilespmem:v1+s14+$0x0], $0xffff  }
0x65c: {  	v3 =	vld.idx.msk [tilespmem:v0+s14+$0x0], $0xffff;
	v1 =	vmov v10  }
0x65d: {  	v2 =	vld.idx.msk [tilespmem:v8+s14+$0x0], $0xffff;
	v0 =	vmov v11  }
0x65e: {  	s23 =	sadd.s32 $0x50, s23;
	v4 =	vld.idx.msk [tilespmem:v9+s14+$0x0], $0xffff;
	v5 =	vmov v12  }
0x65f: {  	_ =	sdelay $0x3  }
0x660: {  	[tilespmem:s21+$0xFFFFFFE0] =	vst v7;
	v5 =	vld.idx.msk [tilespmem:v5+s14+$0x0], $0xffff  }
0x661: {  	v1 =	vld.idx.msk [tilespmem:v1+s14+$0x0], $0xffff;
	[tilespmem:s21+$0x0] =	vst v6  }
0x662: {  	s22 =	sadd.s32 $0x50, s21;
	v0 =	vld.idx.msk [tilespmem:v0+s14+$0x0], $0xffff;
	[tilespmem:s21+$0x10] =	vst v3  }
0x663: {  	[tilespmem:s22+$0x20] =	vst v2  }
0x664: {  	[tilespmem:s22+$0xFFFFFFF0] =	vst v4  }
0x665: {  	[tilespmem:s22+$0xFFFFFFE0] =	vst v5  }
0x666: {  	[tilespmem:s22+$0x0] =	vst v1  }
0x667: {  	[tilespmem:s22+$0x10] =	vst v0  }
0x668: {  	s21 =	sld [smem:$0x7F0];
	_ =	sdelay $0x2  }
0x669: {  	[hbm4b:s21+s2] =	stream.linear.scatter [tilespmem:s16], [sflag:$0x4], $0x3F70, $0x38;
	[tilespmem:$0x19500] =	vst v63  }
0x66a: {  	_ =	swait.ge [sflag:s13], $0x4B80  }
0x66b: {  	[sflag:s13] =	ssyncset.done $0x0  }
0x66c: {  	s23 =	rddreg [dreg:$0x16];
	[sflag:s13] =	ssyncadd.s32 $0xFFFFB480  }
0x66d: {  	[tilespmem:s14], [sflag:$0x2] =	stream.linear.gather [hbm4b:s23+s2], $0x4B80, $0x38;
	[tilespmem:$0x19500] =	vst v63  }
0x66e: {  	_ =	swait.ge [sflag:s18], $0x3F20  }
0x66f: {  	[sflag:s18] =	ssyncset.done $0x0  }
0x670: {  	s22 =	simm.s32 $0x20;
	[sflag:s18] =	ssyncadd.s32 $0xFFFFC0E0  }
0x671: {  	v0 =	vld [tilespmem:s22+$0x20]  }
0x672: {  	v1 =	vld [tilespmem:s22+$0xFFFFFFF0]  }
0x673: {  	v2 =	vld [tilespmem:s22+$0x0]  }
0x674: {  	v3 =	vld [tilespmem:s22+$0x10]  }
0x675: {  	s23 =	simm.s32 $0x70;
	v4 =	vld [tilespmem:s22+$0xFFFFFFE0]  }
0x676: {  	v10 =	vld [tilespmem:s23+$0x20]  }
0x677: {  	v11 =	vld [tilespmem:s23+$0xFFFFFFF0]  }
0x678: {  	v5 =	vld [tilespmem:s23+$0xFFFFFFE0]  }
0x679: {  	v8 =	vld.idx.msk [tilespmem:v0+s11+$0x0], $0xffff  }
0x67a: {  	v9 =	vld.idx.msk [tilespmem:v1+s11+$0x0], $0xffff  }
0x67b: {  	v1 =	vld [tilespmem:s23+$0x0]  }
0x67c: {  	v0 =	vld [tilespmem:s23+$0x10]  }
0x67d: {  	v7 =	vld.idx.msk [tilespmem:v4+s11+$0x0], $0xffff  }
0x67e: {  	v6 =	vld.idx.msk [tilespmem:v2+s11+$0x0], $0xffff  }
0x67f: {  	s21 =	simm.s32 $0x11620;
	v3 =	vld.idx.msk [tilespmem:v3+s11+$0x0], $0xffff  }
0x680: {  	v2 =	vld.idx.msk [tilespmem:v10+s11+$0x0], $0xffff;
	[tilespmem:s21+$0x20] =	vst v8  }
0x681: {  	s22 =	simm.s32 $0x50;
	v4 =	vld.idx.msk [tilespmem:v11+s11+$0x0], $0xffff;
	s23 =	simm.s32 $0xC0;
	[tilespmem:s21+$0xFFFFFFF0] =	vst v9  }
.LBB2_74:
0x682: {  	v8 =	vld [tilespmem:s23+$0x20];
	s22 =	sadd.s32 $0x50, s22  }
0x683: {  	v9 =	vld [tilespmem:s23+$0xFFFFFFF0];
	p0 =	slt.u32 s22, $0x3ED0;
	[tilespmem:s21+$0xFFFFFFE0] =	vst v7  }
0x684: {  	v10 =	vld [tilespmem:s23+$0x0];
	[tilespmem:s21+$0x0] =	vst v6  }
0x685: {  	v11 =	vld [tilespmem:s23+$0x10];
	[tilespmem:s21+$0x10] =	vst v3;
	s21 =	sadd.s32 $0x50, s21  }
0x686: {  	v12 =	vld [tilespmem:s23+$0xFFFFFFE0];
	[tilespmem:s21+$0x20] =	vst v2  }
.Ltmp36:
0x687: {  	v7 =	vld.idx.msk [tilespmem:v5+s11+$0x0], $0xffff;
	[tilespmem:s21+$0xFFFFFFF0] =	vst v4;
	(pc) =	sbr.rel @p0 .LBB2_74-.Ltmp36, $4  }
0x688: {  	v6 =	vld.idx.msk [tilespmem:v1+s11+$0x0], $0xffff  }
0x689: {  	v3 =	vld.idx.msk [tilespmem:v0+s11+$0x0], $0xffff;
	v1 =	vmov v10  }
0x68a: {  	v2 =	vld.idx.msk [tilespmem:v8+s11+$0x0], $0xffff;
	v0 =	vmov v11  }
0x68b: {  	s23 =	sadd.s32 $0x50, s23;
	v4 =	vld.idx.msk [tilespmem:v9+s11+$0x0], $0xffff;
	v5 =	vmov v12  }
0x68c: {  	_ =	sdelay $0x3  }
0x68d: {  	[tilespmem:s21+$0xFFFFFFE0] =	vst v7;
	v5 =	vld.idx.msk [tilespmem:v5+s11+$0x0], $0xffff  }
0x68e: {  	v1 =	vld.idx.msk [tilespmem:v1+s11+$0x0], $0xffff;
	[tilespmem:s21+$0x0] =	vst v6  }
0x68f: {  	s23 =	sadd.s32 $0x50, s21;
	v0 =	vld.idx.msk [tilespmem:v0+s11+$0x0], $0xffff;
	[tilespmem:s21+$0x10] =	vst v3  }
0x690: {  	[tilespmem:s23+$0x20] =	vst v2  }
0x691: {  	[tilespmem:s23+$0xFFFFFFF0] =	vst v4  }
0x692: {  	[tilespmem:s23+$0xFFFFFFE0] =	vst v5  }
0x693: {  	[tilespmem:s23+$0x0] =	vst v1  }
0x694: {  	[tilespmem:s23+$0x10] =	vst v0  }
0x695: {  	s21 =	sld [smem:$0x7F1];
	_ =	sdelay $0x2  }
0x696: {  	[hbm4b:s21+s2] =	stream.linear.scatter [tilespmem:s15], [sflag:$0x3], $0x3F20, $0x38;
	[tilespmem:$0x19500] =	vst v63  }
0x697: {  	_ =	swait.ge [sflag:s19], $0x3F70  }
0x698: {  	[sflag:s19] =	ssyncset.done $0x0  }
0x699: {  	s22 =	simm.s32 $0x3F60;
	[sflag:s19] =	ssyncadd.s32 $0xFFFFC090  }
0x69a: {  	v0 =	vld [tilespmem:s22+$0x0]  }
0x69b: {  	v1 =	vld [tilespmem:s22+$0xFFFFFFD0]  }
0x69c: {  	v2 =	vld [tilespmem:s22+$0xFFFFFFE0]  }
0x69d: {  	v3 =	vld [tilespmem:s22+$0xFFFFFFF0]  }
0x69e: {  	s23 =	simm.s32 $0x3FB0;
	v4 =	vld [tilespmem:s22+$0xFFFFFFC0]  }
0x69f: {  	v10 =	vld [tilespmem:s23+$0x0]  }
0x6a0: {  	v11 =	vld [tilespmem:s23+$0xFFFFFFD0]  }
0x6a1: {  	v5 =	vld [tilespmem:s23+$0xFFFFFFC0]  }
0x6a2: {  	v8 =	vld.idx.msk [tilespmem:v0+s11+$0x0], $0xffff  }
0x6a3: {  	v9 =	vld.idx.msk [tilespmem:v1+s11+$0x0], $0xffff  }
0x6a4: {  	v1 =	vld [tilespmem:s23+$0xFFFFFFE0]  }
0x6a5: {  	v0 =	vld [tilespmem:s23+$0xFFFFFFF0]  }
0x6a6: {  	v7 =	vld.idx.msk [tilespmem:v4+s11+$0x0], $0xffff  }
0x6a7: {  	v6 =	vld.idx.msk [tilespmem:v2+s11+$0x0], $0xffff  }
0x6a8: {  	s21 =	simm.s32 $0x155A0;
	v3 =	vld.idx.msk [tilespmem:v3+s11+$0x0], $0xffff  }
0x6a9: {  	v2 =	vld.idx.msk [tilespmem:v10+s11+$0x0], $0xffff;
	[tilespmem:s21+$0x20] =	vst v8  }
0x6aa: {  	s22 =	simm.s32 $0x50;
	v4 =	vld.idx.msk [tilespmem:v11+s11+$0x0], $0xffff;
	s23 =	simm.s32 $0x4000;
	[tilespmem:s21+$0xFFFFFFF0] =	vst v9  }
.LBB2_76:
0x6ab: {  	v8 =	vld [tilespmem:s23+$0x0];
	s22 =	sadd.s32 $0x50, s22  }
0x6ac: {  	v9 =	vld [tilespmem:s23+$0xFFFFFFD0];
	p0 =	slt.u32 s22, $0x3F20;
	[tilespmem:s21+$0xFFFFFFE0] =	vst v7  }
0x6ad: {  	v10 =	vld [tilespmem:s23+$0xFFFFFFE0];
	[tilespmem:s21+$0x0] =	vst v6  }
0x6ae: {  	v11 =	vld [tilespmem:s23+$0xFFFFFFF0];
	[tilespmem:s21+$0x10] =	vst v3;
	s21 =	sadd.s32 $0x50, s21  }
0x6af: {  	v12 =	vld [tilespmem:s23+$0xFFFFFFC0];
	[tilespmem:s21+$0x20] =	vst v2  }
.Ltmp37:
0x6b0: {  	v7 =	vld.idx.msk [tilespmem:v5+s11+$0x0], $0xffff;
	[tilespmem:s21+$0xFFFFFFF0] =	vst v4;
	(pc) =	sbr.rel @p0 .LBB2_76-.Ltmp37, $4  }
0x6b1: {  	v6 =	vld.idx.msk [tilespmem:v1+s11+$0x0], $0xffff  }
0x6b2: {  	v3 =	vld.idx.msk [tilespmem:v0+s11+$0x0], $0xffff;
	v1 =	vmov v10  }
0x6b3: {  	v2 =	vld.idx.msk [tilespmem:v8+s11+$0x0], $0xffff;
	v0 =	vmov v11  }
0x6b4: {  	s23 =	sadd.s32 $0x50, s23;
	v4 =	vld.idx.msk [tilespmem:v9+s11+$0x0], $0xffff;
	v5 =	vmov v12  }
0x6b5: {  	_ =	sdelay $0x3  }
0x6b6: {  	[tilespmem:s21+$0xFFFFFFE0] =	vst v7;
	v5 =	vld.idx.msk [tilespmem:v5+s11+$0x0], $0xffff  }
0x6b7: {  	v1 =	vld.idx.msk [tilespmem:v1+s11+$0x0], $0xffff;
	[tilespmem:s21+$0x0] =	vst v6  }
0x6b8: {  	s22 =	sadd.s32 $0x50, s21;
	v0 =	vld.idx.msk [tilespmem:v0+s11+$0x0], $0xffff;
	[tilespmem:s21+$0x10] =	vst v3  }
0x6b9: {  	[tilespmem:s22+$0x20] =	vst v2  }
0x6ba: {  	[tilespmem:s22+$0xFFFFFFF0] =	vst v4  }
0x6bb: {  	[tilespmem:s22+$0xFFFFFFE0] =	vst v5  }
0x6bc: {  	[tilespmem:s22+$0x0] =	vst v1  }
0x6bd: {  	[tilespmem:s22+$0x10] =	vst v0  }
0x6be: {  	s21 =	sld [smem:$0x7F2];
	_ =	sdelay $0x2  }
0x6bf: {  	[hbm4b:s21+s2] =	stream.linear.scatter [tilespmem:s16], [sflag:$0x4], $0x3F70, $0x38;
	[tilespmem:$0x19500] =	vst v63  }
0x6c0: {  	_ =	swait.ge [sflag:s17], $0x4B80  }
0x6c1: {  	[sflag:s17] =	ssyncset.done $0x0  }
0x6c2: {  	s23 =	rddreg [dreg:$0x17];
	[sflag:s17] =	ssyncadd.s32 $0xFFFFB480  }
0x6c3: {  	[tilespmem:s11], [sflag:$0x1] =	stream.linear.gather [hbm4b:s23+s2], $0x4B80, $0x38;
	[tilespmem:$0x19500] =	vst v63  }
0x6c4: {  	_ =	swait.ge [sflag:s18], $0x3F20  }
0x6c5: {  	[sflag:s18] =	ssyncset.done $0x0  }
0x6c6: {  	s22 =	simm.s32 $0x20;
	[sflag:s18] =	ssyncadd.s32 $0xFFFFC0E0  }
0x6c7: {  	v0 =	vld [tilespmem:s22+$0x20]  }
0x6c8: {  	v1 =	vld [tilespmem:s22+$0xFFFFFFF0]  }
0x6c9: {  	v2 =	vld [tilespmem:s22+$0x0]  }
0x6ca: {  	v3 =	vld [tilespmem:s22+$0x10]  }
0x6cb: {  	s23 =	simm.s32 $0x70;
	v4 =	vld [tilespmem:s22+$0xFFFFFFE0]  }
0x6cc: {  	v10 =	vld [tilespmem:s23+$0x20]  }
0x6cd: {  	v11 =	vld [tilespmem:s23+$0xFFFFFFF0]  }
0x6ce: {  	v5 =	vld [tilespmem:s23+$0xFFFFFFE0]  }
0x6cf: {  	v8 =	vld.idx.msk [tilespmem:v0+s14+$0x0], $0xffff  }
0x6d0: {  	v9 =	vld.idx.msk [tilespmem:v1+s14+$0x0], $0xffff  }
0x6d1: {  	v1 =	vld [tilespmem:s23+$0x0]  }
0x6d2: {  	v0 =	vld [tilespmem:s23+$0x10]  }
0x6d3: {  	v7 =	vld.idx.msk [tilespmem:v4+s14+$0x0], $0xffff  }
0x6d4: {  	v6 =	vld.idx.msk [tilespmem:v2+s14+$0x0], $0xffff  }
0x6d5: {  	s21 =	simm.s32 $0x11620;
	v3 =	vld.idx.msk [tilespmem:v3+s14+$0x0], $0xffff  }
0x6d6: {  	v2 =	vld.idx.msk [tilespmem:v10+s14+$0x0], $0xffff;
	[tilespmem:s21+$0x20] =	vst v8  }
0x6d7: {  	s22 =	simm.s32 $0x50;
	v4 =	vld.idx.msk [tilespmem:v11+s14+$0x0], $0xffff;
	s23 =	simm.s32 $0xC0;
	[tilespmem:s21+$0xFFFFFFF0] =	vst v9  }
.LBB2_78:
0x6d8: {  	v8 =	vld [tilespmem:s23+$0x20];
	s22 =	sadd.s32 $0x50, s22  }
0x6d9: {  	v9 =	vld [tilespmem:s23+$0xFFFFFFF0];
	p0 =	slt.u32 s22, $0x3ED0;
	[tilespmem:s21+$0xFFFFFFE0] =	vst v7  }
0x6da: {  	v10 =	vld [tilespmem:s23+$0x0];
	[tilespmem:s21+$0x0] =	vst v6  }
0x6db: {  	v11 =	vld [tilespmem:s23+$0x10];
	[tilespmem:s21+$0x10] =	vst v3;
	s21 =	sadd.s32 $0x50, s21  }
0x6dc: {  	v12 =	vld [tilespmem:s23+$0xFFFFFFE0];
	[tilespmem:s21+$0x20] =	vst v2  }
.Ltmp38:
0x6dd: {  	v7 =	vld.idx.msk [tilespmem:v5+s14+$0x0], $0xffff;
	[tilespmem:s21+$0xFFFFFFF0] =	vst v4;
	(pc) =	sbr.rel @p0 .LBB2_78-.Ltmp38, $4  }
0x6de: {  	v6 =	vld.idx.msk [tilespmem:v1+s14+$0x0], $0xffff  }
0x6df: {  	v3 =	vld.idx.msk [tilespmem:v0+s14+$0x0], $0xffff;
	v1 =	vmov v10  }
0x6e0: {  	v2 =	vld.idx.msk [tilespmem:v8+s14+$0x0], $0xffff;
	v0 =	vmov v11  }
0x6e1: {  	s23 =	sadd.s32 $0x50, s23;
	v4 =	vld.idx.msk [tilespmem:v9+s14+$0x0], $0xffff;
	v5 =	vmov v12  }
0x6e2: {  	_ =	sdelay $0x3  }
0x6e3: {  	[tilespmem:s21+$0xFFFFFFE0] =	vst v7;
	v5 =	vld.idx.msk [tilespmem:v5+s14+$0x0], $0xffff  }
0x6e4: {  	v1 =	vld.idx.msk [tilespmem:v1+s14+$0x0], $0xffff;
	[tilespmem:s21+$0x0] =	vst v6  }
0x6e5: {  	s23 =	sadd.s32 $0x50, s21;
	v0 =	vld.idx.msk [tilespmem:v0+s14+$0x0], $0xffff;
	[tilespmem:s21+$0x10] =	vst v3  }
0x6e6: {  	[tilespmem:s23+$0x20] =	vst v2  }
0x6e7: {  	[tilespmem:s23+$0xFFFFFFF0] =	vst v4  }
0x6e8: {  	[tilespmem:s23+$0xFFFFFFE0] =	vst v5  }
0x6e9: {  	[tilespmem:s23+$0x0] =	vst v1  }
0x6ea: {  	[tilespmem:s23+$0x10] =	vst v0  }
0x6eb: {  	s21 =	sld [smem:$0x7F3];
	_ =	sdelay $0x2  }
0x6ec: {  	[hbm4b:s21+s2] =	stream.linear.scatter [tilespmem:s15], [sflag:$0x3], $0x3F20, $0x38;
	[tilespmem:$0x19500] =	vst v63  }
0x6ed: {  	_ =	swait.ge [sflag:s19], $0x3F70  }
0x6ee: {  	[sflag:s19] =	ssyncset.done $0x0  }
0x6ef: {  	s22 =	simm.s32 $0x3F60;
	[sflag:s19] =	ssyncadd.s32 $0xFFFFC090  }
0x6f0: {  	v0 =	vld [tilespmem:s22+$0x0]  }
0x6f1: {  	v1 =	vld [tilespmem:s22+$0xFFFFFFD0]  }
0x6f2: {  	v2 =	vld [tilespmem:s22+$0xFFFFFFE0]  }
0x6f3: {  	v3 =	vld [tilespmem:s22+$0xFFFFFFF0]  }
0x6f4: {  	s23 =	simm.s32 $0x3FB0;
	v4 =	vld [tilespmem:s22+$0xFFFFFFC0]  }
0x6f5: {  	v10 =	vld [tilespmem:s23+$0x0]  }
0x6f6: {  	v11 =	vld [tilespmem:s23+$0xFFFFFFD0]  }
0x6f7: {  	v5 =	vld [tilespmem:s23+$0xFFFFFFC0]  }
0x6f8: {  	v8 =	vld.idx.msk [tilespmem:v0+s14+$0x0], $0xffff  }
0x6f9: {  	v9 =	vld.idx.msk [tilespmem:v1+s14+$0x0], $0xffff  }
0x6fa: {  	v1 =	vld [tilespmem:s23+$0xFFFFFFE0]  }
0x6fb: {  	v0 =	vld [tilespmem:s23+$0xFFFFFFF0]  }
0x6fc: {  	v7 =	vld.idx.msk [tilespmem:v4+s14+$0x0], $0xffff  }
0x6fd: {  	v6 =	vld.idx.msk [tilespmem:v2+s14+$0x0], $0xffff  }
0x6fe: {  	s21 =	simm.s32 $0x155A0;
	v3 =	vld.idx.msk [tilespmem:v3+s14+$0x0], $0xffff  }
0x6ff: {  	v2 =	vld.idx.msk [tilespmem:v10+s14+$0x0], $0xffff;
	[tilespmem:s21+$0x20] =	vst v8  }
0x700: {  	s22 =	simm.s32 $0x50;
	v4 =	vld.idx.msk [tilespmem:v11+s14+$0x0], $0xffff;
	s23 =	simm.s32 $0x4000;
	[tilespmem:s21+$0xFFFFFFF0] =	vst v9  }
.LBB2_80:
0x701: {  	v8 =	vld [tilespmem:s23+$0x0];
	s22 =	sadd.s32 $0x50, s22  }
0x702: {  	v9 =	vld [tilespmem:s23+$0xFFFFFFD0];
	p0 =	slt.u32 s22, $0x3F20;
	[tilespmem:s21+$0xFFFFFFE0] =	vst v7  }
0x703: {  	v10 =	vld [tilespmem:s23+$0xFFFFFFE0];
	[tilespmem:s21+$0x0] =	vst v6  }
0x704: {  	v11 =	vld [tilespmem:s23+$0xFFFFFFF0];
	[tilespmem:s21+$0x10] =	vst v3;
	s21 =	sadd.s32 $0x50, s21  }
0x705: {  	v12 =	vld [tilespmem:s23+$0xFFFFFFC0];
	[tilespmem:s21+$0x20] =	vst v2  }
.Ltmp39:
0x706: {  	v7 =	vld.idx.msk [tilespmem:v5+s14+$0x0], $0xffff;
	[tilespmem:s21+$0xFFFFFFF0] =	vst v4;
	(pc) =	sbr.rel @p0 .LBB2_80-.Ltmp39, $4  }
0x707: {  	v6 =	vld.idx.msk [tilespmem:v1+s14+$0x0], $0xffff  }
0x708: {  	v3 =	vld.idx.msk [tilespmem:v0+s14+$0x0], $0xffff;
	v1 =	vmov v10  }
0x709: {  	v2 =	vld.idx.msk [tilespmem:v8+s14+$0x0], $0xffff;
	v0 =	vmov v11  }
0x70a: {  	s23 =	sadd.s32 $0x50, s23;
	v4 =	vld.idx.msk [tilespmem:v9+s14+$0x0], $0xffff;
	v5 =	vmov v12  }
0x70b: {  	_ =	sdelay $0x3  }
0x70c: {  	[tilespmem:s21+$0xFFFFFFE0] =	vst v7;
	v5 =	vld.idx.msk [tilespmem:v5+s14+$0x0], $0xffff  }
0x70d: {  	v1 =	vld.idx.msk [tilespmem:v1+s14+$0x0], $0xffff;
	[tilespmem:s21+$0x0] =	vst v6  }
0x70e: {  	s22 =	sadd.s32 $0x50, s21;
	v0 =	vld.idx.msk [tilespmem:v0+s14+$0x0], $0xffff;
	[tilespmem:s21+$0x10] =	vst v3  }
0x70f: {  	[tilespmem:s22+$0x20] =	vst v2  }
0x710: {  	[tilespmem:s22+$0xFFFFFFF0] =	vst v4  }
0x711: {  	[tilespmem:s22+$0xFFFFFFE0] =	vst v5  }
0x712: {  	[tilespmem:s22+$0x0] =	vst v1  }
0x713: {  	[tilespmem:s22+$0x10] =	vst v0  }
0x714: {  	s21 =	sld [smem:$0x7F4];
	_ =	sdelay $0x2  }
0x715: {  	[hbm4b:s21+s2] =	stream.linear.scatter [tilespmem:s16], [sflag:$0x4], $0x3F70, $0x38;
	[tilespmem:$0x19500] =	vst v63  }
0x716: {  	_ =	swait.ge [sflag:s13], $0x4B80  }
0x717: {  	[sflag:s13] =	ssyncset.done $0x0  }
0x718: {  	s23 =	rddreg [dreg:$0x18];
	[sflag:s13] =	ssyncadd.s32 $0xFFFFB480  }
0x719: {  	[tilespmem:s14], [sflag:$0x2] =	stream.linear.gather [hbm4b:s23+s2], $0x4B80, $0x38;
	[tilespmem:$0x19500] =	vst v63  }
0x71a: {  	_ =	swait.ge [sflag:s18], $0x3F20  }
0x71b: {  	[sflag:s18] =	ssyncset.done $0x0  }
0x71c: {  	s22 =	simm.s32 $0x20;
	[sflag:s18] =	ssyncadd.s32 $0xFFFFC0E0  }
0x71d: {  	v0 =	vld [tilespmem:s22+$0x20]  }
0x71e: {  	v1 =	vld [tilespmem:s22+$0xFFFFFFF0]  }
0x71f: {  	v2 =	vld [tilespmem:s22+$0x0]  }
0x720: {  	v3 =	vld [tilespmem:s22+$0x10]  }
0x721: {  	s23 =	simm.s32 $0x70;
	v4 =	vld [tilespmem:s22+$0xFFFFFFE0]  }
0x722: {  	v10 =	vld [tilespmem:s23+$0x20]  }
0x723: {  	v11 =	vld [tilespmem:s23+$0xFFFFFFF0]  }
0x724: {  	v5 =	vld [tilespmem:s23+$0xFFFFFFE0]  }
0x725: {  	v8 =	vld.idx.msk [tilespmem:v0+s11+$0x0], $0xffff  }
0x726: {  	v9 =	vld.idx.msk [tilespmem:v1+s11+$0x0], $0xffff  }
0x727: {  	v1 =	vld [tilespmem:s23+$0x0]  }
0x728: {  	v0 =	vld [tilespmem:s23+$0x10]  }
0x729: {  	v7 =	vld.idx.msk [tilespmem:v4+s11+$0x0], $0xffff  }
0x72a: {  	v6 =	vld.idx.msk [tilespmem:v2+s11+$0x0], $0xffff  }
0x72b: {  	s21 =	simm.s32 $0x11620;
	v3 =	vld.idx.msk [tilespmem:v3+s11+$0x0], $0xffff  }
0x72c: {  	v2 =	vld.idx.msk [tilespmem:v10+s11+$0x0], $0xffff;
	[tilespmem:s21+$0x20] =	vst v8  }
0x72d: {  	s22 =	simm.s32 $0x50;
	v4 =	vld.idx.msk [tilespmem:v11+s11+$0x0], $0xffff;
	s23 =	simm.s32 $0xC0;
	[tilespmem:s21+$0xFFFFFFF0] =	vst v9  }
.LBB2_82:
0x72e: {  	v8 =	vld [tilespmem:s23+$0x20];
	s22 =	sadd.s32 $0x50, s22  }
0x72f: {  	v9 =	vld [tilespmem:s23+$0xFFFFFFF0];
	p0 =	slt.u32 s22, $0x3ED0;
	[tilespmem:s21+$0xFFFFFFE0] =	vst v7  }
0x730: {  	v10 =	vld [tilespmem:s23+$0x0];
	[tilespmem:s21+$0x0] =	vst v6  }
0x731: {  	v11 =	vld [tilespmem:s23+$0x10];
	[tilespmem:s21+$0x10] =	vst v3;
	s21 =	sadd.s32 $0x50, s21  }
0x732: {  	v12 =	vld [tilespmem:s23+$0xFFFFFFE0];
	[tilespmem:s21+$0x20] =	vst v2  }
.Ltmp40:
0x733: {  	v7 =	vld.idx.msk [tilespmem:v5+s11+$0x0], $0xffff;
	[tilespmem:s21+$0xFFFFFFF0] =	vst v4;
	(pc) =	sbr.rel @p0 .LBB2_82-.Ltmp40, $4  }
0x734: {  	v6 =	vld.idx.msk [tilespmem:v1+s11+$0x0], $0xffff  }
0x735: {  	v3 =	vld.idx.msk [tilespmem:v0+s11+$0x0], $0xffff;
	v1 =	vmov v10  }
0x736: {  	v2 =	vld.idx.msk [tilespmem:v8+s11+$0x0], $0xffff;
	v0 =	vmov v11  }
0x737: {  	s23 =	sadd.s32 $0x50, s23;
	v4 =	vld.idx.msk [tilespmem:v9+s11+$0x0], $0xffff;
	v5 =	vmov v12  }
0x738: {  	_ =	sdelay $0x3  }
0x739: {  	[tilespmem:s21+$0xFFFFFFE0] =	vst v7;
	v5 =	vld.idx.msk [tilespmem:v5+s11+$0x0], $0xffff  }
0x73a: {  	v1 =	vld.idx.msk [tilespmem:v1+s11+$0x0], $0xffff;
	[tilespmem:s21+$0x0] =	vst v6  }
0x73b: {  	s23 =	sadd.s32 $0x50, s21;
	v0 =	vld.idx.msk [tilespmem:v0+s11+$0x0], $0xffff;
	[tilespmem:s21+$0x10] =	vst v3  }
0x73c: {  	[tilespmem:s23+$0x20] =	vst v2  }
0x73d: {  	[tilespmem:s23+$0xFFFFFFF0] =	vst v4  }
0x73e: {  	[tilespmem:s23+$0xFFFFFFE0] =	vst v5  }
0x73f: {  	[tilespmem:s23+$0x0] =	vst v1  }
0x740: {  	[tilespmem:s23+$0x10] =	vst v0  }
0x741: {  	s21 =	sld [smem:$0x7F5];
	_ =	sdelay $0x2  }
0x742: {  	[hbm4b:s21+s2] =	stream.linear.scatter [tilespmem:s15], [sflag:$0x3], $0x3F20, $0x38;
	[tilespmem:$0x19500] =	vst v63  }
0x743: {  	_ =	swait.ge [sflag:s19], $0x3F70  }
0x744: {  	[sflag:s19] =	ssyncset.done $0x0  }
0x745: {  	s22 =	simm.s32 $0x3F60;
	[sflag:s19] =	ssyncadd.s32 $0xFFFFC090  }
0x746: {  	v0 =	vld [tilespmem:s22+$0x0]  }
0x747: {  	v1 =	vld [tilespmem:s22+$0xFFFFFFD0]  }
0x748: {  	v2 =	vld [tilespmem:s22+$0xFFFFFFE0]  }
0x749: {  	v3 =	vld [tilespmem:s22+$0xFFFFFFF0]  }
0x74a: {  	s23 =	simm.s32 $0x3FB0;
	v4 =	vld [tilespmem:s22+$0xFFFFFFC0]  }
0x74b: {  	v10 =	vld [tilespmem:s23+$0x0]  }
0x74c: {  	v11 =	vld [tilespmem:s23+$0xFFFFFFD0]  }
0x74d: {  	v5 =	vld [tilespmem:s23+$0xFFFFFFC0]  }
0x74e: {  	v8 =	vld.idx.msk [tilespmem:v0+s11+$0x0], $0xffff  }
0x74f: {  	v9 =	vld.idx.msk [tilespmem:v1+s11+$0x0], $0xffff  }
0x750: {  	v1 =	vld [tilespmem:s23+$0xFFFFFFE0]  }
0x751: {  	v0 =	vld [tilespmem:s23+$0xFFFFFFF0]  }
0x752: {  	v7 =	vld.idx.msk [tilespmem:v4+s11+$0x0], $0xffff  }
0x753: {  	v6 =	vld.idx.msk [tilespmem:v2+s11+$0x0], $0xffff  }
0x754: {  	s21 =	simm.s32 $0x155A0;
	v3 =	vld.idx.msk [tilespmem:v3+s11+$0x0], $0xffff  }
0x755: {  	v2 =	vld.idx.msk [tilespmem:v10+s11+$0x0], $0xffff;
	[tilespmem:s21+$0x20] =	vst v8  }
0x756: {  	s22 =	simm.s32 $0x50;
	v4 =	vld.idx.msk [tilespmem:v11+s11+$0x0], $0xffff;
	s23 =	simm.s32 $0x4000;
	[tilespmem:s21+$0xFFFFFFF0] =	vst v9  }
.LBB2_84:
0x757: {  	v8 =	vld [tilespmem:s23+$0x0];
	s22 =	sadd.s32 $0x50, s22  }
0x758: {  	v9 =	vld [tilespmem:s23+$0xFFFFFFD0];
	p0 =	slt.u32 s22, $0x3F20;
	[tilespmem:s21+$0xFFFFFFE0] =	vst v7  }
0x759: {  	v10 =	vld [tilespmem:s23+$0xFFFFFFE0];
	[tilespmem:s21+$0x0] =	vst v6  }
0x75a: {  	v11 =	vld [tilespmem:s23+$0xFFFFFFF0];
	[tilespmem:s21+$0x10] =	vst v3;
	s21 =	sadd.s32 $0x50, s21  }
0x75b: {  	v12 =	vld [tilespmem:s23+$0xFFFFFFC0];
	[tilespmem:s21+$0x20] =	vst v2  }
.Ltmp41:
0x75c: {  	v7 =	vld.idx.msk [tilespmem:v5+s11+$0x0], $0xffff;
	[tilespmem:s21+$0xFFFFFFF0] =	vst v4;
	(pc) =	sbr.rel @p0 .LBB2_84-.Ltmp41, $4  }
0x75d: {  	v6 =	vld.idx.msk [tilespmem:v1+s11+$0x0], $0xffff  }
0x75e: {  	v3 =	vld.idx.msk [tilespmem:v0+s11+$0x0], $0xffff;
	v1 =	vmov v10  }
0x75f: {  	v2 =	vld.idx.msk [tilespmem:v8+s11+$0x0], $0xffff;
	v0 =	vmov v11  }
0x760: {  	s23 =	sadd.s32 $0x50, s23;
	v4 =	vld.idx.msk [tilespmem:v9+s11+$0x0], $0xffff;
	v5 =	vmov v12  }
0x761: {  	_ =	sdelay $0x3  }
0x762: {  	[tilespmem:s21+$0xFFFFFFE0] =	vst v7;
	v5 =	vld.idx.msk [tilespmem:v5+s11+$0x0], $0xffff  }
0x763: {  	v1 =	vld.idx.msk [tilespmem:v1+s11+$0x0], $0xffff;
	[tilespmem:s21+$0x0] =	vst v6  }
0x764: {  	s22 =	sadd.s32 $0x50, s21;
	v0 =	vld.idx.msk [tilespmem:v0+s11+$0x0], $0xffff;
	[tilespmem:s21+$0x10] =	vst v3  }
0x765: {  	[tilespmem:s22+$0x20] =	vst v2  }
0x766: {  	[tilespmem:s22+$0xFFFFFFF0] =	vst v4  }
0x767: {  	[tilespmem:s22+$0xFFFFFFE0] =	vst v5  }
0x768: {  	[tilespmem:s22+$0x0] =	vst v1  }
0x769: {  	[tilespmem:s22+$0x10] =	vst v0  }
0x76a: {  	s21 =	sld [smem:$0x7F6];
	_ =	sdelay $0x2  }
0x76b: {  	[hbm4b:s21+s2] =	stream.linear.scatter [tilespmem:s16], [sflag:$0x4], $0x3F70, $0x38;
	[tilespmem:$0x19500] =	vst v63  }
0x76c: {  	_ =	swait.ge [sflag:s17], $0x4B80  }
0x76d: {  	[sflag:s17] =	ssyncset.done $0x0  }
0x76e: {  	s23 =	rddreg [dreg:$0x19];
	[sflag:s17] =	ssyncadd.s32 $0xFFFFB480  }
0x76f: {  	[tilespmem:s11], [sflag:$0x1] =	stream.linear.gather [hbm4b:s23+s2], $0x4B80, $0x38;
	[tilespmem:$0x19500] =	vst v63  }
0x770: {  	_ =	swait.ge [sflag:s18], $0x3F20  }
0x771: {  	[sflag:s18] =	ssyncset.done $0x0  }
0x772: {  	s22 =	simm.s32 $0x20;
	[sflag:s18] =	ssyncadd.s32 $0xFFFFC0E0  }
0x773: {  	v0 =	vld [tilespmem:s22+$0x20]  }
0x774: {  	v1 =	vld [tilespmem:s22+$0xFFFFFFF0]  }
0x775: {  	v2 =	vld [tilespmem:s22+$0x0]  }
0x776: {  	v3 =	vld [tilespmem:s22+$0x10]  }
0x777: {  	s23 =	simm.s32 $0x70;
	v4 =	vld [tilespmem:s22+$0xFFFFFFE0]  }
0x778: {  	v10 =	vld [tilespmem:s23+$0x20]  }
0x779: {  	v11 =	vld [tilespmem:s23+$0xFFFFFFF0]  }
0x77a: {  	v5 =	vld [tilespmem:s23+$0xFFFFFFE0]  }
0x77b: {  	v8 =	vld.idx.msk [tilespmem:v0+s14+$0x0], $0xffff  }
0x77c: {  	v9 =	vld.idx.msk [tilespmem:v1+s14+$0x0], $0xffff  }
0x77d: {  	v1 =	vld [tilespmem:s23+$0x0]  }
0x77e: {  	v0 =	vld [tilespmem:s23+$0x10]  }
0x77f: {  	v7 =	vld.idx.msk [tilespmem:v4+s14+$0x0], $0xffff  }
0x780: {  	v6 =	vld.idx.msk [tilespmem:v2+s14+$0x0], $0xffff  }
0x781: {  	s21 =	simm.s32 $0x11620;
	v3 =	vld.idx.msk [tilespmem:v3+s14+$0x0], $0xffff  }
0x782: {  	v2 =	vld.idx.msk [tilespmem:v10+s14+$0x0], $0xffff;
	[tilespmem:s21+$0x20] =	vst v8  }
0x783: {  	s22 =	simm.s32 $0x50;
	v4 =	vld.idx.msk [tilespmem:v11+s14+$0x0], $0xffff;
	s23 =	simm.s32 $0xC0;
	[tilespmem:s21+$0xFFFFFFF0] =	vst v9  }
.LBB2_86:
0x784: {  	v8 =	vld [tilespmem:s23+$0x20];
	s22 =	sadd.s32 $0x50, s22  }
0x785: {  	v9 =	vld [tilespmem:s23+$0xFFFFFFF0];
	p0 =	slt.u32 s22, $0x3ED0;
	[tilespmem:s21+$0xFFFFFFE0] =	vst v7  }
0x786: {  	v10 =	vld [tilespmem:s23+$0x0];
	[tilespmem:s21+$0x0] =	vst v6  }
0x787: {  	v11 =	vld [tilespmem:s23+$0x10];
	[tilespmem:s21+$0x10] =	vst v3;
	s21 =	sadd.s32 $0x50, s21  }
0x788: {  	v12 =	vld [tilespmem:s23+$0xFFFFFFE0];
	[tilespmem:s21+$0x20] =	vst v2  }
.Ltmp42:
0x789: {  	v7 =	vld.idx.msk [tilespmem:v5+s14+$0x0], $0xffff;
	[tilespmem:s21+$0xFFFFFFF0] =	vst v4;
	(pc) =	sbr.rel @p0 .LBB2_86-.Ltmp42, $4  }
0x78a: {  	v6 =	vld.idx.msk [tilespmem:v1+s14+$0x0], $0xffff  }
0x78b: {  	v3 =	vld.idx.msk [tilespmem:v0+s14+$0x0], $0xffff;
	v1 =	vmov v10  }
0x78c: {  	v2 =	vld.idx.msk [tilespmem:v8+s14+$0x0], $0xffff;
	v0 =	vmov v11  }
0x78d: {  	s23 =	sadd.s32 $0x50, s23;
	v4 =	vld.idx.msk [tilespmem:v9+s14+$0x0], $0xffff;
	v5 =	vmov v12  }
0x78e: {  	_ =	sdelay $0x3  }
0x78f: {  	[tilespmem:s21+$0xFFFFFFE0] =	vst v7;
	v5 =	vld.idx.msk [tilespmem:v5+s14+$0x0], $0xffff  }
0x790: {  	v1 =	vld.idx.msk [tilespmem:v1+s14+$0x0], $0xffff;
	[tilespmem:s21+$0x0] =	vst v6  }
0x791: {  	s23 =	sadd.s32 $0x50, s21;
	v0 =	vld.idx.msk [tilespmem:v0+s14+$0x0], $0xffff;
	[tilespmem:s21+$0x10] =	vst v3  }
0x792: {  	[tilespmem:s23+$0x20] =	vst v2  }
0x793: {  	[tilespmem:s23+$0xFFFFFFF0] =	vst v4  }
0x794: {  	[tilespmem:s23+$0xFFFFFFE0] =	vst v5  }
0x795: {  	[tilespmem:s23+$0x0] =	vst v1  }
0x796: {  	[tilespmem:s23+$0x10] =	vst v0  }
0x797: {  	s21 =	sld [smem:$0x7F7];
	_ =	sdelay $0x2  }
0x798: {  	[hbm4b:s21+s2] =	stream.linear.scatter [tilespmem:s15], [sflag:$0x3], $0x3F20, $0x38;
	[tilespmem:$0x19500] =	vst v63  }
0x799: {  	_ =	swait.ge [sflag:s19], $0x3F70  }
0x79a: {  	[sflag:s19] =	ssyncset.done $0x0  }
0x79b: {  	s22 =	simm.s32 $0x3F60;
	[sflag:s19] =	ssyncadd.s32 $0xFFFFC090  }
0x79c: {  	v0 =	vld [tilespmem:s22+$0x0]  }
0x79d: {  	v1 =	vld [tilespmem:s22+$0xFFFFFFD0]  }
0x79e: {  	v2 =	vld [tilespmem:s22+$0xFFFFFFE0]  }
0x79f: {  	v3 =	vld [tilespmem:s22+$0xFFFFFFF0]  }
0x7a0: {  	s23 =	simm.s32 $0x3FB0;
	v4 =	vld [tilespmem:s22+$0xFFFFFFC0]  }
0x7a1: {  	v10 =	vld [tilespmem:s23+$0x0]  }
0x7a2: {  	v11 =	vld [tilespmem:s23+$0xFFFFFFD0]  }
0x7a3: {  	v5 =	vld [tilespmem:s23+$0xFFFFFFC0]  }
0x7a4: {  	v8 =	vld.idx.msk [tilespmem:v0+s14+$0x0], $0xffff  }
0x7a5: {  	v9 =	vld.idx.msk [tilespmem:v1+s14+$0x0], $0xffff  }
0x7a6: {  	v1 =	vld [tilespmem:s23+$0xFFFFFFE0]  }
0x7a7: {  	v0 =	vld [tilespmem:s23+$0xFFFFFFF0]  }
0x7a8: {  	v7 =	vld.idx.msk [tilespmem:v4+s14+$0x0], $0xffff  }
0x7a9: {  	v6 =	vld.idx.msk [tilespmem:v2+s14+$0x0], $0xffff  }
0x7aa: {  	s21 =	simm.s32 $0x155A0;
	v3 =	vld.idx.msk [tilespmem:v3+s14+$0x0], $0xffff  }
0x7ab: {  	v2 =	vld.idx.msk [tilespmem:v10+s14+$0x0], $0xffff;
	[tilespmem:s21+$0x20] =	vst v8  }
0x7ac: {  	s22 =	simm.s32 $0x50;
	v4 =	vld.idx.msk [tilespmem:v11+s14+$0x0], $0xffff;
	s23 =	simm.s32 $0x4000;
	[tilespmem:s21+$0xFFFFFFF0] =	vst v9  }
.LBB2_88:
0x7ad: {  	v8 =	vld [tilespmem:s23+$0x0];
	s22 =	sadd.s32 $0x50, s22  }
0x7ae: {  	v9 =	vld [tilespmem:s23+$0xFFFFFFD0];
	p0 =	slt.u32 s22, $0x3F20;
	[tilespmem:s21+$0xFFFFFFE0] =	vst v7  }
0x7af: {  	v10 =	vld [tilespmem:s23+$0xFFFFFFE0];
	[tilespmem:s21+$0x0] =	vst v6  }
0x7b0: {  	v11 =	vld [tilespmem:s23+$0xFFFFFFF0];
	[tilespmem:s21+$0x10] =	vst v3;
	s21 =	sadd.s32 $0x50, s21  }
0x7b1: {  	v12 =	vld [tilespmem:s23+$0xFFFFFFC0];
	[tilespmem:s21+$0x20] =	vst v2  }
.Ltmp43:
0x7b2: {  	v7 =	vld.idx.msk [tilespmem:v5+s14+$0x0], $0xffff;
	[tilespmem:s21+$0xFFFFFFF0] =	vst v4;
	(pc) =	sbr.rel @p0 .LBB2_88-.Ltmp43, $4  }
0x7b3: {  	v6 =	vld.idx.msk [tilespmem:v1+s14+$0x0], $0xffff  }
0x7b4: {  	v3 =	vld.idx.msk [tilespmem:v0+s14+$0x0], $0xffff;
	v1 =	vmov v10  }
0x7b5: {  	v2 =	vld.idx.msk [tilespmem:v8+s14+$0x0], $0xffff;
	v0 =	vmov v11  }
0x7b6: {  	s23 =	sadd.s32 $0x50, s23;
	v4 =	vld.idx.msk [tilespmem:v9+s14+$0x0], $0xffff;
	v5 =	vmov v12  }
0x7b7: {  	_ =	sdelay $0x3  }
0x7b8: {  	[tilespmem:s21+$0xFFFFFFE0] =	vst v7;
	v5 =	vld.idx.msk [tilespmem:v5+s14+$0x0], $0xffff  }
0x7b9: {  	v1 =	vld.idx.msk [tilespmem:v1+s14+$0x0], $0xffff;
	[tilespmem:s21+$0x0] =	vst v6  }
0x7ba: {  	s22 =	sadd.s32 $0x50, s21;
	v0 =	vld.idx.msk [tilespmem:v0+s14+$0x0], $0xffff;
	[tilespmem:s21+$0x10] =	vst v3  }
0x7bb: {  	[tilespmem:s22+$0x20] =	vst v2  }
0x7bc: {  	[tilespmem:s22+$0xFFFFFFF0] =	vst v4  }
0x7bd: {  	[tilespmem:s22+$0xFFFFFFE0] =	vst v5  }
0x7be: {  	[tilespmem:s22+$0x0] =	vst v1  }
0x7bf: {  	[tilespmem:s22+$0x10] =	vst v0  }
0x7c0: {  	s21 =	sld [smem:$0x7F8];
	_ =	sdelay $0x2  }
0x7c1: {  	[hbm4b:s21+s2] =	stream.linear.scatter [tilespmem:s16], [sflag:$0x4], $0x3F70, $0x38;
	[tilespmem:$0x19500] =	vst v63  }
0x7c2: {  	_ =	swait.ge [sflag:s13], $0x4B80  }
0x7c3: {  	[sflag:s13] =	ssyncset.done $0x0  }
0x7c4: {  	s23 =	rddreg [dreg:$0x1a];
	[sflag:s13] =	ssyncadd.s32 $0xFFFFB480  }
0x7c5: {  	[tilespmem:s14], [sflag:$0x2] =	stream.linear.gather [hbm4b:s23+s2], $0x4B80, $0x38;
	[tilespmem:$0x19500] =	vst v63  }
0x7c6: {  	_ =	swait.ge [sflag:s18], $0x3F20  }
0x7c7: {  	[sflag:s18] =	ssyncset.done $0x0  }
0x7c8: {  	s22 =	simm.s32 $0x20;
	[sflag:s18] =	ssyncadd.s32 $0xFFFFC0E0  }
0x7c9: {  	v0 =	vld [tilespmem:s22+$0x20]  }
0x7ca: {  	v1 =	vld [tilespmem:s22+$0xFFFFFFF0]  }
0x7cb: {  	v2 =	vld [tilespmem:s22+$0x0]  }
0x7cc: {  	v3 =	vld [tilespmem:s22+$0x10]  }
0x7cd: {  	s23 =	simm.s32 $0x70;
	v4 =	vld [tilespmem:s22+$0xFFFFFFE0]  }
0x7ce: {  	v10 =	vld [tilespmem:s23+$0x20]  }
0x7cf: {  	v11 =	vld [tilespmem:s23+$0xFFFFFFF0]  }
0x7d0: {  	v5 =	vld [tilespmem:s23+$0xFFFFFFE0]  }
0x7d1: {  	v8 =	vld.idx.msk [tilespmem:v0+s11+$0x0], $0xffff  }
0x7d2: {  	v9 =	vld.idx.msk [tilespmem:v1+s11+$0x0], $0xffff  }
0x7d3: {  	v1 =	vld [tilespmem:s23+$0x0]  }
0x7d4: {  	v0 =	vld [tilespmem:s23+$0x10]  }
0x7d5: {  	v7 =	vld.idx.msk [tilespmem:v4+s11+$0x0], $0xffff  }
0x7d6: {  	v6 =	vld.idx.msk [tilespmem:v2+s11+$0x0], $0xffff  }
0x7d7: {  	s21 =	simm.s32 $0x11620;
	v3 =	vld.idx.msk [tilespmem:v3+s11+$0x0], $0xffff  }
0x7d8: {  	v2 =	vld.idx.msk [tilespmem:v10+s11+$0x0], $0xffff;
	[tilespmem:s21+$0x20] =	vst v8  }
0x7d9: {  	s22 =	simm.s32 $0x50;
	v4 =	vld.idx.msk [tilespmem:v11+s11+$0x0], $0xffff;
	s23 =	simm.s32 $0xC0;
	[tilespmem:s21+$0xFFFFFFF0] =	vst v9  }
.LBB2_90:
0x7da: {  	v8 =	vld [tilespmem:s23+$0x20];
	s22 =	sadd.s32 $0x50, s22  }
0x7db: {  	v9 =	vld [tilespmem:s23+$0xFFFFFFF0];
	p0 =	slt.u32 s22, $0x3ED0;
	[tilespmem:s21+$0xFFFFFFE0] =	vst v7  }
0x7dc: {  	v10 =	vld [tilespmem:s23+$0x0];
	[tilespmem:s21+$0x0] =	vst v6  }
0x7dd: {  	v11 =	vld [tilespmem:s23+$0x10];
	[tilespmem:s21+$0x10] =	vst v3;
	s21 =	sadd.s32 $0x50, s21  }
0x7de: {  	v12 =	vld [tilespmem:s23+$0xFFFFFFE0];
	[tilespmem:s21+$0x20] =	vst v2  }
.Ltmp44:
0x7df: {  	v7 =	vld.idx.msk [tilespmem:v5+s11+$0x0], $0xffff;
	[tilespmem:s21+$0xFFFFFFF0] =	vst v4;
	(pc) =	sbr.rel @p0 .LBB2_90-.Ltmp44, $4  }
0x7e0: {  	v6 =	vld.idx.msk [tilespmem:v1+s11+$0x0], $0xffff  }
0x7e1: {  	v3 =	vld.idx.msk [tilespmem:v0+s11+$0x0], $0xffff;
	v1 =	vmov v10  }
0x7e2: {  	v2 =	vld.idx.msk [tilespmem:v8+s11+$0x0], $0xffff;
	v0 =	vmov v11  }
0x7e3: {  	s23 =	sadd.s32 $0x50, s23;
	v4 =	vld.idx.msk [tilespmem:v9+s11+$0x0], $0xffff;
	v5 =	vmov v12  }
0x7e4: {  	_ =	sdelay $0x3  }
0x7e5: {  	[tilespmem:s21+$0xFFFFFFE0] =	vst v7;
	v5 =	vld.idx.msk [tilespmem:v5+s11+$0x0], $0xffff  }
0x7e6: {  	v1 =	vld.idx.msk [tilespmem:v1+s11+$0x0], $0xffff;
	[tilespmem:s21+$0x0] =	vst v6  }
0x7e7: {  	s23 =	sadd.s32 $0x50, s21;
	v0 =	vld.idx.msk [tilespmem:v0+s11+$0x0], $0xffff;
	[tilespmem:s21+$0x10] =	vst v3  }
0x7e8: {  	[tilespmem:s23+$0x20] =	vst v2  }
0x7e9: {  	[tilespmem:s23+$0xFFFFFFF0] =	vst v4  }
0x7ea: {  	[tilespmem:s23+$0xFFFFFFE0] =	vst v5  }
0x7eb: {  	[tilespmem:s23+$0x0] =	vst v1  }
0x7ec: {  	[tilespmem:s23+$0x10] =	vst v0  }
0x7ed: {  	s21 =	sld [smem:$0x7F9];
	_ =	sdelay $0x2  }
0x7ee: {  	[hbm4b:s21+s2] =	stream.linear.scatter [tilespmem:s15], [sflag:$0x3], $0x3F20, $0x38;
	[tilespmem:$0x19500] =	vst v63  }
0x7ef: {  	_ =	swait.ge [sflag:s19], $0x3F70  }
0x7f0: {  	[sflag:s19] =	ssyncset.done $0x0  }
0x7f1: {  	s22 =	simm.s32 $0x3F60;
	[sflag:s19] =	ssyncadd.s32 $0xFFFFC090  }
0x7f2: {  	v0 =	vld [tilespmem:s22+$0x0]  }
0x7f3: {  	v1 =	vld [tilespmem:s22+$0xFFFFFFD0]  }
0x7f4: {  	v2 =	vld [tilespmem:s22+$0xFFFFFFE0]  }
0x7f5: {  	v3 =	vld [tilespmem:s22+$0xFFFFFFF0]  }
0x7f6: {  	s23 =	simm.s32 $0x3FB0;
	v4 =	vld [tilespmem:s22+$0xFFFFFFC0]  }
0x7f7: {  	v10 =	vld [tilespmem:s23+$0x0]  }
0x7f8: {  	v11 =	vld [tilespmem:s23+$0xFFFFFFD0]  }
0x7f9: {  	v5 =	vld [tilespmem:s23+$0xFFFFFFC0]  }
0x7fa: {  	v8 =	vld.idx.msk [tilespmem:v0+s11+$0x0], $0xffff  }
0x7fb: {  	v9 =	vld.idx.msk [tilespmem:v1+s11+$0x0], $0xffff  }
0x7fc: {  	v1 =	vld [tilespmem:s23+$0xFFFFFFE0]  }
0x7fd: {  	v0 =	vld [tilespmem:s23+$0xFFFFFFF0]  }
0x7fe: {  	v7 =	vld.idx.msk [tilespmem:v4+s11+$0x0], $0xffff  }
0x7ff: {  	v6 =	vld.idx.msk [tilespmem:v2+s11+$0x0], $0xffff  }
0x800: {  	s21 =	simm.s32 $0x155A0;
	v3 =	vld.idx.msk [tilespmem:v3+s11+$0x0], $0xffff  }
0x801: {  	v2 =	vld.idx.msk [tilespmem:v10+s11+$0x0], $0xffff;
	[tilespmem:s21+$0x20] =	vst v8  }
0x802: {  	s22 =	simm.s32 $0x50;
	v4 =	vld.idx.msk [tilespmem:v11+s11+$0x0], $0xffff;
	s23 =	simm.s32 $0x4000;
	[tilespmem:s21+$0xFFFFFFF0] =	vst v9  }
.LBB2_92:
0x803: {  	v8 =	vld [tilespmem:s23+$0x0];
	s22 =	sadd.s32 $0x50, s22  }
0x804: {  	v9 =	vld [tilespmem:s23+$0xFFFFFFD0];
	p0 =	slt.u32 s22, $0x3F20;
	[tilespmem:s21+$0xFFFFFFE0] =	vst v7  }
0x805: {  	v10 =	vld [tilespmem:s23+$0xFFFFFFE0];
	[tilespmem:s21+$0x0] =	vst v6  }
0x806: {  	v11 =	vld [tilespmem:s23+$0xFFFFFFF0];
	[tilespmem:s21+$0x10] =	vst v3;
	s21 =	sadd.s32 $0x50, s21  }
0x807: {  	v12 =	vld [tilespmem:s23+$0xFFFFFFC0];
	[tilespmem:s21+$0x20] =	vst v2  }
.Ltmp45:
0x808: {  	v7 =	vld.idx.msk [tilespmem:v5+s11+$0x0], $0xffff;
	[tilespmem:s21+$0xFFFFFFF0] =	vst v4;
	(pc) =	sbr.rel @p0 .LBB2_92-.Ltmp45, $4  }
0x809: {  	v6 =	vld.idx.msk [tilespmem:v1+s11+$0x0], $0xffff  }
0x80a: {  	v3 =	vld.idx.msk [tilespmem:v0+s11+$0x0], $0xffff;
	v1 =	vmov v10  }
0x80b: {  	v2 =	vld.idx.msk [tilespmem:v8+s11+$0x0], $0xffff;
	v0 =	vmov v11  }
0x80c: {  	s23 =	sadd.s32 $0x50, s23;
	v4 =	vld.idx.msk [tilespmem:v9+s11+$0x0], $0xffff;
	v5 =	vmov v12  }
0x80d: {  	_ =	sdelay $0x3  }
0x80e: {  	[tilespmem:s21+$0xFFFFFFE0] =	vst v7;
	v5 =	vld.idx.msk [tilespmem:v5+s11+$0x0], $0xffff  }
0x80f: {  	v1 =	vld.idx.msk [tilespmem:v1+s11+$0x0], $0xffff;
	[tilespmem:s21+$0x0] =	vst v6  }
0x810: {  	s22 =	sadd.s32 $0x50, s21;
	v0 =	vld.idx.msk [tilespmem:v0+s11+$0x0], $0xffff;
	[tilespmem:s21+$0x10] =	vst v3  }
0x811: {  	[tilespmem:s22+$0x20] =	vst v2  }
0x812: {  	[tilespmem:s22+$0xFFFFFFF0] =	vst v4  }
0x813: {  	[tilespmem:s22+$0xFFFFFFE0] =	vst v5  }
0x814: {  	[tilespmem:s22+$0x0] =	vst v1  }
0x815: {  	[tilespmem:s22+$0x10] =	vst v0  }
0x816: {  	s21 =	sld [smem:$0x7FA];
	_ =	sdelay $0x2  }
0x817: {  	[hbm4b:s21+s2] =	stream.linear.scatter [tilespmem:s16], [sflag:$0x4], $0x3F70, $0x38;
	[tilespmem:$0x19500] =	vst v63  }
0x818: {  	_ =	swait.ge [sflag:s17], $0x4B80  }
0x819: {  	[sflag:s17] =	ssyncset.done $0x0  }
0x81a: {  	s23 =	rddreg [dreg:$0x1b];
	[sflag:s17] =	ssyncadd.s32 $0xFFFFB480  }
0x81b: {  	[tilespmem:s11], [sflag:$0x1] =	stream.linear.gather [hbm4b:s23+s2], $0x4B80, $0x38;
	[tilespmem:$0x19500] =	vst v63  }
0x81c: {  	_ =	swait.ge [sflag:s18], $0x3F20  }
0x81d: {  	[sflag:s18] =	ssyncset.done $0x0  }
0x81e: {  	s22 =	simm.s32 $0x20;
	[sflag:s18] =	ssyncadd.s32 $0xFFFFC0E0  }
0x81f: {  	v0 =	vld [tilespmem:s22+$0x20]  }
0x820: {  	v1 =	vld [tilespmem:s22+$0xFFFFFFF0]  }
0x821: {  	v2 =	vld [tilespmem:s22+$0x0]  }
0x822: {  	v3 =	vld [tilespmem:s22+$0x10]  }
0x823: {  	s23 =	simm.s32 $0x70;
	v4 =	vld [tilespmem:s22+$0xFFFFFFE0]  }
0x824: {  	v10 =	vld [tilespmem:s23+$0x20]  }
0x825: {  	v11 =	vld [tilespmem:s23+$0xFFFFFFF0]  }
0x826: {  	v5 =	vld [tilespmem:s23+$0xFFFFFFE0]  }
0x827: {  	v8 =	vld.idx.msk [tilespmem:v0+s14+$0x0], $0xffff  }
0x828: {  	v9 =	vld.idx.msk [tilespmem:v1+s14+$0x0], $0xffff  }
0x829: {  	v1 =	vld [tilespmem:s23+$0x0]  }
0x82a: {  	v0 =	vld [tilespmem:s23+$0x10]  }
0x82b: {  	v7 =	vld.idx.msk [tilespmem:v4+s14+$0x0], $0xffff  }
0x82c: {  	v6 =	vld.idx.msk [tilespmem:v2+s14+$0x0], $0xffff  }
0x82d: {  	s21 =	simm.s32 $0x11620;
	v3 =	vld.idx.msk [tilespmem:v3+s14+$0x0], $0xffff  }
0x82e: {  	v2 =	vld.idx.msk [tilespmem:v10+s14+$0x0], $0xffff;
	[tilespmem:s21+$0x20] =	vst v8  }
0x82f: {  	s22 =	simm.s32 $0x50;
	v4 =	vld.idx.msk [tilespmem:v11+s14+$0x0], $0xffff;
	s23 =	simm.s32 $0xC0;
	[tilespmem:s21+$0xFFFFFFF0] =	vst v9  }
.LBB2_94:
0x830: {  	v8 =	vld [tilespmem:s23+$0x20];
	s22 =	sadd.s32 $0x50, s22  }
0x831: {  	v9 =	vld [tilespmem:s23+$0xFFFFFFF0];
	p0 =	slt.u32 s22, $0x3ED0;
	[tilespmem:s21+$0xFFFFFFE0] =	vst v7  }
0x832: {  	v10 =	vld [tilespmem:s23+$0x0];
	[tilespmem:s21+$0x0] =	vst v6  }
0x833: {  	v11 =	vld [tilespmem:s23+$0x10];
	[tilespmem:s21+$0x10] =	vst v3;
	s21 =	sadd.s32 $0x50, s21  }
0x834: {  	v12 =	vld [tilespmem:s23+$0xFFFFFFE0];
	[tilespmem:s21+$0x20] =	vst v2  }
.Ltmp46:
0x835: {  	v7 =	vld.idx.msk [tilespmem:v5+s14+$0x0], $0xffff;
	[tilespmem:s21+$0xFFFFFFF0] =	vst v4;
	(pc) =	sbr.rel @p0 .LBB2_94-.Ltmp46, $4  }
0x836: {  	v6 =	vld.idx.msk [tilespmem:v1+s14+$0x0], $0xffff  }
0x837: {  	v3 =	vld.idx.msk [tilespmem:v0+s14+$0x0], $0xffff;
	v1 =	vmov v10  }
0x838: {  	v2 =	vld.idx.msk [tilespmem:v8+s14+$0x0], $0xffff;
	v0 =	vmov v11  }
0x839: {  	s23 =	sadd.s32 $0x50, s23;
	v4 =	vld.idx.msk [tilespmem:v9+s14+$0x0], $0xffff;
	v5 =	vmov v12  }
0x83a: {  	_ =	sdelay $0x3  }
0x83b: {  	[tilespmem:s21+$0xFFFFFFE0] =	vst v7;
	v5 =	vld.idx.msk [tilespmem:v5+s14+$0x0], $0xffff  }
0x83c: {  	v1 =	vld.idx.msk [tilespmem:v1+s14+$0x0], $0xffff;
	[tilespmem:s21+$0x0] =	vst v6  }
0x83d: {  	s23 =	sadd.s32 $0x50, s21;
	v0 =	vld.idx.msk [tilespmem:v0+s14+$0x0], $0xffff;
	[tilespmem:s21+$0x10] =	vst v3  }
0x83e: {  	[tilespmem:s23+$0x20] =	vst v2  }
0x83f: {  	[tilespmem:s23+$0xFFFFFFF0] =	vst v4  }
0x840: {  	[tilespmem:s23+$0xFFFFFFE0] =	vst v5  }
0x841: {  	[tilespmem:s23+$0x0] =	vst v1  }
0x842: {  	[tilespmem:s23+$0x10] =	vst v0  }
0x843: {  	s21 =	sld [smem:$0x7FB];
	_ =	sdelay $0x2  }
0x844: {  	[hbm4b:s21+s2] =	stream.linear.scatter [tilespmem:s15], [sflag:$0x3], $0x3F20, $0x38;
	[tilespmem:$0x19500] =	vst v63  }
0x845: {  	_ =	swait.ge [sflag:s19], $0x3F70  }
0x846: {  	[sflag:s19] =	ssyncset.done $0x0  }
0x847: {  	s22 =	simm.s32 $0x3F60;
	[sflag:s19] =	ssyncadd.s32 $0xFFFFC090  }
0x848: {  	v0 =	vld [tilespmem:s22+$0x0]  }
0x849: {  	v1 =	vld [tilespmem:s22+$0xFFFFFFD0]  }
0x84a: {  	v2 =	vld [tilespmem:s22+$0xFFFFFFE0]  }
0x84b: {  	v3 =	vld [tilespmem:s22+$0xFFFFFFF0]  }
0x84c: {  	s23 =	simm.s32 $0x3FB0;
	v4 =	vld [tilespmem:s22+$0xFFFFFFC0]  }
0x84d: {  	v10 =	vld [tilespmem:s23+$0x0]  }
0x84e: {  	v11 =	vld [tilespmem:s23+$0xFFFFFFD0]  }
0x84f: {  	v5 =	vld [tilespmem:s23+$0xFFFFFFC0]  }
0x850: {  	v8 =	vld.idx.msk [tilespmem:v0+s14+$0x0], $0xffff  }
0x851: {  	v9 =	vld.idx.msk [tilespmem:v1+s14+$0x0], $0xffff  }
0x852: {  	v1 =	vld [tilespmem:s23+$0xFFFFFFE0]  }
0x853: {  	v0 =	vld [tilespmem:s23+$0xFFFFFFF0]  }
0x854: {  	v7 =	vld.idx.msk [tilespmem:v4+s14+$0x0], $0xffff  }
0x855: {  	v6 =	vld.idx.msk [tilespmem:v2+s14+$0x0], $0xffff  }
0x856: {  	s21 =	simm.s32 $0x155A0;
	v3 =	vld.idx.msk [tilespmem:v3+s14+$0x0], $0xffff  }
0x857: {  	v2 =	vld.idx.msk [tilespmem:v10+s14+$0x0], $0xffff;
	[tilespmem:s21+$0x20] =	vst v8  }
0x858: {  	s22 =	simm.s32 $0x50;
	v4 =	vld.idx.msk [tilespmem:v11+s14+$0x0], $0xffff;
	s23 =	simm.s32 $0x4000;
	[tilespmem:s21+$0xFFFFFFF0] =	vst v9  }
.LBB2_96:
0x859: {  	v8 =	vld [tilespmem:s23+$0x0];
	s22 =	sadd.s32 $0x50, s22  }
0x85a: {  	v9 =	vld [tilespmem:s23+$0xFFFFFFD0];
	p0 =	slt.u32 s22, $0x3F20;
	[tilespmem:s21+$0xFFFFFFE0] =	vst v7  }
0x85b: {  	v10 =	vld [tilespmem:s23+$0xFFFFFFE0];
	[tilespmem:s21+$0x0] =	vst v6  }
0x85c: {  	v11 =	vld [tilespmem:s23+$0xFFFFFFF0];
	[tilespmem:s21+$0x10] =	vst v3;
	s21 =	sadd.s32 $0x50, s21  }
0x85d: {  	v12 =	vld [tilespmem:s23+$0xFFFFFFC0];
	[tilespmem:s21+$0x20] =	vst v2  }
.Ltmp47:
0x85e: {  	v7 =	vld.idx.msk [tilespmem:v5+s14+$0x0], $0xffff;
	[tilespmem:s21+$0xFFFFFFF0] =	vst v4;
	(pc) =	sbr.rel @p0 .LBB2_96-.Ltmp47, $4  }
0x85f: {  	v6 =	vld.idx.msk [tilespmem:v1+s14+$0x0], $0xffff  }
0x860: {  	v3 =	vld.idx.msk [tilespmem:v0+s14+$0x0], $0xffff;
	v1 =	vmov v10  }
0x861: {  	v2 =	vld.idx.msk [tilespmem:v8+s14+$0x0], $0xffff;
	v0 =	vmov v11  }
0x862: {  	s23 =	sadd.s32 $0x50, s23;
	v4 =	vld.idx.msk [tilespmem:v9+s14+$0x0], $0xffff;
	v5 =	vmov v12  }
0x863: {  	_ =	sdelay $0x3  }
0x864: {  	[tilespmem:s21+$0xFFFFFFE0] =	vst v7;
	v5 =	vld.idx.msk [tilespmem:v5+s14+$0x0], $0xffff  }
0x865: {  	v1 =	vld.idx.msk [tilespmem:v1+s14+$0x0], $0xffff;
	[tilespmem:s21+$0x0] =	vst v6  }
0x866: {  	s22 =	sadd.s32 $0x50, s21;
	v0 =	vld.idx.msk [tilespmem:v0+s14+$0x0], $0xffff;
	[tilespmem:s21+$0x10] =	vst v3  }
0x867: {  	[tilespmem:s22+$0x20] =	vst v2  }
0x868: {  	[tilespmem:s22+$0xFFFFFFF0] =	vst v4  }
0x869: {  	[tilespmem:s22+$0xFFFFFFE0] =	vst v5  }
0x86a: {  	[tilespmem:s22+$0x0] =	vst v1  }
0x86b: {  	[tilespmem:s22+$0x10] =	vst v0  }
0x86c: {  	s21 =	sld [smem:$0x7FC];
	_ =	sdelay $0x2  }
0x86d: {  	[hbm4b:s21+s2] =	stream.linear.scatter [tilespmem:s16], [sflag:$0x4], $0x3F70, $0x38;
	[tilespmem:$0x19500] =	vst v63  }
0x86e: {  	_ =	swait.ge [sflag:s13], $0x4B80  }
0x86f: {  	[sflag:s13] =	ssyncset.done $0x0  }
0x870: {  	s23 =	rddreg [dreg:$0x1c];
	[sflag:s13] =	ssyncadd.s32 $0xFFFFB480  }
0x871: {  	[tilespmem:s14], [sflag:$0x2] =	stream.linear.gather [hbm4b:s23+s2], $0x4B80, $0x38;
	[tilespmem:$0x19500] =	vst v63  }
0x872: {  	_ =	swait.ge [sflag:s18], $0x3F20  }
0x873: {  	[sflag:s18] =	ssyncset.done $0x0  }
0x874: {  	s22 =	simm.s32 $0x20;
	[sflag:s18] =	ssyncadd.s32 $0xFFFFC0E0  }
0x875: {  	v0 =	vld [tilespmem:s22+$0x20]  }
0x876: {  	v1 =	vld [tilespmem:s22+$0xFFFFFFF0]  }
0x877: {  	v2 =	vld [tilespmem:s22+$0x0]  }
0x878: {  	v3 =	vld [tilespmem:s22+$0x10]  }
0x879: {  	s23 =	simm.s32 $0x70;
	v4 =	vld [tilespmem:s22+$0xFFFFFFE0]  }
0x87a: {  	v10 =	vld [tilespmem:s23+$0x20]  }
0x87b: {  	v11 =	vld [tilespmem:s23+$0xFFFFFFF0]  }
0x87c: {  	v5 =	vld [tilespmem:s23+$0xFFFFFFE0]  }
0x87d: {  	v8 =	vld.idx.msk [tilespmem:v0+s11+$0x0], $0xffff  }
0x87e: {  	v9 =	vld.idx.msk [tilespmem:v1+s11+$0x0], $0xffff  }
0x87f: {  	v1 =	vld [tilespmem:s23+$0x0]  }
0x880: {  	v0 =	vld [tilespmem:s23+$0x10]  }
0x881: {  	v7 =	vld.idx.msk [tilespmem:v4+s11+$0x0], $0xffff  }
0x882: {  	v6 =	vld.idx.msk [tilespmem:v2+s11+$0x0], $0xffff  }
0x883: {  	s21 =	simm.s32 $0x11620;
	v3 =	vld.idx.msk [tilespmem:v3+s11+$0x0], $0xffff  }
0x884: {  	v2 =	vld.idx.msk [tilespmem:v10+s11+$0x0], $0xffff;
	[tilespmem:s21+$0x20] =	vst v8  }
0x885: {  	s22 =	simm.s32 $0x50;
	v4 =	vld.idx.msk [tilespmem:v11+s11+$0x0], $0xffff;
	s23 =	simm.s32 $0xC0;
	[tilespmem:s21+$0xFFFFFFF0] =	vst v9  }
.LBB2_98:
0x886: {  	v8 =	vld [tilespmem:s23+$0x20];
	s22 =	sadd.s32 $0x50, s22  }
0x887: {  	v9 =	vld [tilespmem:s23+$0xFFFFFFF0];
	p0 =	slt.u32 s22, $0x3ED0;
	[tilespmem:s21+$0xFFFFFFE0] =	vst v7  }
0x888: {  	v10 =	vld [tilespmem:s23+$0x0];
	[tilespmem:s21+$0x0] =	vst v6  }
0x889: {  	v11 =	vld [tilespmem:s23+$0x10];
	[tilespmem:s21+$0x10] =	vst v3;
	s21 =	sadd.s32 $0x50, s21  }
0x88a: {  	v12 =	vld [tilespmem:s23+$0xFFFFFFE0];
	[tilespmem:s21+$0x20] =	vst v2  }
.Ltmp48:
0x88b: {  	v7 =	vld.idx.msk [tilespmem:v5+s11+$0x0], $0xffff;
	[tilespmem:s21+$0xFFFFFFF0] =	vst v4;
	(pc) =	sbr.rel @p0 .LBB2_98-.Ltmp48, $4  }
0x88c: {  	v6 =	vld.idx.msk [tilespmem:v1+s11+$0x0], $0xffff  }
0x88d: {  	v3 =	vld.idx.msk [tilespmem:v0+s11+$0x0], $0xffff;
	v1 =	vmov v10  }
0x88e: {  	v2 =	vld.idx.msk [tilespmem:v8+s11+$0x0], $0xffff;
	v0 =	vmov v11  }
0x88f: {  	s23 =	sadd.s32 $0x50, s23;
	v4 =	vld.idx.msk [tilespmem:v9+s11+$0x0], $0xffff;
	v5 =	vmov v12  }
0x890: {  	_ =	sdelay $0x3  }
0x891: {  	[tilespmem:s21+$0xFFFFFFE0] =	vst v7;
	v5 =	vld.idx.msk [tilespmem:v5+s11+$0x0], $0xffff  }
0x892: {  	v1 =	vld.idx.msk [tilespmem:v1+s11+$0x0], $0xffff;
	[tilespmem:s21+$0x0] =	vst v6  }
0x893: {  	s23 =	sadd.s32 $0x50, s21;
	v0 =	vld.idx.msk [tilespmem:v0+s11+$0x0], $0xffff;
	[tilespmem:s21+$0x10] =	vst v3  }
0x894: {  	[tilespmem:s23+$0x20] =	vst v2  }
0x895: {  	[tilespmem:s23+$0xFFFFFFF0] =	vst v4  }
0x896: {  	[tilespmem:s23+$0xFFFFFFE0] =	vst v5  }
0x897: {  	[tilespmem:s23+$0x0] =	vst v1  }
0x898: {  	[tilespmem:s23+$0x10] =	vst v0  }
0x899: {  	s21 =	sld [smem:$0x7FD];
	_ =	sdelay $0x2  }
0x89a: {  	[hbm4b:s21+s2] =	stream.linear.scatter [tilespmem:s15], [sflag:$0x3], $0x3F20, $0x38;
	[tilespmem:$0x19500] =	vst v63  }
0x89b: {  	_ =	swait.ge [sflag:s19], $0x3F70  }
0x89c: {  	[sflag:s19] =	ssyncset.done $0x0  }
0x89d: {  	s22 =	simm.s32 $0x3F60;
	[sflag:s19] =	ssyncadd.s32 $0xFFFFC090  }
0x89e: {  	v0 =	vld [tilespmem:s22+$0x0]  }
0x89f: {  	v1 =	vld [tilespmem:s22+$0xFFFFFFD0]  }
0x8a0: {  	v2 =	vld [tilespmem:s22+$0xFFFFFFE0]  }
0x8a1: {  	v3 =	vld [tilespmem:s22+$0xFFFFFFF0]  }
0x8a2: {  	s23 =	simm.s32 $0x3FB0;
	v4 =	vld [tilespmem:s22+$0xFFFFFFC0]  }
0x8a3: {  	v10 =	vld [tilespmem:s23+$0x0]  }
0x8a4: {  	v11 =	vld [tilespmem:s23+$0xFFFFFFD0]  }
0x8a5: {  	v5 =	vld [tilespmem:s23+$0xFFFFFFC0]  }
0x8a6: {  	v8 =	vld.idx.msk [tilespmem:v0+s11+$0x0], $0xffff  }
0x8a7: {  	v9 =	vld.idx.msk [tilespmem:v1+s11+$0x0], $0xffff  }
0x8a8: {  	v1 =	vld [tilespmem:s23+$0xFFFFFFE0]  }
0x8a9: {  	v0 =	vld [tilespmem:s23+$0xFFFFFFF0]  }
0x8aa: {  	v7 =	vld.idx.msk [tilespmem:v4+s11+$0x0], $0xffff  }
0x8ab: {  	v6 =	vld.idx.msk [tilespmem:v2+s11+$0x0], $0xffff  }
0x8ac: {  	s21 =	simm.s32 $0x155A0;
	v3 =	vld.idx.msk [tilespmem:v3+s11+$0x0], $0xffff  }
0x8ad: {  	v2 =	vld.idx.msk [tilespmem:v10+s11+$0x0], $0xffff;
	[tilespmem:s21+$0x20] =	vst v8  }
0x8ae: {  	s22 =	simm.s32 $0x50;
	v4 =	vld.idx.msk [tilespmem:v11+s11+$0x0], $0xffff;
	s23 =	simm.s32 $0x4000;
	[tilespmem:s21+$0xFFFFFFF0] =	vst v9  }
.LBB2_100:
0x8af: {  	v8 =	vld [tilespmem:s23+$0x0];
	s22 =	sadd.s32 $0x50, s22  }
0x8b0: {  	v9 =	vld [tilespmem:s23+$0xFFFFFFD0];
	p0 =	slt.u32 s22, $0x3F20;
	[tilespmem:s21+$0xFFFFFFE0] =	vst v7  }
0x8b1: {  	v10 =	vld [tilespmem:s23+$0xFFFFFFE0];
	[tilespmem:s21+$0x0] =	vst v6  }
0x8b2: {  	v11 =	vld [tilespmem:s23+$0xFFFFFFF0];
	[tilespmem:s21+$0x10] =	vst v3;
	s21 =	sadd.s32 $0x50, s21  }
0x8b3: {  	v12 =	vld [tilespmem:s23+$0xFFFFFFC0];
	[tilespmem:s21+$0x20] =	vst v2  }
.Ltmp49:
0x8b4: {  	v7 =	vld.idx.msk [tilespmem:v5+s11+$0x0], $0xffff;
	[tilespmem:s21+$0xFFFFFFF0] =	vst v4;
	(pc) =	sbr.rel @p0 .LBB2_100-.Ltmp49, $4  }
0x8b5: {  	v6 =	vld.idx.msk [tilespmem:v1+s11+$0x0], $0xffff  }
0x8b6: {  	v3 =	vld.idx.msk [tilespmem:v0+s11+$0x0], $0xffff;
	v1 =	vmov v10  }
0x8b7: {  	v2 =	vld.idx.msk [tilespmem:v8+s11+$0x0], $0xffff;
	v0 =	vmov v11  }
0x8b8: {  	s23 =	sadd.s32 $0x50, s23;
	v4 =	vld.idx.msk [tilespmem:v9+s11+$0x0], $0xffff;
	v5 =	vmov v12  }
0x8b9: {  	_ =	sdelay $0x3  }
0x8ba: {  	[tilespmem:s21+$0xFFFFFFE0] =	vst v7;
	v5 =	vld.idx.msk [tilespmem:v5+s11+$0x0], $0xffff  }
0x8bb: {  	v1 =	vld.idx.msk [tilespmem:v1+s11+$0x0], $0xffff;
	[tilespmem:s21+$0x0] =	vst v6  }
0x8bc: {  	s22 =	sadd.s32 $0x50, s21;
	v0 =	vld.idx.msk [tilespmem:v0+s11+$0x0], $0xffff;
	[tilespmem:s21+$0x10] =	vst v3  }
0x8bd: {  	[tilespmem:s22+$0x20] =	vst v2  }
0x8be: {  	[tilespmem:s22+$0xFFFFFFF0] =	vst v4  }
0x8bf: {  	[tilespmem:s22+$0xFFFFFFE0] =	vst v5  }
0x8c0: {  	[tilespmem:s22+$0x0] =	vst v1  }
0x8c1: {  	[tilespmem:s22+$0x10] =	vst v0  }
0x8c2: {  	[hbm4b:s24+s2] =	stream.linear.scatter [tilespmem:s16], [sflag:$0x4], $0x3F70, $0x38;
	[tilespmem:$0x19500] =	vst v63  }
0x8c3: {  	_ =	swait.ge [sflag:s17], $0x4B80  }
0x8c4: {  	[sflag:s17] =	ssyncset.done $0x0  }
0x8c5: {  	s23 =	rddreg [dreg:$0x1d];
	[sflag:s17] =	ssyncadd.s32 $0xFFFFB480  }
0x8c6: {  	[tilespmem:s11], [sflag:$0x1] =	stream.linear.gather [hbm4b:s23+s2], $0x4B80, $0x38;
	[tilespmem:$0x19500] =	vst v63  }
0x8c7: {  	_ =	swait.ge [sflag:s18], $0x3F20  }
0x8c8: {  	[sflag:s18] =	ssyncset.done $0x0  }
0x8c9: {  	s22 =	simm.s32 $0x20;
	[sflag:s18] =	ssyncadd.s32 $0xFFFFC0E0  }
0x8ca: {  	v0 =	vld [tilespmem:s22+$0x20]  }
0x8cb: {  	v1 =	vld [tilespmem:s22+$0xFFFFFFF0]  }
0x8cc: {  	v2 =	vld [tilespmem:s22+$0x0]  }
0x8cd: {  	v3 =	vld [tilespmem:s22+$0x10]  }
0x8ce: {  	s23 =	simm.s32 $0x70;
	v4 =	vld [tilespmem:s22+$0xFFFFFFE0]  }
0x8cf: {  	v10 =	vld [tilespmem:s23+$0x20]  }
0x8d0: {  	v11 =	vld [tilespmem:s23+$0xFFFFFFF0]  }
0x8d1: {  	v5 =	vld [tilespmem:s23+$0xFFFFFFE0]  }
0x8d2: {  	v8 =	vld.idx.msk [tilespmem:v0+s14+$0x0], $0xffff  }
0x8d3: {  	v9 =	vld.idx.msk [tilespmem:v1+s14+$0x0], $0xffff  }
0x8d4: {  	v1 =	vld [tilespmem:s23+$0x0]  }
0x8d5: {  	v0 =	vld [tilespmem:s23+$0x10]  }
0x8d6: {  	v7 =	vld.idx.msk [tilespmem:v4+s14+$0x0], $0xffff  }
0x8d7: {  	v6 =	vld.idx.msk [tilespmem:v2+s14+$0x0], $0xffff  }
0x8d8: {  	s21 =	simm.s32 $0x11620;
	v3 =	vld.idx.msk [tilespmem:v3+s14+$0x0], $0xffff  }
0x8d9: {  	v2 =	vld.idx.msk [tilespmem:v10+s14+$0x0], $0xffff;
	[tilespmem:s21+$0x20] =	vst v8  }
0x8da: {  	s22 =	simm.s32 $0x50;
	v4 =	vld.idx.msk [tilespmem:v11+s14+$0x0], $0xffff;
	s23 =	simm.s32 $0xC0;
	[tilespmem:s21+$0xFFFFFFF0] =	vst v9  }
.LBB2_102:
0x8db: {  	v8 =	vld [tilespmem:s23+$0x20];
	s22 =	sadd.s32 $0x50, s22  }
0x8dc: {  	v9 =	vld [tilespmem:s23+$0xFFFFFFF0];
	p0 =	slt.u32 s22, $0x3ED0;
	[tilespmem:s21+$0xFFFFFFE0] =	vst v7  }
0x8dd: {  	v10 =	vld [tilespmem:s23+$0x0];
	[tilespmem:s21+$0x0] =	vst v6  }
0x8de: {  	v11 =	vld [tilespmem:s23+$0x10];
	[tilespmem:s21+$0x10] =	vst v3;
	s21 =	sadd.s32 $0x50, s21  }
0x8df: {  	v12 =	vld [tilespmem:s23+$0xFFFFFFE0];
	[tilespmem:s21+$0x20] =	vst v2  }
.Ltmp50:
0x8e0: {  	v7 =	vld.idx.msk [tilespmem:v5+s14+$0x0], $0xffff;
	[tilespmem:s21+$0xFFFFFFF0] =	vst v4;
	(pc) =	sbr.rel @p0 .LBB2_102-.Ltmp50, $4  }
0x8e1: {  	v6 =	vld.idx.msk [tilespmem:v1+s14+$0x0], $0xffff  }
0x8e2: {  	v3 =	vld.idx.msk [tilespmem:v0+s14+$0x0], $0xffff;
	v1 =	vmov v10  }
0x8e3: {  	v2 =	vld.idx.msk [tilespmem:v8+s14+$0x0], $0xffff;
	v0 =	vmov v11  }
0x8e4: {  	s23 =	sadd.s32 $0x50, s23;
	v4 =	vld.idx.msk [tilespmem:v9+s14+$0x0], $0xffff;
	v5 =	vmov v12  }
0x8e5: {  	_ =	sdelay $0x3  }
0x8e6: {  	[tilespmem:s21+$0xFFFFFFE0] =	vst v7;
	v5 =	vld.idx.msk [tilespmem:v5+s14+$0x0], $0xffff  }
0x8e7: {  	v1 =	vld.idx.msk [tilespmem:v1+s14+$0x0], $0xffff;
	[tilespmem:s21+$0x0] =	vst v6  }
0x8e8: {  	s23 =	sadd.s32 $0x50, s21;
	v0 =	vld.idx.msk [tilespmem:v0+s14+$0x0], $0xffff;
	[tilespmem:s21+$0x10] =	vst v3  }
0x8e9: {  	[tilespmem:s23+$0x20] =	vst v2  }
0x8ea: {  	[tilespmem:s23+$0xFFFFFFF0] =	vst v4  }
0x8eb: {  	[tilespmem:s23+$0xFFFFFFE0] =	vst v5  }
0x8ec: {  	[tilespmem:s23+$0x0] =	vst v1  }
0x8ed: {  	[tilespmem:s23+$0x10] =	vst v0  }
0x8ee: {  	[hbm4b:s25+s2] =	stream.linear.scatter [tilespmem:s15], [sflag:$0x3], $0x3F20, $0x38;
	[tilespmem:$0x19500] =	vst v63  }
0x8ef: {  	_ =	swait.ge [sflag:s19], $0x3F70  }
0x8f0: {  	[sflag:s19] =	ssyncset.done $0x0  }
0x8f1: {  	s22 =	simm.s32 $0x3F60;
	[sflag:s19] =	ssyncadd.s32 $0xFFFFC090  }
0x8f2: {  	v0 =	vld [tilespmem:s22+$0x0]  }
0x8f3: {  	v1 =	vld [tilespmem:s22+$0xFFFFFFD0]  }
0x8f4: {  	v2 =	vld [tilespmem:s22+$0xFFFFFFE0]  }
0x8f5: {  	v3 =	vld [tilespmem:s22+$0xFFFFFFF0]  }
0x8f6: {  	s23 =	simm.s32 $0x3FB0;
	v4 =	vld [tilespmem:s22+$0xFFFFFFC0]  }
0x8f7: {  	v10 =	vld [tilespmem:s23+$0x0]  }
0x8f8: {  	v11 =	vld [tilespmem:s23+$0xFFFFFFD0]  }
0x8f9: {  	v5 =	vld [tilespmem:s23+$0xFFFFFFC0]  }
0x8fa: {  	v8 =	vld.idx.msk [tilespmem:v0+s14+$0x0], $0xffff  }
0x8fb: {  	v9 =	vld.idx.msk [tilespmem:v1+s14+$0x0], $0xffff  }
0x8fc: {  	v1 =	vld [tilespmem:s23+$0xFFFFFFE0]  }
0x8fd: {  	v0 =	vld [tilespmem:s23+$0xFFFFFFF0]  }
0x8fe: {  	v7 =	vld.idx.msk [tilespmem:v4+s14+$0x0], $0xffff  }
0x8ff: {  	v6 =	vld.idx.msk [tilespmem:v2+s14+$0x0], $0xffff  }
0x900: {  	s21 =	simm.s32 $0x155A0;
	v3 =	vld.idx.msk [tilespmem:v3+s14+$0x0], $0xffff  }
0x901: {  	v2 =	vld.idx.msk [tilespmem:v10+s14+$0x0], $0xffff;
	[tilespmem:s21+$0x20] =	vst v8  }
0x902: {  	s22 =	simm.s32 $0x50;
	v4 =	vld.idx.msk [tilespmem:v11+s14+$0x0], $0xffff;
	s23 =	simm.s32 $0x4000;
	[tilespmem:s21+$0xFFFFFFF0] =	vst v9  }
.LBB2_104:
0x903: {  	v8 =	vld [tilespmem:s23+$0x0];
	s22 =	sadd.s32 $0x50, s22  }
0x904: {  	v9 =	vld [tilespmem:s23+$0xFFFFFFD0];
	p0 =	slt.u32 s22, $0x3F20;
	[tilespmem:s21+$0xFFFFFFE0] =	vst v7  }
0x905: {  	v10 =	vld [tilespmem:s23+$0xFFFFFFE0];
	[tilespmem:s21+$0x0] =	vst v6  }
0x906: {  	v11 =	vld [tilespmem:s23+$0xFFFFFFF0];
	[tilespmem:s21+$0x10] =	vst v3;
	s21 =	sadd.s32 $0x50, s21  }
0x907: {  	v12 =	vld [tilespmem:s23+$0xFFFFFFC0];
	[tilespmem:s21+$0x20] =	vst v2  }
.Ltmp51:
0x908: {  	v7 =	vld.idx.msk [tilespmem:v5+s14+$0x0], $0xffff;
	[tilespmem:s21+$0xFFFFFFF0] =	vst v4;
	(pc) =	sbr.rel @p0 .LBB2_104-.Ltmp51, $4  }
0x909: {  	v6 =	vld.idx.msk [tilespmem:v1+s14+$0x0], $0xffff  }
0x90a: {  	v3 =	vld.idx.msk [tilespmem:v0+s14+$0x0], $0xffff;
	v1 =	vmov v10  }
0x90b: {  	v2 =	vld.idx.msk [tilespmem:v8+s14+$0x0], $0xffff;
	v0 =	vmov v11  }
0x90c: {  	s23 =	sadd.s32 $0x50, s23;
	v4 =	vld.idx.msk [tilespmem:v9+s14+$0x0], $0xffff;
	v5 =	vmov v12  }
0x90d: {  	_ =	sdelay $0x3  }
0x90e: {  	[tilespmem:s21+$0xFFFFFFE0] =	vst v7;
	v5 =	vld.idx.msk [tilespmem:v5+s14+$0x0], $0xffff  }
0x90f: {  	v1 =	vld.idx.msk [tilespmem:v1+s14+$0x0], $0xffff;
	[tilespmem:s21+$0x0] =	vst v6  }
0x910: {  	s22 =	sadd.s32 $0x50, s21;
	v0 =	vld.idx.msk [tilespmem:v0+s14+$0x0], $0xffff;
	[tilespmem:s21+$0x10] =	vst v3  }
0x911: {  	[tilespmem:s22+$0x20] =	vst v2  }
0x912: {  	[tilespmem:s22+$0xFFFFFFF0] =	vst v4  }
0x913: {  	[tilespmem:s22+$0xFFFFFFE0] =	vst v5  }
0x914: {  	[tilespmem:s22+$0x0] =	vst v1  }
0x915: {  	[tilespmem:s22+$0x10] =	vst v0  }
0x916: {  	[hbm4b:s26+s2] =	stream.linear.scatter [tilespmem:s16], [sflag:$0x4], $0x3F70, $0x38;
	[tilespmem:$0x19500] =	vst v63  }
0x917: {  	_ =	swait.ge [sflag:s13], $0x4B80  }
0x918: {  	[sflag:s13] =	ssyncset.done $0x0  }
0x919: {  	s23 =	rddreg [dreg:$0x1e];
	[sflag:s13] =	ssyncadd.s32 $0xFFFFB480  }
0x91a: {  	[tilespmem:s14], [sflag:$0x2] =	stream.linear.gather [hbm4b:s23+s2], $0x4B80, $0x38;
	[tilespmem:$0x19500] =	vst v63  }
0x91b: {  	_ =	swait.ge [sflag:s18], $0x3F20  }
0x91c: {  	[sflag:s18] =	ssyncset.done $0x0  }
0x91d: {  	s22 =	simm.s32 $0x20;
	[sflag:s18] =	ssyncadd.s32 $0xFFFFC0E0  }
0x91e: {  	v0 =	vld [tilespmem:s22+$0x20]  }
0x91f: {  	v1 =	vld [tilespmem:s22+$0xFFFFFFF0]  }
0x920: {  	v2 =	vld [tilespmem:s22+$0x0]  }
0x921: {  	v3 =	vld [tilespmem:s22+$0x10]  }
0x922: {  	s23 =	simm.s32 $0x70;
	v4 =	vld [tilespmem:s22+$0xFFFFFFE0]  }
0x923: {  	v10 =	vld [tilespmem:s23+$0x20]  }
0x924: {  	v11 =	vld [tilespmem:s23+$0xFFFFFFF0]  }
0x925: {  	v5 =	vld [tilespmem:s23+$0xFFFFFFE0]  }
0x926: {  	v8 =	vld.idx.msk [tilespmem:v0+s11+$0x0], $0xffff  }
0x927: {  	v9 =	vld.idx.msk [tilespmem:v1+s11+$0x0], $0xffff  }
0x928: {  	v1 =	vld [tilespmem:s23+$0x0]  }
0x929: {  	v0 =	vld [tilespmem:s23+$0x10]  }
0x92a: {  	v7 =	vld.idx.msk [tilespmem:v4+s11+$0x0], $0xffff  }
0x92b: {  	v6 =	vld.idx.msk [tilespmem:v2+s11+$0x0], $0xffff  }
0x92c: {  	s21 =	simm.s32 $0x11620;
	v3 =	vld.idx.msk [tilespmem:v3+s11+$0x0], $0xffff  }
0x92d: {  	v2 =	vld.idx.msk [tilespmem:v10+s11+$0x0], $0xffff;
	[tilespmem:s21+$0x20] =	vst v8  }
0x92e: {  	s22 =	simm.s32 $0x50;
	v4 =	vld.idx.msk [tilespmem:v11+s11+$0x0], $0xffff;
	s23 =	simm.s32 $0xC0;
	[tilespmem:s21+$0xFFFFFFF0] =	vst v9  }
.LBB2_106:
0x92f: {  	v8 =	vld [tilespmem:s23+$0x20];
	s22 =	sadd.s32 $0x50, s22  }
0x930: {  	v9 =	vld [tilespmem:s23+$0xFFFFFFF0];
	p0 =	slt.u32 s22, $0x3ED0;
	[tilespmem:s21+$0xFFFFFFE0] =	vst v7  }
0x931: {  	v10 =	vld [tilespmem:s23+$0x0];
	[tilespmem:s21+$0x0] =	vst v6  }
0x932: {  	v11 =	vld [tilespmem:s23+$0x10];
	[tilespmem:s21+$0x10] =	vst v3;
	s21 =	sadd.s32 $0x50, s21  }
0x933: {  	v12 =	vld [tilespmem:s23+$0xFFFFFFE0];
	[tilespmem:s21+$0x20] =	vst v2  }
.Ltmp52:
0x934: {  	v7 =	vld.idx.msk [tilespmem:v5+s11+$0x0], $0xffff;
	[tilespmem:s21+$0xFFFFFFF0] =	vst v4;
	(pc) =	sbr.rel @p0 .LBB2_106-.Ltmp52, $4  }
0x935: {  	v6 =	vld.idx.msk [tilespmem:v1+s11+$0x0], $0xffff  }
0x936: {  	v3 =	vld.idx.msk [tilespmem:v0+s11+$0x0], $0xffff;
	v1 =	vmov v10  }
0x937: {  	v2 =	vld.idx.msk [tilespmem:v8+s11+$0x0], $0xffff;
	v0 =	vmov v11  }
0x938: {  	s23 =	sadd.s32 $0x50, s23;
	v4 =	vld.idx.msk [tilespmem:v9+s11+$0x0], $0xffff;
	v5 =	vmov v12  }
0x939: {  	_ =	sdelay $0x3  }
0x93a: {  	[tilespmem:s21+$0xFFFFFFE0] =	vst v7;
	v5 =	vld.idx.msk [tilespmem:v5+s11+$0x0], $0xffff  }
0x93b: {  	v1 =	vld.idx.msk [tilespmem:v1+s11+$0x0], $0xffff;
	[tilespmem:s21+$0x0] =	vst v6  }
0x93c: {  	s23 =	sadd.s32 $0x50, s21;
	v0 =	vld.idx.msk [tilespmem:v0+s11+$0x0], $0xffff;
	[tilespmem:s21+$0x10] =	vst v3  }
0x93d: {  	[tilespmem:s23+$0x20] =	vst v2  }
0x93e: {  	[tilespmem:s23+$0xFFFFFFF0] =	vst v4  }
0x93f: {  	[tilespmem:s23+$0xFFFFFFE0] =	vst v5  }
0x940: {  	[tilespmem:s23+$0x0] =	vst v1  }
0x941: {  	[tilespmem:s23+$0x10] =	vst v0  }
0x942: {  	[hbm4b:s28+s2] =	stream.linear.scatter [tilespmem:s15], [sflag:$0x3], $0x3F20, $0x38;
	[tilespmem:$0x19500] =	vst v63  }
0x943: {  	_ =	swait.ge [sflag:s19], $0x3F70  }
0x944: {  	[sflag:s19] =	ssyncset.done $0x0  }
0x945: {  	s22 =	simm.s32 $0x3F60;
	[sflag:s19] =	ssyncadd.s32 $0xFFFFC090  }
0x946: {  	v0 =	vld [tilespmem:s22+$0x0]  }
0x947: {  	v1 =	vld [tilespmem:s22+$0xFFFFFFD0]  }
0x948: {  	v2 =	vld [tilespmem:s22+$0xFFFFFFE0]  }
0x949: {  	v3 =	vld [tilespmem:s22+$0xFFFFFFF0]  }
0x94a: {  	s23 =	simm.s32 $0x3FB0;
	v4 =	vld [tilespmem:s22+$0xFFFFFFC0]  }
0x94b: {  	v10 =	vld [tilespmem:s23+$0x0]  }
0x94c: {  	v11 =	vld [tilespmem:s23+$0xFFFFFFD0]  }
0x94d: {  	v5 =	vld [tilespmem:s23+$0xFFFFFFC0]  }
0x94e: {  	v8 =	vld.idx.msk [tilespmem:v0+s11+$0x0], $0xffff  }
0x94f: {  	v9 =	vld.idx.msk [tilespmem:v1+s11+$0x0], $0xffff  }
0x950: {  	v1 =	vld [tilespmem:s23+$0xFFFFFFE0]  }
0x951: {  	v0 =	vld [tilespmem:s23+$0xFFFFFFF0]  }
0x952: {  	v7 =	vld.idx.msk [tilespmem:v4+s11+$0x0], $0xffff  }
0x953: {  	v6 =	vld.idx.msk [tilespmem:v2+s11+$0x0], $0xffff  }
0x954: {  	s21 =	simm.s32 $0x155A0;
	v3 =	vld.idx.msk [tilespmem:v3+s11+$0x0], $0xffff  }
0x955: {  	v2 =	vld.idx.msk [tilespmem:v10+s11+$0x0], $0xffff;
	[tilespmem:s21+$0x20] =	vst v8  }
0x956: {  	s22 =	simm.s32 $0x50;
	v4 =	vld.idx.msk [tilespmem:v11+s11+$0x0], $0xffff;
	s23 =	simm.s32 $0x4000;
	[tilespmem:s21+$0xFFFFFFF0] =	vst v9  }
.LBB2_108:
0x957: {  	v8 =	vld [tilespmem:s23+$0x0];
	s22 =	sadd.s32 $0x50, s22  }
0x958: {  	v9 =	vld [tilespmem:s23+$0xFFFFFFD0];
	p0 =	slt.u32 s22, $0x3F20;
	[tilespmem:s21+$0xFFFFFFE0] =	vst v7  }
0x959: {  	v10 =	vld [tilespmem:s23+$0xFFFFFFE0];
	[tilespmem:s21+$0x0] =	vst v6  }
0x95a: {  	v11 =	vld [tilespmem:s23+$0xFFFFFFF0];
	[tilespmem:s21+$0x10] =	vst v3;
	s21 =	sadd.s32 $0x50, s21  }
0x95b: {  	v12 =	vld [tilespmem:s23+$0xFFFFFFC0];
	[tilespmem:s21+$0x20] =	vst v2  }
.Ltmp53:
0x95c: {  	v7 =	vld.idx.msk [tilespmem:v5+s11+$0x0], $0xffff;
	[tilespmem:s21+$0xFFFFFFF0] =	vst v4;
	(pc) =	sbr.rel @p0 .LBB2_108-.Ltmp53, $4  }
0x95d: {  	v6 =	vld.idx.msk [tilespmem:v1+s11+$0x0], $0xffff  }
0x95e: {  	v3 =	vld.idx.msk [tilespmem:v0+s11+$0x0], $0xffff;
	v1 =	vmov v10  }
0x95f: {  	v2 =	vld.idx.msk [tilespmem:v8+s11+$0x0], $0xffff;
	v0 =	vmov v11  }
0x960: {  	s23 =	sadd.s32 $0x50, s23;
	v4 =	vld.idx.msk [tilespmem:v9+s11+$0x0], $0xffff;
	v5 =	vmov v12  }
0x961: {  	_ =	sdelay $0x3  }
0x962: {  	[tilespmem:s21+$0xFFFFFFE0] =	vst v7;
	v5 =	vld.idx.msk [tilespmem:v5+s11+$0x0], $0xffff  }
0x963: {  	v1 =	vld.idx.msk [tilespmem:v1+s11+$0x0], $0xffff;
	[tilespmem:s21+$0x0] =	vst v6  }
0x964: {  	s22 =	sadd.s32 $0x50, s21;
	v0 =	vld.idx.msk [tilespmem:v0+s11+$0x0], $0xffff;
	[tilespmem:s21+$0x10] =	vst v3  }
0x965: {  	[tilespmem:s22+$0x20] =	vst v2  }
0x966: {  	[tilespmem:s22+$0xFFFFFFF0] =	vst v4  }
0x967: {  	[tilespmem:s22+$0xFFFFFFE0] =	vst v5  }
0x968: {  	[tilespmem:s22+$0x0] =	vst v1  }
0x969: {  	[tilespmem:s22+$0x10] =	vst v0  }
0x96a: {  	[hbm4b:s29+s2] =	stream.linear.scatter [tilespmem:s16], [sflag:$0x4], $0x3F70, $0x38;
	[tilespmem:$0x19500] =	vst v63  }
0x96b: {  	_ =	swait.ge [sflag:s17], $0x4B80  }
0x96c: {  	[sflag:s17] =	ssyncset.done $0x0  }
0x96d: {  	s23 =	rddreg [dreg:$0x1f];
	[sflag:s17] =	ssyncadd.s32 $0xFFFFB480  }
0x96e: {  	[tilespmem:s11], [sflag:$0x1] =	stream.linear.gather [hbm4b:s23+s2], $0x4B80, $0x38;
	[tilespmem:$0x19500] =	vst v63  }
0x96f: {  	_ =	swait.ge [sflag:s18], $0x3F20  }
0x970: {  	[sflag:s18] =	ssyncset.done $0x0  }
0x971: {  	s22 =	simm.s32 $0x20;
	[sflag:s18] =	ssyncadd.s32 $0xFFFFC0E0  }
0x972: {  	v0 =	vld [tilespmem:s22+$0x20]  }
0x973: {  	v1 =	vld [tilespmem:s22+$0xFFFFFFF0]  }
0x974: {  	v2 =	vld [tilespmem:s22+$0x0]  }
0x975: {  	v3 =	vld [tilespmem:s22+$0x10]  }
0x976: {  	s23 =	simm.s32 $0x70;
	v4 =	vld [tilespmem:s22+$0xFFFFFFE0]  }
0x977: {  	v10 =	vld [tilespmem:s23+$0x20]  }
0x978: {  	v11 =	vld [tilespmem:s23+$0xFFFFFFF0]  }
0x979: {  	v5 =	vld [tilespmem:s23+$0xFFFFFFE0]  }
0x97a: {  	v8 =	vld.idx.msk [tilespmem:v0+s14+$0x0], $0xffff  }
0x97b: {  	v9 =	vld.idx.msk [tilespmem:v1+s14+$0x0], $0xffff  }
0x97c: {  	v1 =	vld [tilespmem:s23+$0x0]  }
0x97d: {  	v0 =	vld [tilespmem:s23+$0x10]  }
0x97e: {  	v7 =	vld.idx.msk [tilespmem:v4+s14+$0x0], $0xffff  }
0x97f: {  	v6 =	vld.idx.msk [tilespmem:v2+s14+$0x0], $0xffff  }
0x980: {  	s21 =	simm.s32 $0x11620;
	v3 =	vld.idx.msk [tilespmem:v3+s14+$0x0], $0xffff  }
0x981: {  	v2 =	vld.idx.msk [tilespmem:v10+s14+$0x0], $0xffff;
	[tilespmem:s21+$0x20] =	vst v8  }
0x982: {  	s22 =	simm.s32 $0x50;
	v4 =	vld.idx.msk [tilespmem:v11+s14+$0x0], $0xffff;
	s23 =	simm.s32 $0xC0;
	[tilespmem:s21+$0xFFFFFFF0] =	vst v9  }
.LBB2_110:
0x983: {  	v8 =	vld [tilespmem:s23+$0x20];
	s22 =	sadd.s32 $0x50, s22  }
0x984: {  	v9 =	vld [tilespmem:s23+$0xFFFFFFF0];
	p0 =	slt.u32 s22, $0x3ED0;
	[tilespmem:s21+$0xFFFFFFE0] =	vst v7  }
0x985: {  	v10 =	vld [tilespmem:s23+$0x0];
	[tilespmem:s21+$0x0] =	vst v6  }
0x986: {  	v11 =	vld [tilespmem:s23+$0x10];
	[tilespmem:s21+$0x10] =	vst v3;
	s21 =	sadd.s32 $0x50, s21  }
0x987: {  	v12 =	vld [tilespmem:s23+$0xFFFFFFE0];
	[tilespmem:s21+$0x20] =	vst v2  }
.Ltmp54:
0x988: {  	v7 =	vld.idx.msk [tilespmem:v5+s14+$0x0], $0xffff;
	[tilespmem:s21+$0xFFFFFFF0] =	vst v4;
	(pc) =	sbr.rel @p0 .LBB2_110-.Ltmp54, $4  }
0x989: {  	v6 =	vld.idx.msk [tilespmem:v1+s14+$0x0], $0xffff  }
0x98a: {  	v3 =	vld.idx.msk [tilespmem:v0+s14+$0x0], $0xffff;
	v1 =	vmov v10  }
0x98b: {  	v2 =	vld.idx.msk [tilespmem:v8+s14+$0x0], $0xffff;
	v0 =	vmov v11  }
0x98c: {  	s23 =	sadd.s32 $0x50, s23;
	v4 =	vld.idx.msk [tilespmem:v9+s14+$0x0], $0xffff;
	v5 =	vmov v12  }
0x98d: {  	_ =	sdelay $0x3  }
0x98e: {  	[tilespmem:s21+$0xFFFFFFE0] =	vst v7;
	v5 =	vld.idx.msk [tilespmem:v5+s14+$0x0], $0xffff  }
0x98f: {  	v1 =	vld.idx.msk [tilespmem:v1+s14+$0x0], $0xffff;
	[tilespmem:s21+$0x0] =	vst v6  }
0x990: {  	s23 =	sadd.s32 $0x50, s21;
	v0 =	vld.idx.msk [tilespmem:v0+s14+$0x0], $0xffff;
	[tilespmem:s21+$0x10] =	vst v3  }
0x991: {  	[tilespmem:s23+$0x20] =	vst v2  }
0x992: {  	[tilespmem:s23+$0xFFFFFFF0] =	vst v4  }
0x993: {  	[tilespmem:s23+$0xFFFFFFE0] =	vst v5  }
0x994: {  	[tilespmem:s23+$0x0] =	vst v1  }
0x995: {  	[tilespmem:s23+$0x10] =	vst v0  }
0x996: {  	[hbm4b:s30+s2] =	stream.linear.scatter [tilespmem:s15], [sflag:$0x3], $0x3F20, $0x38;
	[tilespmem:$0x19500] =	vst v63  }
0x997: {  	_ =	swait.ge [sflag:s19], $0x3F70  }
0x998: {  	[sflag:s19] =	ssyncset.done $0x0  }
0x999: {  	s22 =	simm.s32 $0x3F60;
	[sflag:s19] =	ssyncadd.s32 $0xFFFFC090  }
0x99a: {  	v0 =	vld [tilespmem:s22+$0x0]  }
0x99b: {  	v1 =	vld [tilespmem:s22+$0xFFFFFFD0]  }
0x99c: {  	v2 =	vld [tilespmem:s22+$0xFFFFFFE0]  }
0x99d: {  	v3 =	vld [tilespmem:s22+$0xFFFFFFF0]  }
0x99e: {  	s23 =	simm.s32 $0x3FB0;
	v4 =	vld [tilespmem:s22+$0xFFFFFFC0]  }
0x99f: {  	v10 =	vld [tilespmem:s23+$0x0]  }
0x9a0: {  	v11 =	vld [tilespmem:s23+$0xFFFFFFD0]  }
0x9a1: {  	v5 =	vld [tilespmem:s23+$0xFFFFFFC0]  }
0x9a2: {  	v8 =	vld.idx.msk [tilespmem:v0+s14+$0x0], $0xffff  }
0x9a3: {  	v9 =	vld.idx.msk [tilespmem:v1+s14+$0x0], $0xffff  }
0x9a4: {  	v1 =	vld [tilespmem:s23+$0xFFFFFFE0]  }
0x9a5: {  	v0 =	vld [tilespmem:s23+$0xFFFFFFF0]  }
0x9a6: {  	v7 =	vld.idx.msk [tilespmem:v4+s14+$0x0], $0xffff  }
0x9a7: {  	v6 =	vld.idx.msk [tilespmem:v2+s14+$0x0], $0xffff  }
0x9a8: {  	s21 =	simm.s32 $0x155A0;
	v3 =	vld.idx.msk [tilespmem:v3+s14+$0x0], $0xffff  }
0x9a9: {  	v2 =	vld.idx.msk [tilespmem:v10+s14+$0x0], $0xffff;
	[tilespmem:s21+$0x20] =	vst v8  }
0x9aa: {  	s22 =	simm.s32 $0x50;
	v4 =	vld.idx.msk [tilespmem:v11+s14+$0x0], $0xffff;
	s23 =	simm.s32 $0x4000;
	[tilespmem:s21+$0xFFFFFFF0] =	vst v9  }
.LBB2_112:
0x9ab: {  	v8 =	vld [tilespmem:s23+$0x0];
	s22 =	sadd.s32 $0x50, s22  }
0x9ac: {  	v9 =	vld [tilespmem:s23+$0xFFFFFFD0];
	p0 =	slt.u32 s22, $0x3F20;
	[tilespmem:s21+$0xFFFFFFE0] =	vst v7  }
0x9ad: {  	v10 =	vld [tilespmem:s23+$0xFFFFFFE0];
	[tilespmem:s21+$0x0] =	vst v6  }
0x9ae: {  	v11 =	vld [tilespmem:s23+$0xFFFFFFF0];
	[tilespmem:s21+$0x10] =	vst v3;
	s21 =	sadd.s32 $0x50, s21  }
0x9af: {  	v12 =	vld [tilespmem:s23+$0xFFFFFFC0];
	[tilespmem:s21+$0x20] =	vst v2  }
.Ltmp55:
0x9b0: {  	v7 =	vld.idx.msk [tilespmem:v5+s14+$0x0], $0xffff;
	[tilespmem:s21+$0xFFFFFFF0] =	vst v4;
	(pc) =	sbr.rel @p0 .LBB2_112-.Ltmp55, $4  }
0x9b1: {  	v6 =	vld.idx.msk [tilespmem:v1+s14+$0x0], $0xffff  }
0x9b2: {  	v3 =	vld.idx.msk [tilespmem:v0+s14+$0x0], $0xffff;
	v1 =	vmov v10  }
0x9b3: {  	v2 =	vld.idx.msk [tilespmem:v8+s14+$0x0], $0xffff;
	v0 =	vmov v11  }
0x9b4: {  	s23 =	sadd.s32 $0x50, s23;
	v4 =	vld.idx.msk [tilespmem:v9+s14+$0x0], $0xffff;
	v5 =	vmov v12  }
0x9b5: {  	_ =	sdelay $0x3  }
0x9b6: {  	[tilespmem:s21+$0xFFFFFFE0] =	vst v7;
	v5 =	vld.idx.msk [tilespmem:v5+s14+$0x0], $0xffff  }
0x9b7: {  	v1 =	vld.idx.msk [tilespmem:v1+s14+$0x0], $0xffff;
	[tilespmem:s21+$0x0] =	vst v6  }
0x9b8: {  	s22 =	sadd.s32 $0x50, s21;
	v0 =	vld.idx.msk [tilespmem:v0+s14+$0x0], $0xffff;
	[tilespmem:s21+$0x10] =	vst v3  }
0x9b9: {  	[tilespmem:s22+$0x20] =	vst v2  }
0x9ba: {  	[tilespmem:s22+$0xFFFFFFF0] =	vst v4  }
0x9bb: {  	[tilespmem:s22+$0xFFFFFFE0] =	vst v5  }
0x9bc: {  	[tilespmem:s22+$0x0] =	vst v1  }
0x9bd: {  	[tilespmem:s22+$0x10] =	vst v0  }
0x9be: {  	[hbm4b:s31+s2] =	stream.linear.scatter [tilespmem:s16], [sflag:$0x4], $0x3F70, $0x38;
	[tilespmem:$0x19500] =	vst v63  }
0x9bf: {  	_ =	swait.ge [sflag:s13], $0x4B80  }
0x9c0: {  	s23 =	sld [smem:$0x7CA]  }
0x9c1: {  	[sflag:s13] =	ssyncset.done $0x0  }
0x9c2: {  	[sflag:s13] =	ssyncadd.s32 $0xFFFFB480  }
0x9c3: {  	[tilespmem:s14], [sflag:$0x2] =	stream.linear.gather [hbm4b:s23+s2], $0x4B80, $0x38;
	[tilespmem:$0x19500] =	vst v63  }
0x9c4: {  	_ =	swait.ge [sflag:s18], $0x3F20  }
0x9c5: {  	[sflag:s18] =	ssyncset.done $0x0  }
0x9c6: {  	s22 =	simm.s32 $0x20;
	[sflag:s18] =	ssyncadd.s32 $0xFFFFC0E0  }
0x9c7: {  	v0 =	vld [tilespmem:s22+$0x20]  }
0x9c8: {  	v1 =	vld [tilespmem:s22+$0xFFFFFFF0]  }
0x9c9: {  	v2 =	vld [tilespmem:s22+$0x0]  }
0x9ca: {  	v3 =	vld [tilespmem:s22+$0x10]  }
0x9cb: {  	s23 =	simm.s32 $0x70;
	v4 =	vld [tilespmem:s22+$0xFFFFFFE0]  }
0x9cc: {  	v10 =	vld [tilespmem:s23+$0x20]  }
0x9cd: {  	v11 =	vld [tilespmem:s23+$0xFFFFFFF0]  }
0x9ce: {  	v5 =	vld [tilespmem:s23+$0xFFFFFFE0]  }
0x9cf: {  	v8 =	vld.idx.msk [tilespmem:v0+s11+$0x0], $0xffff  }
0x9d0: {  	v9 =	vld.idx.msk [tilespmem:v1+s11+$0x0], $0xffff  }
0x9d1: {  	v1 =	vld [tilespmem:s23+$0x0]  }
0x9d2: {  	v0 =	vld [tilespmem:s23+$0x10]  }
0x9d3: {  	v7 =	vld.idx.msk [tilespmem:v4+s11+$0x0], $0xffff  }
0x9d4: {  	v6 =	vld.idx.msk [tilespmem:v2+s11+$0x0], $0xffff  }
0x9d5: {  	s21 =	simm.s32 $0x11620;
	v3 =	vld.idx.msk [tilespmem:v3+s11+$0x0], $0xffff  }
0x9d6: {  	v2 =	vld.idx.msk [tilespmem:v10+s11+$0x0], $0xffff;
	[tilespmem:s21+$0x20] =	vst v8  }
0x9d7: {  	s22 =	simm.s32 $0x50;
	v4 =	vld.idx.msk [tilespmem:v11+s11+$0x0], $0xffff;
	s23 =	simm.s32 $0xC0;
	[tilespmem:s21+$0xFFFFFFF0] =	vst v9  }
.LBB2_114:
0x9d8: {  	v8 =	vld [tilespmem:s23+$0x20];
	s22 =	sadd.s32 $0x50, s22  }
0x9d9: {  	v9 =	vld [tilespmem:s23+$0xFFFFFFF0];
	p0 =	slt.u32 s22, $0x3ED0;
	[tilespmem:s21+$0xFFFFFFE0] =	vst v7  }
0x9da: {  	v10 =	vld [tilespmem:s23+$0x0];
	[tilespmem:s21+$0x0] =	vst v6  }
0x9db: {  	v11 =	vld [tilespmem:s23+$0x10];
	[tilespmem:s21+$0x10] =	vst v3;
	s21 =	sadd.s32 $0x50, s21  }
0x9dc: {  	v12 =	vld [tilespmem:s23+$0xFFFFFFE0];
	[tilespmem:s21+$0x20] =	vst v2  }
.Ltmp56:
0x9dd: {  	v7 =	vld.idx.msk [tilespmem:v5+s11+$0x0], $0xffff;
	[tilespmem:s21+$0xFFFFFFF0] =	vst v4;
	(pc) =	sbr.rel @p0 .LBB2_114-.Ltmp56, $4  }
0x9de: {  	v6 =	vld.idx.msk [tilespmem:v1+s11+$0x0], $0xffff  }
0x9df: {  	v3 =	vld.idx.msk [tilespmem:v0+s11+$0x0], $0xffff;
	v1 =	vmov v10  }
0x9e0: {  	v2 =	vld.idx.msk [tilespmem:v8+s11+$0x0], $0xffff;
	v0 =	vmov v11  }
0x9e1: {  	s23 =	sadd.s32 $0x50, s23;
	v4 =	vld.idx.msk [tilespmem:v9+s11+$0x0], $0xffff;
	v5 =	vmov v12  }
0x9e2: {  	_ =	sdelay $0x3  }
0x9e3: {  	[tilespmem:s21+$0xFFFFFFE0] =	vst v7;
	v5 =	vld.idx.msk [tilespmem:v5+s11+$0x0], $0xffff  }
0x9e4: {  	v1 =	vld.idx.msk [tilespmem:v1+s11+$0x0], $0xffff;
	[tilespmem:s21+$0x0] =	vst v6  }
0x9e5: {  	s23 =	sadd.s32 $0x50, s21;
	v0 =	vld.idx.msk [tilespmem:v0+s11+$0x0], $0xffff;
	[tilespmem:s21+$0x10] =	vst v3  }
0x9e6: {  	[tilespmem:s23+$0x20] =	vst v2  }
0x9e7: {  	[tilespmem:s23+$0xFFFFFFF0] =	vst v4  }
0x9e8: {  	[tilespmem:s23+$0xFFFFFFE0] =	vst v5  }
0x9e9: {  	[tilespmem:s23+$0x0] =	vst v1  }
0x9ea: {  	[tilespmem:s23+$0x10] =	vst v0  }
0x9eb: {  	[hbm4b:s1+s2] =	stream.linear.scatter [tilespmem:s15], [sflag:$0x3], $0x3F20, $0x38;
	[tilespmem:$0x19500] =	vst v63  }
0x9ec: {  	_ =	swait.ge [sflag:s19], $0x3F70  }
0x9ed: {  	[sflag:s19] =	ssyncset.done $0x0  }
0x9ee: {  	s22 =	simm.s32 $0x3F60;
	[sflag:s19] =	ssyncadd.s32 $0xFFFFC090  }
0x9ef: {  	v0 =	vld [tilespmem:s22+$0x0]  }
0x9f0: {  	v1 =	vld [tilespmem:s22+$0xFFFFFFD0]  }
0x9f1: {  	v2 =	vld [tilespmem:s22+$0xFFFFFFE0]  }
0x9f2: {  	v3 =	vld [tilespmem:s22+$0xFFFFFFF0]  }
0x9f3: {  	s23 =	simm.s32 $0x3FB0;
	v4 =	vld [tilespmem:s22+$0xFFFFFFC0]  }
0x9f4: {  	v10 =	vld [tilespmem:s23+$0x0]  }
0x9f5: {  	v11 =	vld [tilespmem:s23+$0xFFFFFFD0]  }
0x9f6: {  	v5 =	vld [tilespmem:s23+$0xFFFFFFC0]  }
0x9f7: {  	v8 =	vld.idx.msk [tilespmem:v0+s11+$0x0], $0xffff  }
0x9f8: {  	v9 =	vld.idx.msk [tilespmem:v1+s11+$0x0], $0xffff  }
0x9f9: {  	v1 =	vld [tilespmem:s23+$0xFFFFFFE0]  }
0x9fa: {  	v0 =	vld [tilespmem:s23+$0xFFFFFFF0]  }
0x9fb: {  	v7 =	vld.idx.msk [tilespmem:v4+s11+$0x0], $0xffff  }
0x9fc: {  	v6 =	vld.idx.msk [tilespmem:v2+s11+$0x0], $0xffff  }
0x9fd: {  	s21 =	simm.s32 $0x155A0;
	v3 =	vld.idx.msk [tilespmem:v3+s11+$0x0], $0xffff  }
0x9fe: {  	v2 =	vld.idx.msk [tilespmem:v10+s11+$0x0], $0xffff;
	[tilespmem:s21+$0x20] =	vst v8  }
0x9ff: {  	s22 =	simm.s32 $0x50;
	v4 =	vld.idx.msk [tilespmem:v11+s11+$0x0], $0xffff;
	s23 =	simm.s32 $0x4000;
	[tilespmem:s21+$0xFFFFFFF0] =	vst v9  }
.LBB2_116:
0xa00: {  	v8 =	vld [tilespmem:s23+$0x0];
	s22 =	sadd.s32 $0x50, s22  }
0xa01: {  	v9 =	vld [tilespmem:s23+$0xFFFFFFD0];
	p0 =	slt.u32 s22, $0x3F20;
	[tilespmem:s21+$0xFFFFFFE0] =	vst v7  }
0xa02: {  	v10 =	vld [tilespmem:s23+$0xFFFFFFE0];
	[tilespmem:s21+$0x0] =	vst v6  }
0xa03: {  	v11 =	vld [tilespmem:s23+$0xFFFFFFF0];
	[tilespmem:s21+$0x10] =	vst v3;
	s21 =	sadd.s32 $0x50, s21  }
0xa04: {  	v12 =	vld [tilespmem:s23+$0xFFFFFFC0];
	[tilespmem:s21+$0x20] =	vst v2  }
.Ltmp57:
0xa05: {  	v7 =	vld.idx.msk [tilespmem:v5+s11+$0x0], $0xffff;
	[tilespmem:s21+$0xFFFFFFF0] =	vst v4;
	(pc) =	sbr.rel @p0 .LBB2_116-.Ltmp57, $4  }
0xa06: {  	v6 =	vld.idx.msk [tilespmem:v1+s11+$0x0], $0xffff  }
0xa07: {  	v3 =	vld.idx.msk [tilespmem:v0+s11+$0x0], $0xffff;
	v1 =	vmov v10  }
0xa08: {  	v2 =	vld.idx.msk [tilespmem:v8+s11+$0x0], $0xffff;
	v0 =	vmov v11  }
0xa09: {  	s23 =	sadd.s32 $0x50, s23;
	v4 =	vld.idx.msk [tilespmem:v9+s11+$0x0], $0xffff;
	v5 =	vmov v12  }
0xa0a: {  	_ =	sdelay $0x3  }
0xa0b: {  	[tilespmem:s21+$0xFFFFFFE0] =	vst v7;
	v5 =	vld.idx.msk [tilespmem:v5+s11+$0x0], $0xffff  }
0xa0c: {  	v1 =	vld.idx.msk [tilespmem:v1+s11+$0x0], $0xffff;
	[tilespmem:s21+$0x0] =	vst v6  }
0xa0d: {  	s22 =	sadd.s32 $0x50, s21;
	v0 =	vld.idx.msk [tilespmem:v0+s11+$0x0], $0xffff;
	[tilespmem:s21+$0x10] =	vst v3  }
0xa0e: {  	[tilespmem:s22+$0x20] =	vst v2  }
0xa0f: {  	[tilespmem:s22+$0xFFFFFFF0] =	vst v4  }
0xa10: {  	[tilespmem:s22+$0xFFFFFFE0] =	vst v5  }
0xa11: {  	[tilespmem:s22+$0x0] =	vst v1  }
0xa12: {  	[tilespmem:s22+$0x10] =	vst v0  }
0xa13: {  	[hbm4b:s0+s2] =	stream.linear.scatter [tilespmem:s16], [sflag:$0x4], $0x3F70, $0x38;
	[tilespmem:$0x19500] =	vst v63  }
0xa14: {  	_ =	swait.ge [sflag:s17], $0x4B80  }
0xa15: {  	s23 =	sld [smem:$0x7CB]  }
0xa16: {  	[sflag:s17] =	ssyncset.done $0x0  }
0xa17: {  	[sflag:s17] =	ssyncadd.s32 $0xFFFFB480  }
0xa18: {  	[tilespmem:s11], [sflag:$0x1] =	stream.linear.gather [hbm4b:s23+s2], $0x4B80, $0x38;
	[tilespmem:$0x19500] =	vst v63  }
0xa19: {  	_ =	swait.ge [sflag:s18], $0x3F20  }
0xa1a: {  	[sflag:s18] =	ssyncset.done $0x0  }
0xa1b: {  	s22 =	simm.s32 $0x20;
	[sflag:s18] =	ssyncadd.s32 $0xFFFFC0E0  }
0xa1c: {  	v0 =	vld [tilespmem:s22+$0x20]  }
0xa1d: {  	v1 =	vld [tilespmem:s22+$0xFFFFFFF0]  }
0xa1e: {  	v2 =	vld [tilespmem:s22+$0x0]  }
0xa1f: {  	v3 =	vld [tilespmem:s22+$0x10]  }
0xa20: {  	s23 =	simm.s32 $0x70;
	v4 =	vld [tilespmem:s22+$0xFFFFFFE0]  }
0xa21: {  	v10 =	vld [tilespmem:s23+$0x20]  }
0xa22: {  	v11 =	vld [tilespmem:s23+$0xFFFFFFF0]  }
0xa23: {  	v5 =	vld [tilespmem:s23+$0xFFFFFFE0]  }
0xa24: {  	v8 =	vld.idx.msk [tilespmem:v0+s14+$0x0], $0xffff  }
0xa25: {  	v9 =	vld.idx.msk [tilespmem:v1+s14+$0x0], $0xffff  }
0xa26: {  	v1 =	vld [tilespmem:s23+$0x0]  }
0xa27: {  	v0 =	vld [tilespmem:s23+$0x10]  }
0xa28: {  	v7 =	vld.idx.msk [tilespmem:v4+s14+$0x0], $0xffff  }
0xa29: {  	v6 =	vld.idx.msk [tilespmem:v2+s14+$0x0], $0xffff  }
0xa2a: {  	s21 =	simm.s32 $0x11620;
	v3 =	vld.idx.msk [tilespmem:v3+s14+$0x0], $0xffff  }
0xa2b: {  	v2 =	vld.idx.msk [tilespmem:v10+s14+$0x0], $0xffff;
	[tilespmem:s21+$0x20] =	vst v8  }
0xa2c: {  	s22 =	simm.s32 $0x50;
	v4 =	vld.idx.msk [tilespmem:v11+s14+$0x0], $0xffff;
	s23 =	simm.s32 $0xC0;
	[tilespmem:s21+$0xFFFFFFF0] =	vst v9  }
.LBB2_118:
0xa2d: {  	v8 =	vld [tilespmem:s23+$0x20];
	s22 =	sadd.s32 $0x50, s22  }
0xa2e: {  	v9 =	vld [tilespmem:s23+$0xFFFFFFF0];
	p0 =	slt.u32 s22, $0x3ED0;
	[tilespmem:s21+$0xFFFFFFE0] =	vst v7  }
0xa2f: {  	v10 =	vld [tilespmem:s23+$0x0];
	[tilespmem:s21+$0x0] =	vst v6  }
0xa30: {  	v11 =	vld [tilespmem:s23+$0x10];
	[tilespmem:s21+$0x10] =	vst v3;
	s21 =	sadd.s32 $0x50, s21  }
0xa31: {  	v12 =	vld [tilespmem:s23+$0xFFFFFFE0];
	[tilespmem:s21+$0x20] =	vst v2  }
.Ltmp58:
0xa32: {  	v7 =	vld.idx.msk [tilespmem:v5+s14+$0x0], $0xffff;
	[tilespmem:s21+$0xFFFFFFF0] =	vst v4;
	(pc) =	sbr.rel @p0 .LBB2_118-.Ltmp58, $4  }
0xa33: {  	v6 =	vld.idx.msk [tilespmem:v1+s14+$0x0], $0xffff  }
0xa34: {  	v3 =	vld.idx.msk [tilespmem:v0+s14+$0x0], $0xffff;
	v1 =	vmov v10  }
0xa35: {  	v2 =	vld.idx.msk [tilespmem:v8+s14+$0x0], $0xffff;
	v0 =	vmov v11  }
0xa36: {  	s23 =	sadd.s32 $0x50, s23;
	v4 =	vld.idx.msk [tilespmem:v9+s14+$0x0], $0xffff;
	v5 =	vmov v12  }
0xa37: {  	_ =	sdelay $0x3  }
0xa38: {  	[tilespmem:s21+$0xFFFFFFE0] =	vst v7;
	v5 =	vld.idx.msk [tilespmem:v5+s14+$0x0], $0xffff  }
0xa39: {  	v1 =	vld.idx.msk [tilespmem:v1+s14+$0x0], $0xffff;
	[tilespmem:s21+$0x0] =	vst v6  }
0xa3a: {  	s23 =	sadd.s32 $0x50, s21;
	v0 =	vld.idx.msk [tilespmem:v0+s14+$0x0], $0xffff;
	[tilespmem:s21+$0x10] =	vst v3  }
0xa3b: {  	[tilespmem:s23+$0x20] =	vst v2  }
0xa3c: {  	[tilespmem:s23+$0xFFFFFFF0] =	vst v4  }
0xa3d: {  	[tilespmem:s23+$0xFFFFFFE0] =	vst v5  }
0xa3e: {  	[tilespmem:s23+$0x0] =	vst v1  }
0xa3f: {  	[tilespmem:s23+$0x10] =	vst v0  }
0xa40: {  	[hbm4b:s3+s2] =	stream.linear.scatter [tilespmem:s15], [sflag:$0x3], $0x3F20, $0x38;
	[tilespmem:$0x19500] =	vst v63  }
0xa41: {  	_ =	swait.ge [sflag:s19], $0x3F70  }
0xa42: {  	[sflag:s19] =	ssyncset.done $0x0  }
0xa43: {  	s22 =	simm.s32 $0x3F60;
	[sflag:s19] =	ssyncadd.s32 $0xFFFFC090  }
0xa44: {  	v0 =	vld [tilespmem:s22+$0x0]  }
0xa45: {  	v1 =	vld [tilespmem:s22+$0xFFFFFFD0]  }
0xa46: {  	v2 =	vld [tilespmem:s22+$0xFFFFFFE0]  }
0xa47: {  	v3 =	vld [tilespmem:s22+$0xFFFFFFF0]  }
0xa48: {  	s23 =	simm.s32 $0x3FB0;
	v4 =	vld [tilespmem:s22+$0xFFFFFFC0]  }
0xa49: {  	v10 =	vld [tilespmem:s23+$0x0]  }
0xa4a: {  	v11 =	vld [tilespmem:s23+$0xFFFFFFD0]  }
0xa4b: {  	v5 =	vld [tilespmem:s23+$0xFFFFFFC0]  }
0xa4c: {  	v8 =	vld.idx.msk [tilespmem:v0+s14+$0x0], $0xffff  }
0xa4d: {  	v9 =	vld.idx.msk [tilespmem:v1+s14+$0x0], $0xffff  }
0xa4e: {  	v1 =	vld [tilespmem:s23+$0xFFFFFFE0]  }
0xa4f: {  	v0 =	vld [tilespmem:s23+$0xFFFFFFF0]  }
0xa50: {  	v7 =	vld.idx.msk [tilespmem:v4+s14+$0x0], $0xffff  }
0xa51: {  	v6 =	vld.idx.msk [tilespmem:v2+s14+$0x0], $0xffff  }
0xa52: {  	s21 =	simm.s32 $0x155A0;
	v3 =	vld.idx.msk [tilespmem:v3+s14+$0x0], $0xffff  }
0xa53: {  	v2 =	vld.idx.msk [tilespmem:v10+s14+$0x0], $0xffff;
	[tilespmem:s21+$0x20] =	vst v8  }
0xa54: {  	s22 =	simm.s32 $0x50;
	v4 =	vld.idx.msk [tilespmem:v11+s14+$0x0], $0xffff;
	s23 =	simm.s32 $0x4000;
	[tilespmem:s21+$0xFFFFFFF0] =	vst v9  }
.LBB2_120:
0xa55: {  	v8 =	vld [tilespmem:s23+$0x0];
	s22 =	sadd.s32 $0x50, s22  }
0xa56: {  	v9 =	vld [tilespmem:s23+$0xFFFFFFD0];
	p0 =	slt.u32 s22, $0x3F20;
	[tilespmem:s21+$0xFFFFFFE0] =	vst v7  }
0xa57: {  	v10 =	vld [tilespmem:s23+$0xFFFFFFE0];
	[tilespmem:s21+$0x0] =	vst v6  }
0xa58: {  	v11 =	vld [tilespmem:s23+$0xFFFFFFF0];
	[tilespmem:s21+$0x10] =	vst v3;
	s21 =	sadd.s32 $0x50, s21  }
0xa59: {  	v12 =	vld [tilespmem:s23+$0xFFFFFFC0];
	[tilespmem:s21+$0x20] =	vst v2  }
.Ltmp59:
0xa5a: {  	v7 =	vld.idx.msk [tilespmem:v5+s14+$0x0], $0xffff;
	[tilespmem:s21+$0xFFFFFFF0] =	vst v4;
	(pc) =	sbr.rel @p0 .LBB2_120-.Ltmp59, $4  }
0xa5b: {  	v6 =	vld.idx.msk [tilespmem:v1+s14+$0x0], $0xffff  }
0xa5c: {  	v3 =	vld.idx.msk [tilespmem:v0+s14+$0x0], $0xffff;
	v1 =	vmov v10  }
0xa5d: {  	v2 =	vld.idx.msk [tilespmem:v8+s14+$0x0], $0xffff;
	v0 =	vmov v11  }
0xa5e: {  	s23 =	sadd.s32 $0x50, s23;
	v4 =	vld.idx.msk [tilespmem:v9+s14+$0x0], $0xffff;
	v5 =	vmov v12  }
0xa5f: {  	_ =	sdelay $0x3  }
0xa60: {  	[tilespmem:s21+$0xFFFFFFE0] =	vst v7;
	v5 =	vld.idx.msk [tilespmem:v5+s14+$0x0], $0xffff  }
0xa61: {  	v1 =	vld.idx.msk [tilespmem:v1+s14+$0x0], $0xffff;
	[tilespmem:s21+$0x0] =	vst v6  }
0xa62: {  	s22 =	sadd.s32 $0x50, s21;
	v0 =	vld.idx.msk [tilespmem:v0+s14+$0x0], $0xffff;
	[tilespmem:s21+$0x10] =	vst v3  }
0xa63: {  	[tilespmem:s22+$0x20] =	vst v2  }
0xa64: {  	[tilespmem:s22+$0xFFFFFFF0] =	vst v4  }
0xa65: {  	[tilespmem:s22+$0xFFFFFFE0] =	vst v5  }
0xa66: {  	[tilespmem:s22+$0x0] =	vst v1  }
0xa67: {  	[tilespmem:s22+$0x10] =	vst v0  }
0xa68: {  	[hbm4b:s4+s2] =	stream.linear.scatter [tilespmem:s16], [sflag:$0x4], $0x3F70, $0x38;
	[tilespmem:$0x19500] =	vst v63  }
0xa69: {  	_ =	swait.ge [sflag:s13], $0x4B80  }
0xa6a: {  	s23 =	sld [smem:$0x7CC]  }
0xa6b: {  	[sflag:s13] =	ssyncset.done $0x0  }
0xa6c: {  	[sflag:s13] =	ssyncadd.s32 $0xFFFFB480  }
0xa6d: {  	[tilespmem:s14], [sflag:$0x2] =	stream.linear.gather [hbm4b:s23+s2], $0x4B80, $0x38;
	[tilespmem:$0x19500] =	vst v63  }
0xa6e: {  	_ =	swait.ge [sflag:s18], $0x3F20  }
0xa6f: {  	[sflag:s18] =	ssyncset.done $0x0  }
0xa70: {  	s22 =	simm.s32 $0x20;
	[sflag:s18] =	ssyncadd.s32 $0xFFFFC0E0  }
0xa71: {  	v0 =	vld [tilespmem:s22+$0x20]  }
0xa72: {  	v1 =	vld [tilespmem:s22+$0xFFFFFFF0]  }
0xa73: {  	v2 =	vld [tilespmem:s22+$0x0]  }
0xa74: {  	v3 =	vld [tilespmem:s22+$0x10]  }
0xa75: {  	s23 =	simm.s32 $0x70;
	v4 =	vld [tilespmem:s22+$0xFFFFFFE0]  }
0xa76: {  	v10 =	vld [tilespmem:s23+$0x20]  }
0xa77: {  	v11 =	vld [tilespmem:s23+$0xFFFFFFF0]  }
0xa78: {  	v5 =	vld [tilespmem:s23+$0xFFFFFFE0]  }
0xa79: {  	v8 =	vld.idx.msk [tilespmem:v0+s11+$0x0], $0xffff  }
0xa7a: {  	v9 =	vld.idx.msk [tilespmem:v1+s11+$0x0], $0xffff  }
0xa7b: {  	v1 =	vld [tilespmem:s23+$0x0]  }
0xa7c: {  	v0 =	vld [tilespmem:s23+$0x10]  }
0xa7d: {  	v7 =	vld.idx.msk [tilespmem:v4+s11+$0x0], $0xffff  }
0xa7e: {  	v6 =	vld.idx.msk [tilespmem:v2+s11+$0x0], $0xffff  }
0xa7f: {  	s21 =	simm.s32 $0x11620;
	v3 =	vld.idx.msk [tilespmem:v3+s11+$0x0], $0xffff  }
0xa80: {  	v2 =	vld.idx.msk [tilespmem:v10+s11+$0x0], $0xffff;
	[tilespmem:s21+$0x20] =	vst v8  }
0xa81: {  	s22 =	simm.s32 $0x50;
	v4 =	vld.idx.msk [tilespmem:v11+s11+$0x0], $0xffff;
	s23 =	simm.s32 $0xC0;
	[tilespmem:s21+$0xFFFFFFF0] =	vst v9  }
.LBB2_122:
0xa82: {  	v8 =	vld [tilespmem:s23+$0x20];
	s22 =	sadd.s32 $0x50, s22  }
0xa83: {  	v9 =	vld [tilespmem:s23+$0xFFFFFFF0];
	p0 =	slt.u32 s22, $0x3ED0;
	[tilespmem:s21+$0xFFFFFFE0] =	vst v7  }
0xa84: {  	v10 =	vld [tilespmem:s23+$0x0];
	[tilespmem:s21+$0x0] =	vst v6  }
0xa85: {  	v11 =	vld [tilespmem:s23+$0x10];
	[tilespmem:s21+$0x10] =	vst v3;
	s21 =	sadd.s32 $0x50, s21  }
0xa86: {  	v12 =	vld [tilespmem:s23+$0xFFFFFFE0];
	[tilespmem:s21+$0x20] =	vst v2  }
.Ltmp60:
0xa87: {  	v7 =	vld.idx.msk [tilespmem:v5+s11+$0x0], $0xffff;
	[tilespmem:s21+$0xFFFFFFF0] =	vst v4;
	(pc) =	sbr.rel @p0 .LBB2_122-.Ltmp60, $4  }
0xa88: {  	v6 =	vld.idx.msk [tilespmem:v1+s11+$0x0], $0xffff  }
0xa89: {  	v3 =	vld.idx.msk [tilespmem:v0+s11+$0x0], $0xffff;
	v1 =	vmov v10  }
0xa8a: {  	v2 =	vld.idx.msk [tilespmem:v8+s11+$0x0], $0xffff;
	v0 =	vmov v11  }
0xa8b: {  	s23 =	sadd.s32 $0x50, s23;
	v4 =	vld.idx.msk [tilespmem:v9+s11+$0x0], $0xffff;
	v5 =	vmov v12  }
0xa8c: {  	_ =	sdelay $0x3  }
0xa8d: {  	[tilespmem:s21+$0xFFFFFFE0] =	vst v7;
	v5 =	vld.idx.msk [tilespmem:v5+s11+$0x0], $0xffff  }
0xa8e: {  	v1 =	vld.idx.msk [tilespmem:v1+s11+$0x0], $0xffff;
	[tilespmem:s21+$0x0] =	vst v6  }
0xa8f: {  	s23 =	sadd.s32 $0x50, s21;
	v0 =	vld.idx.msk [tilespmem:v0+s11+$0x0], $0xffff;
	[tilespmem:s21+$0x10] =	vst v3  }
0xa90: {  	[tilespmem:s23+$0x20] =	vst v2  }
0xa91: {  	[tilespmem:s23+$0xFFFFFFF0] =	vst v4  }
0xa92: {  	[tilespmem:s23+$0xFFFFFFE0] =	vst v5  }
0xa93: {  	[tilespmem:s23+$0x0] =	vst v1  }
0xa94: {  	[tilespmem:s23+$0x10] =	vst v0  }
0xa95: {  	[hbm4b:s5+s2] =	stream.linear.scatter [tilespmem:s15], [sflag:$0x3], $0x3F20, $0x38;
	[tilespmem:$0x19500] =	vst v63  }
0xa96: {  	_ =	swait.ge [sflag:s19], $0x3F70  }
0xa97: {  	[sflag:s19] =	ssyncset.done $0x0  }
0xa98: {  	s22 =	simm.s32 $0x3F60;
	[sflag:s19] =	ssyncadd.s32 $0xFFFFC090  }
0xa99: {  	v0 =	vld [tilespmem:s22+$0x0]  }
0xa9a: {  	v1 =	vld [tilespmem:s22+$0xFFFFFFD0]  }
0xa9b: {  	v2 =	vld [tilespmem:s22+$0xFFFFFFE0]  }
0xa9c: {  	v3 =	vld [tilespmem:s22+$0xFFFFFFF0]  }
0xa9d: {  	s23 =	simm.s32 $0x3FB0;
	v4 =	vld [tilespmem:s22+$0xFFFFFFC0]  }
0xa9e: {  	v10 =	vld [tilespmem:s23+$0x0]  }
0xa9f: {  	v11 =	vld [tilespmem:s23+$0xFFFFFFD0]  }
0xaa0: {  	v5 =	vld [tilespmem:s23+$0xFFFFFFC0]  }
0xaa1: {  	v8 =	vld.idx.msk [tilespmem:v0+s11+$0x0], $0xffff  }
0xaa2: {  	v9 =	vld.idx.msk [tilespmem:v1+s11+$0x0], $0xffff  }
0xaa3: {  	v1 =	vld [tilespmem:s23+$0xFFFFFFE0]  }
0xaa4: {  	v0 =	vld [tilespmem:s23+$0xFFFFFFF0]  }
0xaa5: {  	v7 =	vld.idx.msk [tilespmem:v4+s11+$0x0], $0xffff  }
0xaa6: {  	v6 =	vld.idx.msk [tilespmem:v2+s11+$0x0], $0xffff  }
0xaa7: {  	s21 =	simm.s32 $0x155A0;
	v3 =	vld.idx.msk [tilespmem:v3+s11+$0x0], $0xffff  }
0xaa8: {  	v2 =	vld.idx.msk [tilespmem:v10+s11+$0x0], $0xffff;
	[tilespmem:s21+$0x20] =	vst v8  }
0xaa9: {  	s22 =	simm.s32 $0x50;
	v4 =	vld.idx.msk [tilespmem:v11+s11+$0x0], $0xffff;
	s23 =	simm.s32 $0x4000;
	[tilespmem:s21+$0xFFFFFFF0] =	vst v9  }
.LBB2_124:
0xaaa: {  	v8 =	vld [tilespmem:s23+$0x0];
	s22 =	sadd.s32 $0x50, s22  }
0xaab: {  	v9 =	vld [tilespmem:s23+$0xFFFFFFD0];
	p0 =	slt.u32 s22, $0x3F20;
	[tilespmem:s21+$0xFFFFFFE0] =	vst v7  }
0xaac: {  	v10 =	vld [tilespmem:s23+$0xFFFFFFE0];
	[tilespmem:s21+$0x0] =	vst v6  }
0xaad: {  	v11 =	vld [tilespmem:s23+$0xFFFFFFF0];
	[tilespmem:s21+$0x10] =	vst v3;
	s21 =	sadd.s32 $0x50, s21  }
0xaae: {  	v12 =	vld [tilespmem:s23+$0xFFFFFFC0];
	[tilespmem:s21+$0x20] =	vst v2  }
.Ltmp61:
0xaaf: {  	v7 =	vld.idx.msk [tilespmem:v5+s11+$0x0], $0xffff;
	[tilespmem:s21+$0xFFFFFFF0] =	vst v4;
	(pc) =	sbr.rel @p0 .LBB2_124-.Ltmp61, $4  }
0xab0: {  	v6 =	vld.idx.msk [tilespmem:v1+s11+$0x0], $0xffff  }
0xab1: {  	v3 =	vld.idx.msk [tilespmem:v0+s11+$0x0], $0xffff;
	v1 =	vmov v10  }
0xab2: {  	v2 =	vld.idx.msk [tilespmem:v8+s11+$0x0], $0xffff;
	v0 =	vmov v11  }
0xab3: {  	s23 =	sadd.s32 $0x50, s23;
	v4 =	vld.idx.msk [tilespmem:v9+s11+$0x0], $0xffff;
	v5 =	vmov v12  }
0xab4: {  	_ =	sdelay $0x3  }
0xab5: {  	[tilespmem:s21+$0xFFFFFFE0] =	vst v7;
	v5 =	vld.idx.msk [tilespmem:v5+s11+$0x0], $0xffff  }
0xab6: {  	v1 =	vld.idx.msk [tilespmem:v1+s11+$0x0], $0xffff;
	[tilespmem:s21+$0x0] =	vst v6  }
0xab7: {  	s23 =	sadd.s32 $0x50, s21;
	v0 =	vld.idx.msk [tilespmem:v0+s11+$0x0], $0xffff;
	[tilespmem:s21+$0x10] =	vst v3  }
0xab8: {  	[tilespmem:s23+$0x20] =	vst v2  }
0xab9: {  	[tilespmem:s23+$0xFFFFFFF0] =	vst v4  }
0xaba: {  	[tilespmem:s23+$0xFFFFFFE0] =	vst v5  }
0xabb: {  	[tilespmem:s23+$0x0] =	vst v1  }
0xabc: {  	[tilespmem:s23+$0x10] =	vst v0  }
0xabd: {  	[hbm4b:s7+s2] =	stream.linear.scatter [tilespmem:s16], [sflag:$0x4], $0x3F70, $0x38;
	[tilespmem:$0x19500] =	vst v63  }
0xabe: {  	_ =	swait.ge [sflag:s17], $0x4B80  }
0xabf: {  	[sflag:s17] =	ssyncset.done $0x0  }
0xac0: {  	[sflag:s17] =	ssyncadd.s32 $0xFFFFB480  }
0xac1: {  	_ =	swait.ge [sflag:s18], $0x3F20  }
0xac2: {  	[sflag:s18] =	ssyncset.done $0x0  }
0xac3: {  	s22 =	simm.s32 $0x20;
	[sflag:s18] =	ssyncadd.s32 $0xFFFFC0E0  }
0xac4: {  	v0 =	vld [tilespmem:s22+$0x20]  }
0xac5: {  	v1 =	vld [tilespmem:s22+$0xFFFFFFF0]  }
0xac6: {  	v2 =	vld [tilespmem:s22+$0x0]  }
0xac7: {  	v3 =	vld [tilespmem:s22+$0x10]  }
0xac8: {  	s23 =	simm.s32 $0x70;
	v4 =	vld [tilespmem:s22+$0xFFFFFFE0]  }
0xac9: {  	v10 =	vld [tilespmem:s23+$0x20]  }
0xaca: {  	v11 =	vld [tilespmem:s23+$0xFFFFFFF0]  }
0xacb: {  	v5 =	vld [tilespmem:s23+$0xFFFFFFE0]  }
0xacc: {  	v8 =	vld.idx.msk [tilespmem:v0+s14+$0x0], $0xffff  }
0xacd: {  	v9 =	vld.idx.msk [tilespmem:v1+s14+$0x0], $0xffff  }
0xace: {  	v1 =	vld [tilespmem:s23+$0x0]  }
0xacf: {  	v0 =	vld [tilespmem:s23+$0x10]  }
0xad0: {  	v7 =	vld.idx.msk [tilespmem:v4+s14+$0x0], $0xffff  }
0xad1: {  	v6 =	vld.idx.msk [tilespmem:v2+s14+$0x0], $0xffff  }
0xad2: {  	s21 =	simm.s32 $0x11620;
	v3 =	vld.idx.msk [tilespmem:v3+s14+$0x0], $0xffff  }
0xad3: {  	v2 =	vld.idx.msk [tilespmem:v10+s14+$0x0], $0xffff;
	[tilespmem:s21+$0x20] =	vst v8  }
0xad4: {  	s22 =	simm.s32 $0x50;
	v4 =	vld.idx.msk [tilespmem:v11+s14+$0x0], $0xffff;
	s23 =	simm.s32 $0xC0;
	[tilespmem:s21+$0xFFFFFFF0] =	vst v9  }
.LBB2_126:
0xad5: {  	v8 =	vld [tilespmem:s23+$0x20];
	s22 =	sadd.s32 $0x50, s22  }
0xad6: {  	v9 =	vld [tilespmem:s23+$0xFFFFFFF0];
	p0 =	slt.u32 s22, $0x3ED0;
	[tilespmem:s21+$0xFFFFFFE0] =	vst v7  }
0xad7: {  	v10 =	vld [tilespmem:s23+$0x0];
	[tilespmem:s21+$0x0] =	vst v6  }
0xad8: {  	v11 =	vld [tilespmem:s23+$0x10];
	[tilespmem:s21+$0x10] =	vst v3;
	s21 =	sadd.s32 $0x50, s21  }
0xad9: {  	v12 =	vld [tilespmem:s23+$0xFFFFFFE0];
	[tilespmem:s21+$0x20] =	vst v2  }
.Ltmp62:
0xada: {  	v7 =	vld.idx.msk [tilespmem:v5+s14+$0x0], $0xffff;
	[tilespmem:s21+$0xFFFFFFF0] =	vst v4;
	(pc) =	sbr.rel @p0 .LBB2_126-.Ltmp62, $4  }
0xadb: {  	v6 =	vld.idx.msk [tilespmem:v1+s14+$0x0], $0xffff  }
0xadc: {  	v3 =	vld.idx.msk [tilespmem:v0+s14+$0x0], $0xffff;
	v1 =	vmov v10  }
0xadd: {  	v2 =	vld.idx.msk [tilespmem:v8+s14+$0x0], $0xffff;
	v0 =	vmov v11  }
0xade: {  	s23 =	sadd.s32 $0x50, s23;
	v4 =	vld.idx.msk [tilespmem:v9+s14+$0x0], $0xffff;
	v5 =	vmov v12  }
0xadf: {  	_ =	sdelay $0x3  }
0xae0: {  	[tilespmem:s21+$0xFFFFFFE0] =	vst v7;
	v5 =	vld.idx.msk [tilespmem:v5+s14+$0x0], $0xffff  }
0xae1: {  	v1 =	vld.idx.msk [tilespmem:v1+s14+$0x0], $0xffff;
	[tilespmem:s21+$0x0] =	vst v6  }
0xae2: {  	s23 =	sadd.s32 $0x50, s21;
	v0 =	vld.idx.msk [tilespmem:v0+s14+$0x0], $0xffff;
	[tilespmem:s21+$0x10] =	vst v3  }
0xae3: {  	[tilespmem:s23+$0x20] =	vst v2  }
0xae4: {  	[tilespmem:s23+$0xFFFFFFF0] =	vst v4  }
0xae5: {  	[tilespmem:s23+$0xFFFFFFE0] =	vst v5  }
0xae6: {  	[tilespmem:s23+$0x0] =	vst v1  }
0xae7: {  	[tilespmem:s23+$0x10] =	vst v0  }
0xae8: {  	[hbm4b:s8+s2] =	stream.linear.scatter [tilespmem:s15], [sflag:$0x3], $0x3F20, $0x38;
	[tilespmem:$0x19500] =	vst v63  }
0xae9: {  	_ =	swait.ge [sflag:s19], $0x3F70  }
0xaea: {  	[sflag:s19] =	ssyncset.done $0x0  }
0xaeb: {  	s22 =	simm.s32 $0x3F60;
	[sflag:s19] =	ssyncadd.s32 $0xFFFFC090  }
0xaec: {  	v0 =	vld [tilespmem:s22+$0x0]  }
0xaed: {  	v1 =	vld [tilespmem:s22+$0xFFFFFFD0]  }
0xaee: {  	v2 =	vld [tilespmem:s22+$0xFFFFFFE0]  }
0xaef: {  	v3 =	vld [tilespmem:s22+$0xFFFFFFF0]  }
0xaf0: {  	s23 =	simm.s32 $0x3FB0;
	v4 =	vld [tilespmem:s22+$0xFFFFFFC0]  }
0xaf1: {  	v10 =	vld [tilespmem:s23+$0x0]  }
0xaf2: {  	v11 =	vld [tilespmem:s23+$0xFFFFFFD0]  }
0xaf3: {  	v5 =	vld [tilespmem:s23+$0xFFFFFFC0]  }
0xaf4: {  	v8 =	vld.idx.msk [tilespmem:v0+s14+$0x0], $0xffff  }
0xaf5: {  	v9 =	vld.idx.msk [tilespmem:v1+s14+$0x0], $0xffff  }
0xaf6: {  	v1 =	vld [tilespmem:s23+$0xFFFFFFE0]  }
0xaf7: {  	v0 =	vld [tilespmem:s23+$0xFFFFFFF0]  }
0xaf8: {  	v7 =	vld.idx.msk [tilespmem:v4+s14+$0x0], $0xffff  }
0xaf9: {  	v6 =	vld.idx.msk [tilespmem:v2+s14+$0x0], $0xffff  }
0xafa: {  	s21 =	simm.s32 $0x155A0;
	v3 =	vld.idx.msk [tilespmem:v3+s14+$0x0], $0xffff  }
0xafb: {  	v2 =	vld.idx.msk [tilespmem:v10+s14+$0x0], $0xffff;
	[tilespmem:s21+$0x20] =	vst v8  }
0xafc: {  	s22 =	simm.s32 $0x50;
	v4 =	vld.idx.msk [tilespmem:v11+s14+$0x0], $0xffff;
	s23 =	simm.s32 $0x4000;
	[tilespmem:s21+$0xFFFFFFF0] =	vst v9  }
.LBB2_128:
0xafd: {  	v8 =	vld [tilespmem:s23+$0x0];
	s22 =	sadd.s32 $0x50, s22  }
0xafe: {  	v9 =	vld [tilespmem:s23+$0xFFFFFFD0];
	p0 =	slt.u32 s22, $0x3F20;
	[tilespmem:s21+$0xFFFFFFE0] =	vst v7  }
0xaff: {  	v10 =	vld [tilespmem:s23+$0xFFFFFFE0];
	[tilespmem:s21+$0x0] =	vst v6  }
0xb00: {  	v11 =	vld [tilespmem:s23+$0xFFFFFFF0];
	[tilespmem:s21+$0x10] =	vst v3;
	s21 =	sadd.s32 $0x50, s21  }
0xb01: {  	v12 =	vld [tilespmem:s23+$0xFFFFFFC0];
	[tilespmem:s21+$0x20] =	vst v2  }
.Ltmp63:
0xb02: {  	v7 =	vld.idx.msk [tilespmem:v5+s14+$0x0], $0xffff;
	[tilespmem:s21+$0xFFFFFFF0] =	vst v4;
	(pc) =	sbr.rel @p0 .LBB2_128-.Ltmp63, $4  }
0xb03: {  	v6 =	vld.idx.msk [tilespmem:v1+s14+$0x0], $0xffff  }
0xb04: {  	v3 =	vld.idx.msk [tilespmem:v0+s14+$0x0], $0xffff;
	v1 =	vmov v10  }
0xb05: {  	v2 =	vld.idx.msk [tilespmem:v8+s14+$0x0], $0xffff;
	v0 =	vmov v11  }
0xb06: {  	s23 =	sadd.s32 $0x50, s23;
	v4 =	vld.idx.msk [tilespmem:v9+s14+$0x0], $0xffff;
	v5 =	vmov v12  }
0xb07: {  	_ =	sdelay $0x3  }
0xb08: {  	[tilespmem:s21+$0xFFFFFFE0] =	vst v7;
	v5 =	vld.idx.msk [tilespmem:v5+s14+$0x0], $0xffff  }
0xb09: {  	v1 =	vld.idx.msk [tilespmem:v1+s14+$0x0], $0xffff;
	[tilespmem:s21+$0x0] =	vst v6  }
0xb0a: {  	s23 =	sadd.s32 $0x50, s21;
	v0 =	vld.idx.msk [tilespmem:v0+s14+$0x0], $0xffff;
	[tilespmem:s21+$0x10] =	vst v3  }
0xb0b: {  	[tilespmem:s23+$0x20] =	vst v2  }
0xb0c: {  	[tilespmem:s23+$0xFFFFFFF0] =	vst v4  }
0xb0d: {  	[tilespmem:s23+$0xFFFFFFE0] =	vst v5  }
0xb0e: {  	[tilespmem:s23+$0x0] =	vst v1  }
0xb0f: {  	s20 =	sadd.s32 $0x1, s20;
	[tilespmem:s23+$0x10] =	vst v0  }
0xb10: {  	[hbm4b:s9+s2] =	stream.linear.scatter [tilespmem:s16], [sflag:$0x4], $0x3F70, $0x38;
	[tilespmem:$0x19500] =	vst v63  }
0xb11: {  	p0 =	sne.s32 s20, s10;
	_ =	swait.ge [sflag:s18], $0x3F20  }
.Ltmp64:
0xb12: {  	[sflag:s18] =	ssyncset.done $0x0;
	(pc) =	sbr.rel @p0 .LBB2_1-.Ltmp64, $4  }
0xb13: {  	[sflag:s18] =	ssyncadd.s32 $0xFFFFC0E0  }
0xb14: {  	_ =	swait.ge [sflag:s19], $0x3F70  }
0xb15: {  	[sflag:s19] =	ssyncset.done $0x0  }
0xb16: {  	[sflag:s19] =	ssyncadd.s32 $0xFFFFC090  }
0xb17: {  	_ =	sfence.sel $0x180000  }
0xb18: {  	[bflag:$0x0] =	sbarrier.arrive $0xFFFF  }
0xb19: {  	_ =	strace $0x90000047  }
0xb1a: {  	s0 =	stileid.u32;
	[bflag:$0x2] =	sbarrier.arrive $0xFFFF  }
0xb1b: {  	p0 =	sne.s32 s0, $0x0;
	s0 =	rddreg [dreg:$0x2]  }
0xb1c: {  	s0 =	sadd.s32 @!p0 $0x100000, s0  }
0xb1d: {  	[sflag:s0] =	ssyncadd.tile.s32 @!p0 $0x1;
	_ =	shalt  }
.Lfunc_end2:
_tile_overlayer_lowered:
.L_overlay_start_2:
0xb1e: {  	(tag) =	ssettag $0x2  }
0xb1f: {  	s0 =	rddreg [dreg:$0x0];
	s2 =	stileid.u32  }
0xb20: {  	s1 =	rddreg [dreg:$0x1];
	p0 =	sne.s32 s2, $0x0  }
0xb21: {  	s3 =	rddreg [dreg:$0x2];
	[bflag:$0x3] =	sbarrier.arrive $0xFFFF;
	s2 =	simm.s32 @!p0 $0x1C05  }
0xb22: {  	[timem:s3], [sflag:s2] =	dma.local @!p0 [hbm:s0], s1  }
0xb23: {  	s0 =	simm.s32 @!p0 $0x5  }
0xb24: {  	_ =	swait.ge @!p0 [sflag:s0], s1  }
0xb25: {  	s1 =	ssub.s32 @!p0 $0x0, s1;
	[sflag:s0] =	ssyncset.done @!p0 $0x0  }
0xb26: {  	[sflag:s0] =	ssyncadd.s32 @!p0 s1  }
0xb27: {  	[bflag:$0x3] =	sbarrier.arrive $0xFFFF  }
0xb28: {  	_ =	shalt  }

</sc_bundles>
